<compile_context>
chip_gen: v7x
topology: tpu7x:2x2x1
jax: 0.10.2.dev20260603
libtpu: 0.0.44.dev20260713+nightly
codegen_flags: <defaults>
</compile_context>

<pallas_src>
import functools

import jax
import jax.numpy as jnp
from jax import lax
from jax.experimental import pallas as pl
from jax.experimental.pallas import tpu as pltpu
from jax.experimental.pallas import tpu_sc as plsc

N = 10000
NP = 10112
NPD = 10240
E = 320000
EPAD = 327680
D = 128
NC = 2
NS = 16
NW = NC * NS
B = 80
KB = EPAD // (NW * B)
SEG = 16
NSEG = KB // SEG
STRIPE = NP // NS
DSTRIPE = NPD // NS

_mesh = plsc.VectorSubcoreMesh(core_axis_name="c", subcore_axis_name="s")


def _sc_agg_body(with_deg):
    def body(*args):
        if with_deg:
            (g_hbm, srcr_hbm, dstr_hbm, z2d_hbm, z1d_hbm, ones_hbm,
             part_hbm, deg0_hbm, deg1_hbm,
             srcseg, dstseg, rows_v, ones_v, acc_sh, deg_sh,
             g0, g1, g2, g3, s0, s1, s2, s3, t0, t1, dsem) = args
        else:
            (g_hbm, srcr_hbm, dstr_hbm, z2d_hbm,
             part_hbm,
             srcseg, dstseg, rows_v, acc_sh,
             g0, g1, g2, g3, s0, s1, s2, s3, t0, t1) = args
        gsems = (g0, g1, g2, g3)
        ssems = (s0, s1, s2, s3)
        stsems = (t0, t1)
        c = lax.axis_index("c")
        s = lax.axis_index("s")
        w = c * NS + s
        pltpu.sync_copy(srcr_hbm.at[w, 0], srcseg.at[0])
        pltpu.sync_copy(dstr_hbm.at[w, 0], dstseg.at[0])
        if with_deg:
            pltpu.sync_copy(ones_hbm, ones_v)
            pltpu.sync_copy(z1d_hbm.at[pl.ds(s * DSTRIPE, DSTRIPE)],
                            deg_sh.at[pl.ds(s * DSTRIPE, DSTRIPE)])
        pltpu.sync_copy(z2d_hbm.at[pl.ds(s * STRIPE, STRIPE)],
                        acc_sh.at[pl.ds(s * STRIPE, STRIPE)])
        plsc.subcore_barrier()

        def fire_stage(t1_, slot):
            pltpu.async_copy(srcr_hbm.at[w, t1_], srcseg.at[slot],
                             stsems[slot])
            pltpu.async_copy(dstr_hbm.at[w, t1_], dstseg.at[slot],
                             stsems[slot])

        def wait_stage(t1_, slot):
            pltpu.make_async_copy(srcr_hbm.at[w, t1_], srcseg.at[slot],
                                  stsems[slot]).wait()
            pltpu.make_async_copy(dstr_hbm.at[w, t1_], dstseg.at[slot],
                                  stsems[slot]).wait()

        def run_seg(p):
            sseg = srcseg.at[p]
            dseg = dstseg.at[p]

            def fire_g(r, j):
                pltpu.async_copy(g_hbm.at[sseg.at[r]], rows_v.at[j], gsems[j])

            def wait_g(r, j):
                pltpu.make_async_copy(g_hbm.at[sseg.at[r]],
                                      rows_v.at[j], gsems[j]).wait()

            def fire_s(r, j):
                pltpu.async_copy(rows_v.at[j], acc_sh.at[dseg.at[r]],
                                 ssems[j], add=True)
                if with_deg:
                    pltpu.async_copy(ones_v, deg_sh.at[dseg.at[r]],
                                     dsem, add=True)

            def wait_s(r, j):
                pltpu.make_async_copy(rows_v.at[j], acc_sh.at[dseg.at[r]],
                                      ssems[j]).wait()

            fire_g(0, 0)
            fire_g(1, 1)
            fire_g(2, 2)

            def rr_body(rr, carry):
                base = 4 * rr

                @pl.when(rr > 0)
                def _():
                    wait_s(base - 1, 3)

                fire_g(base + 3, 3)
                wait_g(base, 0)
                fire_s(base, 0)
                wait_g(base + 1, 1)
                fire_s(base + 1, 1)
                wait_s(base, 0)

                @pl.when(rr < SEG // 4 - 1)
                def _():
                    fire_g(base + 4, 0)

                wait_g(base + 2, 2)
                fire_s(base + 2, 2)
                wait_s(base + 1, 1)

                @pl.when(rr < SEG // 4 - 1)
                def _():
                    fire_g(base + 5, 1)

                wait_g(base + 3, 3)
                fire_s(base + 3, 3)
                wait_s(base + 2, 2)

                @pl.when(rr < SEG // 4 - 1)
                def _():
                    fire_g(base + 6, 2)

                return carry

            lax.fori_loop(0, SEG // 4, rr_body, 0)
            wait_s(SEG - 1, 3)

        def t_body(t, carry):
            def go(p):
                @pl.when(t < NSEG - 1)
                def _():
                    fire_stage(t + 1, 1 - p)

                run_seg(p)

                @pl.when(t < NSEG - 1)
                def _():
                    wait_stage(t + 1, 1 - p)

            @pl.when(lax.rem(t, 2) == 0)
            def _():
                go(0)

            @pl.when(lax.rem(t, 2) == 1)
            def _():
                go(1)

            return carry

        lax.fori_loop(0, NSEG, t_body, 0)

        if with_deg:
            def d_body(k, carry):
                pltpu.make_async_copy(ones_v, deg_sh.at[dstseg.at[0, 0]],
                                      dsem).wait()
                return carry
            lax.fori_loop(0, KB, d_body, 0)

        plsc.subcore_barrier()
        sl = pl.ds(s * STRIPE, STRIPE)
        pltpu.sync_copy(acc_sh.at[sl], part_hbm.at[c, sl])
        if with_deg:
            dsl = pl.ds(s * DSTRIPE, DSTRIPE)

            @pl.when(c == 0)
            def _():
                pltpu.sync_copy(deg_sh.at[dsl], deg0_hbm.at[dsl])

            @pl.when(c == 1)
            def _():
                pltpu.sync_copy(deg_sh.at[dsl], deg1_hbm.at[dsl])

    return body


_sc_params = pltpu.CompilerParams(use_tc_tiling_on_sc=False)

_agg_sems = (
    pltpu.SemaphoreType.DMA,
    pltpu.SemaphoreType.DMA,
    pltpu.SemaphoreType.DMA,
    pltpu.SemaphoreType.DMA,
    pltpu.SemaphoreType.DMA,
    pltpu.SemaphoreType.DMA,
    pltpu.SemaphoreType.DMA,
    pltpu.SemaphoreType.DMA,
    pltpu.SemaphoreType.DMA,
    pltpu.SemaphoreType.DMA,
)

_sc_agg_deg = functools.partial(
    pl.kernel,
    mesh=_mesh,
    compiler_params=_sc_params,
    out_type=(
        jax.ShapeDtypeStruct((NC, NP, D), jnp.float32),
        jax.ShapeDtypeStruct((NPD,), jnp.float32),
        jax.ShapeDtypeStruct((NPD,), jnp.float32),
    ),
    scratch_types=(
        pltpu.VMEM((2, SEG, B), jnp.int32),
        pltpu.VMEM((2, SEG, B), jnp.int32),
        pltpu.VMEM((4, B, D), jnp.float32),
        pltpu.VMEM((B,), jnp.float32),
        pltpu.VMEM_SHARED((NP, D), jnp.float32),
        pltpu.VMEM_SHARED((NPD,), jnp.float32),
    ) + _agg_sems + (pltpu.SemaphoreType.DMA,),
)(_sc_agg_body(True))


_sc_agg = functools.partial(
    pl.kernel,
    mesh=_mesh,
    compiler_params=_sc_params,
    out_type=jax.ShapeDtypeStruct((NC, NP, D), jnp.float32),
    scratch_types=(
        pltpu.VMEM((2, SEG, B), jnp.int32),
        pltpu.VMEM((2, SEG, B), jnp.int32),
        pltpu.VMEM((4, B, D), jnp.float32),
        pltpu.VMEM_SHARED((NP, D), jnp.float32),
    ) + _agg_sems,
)(_sc_agg_body(False))


RB = 1000


def _mm_body(x_ref, w_ref, o_ref):
    o_ref[...] = jnp.dot(x_ref[...], w_ref[...],
                         preferred_element_type=jnp.float32)


def _tc_matmul(x, W):
    return pl.pallas_call(
        _mm_body,
        grid=(N // RB,),
        in_specs=[pl.BlockSpec((RB, D), lambda i: (i, 0)),
                  pl.BlockSpec((D, D), lambda i: (0, 0))],
        out_specs=pl.BlockSpec((RB, D), lambda i: (i, 0)),
        out_shape=jax.ShapeDtypeStruct((N, D), jnp.float32),
    )(x, W)


def _fused_body(g_ref, p0_ref, p1_ref, d0_ref, d1_ref, b_ref, w_ref, o_ref):
    inv = 1.0 / jnp.maximum(d0_ref[...] + d1_ref[...], 1.0)
    h = g_ref[...] + b_ref[...] + (p0_ref[0] + p1_ref[0]) * inv
    h = jnp.maximum(h, 0.0)
    o_ref[...] = jnp.dot(h, w_ref[...], preferred_element_type=jnp.float32)


def _tc_fused(g, p, d0, d1, b, Wn):
    return pl.pallas_call(
        _fused_body,
        grid=(N // RB,),
        in_specs=[pl.BlockSpec((RB, D), lambda i: (i, 0)),
                  pl.BlockSpec((1, RB, D), lambda i: (0, i, 0)),
                  pl.BlockSpec((1, RB, D), lambda i: (1, i, 0)),
                  pl.BlockSpec((RB, 1), lambda i: (i, 0)),
                  pl.BlockSpec((RB, 1), lambda i: (i, 0)),
                  pl.BlockSpec((1, D), lambda i: (0, 0)),
                  pl.BlockSpec((D, D), lambda i: (0, 0))],
        out_specs=pl.BlockSpec((RB, D), lambda i: (i, 0)),
        out_shape=jax.ShapeDtypeStruct((N, D), jnp.float32),
    )(g, p, p, d0, d1, b, Wn)


def _final_body(g_ref, p0_ref, p1_ref, d0_ref, d1_ref, b_ref, o_ref):
    inv = 1.0 / jnp.maximum(d0_ref[...] + d1_ref[...], 1.0)
    o_ref[...] = (g_ref[...] + b_ref[...]
                  + (p0_ref[0] + p1_ref[0]) * inv)


def _tc_final(g, p, d0, d1, b):
    return pl.pallas_call(
        _final_body,
        grid=(N // RB,),
        in_specs=[pl.BlockSpec((RB, D), lambda i: (i, 0)),
                  pl.BlockSpec((1, RB, D), lambda i: (0, i, 0)),
                  pl.BlockSpec((1, RB, D), lambda i: (1, i, 0)),
                  pl.BlockSpec((RB, 1), lambda i: (i, 0)),
                  pl.BlockSpec((RB, 1), lambda i: (i, 0)),
                  pl.BlockSpec((1, D), lambda i: (0, 0))],
        out_specs=pl.BlockSpec((RB, D), lambda i: (i, 0)),
        out_shape=jax.ShapeDtypeStruct((N, D), jnp.float32),
    )(g, p, p, d0, d1, b)


def kernel(x, edge_index, W1, b1, W2, b2, W3, b3):
    npad = EPAD - E
    srcf = edge_index[0].astype(jnp.int32)
    dstf = edge_index[1].astype(jnp.int32)
    ar = jnp.arange(npad, dtype=jnp.int32)
    pad_src = (ar * 131) % N
    pad_dst = N + (ar % (NP - N))
    srcp = jnp.concatenate([srcf, pad_src]).reshape(NW, NSEG, SEG, B)
    dstp = jnp.concatenate([dstf, pad_dst]).reshape(NW, NSEG, SEG, B)
    z2d = jnp.zeros((NP, D), jnp.float32)
    z1d = jnp.zeros((NPD,), jnp.float32)
    ones = jnp.ones((B,), jnp.float32)
    b1r = b1.reshape(1, D)
    b2r = b2.reshape(1, D)
    b3r = b3.reshape(1, D)

    g1 = _tc_matmul(x, W1)
    p1, dg0, dg1 = _sc_agg_deg(g1, srcp, dstp, z2d, z1d, ones)
    d0 = dg0.reshape(NPD, 1)
    d1 = dg1.reshape(NPD, 1)
    g2 = _tc_fused(g1, p1, d0, d1, b1r, W2)
    p2 = _sc_agg(g2, srcp, dstp, z2d)
    g3 = _tc_fused(g2, p2, d0, d1, b2r, W3)
    p3 = _sc_agg(g3, srcp, dstp, z2d)
    return _tc_final(g3, p3, d0, d1, b3r)

# --- scband reference (transcript-rebuilt; emitter-appended) ---
"""Pipeline reference for scband-ginemb-12936441496235 (READ-ONLY COPY).

The authoritative reference and input builder live on the scoring server;
editing this copy changes nothing except your own understanding.
"""

import jax, jax.numpy as jnp
import numpy as np

N_NODES = 10000
N_EDGES = 320000
D_IN = 128
D_HID = 128
D_OUT = 128

def setup_inputs(seed: int = 0) -> dict:
    key = jax.random.key(seed)
    ks = jax.random.split(key, 8)
    x = jax.random.normal(ks[0], (N_NODES, D_IN), dtype=jnp.float32)
    edge_index = jax.random.randint(ks[1], (2, N_EDGES), 0, N_NODES, dtype=jnp.int64 if jax.config.read('jax_enable_x64') else jnp.int32)
    s = 1.0 / np.sqrt(D_IN)
    W1 = jax.random.uniform(ks[2], (D_IN, D_HID), minval=-s, maxval=s, dtype=jnp.float32)
    b1 = jax.random.uniform(ks[3], (D_HID,), minval=-s, maxval=s, dtype=jnp.float32)
    s2 = 1.0 / np.sqrt(D_HID)
    W2 = jax.random.uniform(ks[4], (D_HID, D_HID), minval=-s2, maxval=s2, dtype=jnp.float32)
    b2 = jax.random.uniform(ks[5], (D_HID,), minval=-s2, maxval=s2, dtype=jnp.float32)
    W3 = jax.random.uniform(ks[6], (D_HID, D_OUT), minval=-s2, maxval=s2, dtype=jnp.float32)
    b3 = jax.random.uniform(ks[7], (D_OUT,), minval=-s2, maxval=s2, dtype=jnp.float32)
    return {"x": x, "edge_index": edge_index, "W1": W1, "b1": b1, "W2": W2, "b2": b2, "W3": W3, "b3": b3}

def _gin_conv_mean(h, src, dst, W, b, n_nodes):
    # DGL GINConv with 'mean' aggregator, eps=0 (default, not learnable):
    # rst = (1 + eps) * feat_dst + mean_{u in N(v)} feat_src[u]; then apply_func (Linear)
    msgs = jnp.take(h, src, axis=0)
    agg = jax.ops.segment_sum(msgs, dst, num_segments=n_nodes)
    deg = jax.ops.segment_sum(jnp.ones((src.shape[0],), dtype=h.dtype), dst, num_segments=n_nodes)
    mean_agg = agg / jnp.maximum(deg, 1.0)[:, None]
    rst = h + mean_agg
    return rst @ W + b

def reference(x, edge_index, W1, b1, W2, b2, W3, b3):
    src = edge_index[0]
    dst = edge_index[1]
    n = x.shape[0]
    # layer 0
    h = _gin_conv_mean(x, src, dst, W1, b1, n)
    h = jax.nn.relu(h)  # dropout is identity in eval
    # layer 1
    h = _gin_conv_mean(h, src, dst, W2, b2, n)
    h = jax.nn.relu(h)
    # layer 2 (no activation/dropout)
    h = _gin_conv_mean(h, src, dst, W3, b3, n)
    return h

if __name__ == "__main__":
    import jax
    _d = setup_inputs()
    print(jax.jit(kernel)(*tuple(_d.values())))

</pallas_src>

<mosaic_0001>
#map = affine_map<(d0, d1) -> (0, 0)>
#map1 = affine_map<(d0, d1) -> (0, 0, 0, 0)>
#map2 = affine_map<(d0, d1) -> (0, 0, 0)>
module attributes {stable_mosaic.version = 14 : i64} {
  func.func @body(%arg0: i32, %arg1: i32, %arg2: memref<10000x128xf32, #tpu.memory_space<hbm>>, %arg3: memref<32x8x16x80xi32, #tpu.memory_space<hbm>>, %arg4: memref<32x8x16x80xi32, #tpu.memory_space<hbm>>, %arg5: memref<10112x128xf32, #tpu.memory_space<hbm>>, %arg6: memref<2x10112x128xf32, #tpu.memory_space<hbm>>, %arg7: memref<2x16x80xi32, #tpu.memory_space<vmem>>, %arg8: memref<2x16x80xi32, #tpu.memory_space<vmem>>, %arg9: memref<4x80x128xf32, #tpu.memory_space<vmem>>, %arg10: memref<10112x128xf32, #tpu.memory_space<vmem_shared>>, %arg11: memref<!tpu.dma_semaphore, #tpu.memory_space<semaphore_mem>>, %arg12: memref<!tpu.dma_semaphore, #tpu.memory_space<semaphore_mem>>, %arg13: memref<!tpu.dma_semaphore, #tpu.memory_space<semaphore_mem>>, %arg14: memref<!tpu.dma_semaphore, #tpu.memory_space<semaphore_mem>>, %arg15: memref<!tpu.dma_semaphore, #tpu.memory_space<semaphore_mem>>, %arg16: memref<!tpu.dma_semaphore, #tpu.memory_space<semaphore_mem>>, %arg17: memref<!tpu.dma_semaphore, #tpu.memory_space<semaphore_mem>>, %arg18: memref<!tpu.dma_semaphore, #tpu.memory_space<semaphore_mem>>, %arg19: memref<!tpu.dma_semaphore, #tpu.memory_space<semaphore_mem>>, %arg20: memref<!tpu.dma_semaphore, #tpu.memory_space<semaphore_mem>>) attributes {dimension_semantics = [#tpu.dimension_semantics<core_parallel>, #tpu.dimension_semantics<subcore_parallel>], iteration_bounds = array<i64: 2, 16>, scalar_prefetch = 0 : i64, scratch_operands = 14 : i64, tpu.core_type = #tpu.core_type<sc_vector_subcore>, window_params = [{transform_indices = #map}, {transform_indices = #map1}, {transform_indices = #map1}, {transform_indices = #map}, {transform_indices = #map2}]} {
    %mul3A = arith.constant 16 : i32
    %mul3A_0 = arith.muli %arg0, %mul3A : i32
    %add3A = arith.addi %mul3A_0, %arg1 : i32
    %run_scoped3A = arith.constant 0 : i32
    %run_scoped3A_1 = arith.constant 0 : i32
    "tpu.region"() ({
      %run_scoped3A_16 = tpu.sem_alloc : memref<!tpu.dma_semaphore, #tpu.memory_space<semaphore_mem>>
      %dma_start3A = arith.constant 0 : i32
      %dma_start3A_17 = arith.constant 0 : i32
      %dma_start3A_18 = tpu.memref_slice %arg7[%run_scoped3A_1, %dma_start3A, %dma_start3A_17] : memref<2x16x80xi32, #tpu.memory_space<vmem>> -> memref<1x16x80xi32, #tpu.memory_space<vmem>>
      %dma_start3A_19 = tpu.memref_squeeze %dma_start3A_18 : memref<1x16x80xi32, #tpu.memory_space<vmem>> -> memref<16x80xi32, #tpu.memory_space<vmem>>
      %dma_start3A_20 = arith.constant 0 : i32
      %dma_start3A_21 = arith.constant 0 : i32
      %dma_start3A_22 = tpu.memref_slice %arg3[%add3A, %run_scoped3A, %dma_start3A_20, %dma_start3A_21] : memref<32x8x16x80xi32, #tpu.memory_space<hbm>> -> memref<1x1x16x80xi32, #tpu.memory_space<hbm>>
      %dma_start3A_23 = tpu.memref_squeeze %dma_start3A_22 : memref<1x1x16x80xi32, #tpu.memory_space<hbm>> -> memref<16x80xi32, #tpu.memory_space<hbm>>
      %dma_start3A_24 = arith.constant 0 : i32
      %dma_start3A_25 = arith.constant 0 : i32
      %dma_start3A_26 = tpu.memref_slice %arg7[%run_scoped3A_1, %dma_start3A_24, %dma_start3A_25] : memref<2x16x80xi32, #tpu.memory_space<vmem>> -> memref<1x16x80xi32, #tpu.memory_space<vmem>>
      %dma_start3A_27 = tpu.memref_squeeze %dma_start3A_26 : memref<1x16x80xi32, #tpu.memory_space<vmem>> -> memref<16x80xi32, #tpu.memory_space<vmem>>
      %dma_start3A_28 = arith.constant 0 : i32
      %dma_start3A_29 = arith.constant 0 : i32
      %dma_start3A_30 = tpu.memref_slice %arg3[%add3A, %run_scoped3A, %dma_start3A_28, %dma_start3A_29] : memref<32x8x16x80xi32, #tpu.memory_space<hbm>> -> memref<1x1x16x80xi32, #tpu.memory_space<hbm>>
      %dma_start3A_31 = tpu.memref_squeeze %dma_start3A_30 : memref<1x1x16x80xi32, #tpu.memory_space<hbm>> -> memref<16x80xi32, #tpu.memory_space<hbm>>
      tpu.enqueue_dma source(%dma_start3A_31 : memref<16x80xi32, #tpu.memory_space<hbm>>) target(%dma_start3A_27 : memref<16x80xi32, #tpu.memory_space<vmem>>) target_semaphore(%run_scoped3A_16 : memref<!tpu.dma_semaphore, #tpu.memory_space<semaphore_mem>>)
      %dma_wait3A = arith.constant 0 : i32
      %dma_wait3A_32 = arith.constant 0 : i32
      %dma_wait3A_33 = tpu.memref_slice %arg7[%run_scoped3A_1, %dma_wait3A, %dma_wait3A_32] : memref<2x16x80xi32, #tpu.memory_space<vmem>> -> memref<1x16x80xi32, #tpu.memory_space<vmem>>
      %dma_wait3A_34 = tpu.memref_squeeze %dma_wait3A_33 : memref<1x16x80xi32, #tpu.memory_space<vmem>> -> memref<16x80xi32, #tpu.memory_space<vmem>>
      %dma_wait3A_35 = arith.constant 0 : i32
      %dma_wait3A_36 = arith.constant 0 : i32
      %dma_wait3A_37 = tpu.memref_slice %arg3[%add3A, %run_scoped3A, %dma_wait3A_35, %dma_wait3A_36] : memref<32x8x16x80xi32, #tpu.memory_space<hbm>> -> memref<1x1x16x80xi32, #tpu.memory_space<hbm>>
      %dma_wait3A_38 = tpu.memref_squeeze %dma_wait3A_37 : memref<1x1x16x80xi32, #tpu.memory_space<hbm>> -> memref<16x80xi32, #tpu.memory_space<hbm>>
      %dma_wait3A_39 = arith.constant 0 : i32
      %dma_wait3A_40 = arith.constant 0 : i32
      %dma_wait3A_41 = tpu.memref_slice %arg7[%run_scoped3A_1, %dma_wait3A_39, %dma_wait3A_40] : memref<2x16x80xi32, #tpu.memory_space<vmem>> -> memref<1x16x80xi32, #tpu.memory_space<vmem>>
      %dma_wait3A_42 = tpu.memref_squeeze %dma_wait3A_41 : memref<1x16x80xi32, #tpu.memory_space<vmem>> -> memref<16x80xi32, #tpu.memory_space<vmem>>
      %dma_wait3A_43 = arith.constant 0 : i32
      %dma_wait3A_44 = arith.constant 0 : i32
      %dma_wait3A_45 = tpu.memref_slice %arg3[%add3A, %run_scoped3A, %dma_wait3A_43, %dma_wait3A_44] : memref<32x8x16x80xi32, #tpu.memory_space<hbm>> -> memref<1x1x16x80xi32, #tpu.memory_space<hbm>>
      %dma_wait3A_46 = tpu.memref_squeeze %dma_wait3A_45 : memref<1x1x16x80xi32, #tpu.memory_space<hbm>> -> memref<16x80xi32, #tpu.memory_space<hbm>>
      tpu.wait_dma2 semaphore(%run_scoped3A_16 : memref<!tpu.dma_semaphore, #tpu.memory_space<semaphore_mem>>) src(%dma_wait3A_46 : memref<16x80xi32, #tpu.memory_space<hbm>>) dst(%dma_wait3A_42 : memref<16x80xi32, #tpu.memory_space<vmem>>)
      tpu.yield
    }) : () -> ()
    %run_scoped3A_2 = arith.constant 0 : i32
    %run_scoped3A_3 = arith.constant 0 : i32
    "tpu.region"() ({
      %run_scoped3A_16 = tpu.sem_alloc : memref<!tpu.dma_semaphore, #tpu.memory_space<semaphore_mem>>
      %dma_start3A = arith.constant 0 : i32
      %dma_start3A_17 = arith.constant 0 : i32
      %dma_start3A_18 = tpu.memref_slice %arg8[%run_scoped3A_3, %dma_start3A, %dma_start3A_17] : memref<2x16x80xi32, #tpu.memory_space<vmem>> -> memref<1x16x80xi32, #tpu.memory_space<vmem>>
      %dma_start3A_19 = tpu.memref_squeeze %dma_start3A_18 : memref<1x16x80xi32, #tpu.memory_space<vmem>> -> memref<16x80xi32, #tpu.memory_space<vmem>>
      %dma_start3A_20 = arith.constant 0 : i32
      %dma_start3A_21 = arith.constant 0 : i32
      %dma_start3A_22 = tpu.memref_slice %arg4[%add3A, %run_scoped3A_2, %dma_start3A_20, %dma_start3A_21] : memref<32x8x16x80xi32, #tpu.memory_space<hbm>> -> memref<1x1x16x80xi32, #tpu.memory_space<hbm>>
      %dma_start3A_23 = tpu.memref_squeeze %dma_start3A_22 : memref<1x1x16x80xi32, #tpu.memory_space<hbm>> -> memref<16x80xi32, #tpu.memory_space<hbm>>
      %dma_start3A_24 = arith.constant 0 : i32
      %dma_start3A_25 = arith.constant 0 : i32
      %dma_start3A_26 = tpu.memref_slice %arg8[%run_scoped3A_3, %dma_start3A_24, %dma_start3A_25] : memref<2x16x80xi32, #tpu.memory_space<vmem>> -> memref<1x16x80xi32, #tpu.memory_space<vmem>>
      %dma_start3A_27 = tpu.memref_squeeze %dma_start3A_26 : memref<1x16x80xi32, #tpu.memory_space<vmem>> -> memref<16x80xi32, #tpu.memory_space<vmem>>
      %dma_start3A_28 = arith.constant 0 : i32
      %dma_start3A_29 = arith.constant 0 : i32
      %dma_start3A_30 = tpu.memref_slice %arg4[%add3A, %run_scoped3A_2, %dma_start3A_28, %dma_start3A_29] : memref<32x8x16x80xi32, #tpu.memory_space<hbm>> -> memref<1x1x16x80xi32, #tpu.memory_space<hbm>>
      %dma_start3A_31 = tpu.memref_squeeze %dma_start3A_30 : memref<1x1x16x80xi32, #tpu.memory_space<hbm>> -> memref<16x80xi32, #tpu.memory_space<hbm>>
      tpu.enqueue_dma source(%dma_start3A_31 : memref<16x80xi32, #tpu.memory_space<hbm>>) target(%dma_start3A_27 : memref<16x80xi32, #tpu.memory_space<vmem>>) target_semaphore(%run_scoped3A_16 : memref<!tpu.dma_semaphore, #tpu.memory_space<semaphore_mem>>)
      %dma_wait3A = arith.constant 0 : i32
      %dma_wait3A_32 = arith.constant 0 : i32
      %dma_wait3A_33 = tpu.memref_slice %arg8[%run_scoped3A_3, %dma_wait3A, %dma_wait3A_32] : memref<2x16x80xi32, #tpu.memory_space<vmem>> -> memref<1x16x80xi32, #tpu.memory_space<vmem>>
      %dma_wait3A_34 = tpu.memref_squeeze %dma_wait3A_33 : memref<1x16x80xi32, #tpu.memory_space<vmem>> -> memref<16x80xi32, #tpu.memory_space<vmem>>
      %dma_wait3A_35 = arith.constant 0 : i32
      %dma_wait3A_36 = arith.constant 0 : i32
      %dma_wait3A_37 = tpu.memref_slice %arg4[%add3A, %run_scoped3A_2, %dma_wait3A_35, %dma_wait3A_36] : memref<32x8x16x80xi32, #tpu.memory_space<hbm>> -> memref<1x1x16x80xi32, #tpu.memory_space<hbm>>
      %dma_wait3A_38 = tpu.memref_squeeze %dma_wait3A_37 : memref<1x1x16x80xi32, #tpu.memory_space<hbm>> -> memref<16x80xi32, #tpu.memory_space<hbm>>
      %dma_wait3A_39 = arith.constant 0 : i32
      %dma_wait3A_40 = arith.constant 0 : i32
      %dma_wait3A_41 = tpu.memref_slice %arg8[%run_scoped3A_3, %dma_wait3A_39, %dma_wait3A_40] : memref<2x16x80xi32, #tpu.memory_space<vmem>> -> memref<1x16x80xi32, #tpu.memory_space<vmem>>
      %dma_wait3A_42 = tpu.memref_squeeze %dma_wait3A_41 : memref<1x16x80xi32, #tpu.memory_space<vmem>> -> memref<16x80xi32, #tpu.memory_space<vmem>>
      %dma_wait3A_43 = arith.constant 0 : i32
      %dma_wait3A_44 = arith.constant 0 : i32
      %dma_wait3A_45 = tpu.memref_slice %arg4[%add3A, %run_scoped3A_2, %dma_wait3A_43, %dma_wait3A_44] : memref<32x8x16x80xi32, #tpu.memory_space<hbm>> -> memref<1x1x16x80xi32, #tpu.memory_space<hbm>>
      %dma_wait3A_46 = tpu.memref_squeeze %dma_wait3A_45 : memref<1x1x16x80xi32, #tpu.memory_space<hbm>> -> memref<16x80xi32, #tpu.memory_space<hbm>>
      tpu.wait_dma2 semaphore(%run_scoped3A_16 : memref<!tpu.dma_semaphore, #tpu.memory_space<semaphore_mem>>) src(%dma_wait3A_46 : memref<16x80xi32, #tpu.memory_space<hbm>>) dst(%dma_wait3A_42 : memref<16x80xi32, #tpu.memory_space<vmem>>)
      tpu.yield
    }) : () -> ()
    %mul3A_4 = arith.constant 632 : i32
    %mul3A_5 = arith.muli %arg1, %mul3A_4 : i32
    %mul3A_6 = arith.constant 632 : i32
    %mul3A_7 = arith.muli %arg1, %mul3A_6 : i32
    "tpu.region"() ({
      %run_scoped3A_16 = tpu.sem_alloc : memref<!tpu.dma_semaphore, #tpu.memory_space<semaphore_mem>>
      %dma_start3A = arith.constant 0 : i32
      %dma_start3A_17 = tpu.memref_slice %arg10[%mul3A_7, %dma_start3A] : memref<10112x128xf32, #tpu.memory_space<vmem_shared>> -> memref<632x128xf32, #tpu.memory_space<vmem_shared>>
      %dma_start3A_18 = arith.constant 0 : i32
      %dma_start3A_19 = tpu.memref_slice %arg5[%mul3A_5, %dma_start3A_18] : memref<10112x128xf32, #tpu.memory_space<hbm>> -> memref<632x128xf32, #tpu.memory_space<hbm>>
      tpu.enqueue_dma source(%dma_start3A_19 : memref<632x128xf32, #tpu.memory_space<hbm>>) target(%dma_start3A_17 : memref<632x128xf32, #tpu.memory_space<vmem_shared>>) target_semaphore(%run_scoped3A_16 : memref<!tpu.dma_semaphore, #tpu.memory_space<semaphore_mem>>)
      %dma_wait3A = arith.constant 0 : i32
      %dma_wait3A_20 = tpu.memref_slice %arg10[%mul3A_7, %dma_wait3A] : memref<10112x128xf32, #tpu.memory_space<vmem_shared>> -> memref<632x128xf32, #tpu.memory_space<vmem_shared>>
      %dma_wait3A_21 = arith.constant 0 : i32
      %dma_wait3A_22 = tpu.memref_slice %arg5[%mul3A_5, %dma_wait3A_21] : memref<10112x128xf32, #tpu.memory_space<hbm>> -> memref<632x128xf32, #tpu.memory_space<hbm>>
      tpu.wait_dma2 semaphore(%run_scoped3A_16 : memref<!tpu.dma_semaphore, #tpu.memory_space<semaphore_mem>>) src(%dma_wait3A_22 : memref<632x128xf32, #tpu.memory_space<hbm>>) dst(%dma_wait3A_20 : memref<632x128xf32, #tpu.memory_space<vmem_shared>>)
      tpu.yield
    }) : () -> ()
    %barrier3A = arith.constant 0 : index
    tpu.barrier barrier_id(%barrier3A)
    %scan3A = arith.constant 0 : i32
    %scan3A_8 = arith.constant 0 : i32
    %scan3A_9 = arith.constant 8 : i32
    %scan3A_10 = arith.addi %scan3A_8, %scan3A_9 : i32
    %scan3A_11 = arith.constant 1 : i32
    scf.for %scan3A_16 = %scan3A_8 to %scan3A_10 step %scan3A_11  : i32 {
      %rem3A = arith.constant 2 : i32
      %rem3A_17 = arith.remsi %scan3A_16, %rem3A : i32
      %eq3A = arith.constant 0 : i32
      %eq3A_18 = arith.cmpi eq, %rem3A_17, %eq3A : i32
      %convert_element_type3A = arith.extui %eq3A_18 : i1 to i32
      %cond3A = arith.constant 0 : i32
      %cond3A_19 = arith.cmpi ne, %convert_element_type3A, %cond3A : i32
      scf.if %cond3A_19 {
        %lt3A = arith.constant 7 : i32
        %lt3A_27 = arith.cmpi slt, %scan3A_16, %lt3A : i32
        %convert_element_type3A_28 = arith.extui %lt3A_27 : i1 to i32
        %cond3A_29 = arith.constant 0 : i32
        %cond3A_30 = arith.cmpi ne, %convert_element_type3A_28, %cond3A_29 : i32
        scf.if %cond3A_30 {
          %add3A_110 = arith.constant 1 : i32
          %add3A_111 = arith.addi %scan3A_16, %add3A_110 : i32
          %dma_start3A_112 = arith.constant 1 : i32
          %dma_start3A_113 = arith.constant 0 : i32
          %dma_start3A_114 = arith.constant 0 : i32
          %dma_start3A_115 = tpu.memref_slice %arg7[%dma_start3A_112, %dma_start3A_113, %dma_start3A_114] : memref<2x16x80xi32, #tpu.memory_space<vmem>> -> memref<1x16x80xi32, #tpu.memory_space<vmem>>
          %dma_start3A_116 = tpu.memref_squeeze %dma_start3A_115 : memref<1x16x80xi32, #tpu.memory_space<vmem>> -> memref<16x80xi32, #tpu.memory_space<vmem>>
          %dma_start3A_117 = arith.constant 0 : i32
          %dma_start3A_118 = arith.constant 0 : i32
          %dma_start3A_119 = tpu.memref_slice %arg3[%add3A, %add3A_111, %dma_start3A_117, %dma_start3A_118] : memref<32x8x16x80xi32, #tpu.memory_space<hbm>> -> memref<1x1x16x80xi32, #tpu.memory_space<hbm>>
          %dma_start3A_120 = tpu.memref_squeeze %dma_start3A_119 : memref<1x1x16x80xi32, #tpu.memory_space<hbm>> -> memref<16x80xi32, #tpu.memory_space<hbm>>
          %dma_start3A_121 = arith.constant 0 : i32
          %dma_start3A_122 = arith.constant 0 : i32
          %dma_start3A_123 = tpu.memref_slice %arg7[%dma_start3A_112, %dma_start3A_121, %dma_start3A_122] : memref<2x16x80xi32, #tpu.memory_space<vmem>> -> memref<1x16x80xi32, #tpu.memory_space<vmem>>
          %dma_start3A_124 = tpu.memref_squeeze %dma_start3A_123 : memref<1x16x80xi32, #tpu.memory_space<vmem>> -> memref<16x80xi32, #tpu.memory_space<vmem>>
          %dma_start3A_125 = arith.constant 0 : i32
          %dma_start3A_126 = arith.constant 0 : i32
          %dma_start3A_127 = tpu.memref_slice %arg3[%add3A, %add3A_111, %dma_start3A_125, %dma_start3A_126] : memref<32x8x16x80xi32, #tpu.memory_space<hbm>> -> memref<1x1x16x80xi32, #tpu.memory_space<hbm>>
          %dma_start3A_128 = tpu.memref_squeeze %dma_start3A_127 : memref<1x1x16x80xi32, #tpu.memory_space<hbm>> -> memref<16x80xi32, #tpu.memory_space<hbm>>
          tpu.enqueue_dma source(%dma_start3A_128 : memref<16x80xi32, #tpu.memory_space<hbm>>) target(%dma_start3A_124 : memref<16x80xi32, #tpu.memory_space<vmem>>) target_semaphore(%arg20 : memref<!tpu.dma_semaphore, #tpu.memory_space<semaphore_mem>>)
          %dma_start3A_129 = arith.constant 1 : i32
          %dma_start3A_130 = arith.constant 0 : i32
          %dma_start3A_131 = arith.constant 0 : i32
          %dma_start3A_132 = tpu.memref_slice %arg8[%dma_start3A_129, %dma_start3A_130, %dma_start3A_131] : memref<2x16x80xi32, #tpu.memory_space<vmem>> -> memref<1x16x80xi32, #tpu.memory_space<vmem>>
          %dma_start3A_133 = tpu.memref_squeeze %dma_start3A_132 : memref<1x16x80xi32, #tpu.memory_space<vmem>> -> memref<16x80xi32, #tpu.memory_space<vmem>>
          %dma_start3A_134 = arith.constant 0 : i32
          %dma_start3A_135 = arith.constant 0 : i32
          %dma_start3A_136 = tpu.memref_slice %arg4[%add3A, %add3A_111, %dma_start3A_134, %dma_start3A_135] : memref<32x8x16x80xi32, #tpu.memory_space<hbm>> -> memref<1x1x16x80xi32, #tpu.memory_space<hbm>>
          %dma_start3A_137 = tpu.memref_squeeze %dma_start3A_136 : memref<1x1x16x80xi32, #tpu.memory_space<hbm>> -> memref<16x80xi32, #tpu.memory_space<hbm>>
          %dma_start3A_138 = arith.constant 0 : i32
          %dma_start3A_139 = arith.constant 0 : i32
          %dma_start3A_140 = tpu.memref_slice %arg8[%dma_start3A_129, %dma_start3A_138, %dma_start3A_139] : memref<2x16x80xi32, #tpu.memory_space<vmem>> -> memref<1x16x80xi32, #tpu.memory_space<vmem>>
          %dma_start3A_141 = tpu.memref_squeeze %dma_start3A_140 : memref<1x16x80xi32, #tpu.memory_space<vmem>> -> memref<16x80xi32, #tpu.memory_space<vmem>>
          %dma_start3A_142 = arith.constant 0 : i32
          %dma_start3A_143 = arith.constant 0 : i32
          %dma_start3A_144 = tpu.memref_slice %arg4[%add3A, %add3A_111, %dma_start3A_142, %dma_start3A_143] : memref<32x8x16x80xi32, #tpu.memory_space<hbm>> -> memref<1x1x16x80xi32, #tpu.memory_space<hbm>>
          %dma_start3A_145 = tpu.memref_squeeze %dma_start3A_144 : memref<1x1x16x80xi32, #tpu.memory_space<hbm>> -> memref<16x80xi32, #tpu.memory_space<hbm>>
          tpu.enqueue_dma source(%dma_start3A_145 : memref<16x80xi32, #tpu.memory_space<hbm>>) target(%dma_start3A_141 : memref<16x80xi32, #tpu.memory_space<vmem>>) target_semaphore(%arg20 : memref<!tpu.dma_semaphore, #tpu.memory_space<semaphore_mem>>)
        } else {
        }
        %dma_start3A = arith.constant 0 : i32
        %dma_start3A_31 = arith.constant 0 : i32
        %dma_start3A_32 = arith.constant 0 : i32
        %dma_start3A_33 = arith.constant 0 : i32
        %dma_start3A_34 = arith.constant 0 : i32
        %dma_start3A_35 = tpu.memref_slice %arg9[%dma_start3A_32, %dma_start3A_33, %dma_start3A_34] : memref<4x80x128xf32, #tpu.memory_space<vmem>> -> memref<1x80x128xf32, #tpu.memory_space<vmem>>
        %dma_start3A_36 = tpu.memref_squeeze %dma_start3A_35 : memref<1x80x128xf32, #tpu.memory_space<vmem>> -> memref<80x128xf32, #tpu.memory_space<vmem>>
        %dma_start3A_37 = arith.constant 0 : i32
        %dma_start3A_38 = arith.constant 0 : i32
        %dma_start3A_39 = tpu.memref_slice %arg7[%dma_start3A, %dma_start3A_37, %dma_start3A_38] : memref<2x16x80xi32, #tpu.memory_space<vmem>> -> memref<1x16x80xi32, #tpu.memory_space<vmem>>
        %dma_start3A_40 = tpu.memref_squeeze %dma_start3A_39 : memref<1x16x80xi32, #tpu.memory_space<vmem>> -> memref<16x80xi32, #tpu.memory_space<vmem>>
        %dma_start3A_41 = arith.constant 0 : i32
        %dma_start3A_42 = tpu.memref_slice %dma_start3A_40[%dma_start3A_31, %dma_start3A_41] : memref<16x80xi32, #tpu.memory_space<vmem>> -> memref<1x80xi32, #tpu.memory_space<vmem>>
        %dma_start3A_43 = tpu.memref_squeeze %dma_start3A_42 : memref<1x80xi32, #tpu.memory_space<vmem>> -> memref<80xi32, #tpu.memory_space<vmem>>
        %dma_start3A_44 = arith.constant 0 : i32
        %dma_start3A_45 = arith.constant 0 : i32
        %dma_start3A_46 = tpu.memref_slice %arg2[%dma_start3A_44, %dma_start3A_45] : memref<10000x128xf32, #tpu.memory_space<hbm>> -> memref<10000x128xf32, #tpu.memory_space<hbm>>
        tpu.enqueue_indirect_dma source(%dma_start3A_46 : memref<10000x128xf32, #tpu.memory_space<hbm>>) target(%dma_start3A_36 : memref<80x128xf32, #tpu.memory_space<vmem>>) offsets(%dma_start3A_43 : memref<80xi32, #tpu.memory_space<vmem>>) semaphore(%arg11 : memref<!tpu.dma_semaphore, #tpu.memory_space<semaphore_mem>>)
        %dma_start3A_47 = arith.constant 0 : i32
        %dma_start3A_48 = arith.constant 1 : i32
        %dma_start3A_49 = arith.constant 1 : i32
        %dma_start3A_50 = arith.constant 0 : i32
        %dma_start3A_51 = arith.constant 0 : i32
        %dma_start3A_52 = tpu.memref_slice %arg9[%dma_start3A_49, %dma_start3A_50, %dma_start3A_51] : memref<4x80x128xf32, #tpu.memory_space<vmem>> -> memref<1x80x128xf32, #tpu.memory_space<vmem>>
        %dma_start3A_53 = tpu.memref_squeeze %dma_start3A_52 : memref<1x80x128xf32, #tpu.memory_space<vmem>> -> memref<80x128xf32, #tpu.memory_space<vmem>>
        %dma_start3A_54 = arith.constant 0 : i32
        %dma_start3A_55 = arith.constant 0 : i32
        %dma_start3A_56 = tpu.memref_slice %arg7[%dma_start3A_47, %dma_start3A_54, %dma_start3A_55] : memref<2x16x80xi32, #tpu.memory_space<vmem>> -> memref<1x16x80xi32, #tpu.memory_space<vmem>>
        %dma_start3A_57 = tpu.memref_squeeze %dma_start3A_56 : memref<1x16x80xi32, #tpu.memory_space<vmem>> -> memref<16x80xi32, #tpu.memory_space<vmem>>
        %dma_start3A_58 = arith.constant 0 : i32
        %dma_start3A_59 = tpu.memref_slice %dma_start3A_57[%dma_start3A_48, %dma_start3A_58] : memref<16x80xi32, #tpu.memory_space<vmem>> -> memref<1x80xi32, #tpu.memory_space<vmem>>
        %dma_start3A_60 = tpu.memref_squeeze %dma_start3A_59 : memref<1x80xi32, #tpu.memory_space<vmem>> -> memref<80xi32, #tpu.memory_space<vmem>>
        %dma_start3A_61 = arith.constant 0 : i32
        %dma_start3A_62 = arith.constant 0 : i32
        %dma_start3A_63 = tpu.memref_slice %arg2[%dma_start3A_61, %dma_start3A_62] : memref<10000x128xf32, #tpu.memory_space<hbm>> -> memref<10000x128xf32, #tpu.memory_space<hbm>>
        tpu.enqueue_indirect_dma source(%dma_start3A_63 : memref<10000x128xf32, #tpu.memory_space<hbm>>) target(%dma_start3A_53 : memref<80x128xf32, #tpu.memory_space<vmem>>) offsets(%dma_start3A_60 : memref<80xi32, #tpu.memory_space<vmem>>) semaphore(%arg12 : memref<!tpu.dma_semaphore, #tpu.memory_space<semaphore_mem>>)
        %dma_start3A_64 = arith.constant 0 : i32
        %dma_start3A_65 = arith.constant 2 : i32
        %dma_start3A_66 = arith.constant 2 : i32
        %dma_start3A_67 = arith.constant 0 : i32
        %dma_start3A_68 = arith.constant 0 : i32
        %dma_start3A_69 = tpu.memref_slice %arg9[%dma_start3A_66, %dma_start3A_67, %dma_start3A_68] : memref<4x80x128xf32, #tpu.memory_space<vmem>> -> memref<1x80x128xf32, #tpu.memory_space<vmem>>
        %dma_start3A_70 = tpu.memref_squeeze %dma_start3A_69 : memref<1x80x128xf32, #tpu.memory_space<vmem>> -> memref<80x128xf32, #tpu.memory_space<vmem>>
        %dma_start3A_71 = arith.constant 0 : i32
        %dma_start3A_72 = arith.constant 0 : i32
        %dma_start3A_73 = tpu.memref_slice %arg7[%dma_start3A_64, %dma_start3A_71, %dma_start3A_72] : memref<2x16x80xi32, #tpu.memory_space<vmem>> -> memref<1x16x80xi32, #tpu.memory_space<vmem>>
        %dma_start3A_74 = tpu.memref_squeeze %dma_start3A_73 : memref<1x16x80xi32, #tpu.memory_space<vmem>> -> memref<16x80xi32, #tpu.memory_space<vmem>>
        %dma_start3A_75 = arith.constant 0 : i32
        %dma_start3A_76 = tpu.memref_slice %dma_start3A_74[%dma_start3A_65, %dma_start3A_75] : memref<16x80xi32, #tpu.memory_space<vmem>> -> memref<1x80xi32, #tpu.memory_space<vmem>>
        %dma_start3A_77 = tpu.memref_squeeze %dma_start3A_76 : memref<1x80xi32, #tpu.memory_space<vmem>> -> memref<80xi32, #tpu.memory_space<vmem>>
        %dma_start3A_78 = arith.constant 0 : i32
        %dma_start3A_79 = arith.constant 0 : i32
        %dma_start3A_80 = tpu.memref_slice %arg2[%dma_start3A_78, %dma_start3A_79] : memref<10000x128xf32, #tpu.memory_space<hbm>> -> memref<10000x128xf32, #tpu.memory_space<hbm>>
        tpu.enqueue_indirect_dma source(%dma_start3A_80 : memref<10000x128xf32, #tpu.memory_space<hbm>>) target(%dma_start3A_70 : memref<80x128xf32, #tpu.memory_space<vmem>>) offsets(%dma_start3A_77 : memref<80xi32, #tpu.memory_space<vmem>>) semaphore(%arg13 : memref<!tpu.dma_semaphore, #tpu.memory_space<semaphore_mem>>)
        %scan3A_81 = arith.constant 0 : i32
        %scan3A_82 = arith.constant 0 : i32
        %scan3A_83 = arith.constant 0 : i32
        %scan3A_84 = arith.constant 0 : i32
        %scan3A_85 = arith.constant 4 : i32
        %scan3A_86 = arith.addi %scan3A_84, %scan3A_85 : i32
        %scan3A_87 = arith.constant 1 : i32
        scf.for %scan3A_110 = %scan3A_84 to %scan3A_86 step %scan3A_87  : i32 {
          %mul3A_111 = arith.constant 4 : i32
          %mul3A_112 = arith.muli %mul3A_111, %scan3A_110 : i32
          %gt3A = arith.constant 0 : i32
          %gt3A_113 = arith.cmpi sgt, %scan3A_110, %gt3A : i32
          %convert_element_type3A_114 = arith.extui %gt3A_113 : i1 to i32
          %cond3A_115 = arith.constant 0 : i32
          %cond3A_116 = arith.cmpi ne, %convert_element_type3A_114, %cond3A_115 : i32
          scf.if %cond3A_116 {
            %sub3A = arith.constant 1 : i32
            %sub3A_330 = arith.subi %mul3A_112, %sub3A : i32
            %dma_wait3A_331 = arith.constant 3 : i32
            %dma_wait3A_332 = arith.constant 0 : i32
            %dma_wait3A_333 = arith.constant 0 : i32
            %dma_wait3A_334 = tpu.memref_slice %arg9[%dma_wait3A_331, %dma_wait3A_332, %dma_wait3A_333] : memref<4x80x128xf32, #tpu.memory_space<vmem>> -> memref<1x80x128xf32, #tpu.memory_space<vmem>>
            %dma_wait3A_335 = tpu.memref_squeeze %dma_wait3A_334 : memref<1x80x128xf32, #tpu.memory_space<vmem>> -> memref<80x128xf32, #tpu.memory_space<vmem>>
            %dma_wait3A_336 = arith.constant 0 : i32
            %dma_wait3A_337 = arith.constant 0 : i32
            %dma_wait3A_338 = tpu.memref_slice %arg8[%scan3A_82, %dma_wait3A_336, %dma_wait3A_337] : memref<2x16x80xi32, #tpu.memory_space<vmem>> -> memref<1x16x80xi32, #tpu.memory_space<vmem>>
            %dma_wait3A_339 = tpu.memref_squeeze %dma_wait3A_338 : memref<1x16x80xi32, #tpu.memory_space<vmem>> -> memref<16x80xi32, #tpu.memory_space<vmem>>
            %dma_wait3A_340 = arith.constant 0 : i32
            %dma_wait3A_341 = tpu.memref_slice %dma_wait3A_339[%sub3A_330, %dma_wait3A_340] : memref<16x80xi32, #tpu.memory_space<vmem>> -> memref<1x80xi32, #tpu.memory_space<vmem>>
            %dma_wait3A_342 = tpu.memref_squeeze %dma_wait3A_341 : memref<1x80xi32, #tpu.memory_space<vmem>> -> memref<80xi32, #tpu.memory_space<vmem>>
            %dma_wait3A_343 = arith.constant 0 : i32
            %dma_wait3A_344 = arith.constant 0 : i32
            %dma_wait3A_345 = tpu.memref_slice %arg10[%dma_wait3A_343, %dma_wait3A_344] : memref<10112x128xf32, #tpu.memory_space<vmem_shared>> -> memref<10112x128xf32, #tpu.memory_space<vmem_shared>>
            tpu.wait_indirect_dma semaphore(%arg18 : memref<!tpu.dma_semaphore, #tpu.memory_space<semaphore_mem>>) src(%dma_wait3A_335 : memref<80x128xf32, #tpu.memory_space<vmem>>) dst(%dma_wait3A_345 : memref<10112x128xf32, #tpu.memory_space<vmem_shared>>)
          } else {
          }
          %add3A_117 = arith.constant 3 : i32
          %add3A_118 = arith.addi %mul3A_112, %add3A_117 : i32
          %dma_start3A_119 = arith.constant 3 : i32
          %dma_start3A_120 = arith.constant 0 : i32
          %dma_start3A_121 = arith.constant 0 : i32
          %dma_start3A_122 = tpu.memref_slice %arg9[%dma_start3A_119, %dma_start3A_120, %dma_start3A_121] : memref<4x80x128xf32, #tpu.memory_space<vmem>> -> memref<1x80x128xf32, #tpu.memory_space<vmem>>
          %dma_start3A_123 = tpu.memref_squeeze %dma_start3A_122 : memref<1x80x128xf32, #tpu.memory_space<vmem>> -> memref<80x128xf32, #tpu.memory_space<vmem>>
          %dma_start3A_124 = arith.constant 0 : i32
          %dma_start3A_125 = arith.constant 0 : i32
          %dma_start3A_126 = tpu.memref_slice %arg7[%scan3A_83, %dma_start3A_124, %dma_start3A_125] : memref<2x16x80xi32, #tpu.memory_space<vmem>> -> memref<1x16x80xi32, #tpu.memory_space<vmem>>
          %dma_start3A_127 = tpu.memref_squeeze %dma_start3A_126 : memref<1x16x80xi32, #tpu.memory_space<vmem>> -> memref<16x80xi32, #tpu.memory_space<vmem>>
          %dma_start3A_128 = arith.constant 0 : i32
          %dma_start3A_129 = tpu.memref_slice %dma_start3A_127[%add3A_118, %dma_start3A_128] : memref<16x80xi32, #tpu.memory_space<vmem>> -> memref<1x80xi32, #tpu.memory_space<vmem>>
          %dma_start3A_130 = tpu.memref_squeeze %dma_start3A_129 : memref<1x80xi32, #tpu.memory_space<vmem>> -> memref<80xi32, #tpu.memory_space<vmem>>
          %dma_start3A_131 = arith.constant 0 : i32
          %dma_start3A_132 = arith.constant 0 : i32
          %dma_start3A_133 = tpu.memref_slice %arg2[%dma_start3A_131, %dma_start3A_132] : memref<10000x128xf32, #tpu.memory_space<hbm>> -> memref<10000x128xf32, #tpu.memory_space<hbm>>
          tpu.enqueue_indirect_dma source(%dma_start3A_133 : memref<10000x128xf32, #tpu.memory_space<hbm>>) target(%dma_start3A_123 : memref<80x128xf32, #tpu.memory_space<vmem>>) offsets(%dma_start3A_130 : memref<80xi32, #tpu.memory_space<vmem>>) semaphore(%arg14 : memref<!tpu.dma_semaphore, #tpu.memory_space<semaphore_mem>>)
          %dma_wait3A_134 = arith.constant 0 : i32
          %dma_wait3A_135 = arith.constant 0 : i32
          %dma_wait3A_136 = arith.constant 0 : i32
          %dma_wait3A_137 = tpu.memref_slice %arg9[%dma_wait3A_134, %dma_wait3A_135, %dma_wait3A_136] : memref<4x80x128xf32, #tpu.memory_space<vmem>> -> memref<1x80x128xf32, #tpu.memory_space<vmem>>
          %dma_wait3A_138 = tpu.memref_squeeze %dma_wait3A_137 : memref<1x80x128xf32, #tpu.memory_space<vmem>> -> memref<80x128xf32, #tpu.memory_space<vmem>>
          %dma_wait3A_139 = arith.constant 0 : i32
          %dma_wait3A_140 = arith.constant 0 : i32
          %dma_wait3A_141 = tpu.memref_slice %arg7[%scan3A_83, %dma_wait3A_139, %dma_wait3A_140] : memref<2x16x80xi32, #tpu.memory_space<vmem>> -> memref<1x16x80xi32, #tpu.memory_space<vmem>>
          %dma_wait3A_142 = tpu.memref_squeeze %dma_wait3A_141 : memref<1x16x80xi32, #tpu.memory_space<vmem>> -> memref<16x80xi32, #tpu.memory_space<vmem>>
          %dma_wait3A_143 = arith.constant 0 : i32
          %dma_wait3A_144 = tpu.memref_slice %dma_wait3A_142[%mul3A_112, %dma_wait3A_143] : memref<16x80xi32, #tpu.memory_space<vmem>> -> memref<1x80xi32, #tpu.memory_space<vmem>>
          %dma_wait3A_145 = tpu.memref_squeeze %dma_wait3A_144 : memref<1x80xi32, #tpu.memory_space<vmem>> -> memref<80xi32, #tpu.memory_space<vmem>>
          %dma_wait3A_146 = arith.constant 0 : i32
          %dma_wait3A_147 = arith.constant 0 : i32
          %dma_wait3A_148 = tpu.memref_slice %arg2[%dma_wait3A_146, %dma_wait3A_147] : memref<10000x128xf32, #tpu.memory_space<hbm>> -> memref<10000x128xf32, #tpu.memory_space<hbm>>
          tpu.wait_indirect_dma semaphore(%arg11 : memref<!tpu.dma_semaphore, #tpu.memory_space<semaphore_mem>>) src(%dma_wait3A_148 : memref<10000x128xf32, #tpu.memory_space<hbm>>) dst(%dma_wait3A_138 : memref<80x128xf32, #tpu.memory_space<vmem>>)
          %dma_start3A_149 = arith.constant 0 : i32
          %dma_start3A_150 = arith.constant 0 : i32
          %dma_start3A_151 = arith.constant 0 : i32
          %dma_start3A_152 = tpu.memref_slice %arg9[%dma_start3A_149, %dma_start3A_150, %dma_start3A_151] : memref<4x80x128xf32, #tpu.memory_space<vmem>> -> memref<1x80x128xf32, #tpu.memory_space<vmem>>
          %dma_start3A_153 = tpu.memref_squeeze %dma_start3A_152 : memref<1x80x128xf32, #tpu.memory_space<vmem>> -> memref<80x128xf32, #tpu.memory_space<vmem>>
          %dma_start3A_154 = arith.constant 0 : i32
          %dma_start3A_155 = arith.constant 0 : i32
          %dma_start3A_156 = tpu.memref_slice %arg8[%scan3A_82, %dma_start3A_154, %dma_start3A_155] : memref<2x16x80xi32, #tpu.memory_space<vmem>> -> memref<1x16x80xi32, #tpu.memory_space<vmem>>
          %dma_start3A_157 = tpu.memref_squeeze %dma_start3A_156 : memref<1x16x80xi32, #tpu.memory_space<vmem>> -> memref<16x80xi32, #tpu.memory_space<vmem>>
          %dma_start3A_158 = arith.constant 0 : i32
          %dma_start3A_159 = tpu.memref_slice %dma_start3A_157[%mul3A_112, %dma_start3A_158] : memref<16x80xi32, #tpu.memory_space<vmem>> -> memref<1x80xi32, #tpu.memory_space<vmem>>
          %dma_start3A_160 = tpu.memref_squeeze %dma_start3A_159 : memref<1x80xi32, #tpu.memory_space<vmem>> -> memref<80xi32, #tpu.memory_space<vmem>>
          %dma_start3A_161 = arith.constant 0 : i32
          %dma_start3A_162 = arith.constant 0 : i32
          %dma_start3A_163 = tpu.memref_slice %arg10[%dma_start3A_161, %dma_start3A_162] : memref<10112x128xf32, #tpu.memory_space<vmem_shared>> -> memref<10112x128xf32, #tpu.memory_space<vmem_shared>>
          tpu.enqueue_indirect_dma source(%dma_start3A_153 : memref<80x128xf32, #tpu.memory_space<vmem>>) target(%dma_start3A_163 : memref<10112x128xf32, #tpu.memory_space<vmem_shared>>) offsets(%dma_start3A_160 : memref<80xi32, #tpu.memory_space<vmem>>) semaphore(%arg15 : memref<!tpu.dma_semaphore, #tpu.memory_space<semaphore_mem>>) {add = true}
          %add3A_164 = arith.constant 1 : i32
          %add3A_165 = arith.addi %mul3A_112, %add3A_164 : i32
          %dma_wait3A_166 = arith.constant 1 : i32
          %dma_wait3A_167 = arith.constant 0 : i32
          %dma_wait3A_168 = arith.constant 0 : i32
          %dma_wait3A_169 = tpu.memref_slice %arg9[%dma_wait3A_166, %dma_wait3A_167, %dma_wait3A_168] : memref<4x80x128xf32, #tpu.memory_space<vmem>> -> memref<1x80x128xf32, #tpu.memory_space<vmem>>
          %dma_wait3A_170 = tpu.memref_squeeze %dma_wait3A_169 : memref<1x80x128xf32, #tpu.memory_space<vmem>> -> memref<80x128xf32, #tpu.memory_space<vmem>>
          %dma_wait3A_171 = arith.constant 0 : i32
          %dma_wait3A_172 = arith.constant 0 : i32
          %dma_wait3A_173 = tpu.memref_slice %arg7[%scan3A_83, %dma_wait3A_171, %dma_wait3A_172] : memref<2x16x80xi32, #tpu.memory_space<vmem>> -> memref<1x16x80xi32, #tpu.memory_space<vmem>>
          %dma_wait3A_174 = tpu.memref_squeeze %dma_wait3A_173 : memref<1x16x80xi32, #tpu.memory_space<vmem>> -> memref<16x80xi32, #tpu.memory_space<vmem>>
          %dma_wait3A_175 = arith.constant 0 : i32
          %dma_wait3A_176 = tpu.memref_slice %dma_wait3A_174[%add3A_165, %dma_wait3A_175] : memref<16x80xi32, #tpu.memory_space<vmem>> -> memref<1x80xi32, #tpu.memory_space<vmem>>
          %dma_wait3A_177 = tpu.memref_squeeze %dma_wait3A_176 : memref<1x80xi32, #tpu.memory_space<vmem>> -> memref<80xi32, #tpu.memory_space<vmem>>
          %dma_wait3A_178 = arith.constant 0 : i32
          %dma_wait3A_179 = arith.constant 0 : i32
          %dma_wait3A_180 = tpu.memref_slice %arg2[%dma_wait3A_178, %dma_wait3A_179] : memref<10000x128xf32, #tpu.memory_space<hbm>> -> memref<10000x128xf32, #tpu.memory_space<hbm>>
          tpu.wait_indirect_dma semaphore(%arg12 : memref<!tpu.dma_semaphore, #tpu.memory_space<semaphore_mem>>) src(%dma_wait3A_180 : memref<10000x128xf32, #tpu.memory_space<hbm>>) dst(%dma_wait3A_170 : memref<80x128xf32, #tpu.memory_space<vmem>>)
          %add3A_181 = arith.constant 1 : i32
          %add3A_182 = arith.addi %mul3A_112, %add3A_181 : i32
          %dma_start3A_183 = arith.constant 1 : i32
          %dma_start3A_184 = arith.constant 0 : i32
          %dma_start3A_185 = arith.constant 0 : i32
          %dma_start3A_186 = tpu.memref_slice %arg9[%dma_start3A_183, %dma_start3A_184, %dma_start3A_185] : memref<4x80x128xf32, #tpu.memory_space<vmem>> -> memref<1x80x128xf32, #tpu.memory_space<vmem>>
          %dma_start3A_187 = tpu.memref_squeeze %dma_start3A_186 : memref<1x80x128xf32, #tpu.memory_space<vmem>> -> memref<80x128xf32, #tpu.memory_space<vmem>>
          %dma_start3A_188 = arith.constant 0 : i32
          %dma_start3A_189 = arith.constant 0 : i32
          %dma_start3A_190 = tpu.memref_slice %arg8[%scan3A_82, %dma_start3A_188, %dma_start3A_189] : memref<2x16x80xi32, #tpu.memory_space<vmem>> -> memref<1x16x80xi32, #tpu.memory_space<vmem>>
          %dma_start3A_191 = tpu.memref_squeeze %dma_start3A_190 : memref<1x16x80xi32, #tpu.memory_space<vmem>> -> memref<16x80xi32, #tpu.memory_space<vmem>>
          %dma_start3A_192 = arith.constant 0 : i32
          %dma_start3A_193 = tpu.memref_slice %dma_start3A_191[%add3A_182, %dma_start3A_192] : memref<16x80xi32, #tpu.memory_space<vmem>> -> memref<1x80xi32, #tpu.memory_space<vmem>>
          %dma_start3A_194 = tpu.memref_squeeze %dma_start3A_193 : memref<1x80xi32, #tpu.memory_space<vmem>> -> memref<80xi32, #tpu.memory_space<vmem>>
          %dma_start3A_195 = arith.constant 0 : i32
          %dma_start3A_196 = arith.constant 0 : i32
          %dma_start3A_197 = tpu.memref_slice %arg10[%dma_start3A_195, %dma_start3A_196] : memref<10112x128xf32, #tpu.memory_space<vmem_shared>> -> memref<10112x128xf32, #tpu.memory_space<vmem_shared>>
          tpu.enqueue_indirect_dma source(%dma_start3A_187 : memref<80x128xf32, #tpu.memory_space<vmem>>) target(%dma_start3A_197 : memref<10112x128xf32, #tpu.memory_space<vmem_shared>>) offsets(%dma_start3A_194 : memref<80xi32, #tpu.memory_space<vmem>>) semaphore(%arg16 : memref<!tpu.dma_semaphore, #tpu.memory_space<semaphore_mem>>) {add = true}
          %dma_wait3A_198 = arith.constant 0 : i32
          %dma_wait3A_199 = arith.constant 0 : i32
          %dma_wait3A_200 = arith.constant 0 : i32
          %dma_wait3A_201 = tpu.memref_slice %arg9[%dma_wait3A_198, %dma_wait3A_199, %dma_wait3A_200] : memref<4x80x128xf32, #tpu.memory_space<vmem>> -> memref<1x80x128xf32, #tpu.memory_space<vmem>>
          %dma_wait3A_202 = tpu.memref_squeeze %dma_wait3A_201 : memref<1x80x128xf32, #tpu.memory_space<vmem>> -> memref<80x128xf32, #tpu.memory_space<vmem>>
          %dma_wait3A_203 = arith.constant 0 : i32
          %dma_wait3A_204 = arith.constant 0 : i32
          %dma_wait3A_205 = tpu.memref_slice %arg8[%scan3A_82, %dma_wait3A_203, %dma_wait3A_204] : memref<2x16x80xi32, #tpu.memory_space<vmem>> -> memref<1x16x80xi32, #tpu.memory_space<vmem>>
          %dma_wait3A_206 = tpu.memref_squeeze %dma_wait3A_205 : memref<1x16x80xi32, #tpu.memory_space<vmem>> -> memref<16x80xi32, #tpu.memory_space<vmem>>
          %dma_wait3A_207 = arith.constant 0 : i32
          %dma_wait3A_208 = tpu.memref_slice %dma_wait3A_206[%mul3A_112, %dma_wait3A_207] : memref<16x80xi32, #tpu.memory_space<vmem>> -> memref<1x80xi32, #tpu.memory_space<vmem>>
          %dma_wait3A_209 = tpu.memref_squeeze %dma_wait3A_208 : memref<1x80xi32, #tpu.memory_space<vmem>> -> memref<80xi32, #tpu.memory_space<vmem>>
          %dma_wait3A_210 = arith.constant 0 : i32
          %dma_wait3A_211 = arith.constant 0 : i32
          %dma_wait3A_212 = tpu.memref_slice %arg10[%dma_wait3A_210, %dma_wait3A_211] : memref<10112x128xf32, #tpu.memory_space<vmem_shared>> -> memref<10112x128xf32, #tpu.memory_space<vmem_shared>>
          tpu.wait_indirect_dma semaphore(%arg15 : memref<!tpu.dma_semaphore, #tpu.memory_space<semaphore_mem>>) src(%dma_wait3A_202 : memref<80x128xf32, #tpu.memory_space<vmem>>) dst(%dma_wait3A_212 : memref<10112x128xf32, #tpu.memory_space<vmem_shared>>)
          %lt3A_213 = arith.constant 3 : i32
          %lt3A_214 = arith.cmpi slt, %scan3A_110, %lt3A_213 : i32
          %convert_element_type3A_215 = arith.extui %lt3A_214 : i1 to i32
          %cond3A_216 = arith.constant 0 : i32
          %cond3A_217 = arith.cmpi ne, %convert_element_type3A_215, %cond3A_216 : i32
          scf.if %cond3A_217 {
            %add3A_330 = arith.constant 4 : i32
            %add3A_331 = arith.addi %mul3A_112, %add3A_330 : i32
            %dma_start3A_332 = arith.constant 0 : i32
            %dma_start3A_333 = arith.constant 0 : i32
            %dma_start3A_334 = arith.constant 0 : i32
            %dma_start3A_335 = tpu.memref_slice %arg9[%dma_start3A_332, %dma_start3A_333, %dma_start3A_334] : memref<4x80x128xf32, #tpu.memory_space<vmem>> -> memref<1x80x128xf32, #tpu.memory_space<vmem>>
            %dma_start3A_336 = tpu.memref_squeeze %dma_start3A_335 : memref<1x80x128xf32, #tpu.memory_space<vmem>> -> memref<80x128xf32, #tpu.memory_space<vmem>>
            %dma_start3A_337 = arith.constant 0 : i32
            %dma_start3A_338 = arith.constant 0 : i32
            %dma_start3A_339 = tpu.memref_slice %arg7[%scan3A_83, %dma_start3A_337, %dma_start3A_338] : memref<2x16x80xi32, #tpu.memory_space<vmem>> -> memref<1x16x80xi32, #tpu.memory_space<vmem>>
            %dma_start3A_340 = tpu.memref_squeeze %dma_start3A_339 : memref<1x16x80xi32, #tpu.memory_space<vmem>> -> memref<16x80xi32, #tpu.memory_space<vmem>>
            %dma_start3A_341 = arith.constant 0 : i32
            %dma_start3A_342 = tpu.memref_slice %dma_start3A_340[%add3A_331, %dma_start3A_341] : memref<16x80xi32, #tpu.memory_space<vmem>> -> memref<1x80xi32, #tpu.memory_space<vmem>>
            %dma_start3A_343 = tpu.memref_squeeze %dma_start3A_342 : memref<1x80xi32, #tpu.memory_space<vmem>> -> memref<80xi32, #tpu.memory_space<vmem>>
            %dma_start3A_344 = arith.constant 0 : i32
            %dma_start3A_345 = arith.constant 0 : i32
            %dma_start3A_346 = tpu.memref_slice %arg2[%dma_start3A_344, %dma_start3A_345] : memref<10000x128xf32, #tpu.memory_space<hbm>> -> memref<10000x128xf32, #tpu.memory_space<hbm>>
            tpu.enqueue_indirect_dma source(%dma_start3A_346 : memref<10000x128xf32, #tpu.memory_space<hbm>>) target(%dma_start3A_336 : memref<80x128xf32, #tpu.memory_space<vmem>>) offsets(%dma_start3A_343 : memref<80xi32, #tpu.memory_space<vmem>>) semaphore(%arg11 : memref<!tpu.dma_semaphore, #tpu.memory_space<semaphore_mem>>)
          } else {
          }
          %add3A_218 = arith.constant 2 : i32
          %add3A_219 = arith.addi %mul3A_112, %add3A_218 : i32
          %dma_wait3A_220 = arith.constant 2 : i32
          %dma_wait3A_221 = arith.constant 0 : i32
          %dma_wait3A_222 = arith.constant 0 : i32
          %dma_wait3A_223 = tpu.memref_slice %arg9[%dma_wait3A_220, %dma_wait3A_221, %dma_wait3A_222] : memref<4x80x128xf32, #tpu.memory_space<vmem>> -> memref<1x80x128xf32, #tpu.memory_space<vmem>>
          %dma_wait3A_224 = tpu.memref_squeeze %dma_wait3A_223 : memref<1x80x128xf32, #tpu.memory_space<vmem>> -> memref<80x128xf32, #tpu.memory_space<vmem>>
          %dma_wait3A_225 = arith.constant 0 : i32
          %dma_wait3A_226 = arith.constant 0 : i32
          %dma_wait3A_227 = tpu.memref_slice %arg7[%scan3A_83, %dma_wait3A_225, %dma_wait3A_226] : memref<2x16x80xi32, #tpu.memory_space<vmem>> -> memref<1x16x80xi32, #tpu.memory_space<vmem>>
          %dma_wait3A_228 = tpu.memref_squeeze %dma_wait3A_227 : memref<1x16x80xi32, #tpu.memory_space<vmem>> -> memref<16x80xi32, #tpu.memory_space<vmem>>
          %dma_wait3A_229 = arith.constant 0 : i32
          %dma_wait3A_230 = tpu.memref_slice %dma_wait3A_228[%add3A_219, %dma_wait3A_229] : memref<16x80xi32, #tpu.memory_space<vmem>> -> memref<1x80xi32, #tpu.memory_space<vmem>>
          %dma_wait3A_231 = tpu.memref_squeeze %dma_wait3A_230 : memref<1x80xi32, #tpu.memory_space<vmem>> -> memref<80xi32, #tpu.memory_space<vmem>>
          %dma_wait3A_232 = arith.constant 0 : i32
          %dma_wait3A_233 = arith.constant 0 : i32
          %dma_wait3A_234 = tpu.memref_slice %arg2[%dma_wait3A_232, %dma_wait3A_233] : memref<10000x128xf32, #tpu.memory_space<hbm>> -> memref<10000x128xf32, #tpu.memory_space<hbm>>
          tpu.wait_indirect_dma semaphore(%arg13 : memref<!tpu.dma_semaphore, #tpu.memory_space<semaphore_mem>>) src(%dma_wait3A_234 : memref<10000x128xf32, #tpu.memory_space<hbm>>) dst(%dma_wait3A_224 : memref<80x128xf32, #tpu.memory_space<vmem>>)
          %add3A_235 = arith.constant 2 : i32
          %add3A_236 = arith.addi %mul3A_112, %add3A_235 : i32
          %dma_start3A_237 = arith.constant 2 : i32
          %dma_start3A_238 = arith.constant 0 : i32
          %dma_start3A_239 = arith.constant 0 : i32
          %dma_start3A_240 = tpu.memref_slice %arg9[%dma_start3A_237, %dma_start3A_238, %dma_start3A_239] : memref<4x80x128xf32, #tpu.memory_space<vmem>> -> memref<1x80x128xf32, #tpu.memory_space<vmem>>
          %dma_start3A_241 = tpu.memref_squeeze %dma_start3A_240 : memref<1x80x128xf32, #tpu.memory_space<vmem>> -> memref<80x128xf32, #tpu.memory_space<vmem>>
          %dma_start3A_242 = arith.constant 0 : i32
          %dma_start3A_243 = arith.constant 0 : i32
          %dma_start3A_244 = tpu.memref_slice %arg8[%scan3A_82, %dma_start3A_242, %dma_start3A_243] : memref<2x16x80xi32, #tpu.memory_space<vmem>> -> memref<1x16x80xi32, #tpu.memory_space<vmem>>
          %dma_start3A_245 = tpu.memref_squeeze %dma_start3A_244 : memref<1x16x80xi32, #tpu.memory_space<vmem>> -> memref<16x80xi32, #tpu.memory_space<vmem>>
          %dma_start3A_246 = arith.constant 0 : i32
          %dma_start3A_247 = tpu.memref_slice %dma_start3A_245[%add3A_236, %dma_start3A_246] : memref<16x80xi32, #tpu.memory_space<vmem>> -> memref<1x80xi32, #tpu.memory_space<vmem>>
          %dma_start3A_248 = tpu.memref_squeeze %dma_start3A_247 : memref<1x80xi32, #tpu.memory_space<vmem>> -> memref<80xi32, #tpu.memory_space<vmem>>
          %dma_start3A_249 = arith.constant 0 : i32
          %dma_start3A_250 = arith.constant 0 : i32
          %dma_start3A_251 = tpu.memref_slice %arg10[%dma_start3A_249, %dma_start3A_250] : memref<10112x128xf32, #tpu.memory_space<vmem_shared>> -> memref<10112x128xf32, #tpu.memory_space<vmem_shared>>
          tpu.enqueue_indirect_dma source(%dma_start3A_241 : memref<80x128xf32, #tpu.memory_space<vmem>>) target(%dma_start3A_251 : memref<10112x128xf32, #tpu.memory_space<vmem_shared>>) offsets(%dma_start3A_248 : memref<80xi32, #tpu.memory_space<vmem>>) semaphore(%arg17 : memref<!tpu.dma_semaphore, #tpu.memory_space<semaphore_mem>>) {add = true}
          %add3A_252 = arith.constant 1 : i32
          %add3A_253 = arith.addi %mul3A_112, %add3A_252 : i32
          %dma_wait3A_254 = arith.constant 1 : i32
          %dma_wait3A_255 = arith.constant 0 : i32
          %dma_wait3A_256 = arith.constant 0 : i32
          %dma_wait3A_257 = tpu.memref_slice %arg9[%dma_wait3A_254, %dma_wait3A_255, %dma_wait3A_256] : memref<4x80x128xf32, #tpu.memory_space<vmem>> -> memref<1x80x128xf32, #tpu.memory_space<vmem>>
          %dma_wait3A_258 = tpu.memref_squeeze %dma_wait3A_257 : memref<1x80x128xf32, #tpu.memory_space<vmem>> -> memref<80x128xf32, #tpu.memory_space<vmem>>
          %dma_wait3A_259 = arith.constant 0 : i32
          %dma_wait3A_260 = arith.constant 0 : i32
          %dma_wait3A_261 = tpu.memref_slice %arg8[%scan3A_82, %dma_wait3A_259, %dma_wait3A_260] : memref<2x16x80xi32, #tpu.memory_space<vmem>> -> memref<1x16x80xi32, #tpu.memory_space<vmem>>
          %dma_wait3A_262 = tpu.memref_squeeze %dma_wait3A_261 : memref<1x16x80xi32, #tpu.memory_space<vmem>> -> memref<16x80xi32, #tpu.memory_space<vmem>>
          %dma_wait3A_263 = arith.constant 0 : i32
          %dma_wait3A_264 = tpu.memref_slice %dma_wait3A_262[%add3A_253, %dma_wait3A_263] : memref<16x80xi32, #tpu.memory_space<vmem>> -> memref<1x80xi32, #tpu.memory_space<vmem>>
          %dma_wait3A_265 = tpu.memref_squeeze %dma_wait3A_264 : memref<1x80xi32, #tpu.memory_space<vmem>> -> memref<80xi32, #tpu.memory_space<vmem>>
          %dma_wait3A_266 = arith.constant 0 : i32
          %dma_wait3A_267 = arith.constant 0 : i32
          %dma_wait3A_268 = tpu.memref_slice %arg10[%dma_wait3A_266, %dma_wait3A_267] : memref<10112x128xf32, #tpu.memory_space<vmem_shared>> -> memref<10112x128xf32, #tpu.memory_space<vmem_shared>>
          tpu.wait_indirect_dma semaphore(%arg16 : memref<!tpu.dma_semaphore, #tpu.memory_space<semaphore_mem>>) src(%dma_wait3A_258 : memref<80x128xf32, #tpu.memory_space<vmem>>) dst(%dma_wait3A_268 : memref<10112x128xf32, #tpu.memory_space<vmem_shared>>)
          %lt3A_269 = arith.constant 3 : i32
          %lt3A_270 = arith.cmpi slt, %scan3A_110, %lt3A_269 : i32
          %convert_element_type3A_271 = arith.extui %lt3A_270 : i1 to i32
          %cond3A_272 = arith.constant 0 : i32
          %cond3A_273 = arith.cmpi ne, %convert_element_type3A_271, %cond3A_272 : i32
          scf.if %cond3A_273 {
            %add3A_330 = arith.constant 5 : i32
            %add3A_331 = arith.addi %mul3A_112, %add3A_330 : i32
            %dma_start3A_332 = arith.constant 1 : i32
            %dma_start3A_333 = arith.constant 0 : i32
            %dma_start3A_334 = arith.constant 0 : i32
            %dma_start3A_335 = tpu.memref_slice %arg9[%dma_start3A_332, %dma_start3A_333, %dma_start3A_334] : memref<4x80x128xf32, #tpu.memory_space<vmem>> -> memref<1x80x128xf32, #tpu.memory_space<vmem>>
            %dma_start3A_336 = tpu.memref_squeeze %dma_start3A_335 : memref<1x80x128xf32, #tpu.memory_space<vmem>> -> memref<80x128xf32, #tpu.memory_space<vmem>>
            %dma_start3A_337 = arith.constant 0 : i32
            %dma_start3A_338 = arith.constant 0 : i32
            %dma_start3A_339 = tpu.memref_slice %arg7[%scan3A_83, %dma_start3A_337, %dma_start3A_338] : memref<2x16x80xi32, #tpu.memory_space<vmem>> -> memref<1x16x80xi32, #tpu.memory_space<vmem>>
            %dma_start3A_340 = tpu.memref_squeeze %dma_start3A_339 : memref<1x16x80xi32, #tpu.memory_space<vmem>> -> memref<16x80xi32, #tpu.memory_space<vmem>>
            %dma_start3A_341 = arith.constant 0 : i32
            %dma_start3A_342 = tpu.memref_slice %dma_start3A_340[%add3A_331, %dma_start3A_341] : memref<16x80xi32, #tpu.memory_space<vmem>> -> memref<1x80xi32, #tpu.memory_space<vmem>>
            %dma_start3A_343 = tpu.memref_squeeze %dma_start3A_342 : memref<1x80xi32, #tpu.memory_space<vmem>> -> memref<80xi32, #tpu.memory_space<vmem>>
            %dma_start3A_344 = arith.constant 0 : i32
            %dma_start3A_345 = arith.constant 0 : i32
            %dma_start3A_346 = tpu.memref_slice %arg2[%dma_start3A_344, %dma_start3A_345] : memref<10000x128xf32, #tpu.memory_space<hbm>> -> memref<10000x128xf32, #tpu.memory_space<hbm>>
            tpu.enqueue_indirect_dma source(%dma_start3A_346 : memref<10000x128xf32, #tpu.memory_space<hbm>>) target(%dma_start3A_336 : memref<80x128xf32, #tpu.memory_space<vmem>>) offsets(%dma_start3A_343 : memref<80xi32, #tpu.memory_space<vmem>>) semaphore(%arg12 : memref<!tpu.dma_semaphore, #tpu.memory_space<semaphore_mem>>)
          } else {
          }
          %add3A_274 = arith.constant 3 : i32
          %add3A_275 = arith.addi %mul3A_112, %add3A_274 : i32
          %dma_wait3A_276 = arith.constant 3 : i32
          %dma_wait3A_277 = arith.constant 0 : i32
          %dma_wait3A_278 = arith.constant 0 : i32
          %dma_wait3A_279 = tpu.memref_slice %arg9[%dma_wait3A_276, %dma_wait3A_277, %dma_wait3A_278] : memref<4x80x128xf32, #tpu.memory_space<vmem>> -> memref<1x80x128xf32, #tpu.memory_space<vmem>>
          %dma_wait3A_280 = tpu.memref_squeeze %dma_wait3A_279 : memref<1x80x128xf32, #tpu.memory_space<vmem>> -> memref<80x128xf32, #tpu.memory_space<vmem>>
          %dma_wait3A_281 = arith.constant 0 : i32
          %dma_wait3A_282 = arith.constant 0 : i32
          %dma_wait3A_283 = tpu.memref_slice %arg7[%scan3A_83, %dma_wait3A_281, %dma_wait3A_282] : memref<2x16x80xi32, #tpu.memory_space<vmem>> -> memref<1x16x80xi32, #tpu.memory_space<vmem>>
          %dma_wait3A_284 = tpu.memref_squeeze %dma_wait3A_283 : memref<1x16x80xi32, #tpu.memory_space<vmem>> -> memref<16x80xi32, #tpu.memory_space<vmem>>
          %dma_wait3A_285 = arith.constant 0 : i32
          %dma_wait3A_286 = tpu.memref_slice %dma_wait3A_284[%add3A_275, %dma_wait3A_285] : memref<16x80xi32, #tpu.memory_space<vmem>> -> memref<1x80xi32, #tpu.memory_space<vmem>>
          %dma_wait3A_287 = tpu.memref_squeeze %dma_wait3A_286 : memref<1x80xi32, #tpu.memory_space<vmem>> -> memref<80xi32, #tpu.memory_space<vmem>>
          %dma_wait3A_288 = arith.constant 0 : i32
          %dma_wait3A_289 = arith.constant 0 : i32
          %dma_wait3A_290 = tpu.memref_slice %arg2[%dma_wait3A_288, %dma_wait3A_289] : memref<10000x128xf32, #tpu.memory_space<hbm>> -> memref<10000x128xf32, #tpu.memory_space<hbm>>
          tpu.wait_indirect_dma semaphore(%arg14 : memref<!tpu.dma_semaphore, #tpu.memory_space<semaphore_mem>>) src(%dma_wait3A_290 : memref<10000x128xf32, #tpu.memory_space<hbm>>) dst(%dma_wait3A_280 : memref<80x128xf32, #tpu.memory_space<vmem>>)
          %add3A_291 = arith.constant 3 : i32
          %add3A_292 = arith.addi %mul3A_112, %add3A_291 : i32
          %dma_start3A_293 = arith.constant 3 : i32
          %dma_start3A_294 = arith.constant 0 : i32
          %dma_start3A_295 = arith.constant 0 : i32
          %dma_start3A_296 = tpu.memref_slice %arg9[%dma_start3A_293, %dma_start3A_294, %dma_start3A_295] : memref<4x80x128xf32, #tpu.memory_space<vmem>> -> memref<1x80x128xf32, #tpu.memory_space<vmem>>
          %dma_start3A_297 = tpu.memref_squeeze %dma_start3A_296 : memref<1x80x128xf32, #tpu.memory_space<vmem>> -> memref<80x128xf32, #tpu.memory_space<vmem>>
          %dma_start3A_298 = arith.constant 0 : i32
          %dma_start3A_299 = arith.constant 0 : i32
          %dma_start3A_300 = tpu.memref_slice %arg8[%scan3A_82, %dma_start3A_298, %dma_start3A_299] : memref<2x16x80xi32, #tpu.memory_space<vmem>> -> memref<1x16x80xi32, #tpu.memory_space<vmem>>
          %dma_start3A_301 = tpu.memref_squeeze %dma_start3A_300 : memref<1x16x80xi32, #tpu.memory_space<vmem>> -> memref<16x80xi32, #tpu.memory_space<vmem>>
          %dma_start3A_302 = arith.constant 0 : i32
          %dma_start3A_303 = tpu.memref_slice %dma_start3A_301[%add3A_292, %dma_start3A_302] : memref<16x80xi32, #tpu.memory_space<vmem>> -> memref<1x80xi32, #tpu.memory_space<vmem>>
          %dma_start3A_304 = tpu.memref_squeeze %dma_start3A_303 : memref<1x80xi32, #tpu.memory_space<vmem>> -> memref<80xi32, #tpu.memory_space<vmem>>
          %dma_start3A_305 = arith.constant 0 : i32
          %dma_start3A_306 = arith.constant 0 : i32
          %dma_start3A_307 = tpu.memref_slice %arg10[%dma_start3A_305, %dma_start3A_306] : memref<10112x128xf32, #tpu.memory_space<vmem_shared>> -> memref<10112x128xf32, #tpu.memory_space<vmem_shared>>
          tpu.enqueue_indirect_dma source(%dma_start3A_297 : memref<80x128xf32, #tpu.memory_space<vmem>>) target(%dma_start3A_307 : memref<10112x128xf32, #tpu.memory_space<vmem_shared>>) offsets(%dma_start3A_304 : memref<80xi32, #tpu.memory_space<vmem>>) semaphore(%arg18 : memref<!tpu.dma_semaphore, #tpu.memory_space<semaphore_mem>>) {add = true}
          %add3A_308 = arith.constant 2 : i32
          %add3A_309 = arith.addi %mul3A_112, %add3A_308 : i32
          %dma_wait3A_310 = arith.constant 2 : i32
          %dma_wait3A_311 = arith.constant 0 : i32
          %dma_wait3A_312 = arith.constant 0 : i32
          %dma_wait3A_313 = tpu.memref_slice %arg9[%dma_wait3A_310, %dma_wait3A_311, %dma_wait3A_312] : memref<4x80x128xf32, #tpu.memory_space<vmem>> -> memref<1x80x128xf32, #tpu.memory_space<vmem>>
          %dma_wait3A_314 = tpu.memref_squeeze %dma_wait3A_313 : memref<1x80x128xf32, #tpu.memory_space<vmem>> -> memref<80x128xf32, #tpu.memory_space<vmem>>
          %dma_wait3A_315 = arith.constant 0 : i32
          %dma_wait3A_316 = arith.constant 0 : i32
          %dma_wait3A_317 = tpu.memref_slice %arg8[%scan3A_82, %dma_wait3A_315, %dma_wait3A_316] : memref<2x16x80xi32, #tpu.memory_space<vmem>> -> memref<1x16x80xi32, #tpu.memory_space<vmem>>
          %dma_wait3A_318 = tpu.memref_squeeze %dma_wait3A_317 : memref<1x16x80xi32, #tpu.memory_space<vmem>> -> memref<16x80xi32, #tpu.memory_space<vmem>>
          %dma_wait3A_319 = arith.constant 0 : i32
          %dma_wait3A_320 = tpu.memref_slice %dma_wait3A_318[%add3A_309, %dma_wait3A_319] : memref<16x80xi32, #tpu.memory_space<vmem>> -> memref<1x80xi32, #tpu.memory_space<vmem>>
          %dma_wait3A_321 = tpu.memref_squeeze %dma_wait3A_320 : memref<1x80xi32, #tpu.memory_space<vmem>> -> memref<80xi32, #tpu.memory_space<vmem>>
          %dma_wait3A_322 = arith.constant 0 : i32
          %dma_wait3A_323 = arith.constant 0 : i32
          %dma_wait3A_324 = tpu.memref_slice %arg10[%dma_wait3A_322, %dma_wait3A_323] : memref<10112x128xf32, #tpu.memory_space<vmem_shared>> -> memref<10112x128xf32, #tpu.memory_space<vmem_shared>>
          tpu.wait_indirect_dma semaphore(%arg17 : memref<!tpu.dma_semaphore, #tpu.memory_space<semaphore_mem>>) src(%dma_wait3A_314 : memref<80x128xf32, #tpu.memory_space<vmem>>) dst(%dma_wait3A_324 : memref<10112x128xf32, #tpu.memory_space<vmem_shared>>)
          %lt3A_325 = arith.constant 3 : i32
          %lt3A_326 = arith.cmpi slt, %scan3A_110, %lt3A_325 : i32
          %convert_element_type3A_327 = arith.extui %lt3A_326 : i1 to i32
          %cond3A_328 = arith.constant 0 : i32
          %cond3A_329 = arith.cmpi ne, %convert_element_type3A_327, %cond3A_328 : i32
          scf.if %cond3A_329 {
            %add3A_330 = arith.constant 6 : i32
            %add3A_331 = arith.addi %mul3A_112, %add3A_330 : i32
            %dma_start3A_332 = arith.constant 2 : i32
            %dma_start3A_333 = arith.constant 0 : i32
            %dma_start3A_334 = arith.constant 0 : i32
            %dma_start3A_335 = tpu.memref_slice %arg9[%dma_start3A_332, %dma_start3A_333, %dma_start3A_334] : memref<4x80x128xf32, #tpu.memory_space<vmem>> -> memref<1x80x128xf32, #tpu.memory_space<vmem>>
            %dma_start3A_336 = tpu.memref_squeeze %dma_start3A_335 : memref<1x80x128xf32, #tpu.memory_space<vmem>> -> memref<80x128xf32, #tpu.memory_space<vmem>>
            %dma_start3A_337 = arith.constant 0 : i32
            %dma_start3A_338 = arith.constant 0 : i32
            %dma_start3A_339 = tpu.memref_slice %arg7[%scan3A_83, %dma_start3A_337, %dma_start3A_338] : memref<2x16x80xi32, #tpu.memory_space<vmem>> -> memref<1x16x80xi32, #tpu.memory_space<vmem>>
            %dma_start3A_340 = tpu.memref_squeeze %dma_start3A_339 : memref<1x16x80xi32, #tpu.memory_space<vmem>> -> memref<16x80xi32, #tpu.memory_space<vmem>>
            %dma_start3A_341 = arith.constant 0 : i32
            %dma_start3A_342 = tpu.memref_slice %dma_start3A_340[%add3A_331, %dma_start3A_341] : memref<16x80xi32, #tpu.memory_space<vmem>> -> memref<1x80xi32, #tpu.memory_space<vmem>>
            %dma_start3A_343 = tpu.memref_squeeze %dma_start3A_342 : memref<1x80xi32, #tpu.memory_space<vmem>> -> memref<80xi32, #tpu.memory_space<vmem>>
            %dma_start3A_344 = arith.constant 0 : i32
            %dma_start3A_345 = arith.constant 0 : i32
            %dma_start3A_346 = tpu.memref_slice %arg2[%dma_start3A_344, %dma_start3A_345] : memref<10000x128xf32, #tpu.memory_space<hbm>> -> memref<10000x128xf32, #tpu.memory_space<hbm>>
            tpu.enqueue_indirect_dma source(%dma_start3A_346 : memref<10000x128xf32, #tpu.memory_space<hbm>>) target(%dma_start3A_336 : memref<80x128xf32, #tpu.memory_space<vmem>>) offsets(%dma_start3A_343 : memref<80xi32, #tpu.memory_space<vmem>>) semaphore(%arg13 : memref<!tpu.dma_semaphore, #tpu.memory_space<semaphore_mem>>)
          } else {
          }
        }
        %scan3A_88 = arith.constant 4 : i32
        %dma_wait3A = arith.constant 3 : i32
        %dma_wait3A_89 = arith.constant 0 : i32
        %dma_wait3A_90 = arith.constant 15 : i32
        %dma_wait3A_91 = arith.constant 0 : i32
        %dma_wait3A_92 = arith.constant 0 : i32
        %dma_wait3A_93 = tpu.memref_slice %arg9[%dma_wait3A, %dma_wait3A_91, %dma_wait3A_92] : memref<4x80x128xf32, #tpu.memory_space<vmem>> -> memref<1x80x128xf32, #tpu.memory_space<vmem>>
        %dma_wait3A_94 = tpu.memref_squeeze %dma_wait3A_93 : memref<1x80x128xf32, #tpu.memory_space<vmem>> -> memref<80x128xf32, #tpu.memory_space<vmem>>
        %dma_wait3A_95 = arith.constant 0 : i32
        %dma_wait3A_96 = arith.constant 0 : i32
        %dma_wait3A_97 = tpu.memref_slice %arg8[%dma_wait3A_89, %dma_wait3A_95, %dma_wait3A_96] : memref<2x16x80xi32, #tpu.memory_space<vmem>> -> memref<1x16x80xi32, #tpu.memory_space<vmem>>
        %dma_wait3A_98 = tpu.memref_squeeze %dma_wait3A_97 : memref<1x16x80xi32, #tpu.memory_space<vmem>> -> memref<16x80xi32, #tpu.memory_space<vmem>>
        %dma_wait3A_99 = arith.constant 0 : i32
        %dma_wait3A_100 = tpu.memref_slice %dma_wait3A_98[%dma_wait3A_90, %dma_wait3A_99] : memref<16x80xi32, #tpu.memory_space<vmem>> -> memref<1x80xi32, #tpu.memory_space<vmem>>
        %dma_wait3A_101 = tpu.memref_squeeze %dma_wait3A_100 : memref<1x80xi32, #tpu.memory_space<vmem>> -> memref<80xi32, #tpu.memory_space<vmem>>
        %dma_wait3A_102 = arith.constant 0 : i32
        %dma_wait3A_103 = arith.constant 0 : i32
        %dma_wait3A_104 = tpu.memref_slice %arg10[%dma_wait3A_102, %dma_wait3A_103] : memref<10112x128xf32, #tpu.memory_space<vmem_shared>> -> memref<10112x128xf32, #tpu.memory_space<vmem_shared>>
        tpu.wait_indirect_dma semaphore(%arg18 : memref<!tpu.dma_semaphore, #tpu.memory_space<semaphore_mem>>) src(%dma_wait3A_94 : memref<80x128xf32, #tpu.memory_space<vmem>>) dst(%dma_wait3A_104 : memref<10112x128xf32, #tpu.memory_space<vmem_shared>>)
        %lt3A_105 = arith.constant 7 : i32
        %lt3A_106 = arith.cmpi slt, %scan3A_16, %lt3A_105 : i32
        %convert_element_type3A_107 = arith.extui %lt3A_106 : i1 to i32
        %cond3A_108 = arith.constant 0 : i32
        %cond3A_109 = arith.cmpi ne, %convert_element_type3A_107, %cond3A_108 : i32
        scf.if %cond3A_109 {
          %add3A_110 = arith.constant 1 : i32
          %add3A_111 = arith.addi %scan3A_16, %add3A_110 : i32
          %dma_wait3A_112 = arith.constant 1 : i32
          %dma_wait3A_113 = arith.constant 0 : i32
          %dma_wait3A_114 = arith.constant 0 : i32
          %dma_wait3A_115 = tpu.memref_slice %arg7[%dma_wait3A_112, %dma_wait3A_113, %dma_wait3A_114] : memref<2x16x80xi32, #tpu.memory_space<vmem>> -> memref<1x16x80xi32, #tpu.memory_space<vmem>>
          %dma_wait3A_116 = tpu.memref_squeeze %dma_wait3A_115 : memref<1x16x80xi32, #tpu.memory_space<vmem>> -> memref<16x80xi32, #tpu.memory_space<vmem>>
          %dma_wait3A_117 = arith.constant 0 : i32
          %dma_wait3A_118 = arith.constant 0 : i32
          %dma_wait3A_119 = tpu.memref_slice %arg3[%add3A, %add3A_111, %dma_wait3A_117, %dma_wait3A_118] : memref<32x8x16x80xi32, #tpu.memory_space<hbm>> -> memref<1x1x16x80xi32, #tpu.memory_space<hbm>>
          %dma_wait3A_120 = tpu.memref_squeeze %dma_wait3A_119 : memref<1x1x16x80xi32, #tpu.memory_space<hbm>> -> memref<16x80xi32, #tpu.memory_space<hbm>>
          %dma_wait3A_121 = arith.constant 0 : i32
          %dma_wait3A_122 = arith.constant 0 : i32
          %dma_wait3A_123 = tpu.memref_slice %arg7[%dma_wait3A_112, %dma_wait3A_121, %dma_wait3A_122] : memref<2x16x80xi32, #tpu.memory_space<vmem>> -> memref<1x16x80xi32, #tpu.memory_space<vmem>>
          %dma_wait3A_124 = tpu.memref_squeeze %dma_wait3A_123 : memref<1x16x80xi32, #tpu.memory_space<vmem>> -> memref<16x80xi32, #tpu.memory_space<vmem>>
          %dma_wait3A_125 = arith.constant 0 : i32
          %dma_wait3A_126 = arith.constant 0 : i32
          %dma_wait3A_127 = tpu.memref_slice %arg3[%add3A, %add3A_111, %dma_wait3A_125, %dma_wait3A_126] : memref<32x8x16x80xi32, #tpu.memory_space<hbm>> -> memref<1x1x16x80xi32, #tpu.memory_space<hbm>>
          %dma_wait3A_128 = tpu.memref_squeeze %dma_wait3A_127 : memref<1x1x16x80xi32, #tpu.memory_space<hbm>> -> memref<16x80xi32, #tpu.memory_space<hbm>>
          tpu.wait_dma2 semaphore(%arg20 : memref<!tpu.dma_semaphore, #tpu.memory_space<semaphore_mem>>) src(%dma_wait3A_128 : memref<16x80xi32, #tpu.memory_space<hbm>>) dst(%dma_wait3A_124 : memref<16x80xi32, #tpu.memory_space<vmem>>)
          %dma_wait3A_129 = arith.constant 1 : i32
          %dma_wait3A_130 = arith.constant 0 : i32
          %dma_wait3A_131 = arith.constant 0 : i32
          %dma_wait3A_132 = tpu.memref_slice %arg8[%dma_wait3A_129, %dma_wait3A_130, %dma_wait3A_131] : memref<2x16x80xi32, #tpu.memory_space<vmem>> -> memref<1x16x80xi32, #tpu.memory_space<vmem>>
          %dma_wait3A_133 = tpu.memref_squeeze %dma_wait3A_132 : memref<1x16x80xi32, #tpu.memory_space<vmem>> -> memref<16x80xi32, #tpu.memory_space<vmem>>
          %dma_wait3A_134 = arith.constant 0 : i32
          %dma_wait3A_135 = arith.constant 0 : i32
          %dma_wait3A_136 = tpu.memref_slice %arg4[%add3A, %add3A_111, %dma_wait3A_134, %dma_wait3A_135] : memref<32x8x16x80xi32, #tpu.memory_space<hbm>> -> memref<1x1x16x80xi32, #tpu.memory_space<hbm>>
          %dma_wait3A_137 = tpu.memref_squeeze %dma_wait3A_136 : memref<1x1x16x80xi32, #tpu.memory_space<hbm>> -> memref<16x80xi32, #tpu.memory_space<hbm>>
          %dma_wait3A_138 = arith.constant 0 : i32
          %dma_wait3A_139 = arith.constant 0 : i32
          %dma_wait3A_140 = tpu.memref_slice %arg8[%dma_wait3A_129, %dma_wait3A_138, %dma_wait3A_139] : memref<2x16x80xi32, #tpu.memory_space<vmem>> -> memref<1x16x80xi32, #tpu.memory_space<vmem>>
          %dma_wait3A_141 = tpu.memref_squeeze %dma_wait3A_140 : memref<1x16x80xi32, #tpu.memory_space<vmem>> -> memref<16x80xi32, #tpu.memory_space<vmem>>
          %dma_wait3A_142 = arith.constant 0 : i32
          %dma_wait3A_143 = arith.constant 0 : i32
          %dma_wait3A_144 = tpu.memref_slice %arg4[%add3A, %add3A_111, %dma_wait3A_142, %dma_wait3A_143] : memref<32x8x16x80xi32, #tpu.memory_space<hbm>> -> memref<1x1x16x80xi32, #tpu.memory_space<hbm>>
          %dma_wait3A_145 = tpu.memref_squeeze %dma_wait3A_144 : memref<1x1x16x80xi32, #tpu.memory_space<hbm>> -> memref<16x80xi32, #tpu.memory_space<hbm>>
          tpu.wait_dma2 semaphore(%arg20 : memref<!tpu.dma_semaphore, #tpu.memory_space<semaphore_mem>>) src(%dma_wait3A_145 : memref<16x80xi32, #tpu.memory_space<hbm>>) dst(%dma_wait3A_141 : memref<16x80xi32, #tpu.memory_space<vmem>>)
        } else {
        }
      } else {
      }
      %rem3A_20 = arith.constant 2 : i32
      %rem3A_21 = arith.remsi %scan3A_16, %rem3A_20 : i32
      %eq3A_22 = arith.constant 1 : i32
      %eq3A_23 = arith.cmpi eq, %rem3A_21, %eq3A_22 : i32
      %convert_element_type3A_24 = arith.extui %eq3A_23 : i1 to i32
      %cond3A_25 = arith.constant 0 : i32
      %cond3A_26 = arith.cmpi ne, %convert_element_type3A_24, %cond3A_25 : i32
      scf.if %cond3A_26 {
        %lt3A = arith.constant 7 : i32
        %lt3A_27 = arith.cmpi slt, %scan3A_16, %lt3A : i32
        %convert_element_type3A_28 = arith.extui %lt3A_27 : i1 to i32
        %cond3A_29 = arith.constant 0 : i32
        %cond3A_30 = arith.cmpi ne, %convert_element_type3A_28, %cond3A_29 : i32
        scf.if %cond3A_30 {
          %add3A_110 = arith.constant 1 : i32
          %add3A_111 = arith.addi %scan3A_16, %add3A_110 : i32
          %dma_start3A_112 = arith.constant 0 : i32
          %dma_start3A_113 = arith.constant 0 : i32
          %dma_start3A_114 = arith.constant 0 : i32
          %dma_start3A_115 = tpu.memref_slice %arg7[%dma_start3A_112, %dma_start3A_113, %dma_start3A_114] : memref<2x16x80xi32, #tpu.memory_space<vmem>> -> memref<1x16x80xi32, #tpu.memory_space<vmem>>
          %dma_start3A_116 = tpu.memref_squeeze %dma_start3A_115 : memref<1x16x80xi32, #tpu.memory_space<vmem>> -> memref<16x80xi32, #tpu.memory_space<vmem>>
          %dma_start3A_117 = arith.constant 0 : i32
          %dma_start3A_118 = arith.constant 0 : i32
          %dma_start3A_119 = tpu.memref_slice %arg3[%add3A, %add3A_111, %dma_start3A_117, %dma_start3A_118] : memref<32x8x16x80xi32, #tpu.memory_space<hbm>> -> memref<1x1x16x80xi32, #tpu.memory_space<hbm>>
          %dma_start3A_120 = tpu.memref_squeeze %dma_start3A_119 : memref<1x1x16x80xi32, #tpu.memory_space<hbm>> -> memref<16x80xi32, #tpu.memory_space<hbm>>
          %dma_start3A_121 = arith.constant 0 : i32
          %dma_start3A_122 = arith.constant 0 : i32
          %dma_start3A_123 = tpu.memref_slice %arg7[%dma_start3A_112, %dma_start3A_121, %dma_start3A_122] : memref<2x16x80xi32, #tpu.memory_space<vmem>> -> memref<1x16x80xi32, #tpu.memory_space<vmem>>
          %dma_start3A_124 = tpu.memref_squeeze %dma_start3A_123 : memref<1x16x80xi32, #tpu.memory_space<vmem>> -> memref<16x80xi32, #tpu.memory_space<vmem>>
          %dma_start3A_125 = arith.constant 0 : i32
          %dma_start3A_126 = arith.constant 0 : i32
          %dma_start3A_127 = tpu.memref_slice %arg3[%add3A, %add3A_111, %dma_start3A_125, %dma_start3A_126] : memref<32x8x16x80xi32, #tpu.memory_space<hbm>> -> memref<1x1x16x80xi32, #tpu.memory_space<hbm>>
          %dma_start3A_128 = tpu.memref_squeeze %dma_start3A_127 : memref<1x1x16x80xi32, #tpu.memory_space<hbm>> -> memref<16x80xi32, #tpu.memory_space<hbm>>
          tpu.enqueue_dma source(%dma_start3A_128 : memref<16x80xi32, #tpu.memory_space<hbm>>) target(%dma_start3A_124 : memref<16x80xi32, #tpu.memory_space<vmem>>) target_semaphore(%arg19 : memref<!tpu.dma_semaphore, #tpu.memory_space<semaphore_mem>>)
          %dma_start3A_129 = arith.constant 0 : i32
          %dma_start3A_130 = arith.constant 0 : i32
          %dma_start3A_131 = arith.constant 0 : i32
          %dma_start3A_132 = tpu.memref_slice %arg8[%dma_start3A_129, %dma_start3A_130, %dma_start3A_131] : memref<2x16x80xi32, #tpu.memory_space<vmem>> -> memref<1x16x80xi32, #tpu.memory_space<vmem>>
          %dma_start3A_133 = tpu.memref_squeeze %dma_start3A_132 : memref<1x16x80xi32, #tpu.memory_space<vmem>> -> memref<16x80xi32, #tpu.memory_space<vmem>>
          %dma_start3A_134 = arith.constant 0 : i32
          %dma_start3A_135 = arith.constant 0 : i32
          %dma_start3A_136 = tpu.memref_slice %arg4[%add3A, %add3A_111, %dma_start3A_134, %dma_start3A_135] : memref<32x8x16x80xi32, #tpu.memory_space<hbm>> -> memref<1x1x16x80xi32, #tpu.memory_space<hbm>>
          %dma_start3A_137 = tpu.memref_squeeze %dma_start3A_136 : memref<1x1x16x80xi32, #tpu.memory_space<hbm>> -> memref<16x80xi32, #tpu.memory_space<hbm>>
          %dma_start3A_138 = arith.constant 0 : i32
          %dma_start3A_139 = arith.constant 0 : i32
          %dma_start3A_140 = tpu.memref_slice %arg8[%dma_start3A_129, %dma_start3A_138, %dma_start3A_139] : memref<2x16x80xi32, #tpu.memory_space<vmem>> -> memref<1x16x80xi32, #tpu.memory_space<vmem>>
          %dma_start3A_141 = tpu.memref_squeeze %dma_start3A_140 : memref<1x16x80xi32, #tpu.memory_space<vmem>> -> memref<16x80xi32, #tpu.memory_space<vmem>>
          %dma_start3A_142 = arith.constant 0 : i32
          %dma_start3A_143 = arith.constant 0 : i32
          %dma_start3A_144 = tpu.memref_slice %arg4[%add3A, %add3A_111, %dma_start3A_142, %dma_start3A_143] : memref<32x8x16x80xi32, #tpu.memory_space<hbm>> -> memref<1x1x16x80xi32, #tpu.memory_space<hbm>>
          %dma_start3A_145 = tpu.memref_squeeze %dma_start3A_144 : memref<1x1x16x80xi32, #tpu.memory_space<hbm>> -> memref<16x80xi32, #tpu.memory_space<hbm>>
          tpu.enqueue_dma source(%dma_start3A_145 : memref<16x80xi32, #tpu.memory_space<hbm>>) target(%dma_start3A_141 : memref<16x80xi32, #tpu.memory_space<vmem>>) target_semaphore(%arg19 : memref<!tpu.dma_semaphore, #tpu.memory_space<semaphore_mem>>)
        } else {
        }
        %dma_start3A = arith.constant 1 : i32
        %dma_start3A_31 = arith.constant 0 : i32
        %dma_start3A_32 = arith.constant 0 : i32
        %dma_start3A_33 = arith.constant 0 : i32
        %dma_start3A_34 = arith.constant 0 : i32
        %dma_start3A_35 = tpu.memref_slice %arg9[%dma_start3A_32, %dma_start3A_33, %dma_start3A_34] : memref<4x80x128xf32, #tpu.memory_space<vmem>> -> memref<1x80x128xf32, #tpu.memory_space<vmem>>
        %dma_start3A_36 = tpu.memref_squeeze %dma_start3A_35 : memref<1x80x128xf32, #tpu.memory_space<vmem>> -> memref<80x128xf32, #tpu.memory_space<vmem>>
        %dma_start3A_37 = arith.constant 0 : i32
        %dma_start3A_38 = arith.constant 0 : i32
        %dma_start3A_39 = tpu.memref_slice %arg7[%dma_start3A, %dma_start3A_37, %dma_start3A_38] : memref<2x16x80xi32, #tpu.memory_space<vmem>> -> memref<1x16x80xi32, #tpu.memory_space<vmem>>
        %dma_start3A_40 = tpu.memref_squeeze %dma_start3A_39 : memref<1x16x80xi32, #tpu.memory_space<vmem>> -> memref<16x80xi32, #tpu.memory_space<vmem>>
        %dma_start3A_41 = arith.constant 0 : i32
        %dma_start3A_42 = tpu.memref_slice %dma_start3A_40[%dma_start3A_31, %dma_start3A_41] : memref<16x80xi32, #tpu.memory_space<vmem>> -> memref<1x80xi32, #tpu.memory_space<vmem>>
        %dma_start3A_43 = tpu.memref_squeeze %dma_start3A_42 : memref<1x80xi32, #tpu.memory_space<vmem>> -> memref<80xi32, #tpu.memory_space<vmem>>
        %dma_start3A_44 = arith.constant 0 : i32
        %dma_start3A_45 = arith.constant 0 : i32
        %dma_start3A_46 = tpu.memref_slice %arg2[%dma_start3A_44, %dma_start3A_45] : memref<10000x128xf32, #tpu.memory_space<hbm>> -> memref<10000x128xf32, #tpu.memory_space<hbm>>
        tpu.enqueue_indirect_dma source(%dma_start3A_46 : memref<10000x128xf32, #tpu.memory_space<hbm>>) target(%dma_start3A_36 : memref<80x128xf32, #tpu.memory_space<vmem>>) offsets(%dma_start3A_43 : memref<80xi32, #tpu.memory_space<vmem>>) semaphore(%arg11 : memref<!tpu.dma_semaphore, #tpu.memory_space<semaphore_mem>>)
        %dma_start3A_47 = arith.constant 1 : i32
        %dma_start3A_48 = arith.constant 1 : i32
        %dma_start3A_49 = arith.constant 1 : i32
        %dma_start3A_50 = arith.constant 0 : i32
        %dma_start3A_51 = arith.constant 0 : i32
        %dma_start3A_52 = tpu.memref_slice %arg9[%dma_start3A_49, %dma_start3A_50, %dma_start3A_51] : memref<4x80x128xf32, #tpu.memory_space<vmem>> -> memref<1x80x128xf32, #tpu.memory_space<vmem>>
        %dma_start3A_53 = tpu.memref_squeeze %dma_start3A_52 : memref<1x80x128xf32, #tpu.memory_space<vmem>> -> memref<80x128xf32, #tpu.memory_space<vmem>>
        %dma_start3A_54 = arith.constant 0 : i32
        %dma_start3A_55 = arith.constant 0 : i32
        %dma_start3A_56 = tpu.memref_slice %arg7[%dma_start3A_47, %dma_start3A_54, %dma_start3A_55] : memref<2x16x80xi32, #tpu.memory_space<vmem>> -> memref<1x16x80xi32, #tpu.memory_space<vmem>>
        %dma_start3A_57 = tpu.memref_squeeze %dma_start3A_56 : memref<1x16x80xi32, #tpu.memory_space<vmem>> -> memref<16x80xi32, #tpu.memory_space<vmem>>
        %dma_start3A_58 = arith.constant 0 : i32
        %dma_start3A_59 = tpu.memref_slice %dma_start3A_57[%dma_start3A_48, %dma_start3A_58] : memref<16x80xi32, #tpu.memory_space<vmem>> -> memref<1x80xi32, #tpu.memory_space<vmem>>
        %dma_start3A_60 = tpu.memref_squeeze %dma_start3A_59 : memref<1x80xi32, #tpu.memory_space<vmem>> -> memref<80xi32, #tpu.memory_space<vmem>>
        %dma_start3A_61 = arith.constant 0 : i32
        %dma_start3A_62 = arith.constant 0 : i32
        %dma_start3A_63 = tpu.memref_slice %arg2[%dma_start3A_61, %dma_start3A_62] : memref<10000x128xf32, #tpu.memory_space<hbm>> -> memref<10000x128xf32, #tpu.memory_space<hbm>>
        tpu.enqueue_indirect_dma source(%dma_start3A_63 : memref<10000x128xf32, #tpu.memory_space<hbm>>) target(%dma_start3A_53 : memref<80x128xf32, #tpu.memory_space<vmem>>) offsets(%dma_start3A_60 : memref<80xi32, #tpu.memory_space<vmem>>) semaphore(%arg12 : memref<!tpu.dma_semaphore, #tpu.memory_space<semaphore_mem>>)
        %dma_start3A_64 = arith.constant 1 : i32
        %dma_start3A_65 = arith.constant 2 : i32
        %dma_start3A_66 = arith.constant 2 : i32
        %dma_start3A_67 = arith.constant 0 : i32
        %dma_start3A_68 = arith.constant 0 : i32
        %dma_start3A_69 = tpu.memref_slice %arg9[%dma_start3A_66, %dma_start3A_67, %dma_start3A_68] : memref<4x80x128xf32, #tpu.memory_space<vmem>> -> memref<1x80x128xf32, #tpu.memory_space<vmem>>
        %dma_start3A_70 = tpu.memref_squeeze %dma_start3A_69 : memref<1x80x128xf32, #tpu.memory_space<vmem>> -> memref<80x128xf32, #tpu.memory_space<vmem>>
        %dma_start3A_71 = arith.constant 0 : i32
        %dma_start3A_72 = arith.constant 0 : i32
        %dma_start3A_73 = tpu.memref_slice %arg7[%dma_start3A_64, %dma_start3A_71, %dma_start3A_72] : memref<2x16x80xi32, #tpu.memory_space<vmem>> -> memref<1x16x80xi32, #tpu.memory_space<vmem>>
        %dma_start3A_74 = tpu.memref_squeeze %dma_start3A_73 : memref<1x16x80xi32, #tpu.memory_space<vmem>> -> memref<16x80xi32, #tpu.memory_space<vmem>>
        %dma_start3A_75 = arith.constant 0 : i32
        %dma_start3A_76 = tpu.memref_slice %dma_start3A_74[%dma_start3A_65, %dma_start3A_75] : memref<16x80xi32, #tpu.memory_space<vmem>> -> memref<1x80xi32, #tpu.memory_space<vmem>>
        %dma_start3A_77 = tpu.memref_squeeze %dma_start3A_76 : memref<1x80xi32, #tpu.memory_space<vmem>> -> memref<80xi32, #tpu.memory_space<vmem>>
        %dma_start3A_78 = arith.constant 0 : i32
        %dma_start3A_79 = arith.constant 0 : i32
        %dma_start3A_80 = tpu.memref_slice %arg2[%dma_start3A_78, %dma_start3A_79] : memref<10000x128xf32, #tpu.memory_space<hbm>> -> memref<10000x128xf32, #tpu.memory_space<hbm>>
        tpu.enqueue_indirect_dma source(%dma_start3A_80 : memref<10000x128xf32, #tpu.memory_space<hbm>>) target(%dma_start3A_70 : memref<80x128xf32, #tpu.memory_space<vmem>>) offsets(%dma_start3A_77 : memref<80xi32, #tpu.memory_space<vmem>>) semaphore(%arg13 : memref<!tpu.dma_semaphore, #tpu.memory_space<semaphore_mem>>)
        %scan3A_81 = arith.constant 0 : i32
        %scan3A_82 = arith.constant 1 : i32
        %scan3A_83 = arith.constant 1 : i32
        %scan3A_84 = arith.constant 0 : i32
        %scan3A_85 = arith.constant 4 : i32
        %scan3A_86 = arith.addi %scan3A_84, %scan3A_85 : i32
        %scan3A_87 = arith.constant 1 : i32
        scf.for %scan3A_110 = %scan3A_84 to %scan3A_86 step %scan3A_87  : i32 {
          %mul3A_111 = arith.constant 4 : i32
          %mul3A_112 = arith.muli %mul3A_111, %scan3A_110 : i32
          %gt3A = arith.constant 0 : i32
          %gt3A_113 = arith.cmpi sgt, %scan3A_110, %gt3A : i32
          %convert_element_type3A_114 = arith.extui %gt3A_113 : i1 to i32
          %cond3A_115 = arith.constant 0 : i32
          %cond3A_116 = arith.cmpi ne, %convert_element_type3A_114, %cond3A_115 : i32
          scf.if %cond3A_116 {
            %sub3A = arith.constant 1 : i32
            %sub3A_330 = arith.subi %mul3A_112, %sub3A : i32
            %dma_wait3A_331 = arith.constant 3 : i32
            %dma_wait3A_332 = arith.constant 0 : i32
            %dma_wait3A_333 = arith.constant 0 : i32
            %dma_wait3A_334 = tpu.memref_slice %arg9[%dma_wait3A_331, %dma_wait3A_332, %dma_wait3A_333] : memref<4x80x128xf32, #tpu.memory_space<vmem>> -> memref<1x80x128xf32, #tpu.memory_space<vmem>>
            %dma_wait3A_335 = tpu.memref_squeeze %dma_wait3A_334 : memref<1x80x128xf32, #tpu.memory_space<vmem>> -> memref<80x128xf32, #tpu.memory_space<vmem>>
            %dma_wait3A_336 = arith.constant 0 : i32
            %dma_wait3A_337 = arith.constant 0 : i32
            %dma_wait3A_338 = tpu.memref_slice %arg8[%scan3A_82, %dma_wait3A_336, %dma_wait3A_337] : memref<2x16x80xi32, #tpu.memory_space<vmem>> -> memref<1x16x80xi32, #tpu.memory_space<vmem>>
            %dma_wait3A_339 = tpu.memref_squeeze %dma_wait3A_338 : memref<1x16x80xi32, #tpu.memory_space<vmem>> -> memref<16x80xi32, #tpu.memory_space<vmem>>
            %dma_wait3A_340 = arith.constant 0 : i32
            %dma_wait3A_341 = tpu.memref_slice %dma_wait3A_339[%sub3A_330, %dma_wait3A_340] : memref<16x80xi32, #tpu.memory_space<vmem>> -> memref<1x80xi32, #tpu.memory_space<vmem>>
            %dma_wait3A_342 = tpu.memref_squeeze %dma_wait3A_341 : memref<1x80xi32, #tpu.memory_space<vmem>> -> memref<80xi32, #tpu.memory_space<vmem>>
            %dma_wait3A_343 = arith.constant 0 : i32
            %dma_wait3A_344 = arith.constant 0 : i32
            %dma_wait3A_345 = tpu.memref_slice %arg10[%dma_wait3A_343, %dma_wait3A_344] : memref<10112x128xf32, #tpu.memory_space<vmem_shared>> -> memref<10112x128xf32, #tpu.memory_space<vmem_shared>>
            tpu.wait_indirect_dma semaphore(%arg18 : memref<!tpu.dma_semaphore, #tpu.memory_space<semaphore_mem>>) src(%dma_wait3A_335 : memref<80x128xf32, #tpu.memory_space<vmem>>) dst(%dma_wait3A_345 : memref<10112x128xf32, #tpu.memory_space<vmem_shared>>)
          } else {
          }
          %add3A_117 = arith.constant 3 : i32
          %add3A_118 = arith.addi %mul3A_112, %add3A_117 : i32
          %dma_start3A_119 = arith.constant 3 : i32
          %dma_start3A_120 = arith.constant 0 : i32
          %dma_start3A_121 = arith.constant 0 : i32
          %dma_start3A_122 = tpu.memref_slice %arg9[%dma_start3A_119, %dma_start3A_120, %dma_start3A_121] : memref<4x80x128xf32, #tpu.memory_space<vmem>> -> memref<1x80x128xf32, #tpu.memory_space<vmem>>
          %dma_start3A_123 = tpu.memref_squeeze %dma_start3A_122 : memref<1x80x128xf32, #tpu.memory_space<vmem>> -> memref<80x128xf32, #tpu.memory_space<vmem>>
          %dma_start3A_124 = arith.constant 0 : i32
          %dma_start3A_125 = arith.constant 0 : i32
          %dma_start3A_126 = tpu.memref_slice %arg7[%scan3A_83, %dma_start3A_124, %dma_start3A_125] : memref<2x16x80xi32, #tpu.memory_space<vmem>> -> memref<1x16x80xi32, #tpu.memory_space<vmem>>
          %dma_start3A_127 = tpu.memref_squeeze %dma_start3A_126 : memref<1x16x80xi32, #tpu.memory_space<vmem>> -> memref<16x80xi32, #tpu.memory_space<vmem>>
          %dma_start3A_128 = arith.constant 0 : i32
          %dma_start3A_129 = tpu.memref_slice %dma_start3A_127[%add3A_118, %dma_start3A_128] : memref<16x80xi32, #tpu.memory_space<vmem>> -> memref<1x80xi32, #tpu.memory_space<vmem>>
          %dma_start3A_130 = tpu.memref_squeeze %dma_start3A_129 : memref<1x80xi32, #tpu.memory_space<vmem>> -> memref<80xi32, #tpu.memory_space<vmem>>
          %dma_start3A_131 = arith.constant 0 : i32
          %dma_start3A_132 = arith.constant 0 : i32
          %dma_start3A_133 = tpu.memref_slice %arg2[%dma_start3A_131, %dma_start3A_132] : memref<10000x128xf32, #tpu.memory_space<hbm>> -> memref<10000x128xf32, #tpu.memory_space<hbm>>
          tpu.enqueue_indirect_dma source(%dma_start3A_133 : memref<10000x128xf32, #tpu.memory_space<hbm>>) target(%dma_start3A_123 : memref<80x128xf32, #tpu.memory_space<vmem>>) offsets(%dma_start3A_130 : memref<80xi32, #tpu.memory_space<vmem>>) semaphore(%arg14 : memref<!tpu.dma_semaphore, #tpu.memory_space<semaphore_mem>>)
          %dma_wait3A_134 = arith.constant 0 : i32
          %dma_wait3A_135 = arith.constant 0 : i32
          %dma_wait3A_136 = arith.constant 0 : i32
          %dma_wait3A_137 = tpu.memref_slice %arg9[%dma_wait3A_134, %dma_wait3A_135, %dma_wait3A_136] : memref<4x80x128xf32, #tpu.memory_space<vmem>> -> memref<1x80x128xf32, #tpu.memory_space<vmem>>
          %dma_wait3A_138 = tpu.memref_squeeze %dma_wait3A_137 : memref<1x80x128xf32, #tpu.memory_space<vmem>> -> memref<80x128xf32, #tpu.memory_space<vmem>>
          %dma_wait3A_139 = arith.constant 0 : i32
          %dma_wait3A_140 = arith.constant 0 : i32
          %dma_wait3A_141 = tpu.memref_slice %arg7[%scan3A_83, %dma_wait3A_139, %dma_wait3A_140] : memref<2x16x80xi32, #tpu.memory_space<vmem>> -> memref<1x16x80xi32, #tpu.memory_space<vmem>>
          %dma_wait3A_142 = tpu.memref_squeeze %dma_wait3A_141 : memref<1x16x80xi32, #tpu.memory_space<vmem>> -> memref<16x80xi32, #tpu.memory_space<vmem>>
          %dma_wait3A_143 = arith.constant 0 : i32
          %dma_wait3A_144 = tpu.memref_slice %dma_wait3A_142[%mul3A_112, %dma_wait3A_143] : memref<16x80xi32, #tpu.memory_space<vmem>> -> memref<1x80xi32, #tpu.memory_space<vmem>>
          %dma_wait3A_145 = tpu.memref_squeeze %dma_wait3A_144 : memref<1x80xi32, #tpu.memory_space<vmem>> -> memref<80xi32, #tpu.memory_space<vmem>>
          %dma_wait3A_146 = arith.constant 0 : i32
          %dma_wait3A_147 = arith.constant 0 : i32
          %dma_wait3A_148 = tpu.memref_slice %arg2[%dma_wait3A_146, %dma_wait3A_147] : memref<10000x128xf32, #tpu.memory_space<hbm>> -> memref<10000x128xf32, #tpu.memory_space<hbm>>
          tpu.wait_indirect_dma semaphore(%arg11 : memref<!tpu.dma_semaphore, #tpu.memory_space<semaphore_mem>>) src(%dma_wait3A_148 : memref<10000x128xf32, #tpu.memory_space<hbm>>) dst(%dma_wait3A_138 : memref<80x128xf32, #tpu.memory_space<vmem>>)
          %dma_start3A_149 = arith.constant 0 : i32
          %dma_start3A_150 = arith.constant 0 : i32
          %dma_start3A_151 = arith.constant 0 : i32
          %dma_start3A_152 = tpu.memref_slice %arg9[%dma_start3A_149, %dma_start3A_150, %dma_start3A_151] : memref<4x80x128xf32, #tpu.memory_space<vmem>> -> memref<1x80x128xf32, #tpu.memory_space<vmem>>
          %dma_start3A_153 = tpu.memref_squeeze %dma_start3A_152 : memref<1x80x128xf32, #tpu.memory_space<vmem>> -> memref<80x128xf32, #tpu.memory_space<vmem>>
          %dma_start3A_154 = arith.constant 0 : i32
          %dma_start3A_155 = arith.constant 0 : i32
          %dma_start3A_156 = tpu.memref_slice %arg8[%scan3A_82, %dma_start3A_154, %dma_start3A_155] : memref<2x16x80xi32, #tpu.memory_space<vmem>> -> memref<1x16x80xi32, #tpu.memory_space<vmem>>
          %dma_start3A_157 = tpu.memref_squeeze %dma_start3A_156 : memref<1x16x80xi32, #tpu.memory_space<vmem>> -> memref<16x80xi32, #tpu.memory_space<vmem>>
          %dma_start3A_158 = arith.constant 0 : i32
          %dma_start3A_159 = tpu.memref_slice %dma_start3A_157[%mul3A_112, %dma_start3A_158] : memref<16x80xi32, #tpu.memory_space<vmem>> -> memref<1x80xi32, #tpu.memory_space<vmem>>
          %dma_start3A_160 = tpu.memref_squeeze %dma_start3A_159 : memref<1x80xi32, #tpu.memory_space<vmem>> -> memref<80xi32, #tpu.memory_space<vmem>>
          %dma_start3A_161 = arith.constant 0 : i32
          %dma_start3A_162 = arith.constant 0 : i32
          %dma_start3A_163 = tpu.memref_slice %arg10[%dma_start3A_161, %dma_start3A_162] : memref<10112x128xf32, #tpu.memory_space<vmem_shared>> -> memref<10112x128xf32, #tpu.memory_space<vmem_shared>>
          tpu.enqueue_indirect_dma source(%dma_start3A_153 : memref<80x128xf32, #tpu.memory_space<vmem>>) target(%dma_start3A_163 : memref<10112x128xf32, #tpu.memory_space<vmem_shared>>) offsets(%dma_start3A_160 : memref<80xi32, #tpu.memory_space<vmem>>) semaphore(%arg15 : memref<!tpu.dma_semaphore, #tpu.memory_space<semaphore_mem>>) {add = true}
          %add3A_164 = arith.constant 1 : i32
          %add3A_165 = arith.addi %mul3A_112, %add3A_164 : i32
          %dma_wait3A_166 = arith.constant 1 : i32
          %dma_wait3A_167 = arith.constant 0 : i32
          %dma_wait3A_168 = arith.constant 0 : i32
          %dma_wait3A_169 = tpu.memref_slice %arg9[%dma_wait3A_166, %dma_wait3A_167, %dma_wait3A_168] : memref<4x80x128xf32, #tpu.memory_space<vmem>> -> memref<1x80x128xf32, #tpu.memory_space<vmem>>
          %dma_wait3A_170 = tpu.memref_squeeze %dma_wait3A_169 : memref<1x80x128xf32, #tpu.memory_space<vmem>> -> memref<80x128xf32, #tpu.memory_space<vmem>>
          %dma_wait3A_171 = arith.constant 0 : i32
          %dma_wait3A_172 = arith.constant 0 : i32
          %dma_wait3A_173 = tpu.memref_slice %arg7[%scan3A_83, %dma_wait3A_171, %dma_wait3A_172] : memref<2x16x80xi32, #tpu.memory_space<vmem>> -> memref<1x16x80xi32, #tpu.memory_space<vmem>>
          %dma_wait3A_174 = tpu.memref_squeeze %dma_wait3A_173 : memref<1x16x80xi32, #tpu.memory_space<vmem>> -> memref<16x80xi32, #tpu.memory_space<vmem>>
          %dma_wait3A_175 = arith.constant 0 : i32
          %dma_wait3A_176 = tpu.memref_slice %dma_wait3A_174[%add3A_165, %dma_wait3A_175] : memref<16x80xi32, #tpu.memory_space<vmem>> -> memref<1x80xi32, #tpu.memory_space<vmem>>
          %dma_wait3A_177 = tpu.memref_squeeze %dma_wait3A_176 : memref<1x80xi32, #tpu.memory_space<vmem>> -> memref<80xi32, #tpu.memory_space<vmem>>
          %dma_wait3A_178 = arith.constant 0 : i32
          %dma_wait3A_179 = arith.constant 0 : i32
          %dma_wait3A_180 = tpu.memref_slice %arg2[%dma_wait3A_178, %dma_wait3A_179] : memref<10000x128xf32, #tpu.memory_space<hbm>> -> memref<10000x128xf32, #tpu.memory_space<hbm>>
          tpu.wait_indirect_dma semaphore(%arg12 : memref<!tpu.dma_semaphore, #tpu.memory_space<semaphore_mem>>) src(%dma_wait3A_180 : memref<10000x128xf32, #tpu.memory_space<hbm>>) dst(%dma_wait3A_170 : memref<80x128xf32, #tpu.memory_space<vmem>>)
          %add3A_181 = arith.constant 1 : i32
          %add3A_182 = arith.addi %mul3A_112, %add3A_181 : i32
          %dma_start3A_183 = arith.constant 1 : i32
          %dma_start3A_184 = arith.constant 0 : i32
          %dma_start3A_185 = arith.constant 0 : i32
          %dma_start3A_186 = tpu.memref_slice %arg9[%dma_start3A_183, %dma_start3A_184, %dma_start3A_185] : memref<4x80x128xf32, #tpu.memory_space<vmem>> -> memref<1x80x128xf32, #tpu.memory_space<vmem>>
          %dma_start3A_187 = tpu.memref_squeeze %dma_start3A_186 : memref<1x80x128xf32, #tpu.memory_space<vmem>> -> memref<80x128xf32, #tpu.memory_space<vmem>>
          %dma_start3A_188 = arith.constant 0 : i32
          %dma_start3A_189 = arith.constant 0 : i32
          %dma_start3A_190 = tpu.memref_slice %arg8[%scan3A_82, %dma_start3A_188, %dma_start3A_189] : memref<2x16x80xi32, #tpu.memory_space<vmem>> -> memref<1x16x80xi32, #tpu.memory_space<vmem>>
          %dma_start3A_191 = tpu.memref_squeeze %dma_start3A_190 : memref<1x16x80xi32, #tpu.memory_space<vmem>> -> memref<16x80xi32, #tpu.memory_space<vmem>>
          %dma_start3A_192 = arith.constant 0 : i32
          %dma_start3A_193 = tpu.memref_slice %dma_start3A_191[%add3A_182, %dma_start3A_192] : memref<16x80xi32, #tpu.memory_space<vmem>> -> memref<1x80xi32, #tpu.memory_space<vmem>>
          %dma_start3A_194 = tpu.memref_squeeze %dma_start3A_193 : memref<1x80xi32, #tpu.memory_space<vmem>> -> memref<80xi32, #tpu.memory_space<vmem>>
          %dma_start3A_195 = arith.constant 0 : i32
          %dma_start3A_196 = arith.constant 0 : i32
          %dma_start3A_197 = tpu.memref_slice %arg10[%dma_start3A_195, %dma_start3A_196] : memref<10112x128xf32, #tpu.memory_space<vmem_shared>> -> memref<10112x128xf32, #tpu.memory_space<vmem_shared>>
          tpu.enqueue_indirect_dma source(%dma_start3A_187 : memref<80x128xf32, #tpu.memory_space<vmem>>) target(%dma_start3A_197 : memref<10112x128xf32, #tpu.memory_space<vmem_shared>>) offsets(%dma_start3A_194 : memref<80xi32, #tpu.memory_space<vmem>>) semaphore(%arg16 : memref<!tpu.dma_semaphore, #tpu.memory_space<semaphore_mem>>) {add = true}
          %dma_wait3A_198 = arith.constant 0 : i32
          %dma_wait3A_199 = arith.constant 0 : i32
          %dma_wait3A_200 = arith.constant 0 : i32
          %dma_wait3A_201 = tpu.memref_slice %arg9[%dma_wait3A_198, %dma_wait3A_199, %dma_wait3A_200] : memref<4x80x128xf32, #tpu.memory_space<vmem>> -> memref<1x80x128xf32, #tpu.memory_space<vmem>>
          %dma_wait3A_202 = tpu.memref_squeeze %dma_wait3A_201 : memref<1x80x128xf32, #tpu.memory_space<vmem>> -> memref<80x128xf32, #tpu.memory_space<vmem>>
          %dma_wait3A_203 = arith.constant 0 : i32
          %dma_wait3A_204 = arith.constant 0 : i32
          %dma_wait3A_205 = tpu.memref_slice %arg8[%scan3A_82, %dma_wait3A_203, %dma_wait3A_204] : memref<2x16x80xi32, #tpu.memory_space<vmem>> -> memref<1x16x80xi32, #tpu.memory_space<vmem>>
          %dma_wait3A_206 = tpu.memref_squeeze %dma_wait3A_205 : memref<1x16x80xi32, #tpu.memory_space<vmem>> -> memref<16x80xi32, #tpu.memory_space<vmem>>
          %dma_wait3A_207 = arith.constant 0 : i32
          %dma_wait3A_208 = tpu.memref_slice %dma_wait3A_206[%mul3A_112, %dma_wait3A_207] : memref<16x80xi32, #tpu.memory_space<vmem>> -> memref<1x80xi32, #tpu.memory_space<vmem>>
          %dma_wait3A_209 = tpu.memref_squeeze %dma_wait3A_208 : memref<1x80xi32, #tpu.memory_space<vmem>> -> memref<80xi32, #tpu.memory_space<vmem>>
          %dma_wait3A_210 = arith.constant 0 : i32
          %dma_wait3A_211 = arith.constant 0 : i32
          %dma_wait3A_212 = tpu.memref_slice %arg10[%dma_wait3A_210, %dma_wait3A_211] : memref<10112x128xf32, #tpu.memory_space<vmem_shared>> -> memref<10112x128xf32, #tpu.memory_space<vmem_shared>>
          tpu.wait_indirect_dma semaphore(%arg15 : memref<!tpu.dma_semaphore, #tpu.memory_space<semaphore_mem>>) src(%dma_wait3A_202 : memref<80x128xf32, #tpu.memory_space<vmem>>) dst(%dma_wait3A_212 : memref<10112x128xf32, #tpu.memory_space<vmem_shared>>)
          %lt3A_213 = arith.constant 3 : i32
          %lt3A_214 = arith.cmpi slt, %scan3A_110, %lt3A_213 : i32
          %convert_element_type3A_215 = arith.extui %lt3A_214 : i1 to i32
          %cond3A_216 = arith.constant 0 : i32
          %cond3A_217 = arith.cmpi ne, %convert_element_type3A_215, %cond3A_216 : i32
          scf.if %cond3A_217 {
            %add3A_330 = arith.constant 4 : i32
            %add3A_331 = arith.addi %mul3A_112, %add3A_330 : i32
            %dma_start3A_332 = arith.constant 0 : i32
            %dma_start3A_333 = arith.constant 0 : i32
            %dma_start3A_334 = arith.constant 0 : i32
            %dma_start3A_335 = tpu.memref_slice %arg9[%dma_start3A_332, %dma_start3A_333, %dma_start3A_334] : memref<4x80x128xf32, #tpu.memory_space<vmem>> -> memref<1x80x128xf32, #tpu.memory_space<vmem>>
            %dma_start3A_336 = tpu.memref_squeeze %dma_start3A_335 : memref<1x80x128xf32, #tpu.memory_space<vmem>> -> memref<80x128xf32, #tpu.memory_space<vmem>>
            %dma_start3A_337 = arith.constant 0 : i32
            %dma_start3A_338 = arith.constant 0 : i32
            %dma_start3A_339 = tpu.memref_slice %arg7[%scan3A_83, %dma_start3A_337, %dma_start3A_338] : memref<2x16x80xi32, #tpu.memory_space<vmem>> -> memref<1x16x80xi32, #tpu.memory_space<vmem>>
            %dma_start3A_340 = tpu.memref_squeeze %dma_start3A_339 : memref<1x16x80xi32, #tpu.memory_space<vmem>> -> memref<16x80xi32, #tpu.memory_space<vmem>>
            %dma_start3A_341 = arith.constant 0 : i32
            %dma_start3A_342 = tpu.memref_slice %dma_start3A_340[%add3A_331, %dma_start3A_341] : memref<16x80xi32, #tpu.memory_space<vmem>> -> memref<1x80xi32, #tpu.memory_space<vmem>>
            %dma_start3A_343 = tpu.memref_squeeze %dma_start3A_342 : memref<1x80xi32, #tpu.memory_space<vmem>> -> memref<80xi32, #tpu.memory_space<vmem>>
            %dma_start3A_344 = arith.constant 0 : i32
            %dma_start3A_345 = arith.constant 0 : i32
            %dma_start3A_346 = tpu.memref_slice %arg2[%dma_start3A_344, %dma_start3A_345] : memref<10000x128xf32, #tpu.memory_space<hbm>> -> memref<10000x128xf32, #tpu.memory_space<hbm>>
            tpu.enqueue_indirect_dma source(%dma_start3A_346 : memref<10000x128xf32, #tpu.memory_space<hbm>>) target(%dma_start3A_336 : memref<80x128xf32, #tpu.memory_space<vmem>>) offsets(%dma_start3A_343 : memref<80xi32, #tpu.memory_space<vmem>>) semaphore(%arg11 : memref<!tpu.dma_semaphore, #tpu.memory_space<semaphore_mem>>)
          } else {
          }
          %add3A_218 = arith.constant 2 : i32
          %add3A_219 = arith.addi %mul3A_112, %add3A_218 : i32
          %dma_wait3A_220 = arith.constant 2 : i32
          %dma_wait3A_221 = arith.constant 0 : i32
          %dma_wait3A_222 = arith.constant 0 : i32
          %dma_wait3A_223 = tpu.memref_slice %arg9[%dma_wait3A_220, %dma_wait3A_221, %dma_wait3A_222] : memref<4x80x128xf32, #tpu.memory_space<vmem>> -> memref<1x80x128xf32, #tpu.memory_space<vmem>>
          %dma_wait3A_224 = tpu.memref_squeeze %dma_wait3A_223 : memref<1x80x128xf32, #tpu.memory_space<vmem>> -> memref<80x128xf32, #tpu.memory_space<vmem>>
          %dma_wait3A_225 = arith.constant 0 : i32
          %dma_wait3A_226 = arith.constant 0 : i32
          %dma_wait3A_227 = tpu.memref_slice %arg7[%scan3A_83, %dma_wait3A_225, %dma_wait3A_226] : memref<2x16x80xi32, #tpu.memory_space<vmem>> -> memref<1x16x80xi32, #tpu.memory_space<vmem>>
          %dma_wait3A_228 = tpu.memref_squeeze %dma_wait3A_227 : memref<1x16x80xi32, #tpu.memory_space<vmem>> -> memref<16x80xi32, #tpu.memory_space<vmem>>
          %dma_wait3A_229 = arith.constant 0 : i32
          %dma_wait3A_230 = tpu.memref_slice %dma_wait3A_228[%add3A_219, %dma_wait3A_229] : memref<16x80xi32, #tpu.memory_space<vmem>> -> memref<1x80xi32, #tpu.memory_space<vmem>>
          %dma_wait3A_231 = tpu.memref_squeeze %dma_wait3A_230 : memref<1x80xi32, #tpu.memory_space<vmem>> -> memref<80xi32, #tpu.memory_space<vmem>>
          %dma_wait3A_232 = arith.constant 0 : i32
          %dma_wait3A_233 = arith.constant 0 : i32
          %dma_wait3A_234 = tpu.memref_slice %arg2[%dma_wait3A_232, %dma_wait3A_233] : memref<10000x128xf32, #tpu.memory_space<hbm>> -> memref<10000x128xf32, #tpu.memory_space<hbm>>
          tpu.wait_indirect_dma semaphore(%arg13 : memref<!tpu.dma_semaphore, #tpu.memory_space<semaphore_mem>>) src(%dma_wait3A_234 : memref<10000x128xf32, #tpu.memory_space<hbm>>) dst(%dma_wait3A_224 : memref<80x128xf32, #tpu.memory_space<vmem>>)
          %add3A_235 = arith.constant 2 : i32
          %add3A_236 = arith.addi %mul3A_112, %add3A_235 : i32
          %dma_start3A_237 = arith.constant 2 : i32
          %dma_start3A_238 = arith.constant 0 : i32
          %dma_start3A_239 = arith.constant 0 : i32
          %dma_start3A_240 = tpu.memref_slice %arg9[%dma_start3A_237, %dma_start3A_238, %dma_start3A_239] : memref<4x80x128xf32, #tpu.memory_space<vmem>> -> memref<1x80x128xf32, #tpu.memory_space<vmem>>
          %dma_start3A_241 = tpu.memref_squeeze %dma_start3A_240 : memref<1x80x128xf32, #tpu.memory_space<vmem>> -> memref<80x128xf32, #tpu.memory_space<vmem>>
          %dma_start3A_242 = arith.constant 0 : i32
          %dma_start3A_243 = arith.constant 0 : i32
          %dma_start3A_244 = tpu.memref_slice %arg8[%scan3A_82, %dma_start3A_242, %dma_start3A_243] : memref<2x16x80xi32, #tpu.memory_space<vmem>> -> memref<1x16x80xi32, #tpu.memory_space<vmem>>
          %dma_start3A_245 = tpu.memref_squeeze %dma_start3A_244 : memref<1x16x80xi32, #tpu.memory_space<vmem>> -> memref<16x80xi32, #tpu.memory_space<vmem>>
          %dma_start3A_246 = arith.constant 0 : i32
          %dma_start3A_247 = tpu.memref_slice %dma_start3A_245[%add3A_236, %dma_start3A_246] : memref<16x80xi32, #tpu.memory_space<vmem>> -> memref<1x80xi32, #tpu.memory_space<vmem>>
          %dma_start3A_248 = tpu.memref_squeeze %dma_start3A_247 : memref<1x80xi32, #tpu.memory_space<vmem>> -> memref<80xi32, #tpu.memory_space<vmem>>
          %dma_start3A_249 = arith.constant 0 : i32
          %dma_start3A_250 = arith.constant 0 : i32
          %dma_start3A_251 = tpu.memref_slice %arg10[%dma_start3A_249, %dma_start3A_250] : memref<10112x128xf32, #tpu.memory_space<vmem_shared>> -> memref<10112x128xf32, #tpu.memory_space<vmem_shared>>
          tpu.enqueue_indirect_dma source(%dma_start3A_241 : memref<80x128xf32, #tpu.memory_space<vmem>>) target(%dma_start3A_251 : memref<10112x128xf32, #tpu.memory_space<vmem_shared>>) offsets(%dma_start3A_248 : memref<80xi32, #tpu.memory_space<vmem>>) semaphore(%arg17 : memref<!tpu.dma_semaphore, #tpu.memory_space<semaphore_mem>>) {add = true}
          %add3A_252 = arith.constant 1 : i32
          %add3A_253 = arith.addi %mul3A_112, %add3A_252 : i32
          %dma_wait3A_254 = arith.constant 1 : i32
          %dma_wait3A_255 = arith.constant 0 : i32
          %dma_wait3A_256 = arith.constant 0 : i32
          %dma_wait3A_257 = tpu.memref_slice %arg9[%dma_wait3A_254, %dma_wait3A_255, %dma_wait3A_256] : memref<4x80x128xf32, #tpu.memory_space<vmem>> -> memref<1x80x128xf32, #tpu.memory_space<vmem>>
          %dma_wait3A_258 = tpu.memref_squeeze %dma_wait3A_257 : memref<1x80x128xf32, #tpu.memory_space<vmem>> -> memref<80x128xf32, #tpu.memory_space<vmem>>
          %dma_wait3A_259 = arith.constant 0 : i32
          %dma_wait3A_260 = arith.constant 0 : i32
          %dma_wait3A_261 = tpu.memref_slice %arg8[%scan3A_82, %dma_wait3A_259, %dma_wait3A_260] : memref<2x16x80xi32, #tpu.memory_space<vmem>> -> memref<1x16x80xi32, #tpu.memory_space<vmem>>
          %dma_wait3A_262 = tpu.memref_squeeze %dma_wait3A_261 : memref<1x16x80xi32, #tpu.memory_space<vmem>> -> memref<16x80xi32, #tpu.memory_space<vmem>>
          %dma_wait3A_263 = arith.constant 0 : i32
          %dma_wait3A_264 = tpu.memref_slice %dma_wait3A_262[%add3A_253, %dma_wait3A_263] : memref<16x80xi32, #tpu.memory_space<vmem>> -> memref<1x80xi32, #tpu.memory_space<vmem>>
          %dma_wait3A_265 = tpu.memref_squeeze %dma_wait3A_264 : memref<1x80xi32, #tpu.memory_space<vmem>> -> memref<80xi32, #tpu.memory_space<vmem>>
          %dma_wait3A_266 = arith.constant 0 : i32
          %dma_wait3A_267 = arith.constant 0 : i32
          %dma_wait3A_268 = tpu.memref_slice %arg10[%dma_wait3A_266, %dma_wait3A_267] : memref<10112x128xf32, #tpu.memory_space<vmem_shared>> -> memref<10112x128xf32, #tpu.memory_space<vmem_shared>>
          tpu.wait_indirect_dma semaphore(%arg16 : memref<!tpu.dma_semaphore, #tpu.memory_space<semaphore_mem>>) src(%dma_wait3A_258 : memref<80x128xf32, #tpu.memory_space<vmem>>) dst(%dma_wait3A_268 : memref<10112x128xf32, #tpu.memory_space<vmem_shared>>)
          %lt3A_269 = arith.constant 3 : i32
          %lt3A_270 = arith.cmpi slt, %scan3A_110, %lt3A_269 : i32
          %convert_element_type3A_271 = arith.extui %lt3A_270 : i1 to i32
          %cond3A_272 = arith.constant 0 : i32
          %cond3A_273 = arith.cmpi ne, %convert_element_type3A_271, %cond3A_272 : i32
          scf.if %cond3A_273 {
            %add3A_330 = arith.constant 5 : i32
            %add3A_331 = arith.addi %mul3A_112, %add3A_330 : i32
            %dma_start3A_332 = arith.constant 1 : i32
            %dma_start3A_333 = arith.constant 0 : i32
            %dma_start3A_334 = arith.constant 0 : i32
            %dma_start3A_335 = tpu.memref_slice %arg9[%dma_start3A_332, %dma_start3A_333, %dma_start3A_334] : memref<4x80x128xf32, #tpu.memory_space<vmem>> -> memref<1x80x128xf32, #tpu.memory_space<vmem>>
            %dma_start3A_336 = tpu.memref_squeeze %dma_start3A_335 : memref<1x80x128xf32, #tpu.memory_space<vmem>> -> memref<80x128xf32, #tpu.memory_space<vmem>>
            %dma_start3A_337 = arith.constant 0 : i32
            %dma_start3A_338 = arith.constant 0 : i32
            %dma_start3A_339 = tpu.memref_slice %arg7[%scan3A_83, %dma_start3A_337, %dma_start3A_338] : memref<2x16x80xi32, #tpu.memory_space<vmem>> -> memref<1x16x80xi32, #tpu.memory_space<vmem>>
            %dma_start3A_340 = tpu.memref_squeeze %dma_start3A_339 : memref<1x16x80xi32, #tpu.memory_space<vmem>> -> memref<16x80xi32, #tpu.memory_space<vmem>>
            %dma_start3A_341 = arith.constant 0 : i32
            %dma_start3A_342 = tpu.memref_slice %dma_start3A_340[%add3A_331, %dma_start3A_341] : memref<16x80xi32, #tpu.memory_space<vmem>> -> memref<1x80xi32, #tpu.memory_space<vmem>>
            %dma_start3A_343 = tpu.memref_squeeze %dma_start3A_342 : memref<1x80xi32, #tpu.memory_space<vmem>> -> memref<80xi32, #tpu.memory_space<vmem>>
            %dma_start3A_344 = arith.constant 0 : i32
            %dma_start3A_345 = arith.constant 0 : i32
            %dma_start3A_346 = tpu.memref_slice %arg2[%dma_start3A_344, %dma_start3A_345] : memref<10000x128xf32, #tpu.memory_space<hbm>> -> memref<10000x128xf32, #tpu.memory_space<hbm>>
            tpu.enqueue_indirect_dma source(%dma_start3A_346 : memref<10000x128xf32, #tpu.memory_space<hbm>>) target(%dma_start3A_336 : memref<80x128xf32, #tpu.memory_space<vmem>>) offsets(%dma_start3A_343 : memref<80xi32, #tpu.memory_space<vmem>>) semaphore(%arg12 : memref<!tpu.dma_semaphore, #tpu.memory_space<semaphore_mem>>)
          } else {
          }
          %add3A_274 = arith.constant 3 : i32
          %add3A_275 = arith.addi %mul3A_112, %add3A_274 : i32
          %dma_wait3A_276 = arith.constant 3 : i32
          %dma_wait3A_277 = arith.constant 0 : i32
          %dma_wait3A_278 = arith.constant 0 : i32
          %dma_wait3A_279 = tpu.memref_slice %arg9[%dma_wait3A_276, %dma_wait3A_277, %dma_wait3A_278] : memref<4x80x128xf32, #tpu.memory_space<vmem>> -> memref<1x80x128xf32, #tpu.memory_space<vmem>>
          %dma_wait3A_280 = tpu.memref_squeeze %dma_wait3A_279 : memref<1x80x128xf32, #tpu.memory_space<vmem>> -> memref<80x128xf32, #tpu.memory_space<vmem>>
          %dma_wait3A_281 = arith.constant 0 : i32
          %dma_wait3A_282 = arith.constant 0 : i32
          %dma_wait3A_283 = tpu.memref_slice %arg7[%scan3A_83, %dma_wait3A_281, %dma_wait3A_282] : memref<2x16x80xi32, #tpu.memory_space<vmem>> -> memref<1x16x80xi32, #tpu.memory_space<vmem>>
          %dma_wait3A_284 = tpu.memref_squeeze %dma_wait3A_283 : memref<1x16x80xi32, #tpu.memory_space<vmem>> -> memref<16x80xi32, #tpu.memory_space<vmem>>
          %dma_wait3A_285 = arith.constant 0 : i32
          %dma_wait3A_286 = tpu.memref_slice %dma_wait3A_284[%add3A_275, %dma_wait3A_285] : memref<16x80xi32, #tpu.memory_space<vmem>> -> memref<1x80xi32, #tpu.memory_space<vmem>>
          %dma_wait3A_287 = tpu.memref_squeeze %dma_wait3A_286 : memref<1x80xi32, #tpu.memory_space<vmem>> -> memref<80xi32, #tpu.memory_space<vmem>>
          %dma_wait3A_288 = arith.constant 0 : i32
          %dma_wait3A_289 = arith.constant 0 : i32
          %dma_wait3A_290 = tpu.memref_slice %arg2[%dma_wait3A_288, %dma_wait3A_289] : memref<10000x128xf32, #tpu.memory_space<hbm>> -> memref<10000x128xf32, #tpu.memory_space<hbm>>
          tpu.wait_indirect_dma semaphore(%arg14 : memref<!tpu.dma_semaphore, #tpu.memory_space<semaphore_mem>>) src(%dma_wait3A_290 : memref<10000x128xf32, #tpu.memory_space<hbm>>) dst(%dma_wait3A_280 : memref<80x128xf32, #tpu.memory_space<vmem>>)
          %add3A_291 = arith.constant 3 : i32
          %add3A_292 = arith.addi %mul3A_112, %add3A_291 : i32
          %dma_start3A_293 = arith.constant 3 : i32
          %dma_start3A_294 = arith.constant 0 : i32
          %dma_start3A_295 = arith.constant 0 : i32
          %dma_start3A_296 = tpu.memref_slice %arg9[%dma_start3A_293, %dma_start3A_294, %dma_start3A_295] : memref<4x80x128xf32, #tpu.memory_space<vmem>> -> memref<1x80x128xf32, #tpu.memory_space<vmem>>
          %dma_start3A_297 = tpu.memref_squeeze %dma_start3A_296 : memref<1x80x128xf32, #tpu.memory_space<vmem>> -> memref<80x128xf32, #tpu.memory_space<vmem>>
          %dma_start3A_298 = arith.constant 0 : i32
          %dma_start3A_299 = arith.constant 0 : i32
          %dma_start3A_300 = tpu.memref_slice %arg8[%scan3A_82, %dma_start3A_298, %dma_start3A_299] : memref<2x16x80xi32, #tpu.memory_space<vmem>> -> memref<1x16x80xi32, #tpu.memory_space<vmem>>
          %dma_start3A_301 = tpu.memref_squeeze %dma_start3A_300 : memref<1x16x80xi32, #tpu.memory_space<vmem>> -> memref<16x80xi32, #tpu.memory_space<vmem>>
          %dma_start3A_302 = arith.constant 0 : i32
          %dma_start3A_303 = tpu.memref_slice %dma_start3A_301[%add3A_292, %dma_start3A_302] : memref<16x80xi32, #tpu.memory_space<vmem>> -> memref<1x80xi32, #tpu.memory_space<vmem>>
          %dma_start3A_304 = tpu.memref_squeeze %dma_start3A_303 : memref<1x80xi32, #tpu.memory_space<vmem>> -> memref<80xi32, #tpu.memory_space<vmem>>
          %dma_start3A_305 = arith.constant 0 : i32
          %dma_start3A_306 = arith.constant 0 : i32
          %dma_start3A_307 = tpu.memref_slice %arg10[%dma_start3A_305, %dma_start3A_306] : memref<10112x128xf32, #tpu.memory_space<vmem_shared>> -> memref<10112x128xf32, #tpu.memory_space<vmem_shared>>
          tpu.enqueue_indirect_dma source(%dma_start3A_297 : memref<80x128xf32, #tpu.memory_space<vmem>>) target(%dma_start3A_307 : memref<10112x128xf32, #tpu.memory_space<vmem_shared>>) offsets(%dma_start3A_304 : memref<80xi32, #tpu.memory_space<vmem>>) semaphore(%arg18 : memref<!tpu.dma_semaphore, #tpu.memory_space<semaphore_mem>>) {add = true}
          %add3A_308 = arith.constant 2 : i32
          %add3A_309 = arith.addi %mul3A_112, %add3A_308 : i32
          %dma_wait3A_310 = arith.constant 2 : i32
          %dma_wait3A_311 = arith.constant 0 : i32
          %dma_wait3A_312 = arith.constant 0 : i32
          %dma_wait3A_313 = tpu.memref_slice %arg9[%dma_wait3A_310, %dma_wait3A_311, %dma_wait3A_312] : memref<4x80x128xf32, #tpu.memory_space<vmem>> -> memref<1x80x128xf32, #tpu.memory_space<vmem>>
          %dma_wait3A_314 = tpu.memref_squeeze %dma_wait3A_313 : memref<1x80x128xf32, #tpu.memory_space<vmem>> -> memref<80x128xf32, #tpu.memory_space<vmem>>
          %dma_wait3A_315 = arith.constant 0 : i32
          %dma_wait3A_316 = arith.constant 0 : i32
          %dma_wait3A_317 = tpu.memref_slice %arg8[%scan3A_82, %dma_wait3A_315, %dma_wait3A_316] : memref<2x16x80xi32, #tpu.memory_space<vmem>> -> memref<1x16x80xi32, #tpu.memory_space<vmem>>
          %dma_wait3A_318 = tpu.memref_squeeze %dma_wait3A_317 : memref<1x16x80xi32, #tpu.memory_space<vmem>> -> memref<16x80xi32, #tpu.memory_space<vmem>>
          %dma_wait3A_319 = arith.constant 0 : i32
          %dma_wait3A_320 = tpu.memref_slice %dma_wait3A_318[%add3A_309, %dma_wait3A_319] : memref<16x80xi32, #tpu.memory_space<vmem>> -> memref<1x80xi32, #tpu.memory_space<vmem>>
          %dma_wait3A_321 = tpu.memref_squeeze %dma_wait3A_320 : memref<1x80xi32, #tpu.memory_space<vmem>> -> memref<80xi32, #tpu.memory_space<vmem>>
          %dma_wait3A_322 = arith.constant 0 : i32
          %dma_wait3A_323 = arith.constant 0 : i32
          %dma_wait3A_324 = tpu.memref_slice %arg10[%dma_wait3A_322, %dma_wait3A_323] : memref<10112x128xf32, #tpu.memory_space<vmem_shared>> -> memref<10112x128xf32, #tpu.memory_space<vmem_shared>>
          tpu.wait_indirect_dma semaphore(%arg17 : memref<!tpu.dma_semaphore, #tpu.memory_space<semaphore_mem>>) src(%dma_wait3A_314 : memref<80x128xf32, #tpu.memory_space<vmem>>) dst(%dma_wait3A_324 : memref<10112x128xf32, #tpu.memory_space<vmem_shared>>)
          %lt3A_325 = arith.constant 3 : i32
          %lt3A_326 = arith.cmpi slt, %scan3A_110, %lt3A_325 : i32
          %convert_element_type3A_327 = arith.extui %lt3A_326 : i1 to i32
          %cond3A_328 = arith.constant 0 : i32
          %cond3A_329 = arith.cmpi ne, %convert_element_type3A_327, %cond3A_328 : i32
          scf.if %cond3A_329 {
            %add3A_330 = arith.constant 6 : i32
            %add3A_331 = arith.addi %mul3A_112, %add3A_330 : i32
            %dma_start3A_332 = arith.constant 2 : i32
            %dma_start3A_333 = arith.constant 0 : i32
            %dma_start3A_334 = arith.constant 0 : i32
            %dma_start3A_335 = tpu.memref_slice %arg9[%dma_start3A_332, %dma_start3A_333, %dma_start3A_334] : memref<4x80x128xf32, #tpu.memory_space<vmem>> -> memref<1x80x128xf32, #tpu.memory_space<vmem>>
            %dma_start3A_336 = tpu.memref_squeeze %dma_start3A_335 : memref<1x80x128xf32, #tpu.memory_space<vmem>> -> memref<80x128xf32, #tpu.memory_space<vmem>>
            %dma_start3A_337 = arith.constant 0 : i32
            %dma_start3A_338 = arith.constant 0 : i32
            %dma_start3A_339 = tpu.memref_slice %arg7[%scan3A_83, %dma_start3A_337, %dma_start3A_338] : memref<2x16x80xi32, #tpu.memory_space<vmem>> -> memref<1x16x80xi32, #tpu.memory_space<vmem>>
            %dma_start3A_340 = tpu.memref_squeeze %dma_start3A_339 : memref<1x16x80xi32, #tpu.memory_space<vmem>> -> memref<16x80xi32, #tpu.memory_space<vmem>>
            %dma_start3A_341 = arith.constant 0 : i32
            %dma_start3A_342 = tpu.memref_slice %dma_start3A_340[%add3A_331, %dma_start3A_341] : memref<16x80xi32, #tpu.memory_space<vmem>> -> memref<1x80xi32, #tpu.memory_space<vmem>>
            %dma_start3A_343 = tpu.memref_squeeze %dma_start3A_342 : memref<1x80xi32, #tpu.memory_space<vmem>> -> memref<80xi32, #tpu.memory_space<vmem>>
            %dma_start3A_344 = arith.constant 0 : i32
            %dma_start3A_345 = arith.constant 0 : i32
            %dma_start3A_346 = tpu.memref_slice %arg2[%dma_start3A_344, %dma_start3A_345] : memref<10000x128xf32, #tpu.memory_space<hbm>> -> memref<10000x128xf32, #tpu.memory_space<hbm>>
            tpu.enqueue_indirect_dma source(%dma_start3A_346 : memref<10000x128xf32, #tpu.memory_space<hbm>>) target(%dma_start3A_336 : memref<80x128xf32, #tpu.memory_space<vmem>>) offsets(%dma_start3A_343 : memref<80xi32, #tpu.memory_space<vmem>>) semaphore(%arg13 : memref<!tpu.dma_semaphore, #tpu.memory_space<semaphore_mem>>)
          } else {
          }
        }
        %scan3A_88 = arith.constant 4 : i32
        %dma_wait3A = arith.constant 3 : i32
        %dma_wait3A_89 = arith.constant 1 : i32
        %dma_wait3A_90 = arith.constant 15 : i32
        %dma_wait3A_91 = arith.constant 0 : i32
        %dma_wait3A_92 = arith.constant 0 : i32
        %dma_wait3A_93 = tpu.memref_slice %arg9[%dma_wait3A, %dma_wait3A_91, %dma_wait3A_92] : memref<4x80x128xf32, #tpu.memory_space<vmem>> -> memref<1x80x128xf32, #tpu.memory_space<vmem>>
        %dma_wait3A_94 = tpu.memref_squeeze %dma_wait3A_93 : memref<1x80x128xf32, #tpu.memory_space<vmem>> -> memref<80x128xf32, #tpu.memory_space<vmem>>
        %dma_wait3A_95 = arith.constant 0 : i32
        %dma_wait3A_96 = arith.constant 0 : i32
        %dma_wait3A_97 = tpu.memref_slice %arg8[%dma_wait3A_89, %dma_wait3A_95, %dma_wait3A_96] : memref<2x16x80xi32, #tpu.memory_space<vmem>> -> memref<1x16x80xi32, #tpu.memory_space<vmem>>
        %dma_wait3A_98 = tpu.memref_squeeze %dma_wait3A_97 : memref<1x16x80xi32, #tpu.memory_space<vmem>> -> memref<16x80xi32, #tpu.memory_space<vmem>>
        %dma_wait3A_99 = arith.constant 0 : i32
        %dma_wait3A_100 = tpu.memref_slice %dma_wait3A_98[%dma_wait3A_90, %dma_wait3A_99] : memref<16x80xi32, #tpu.memory_space<vmem>> -> memref<1x80xi32, #tpu.memory_space<vmem>>
        %dma_wait3A_101 = tpu.memref_squeeze %dma_wait3A_100 : memref<1x80xi32, #tpu.memory_space<vmem>> -> memref<80xi32, #tpu.memory_space<vmem>>
        %dma_wait3A_102 = arith.constant 0 : i32
        %dma_wait3A_103 = arith.constant 0 : i32
        %dma_wait3A_104 = tpu.memref_slice %arg10[%dma_wait3A_102, %dma_wait3A_103] : memref<10112x128xf32, #tpu.memory_space<vmem_shared>> -> memref<10112x128xf32, #tpu.memory_space<vmem_shared>>
        tpu.wait_indirect_dma semaphore(%arg18 : memref<!tpu.dma_semaphore, #tpu.memory_space<semaphore_mem>>) src(%dma_wait3A_94 : memref<80x128xf32, #tpu.memory_space<vmem>>) dst(%dma_wait3A_104 : memref<10112x128xf32, #tpu.memory_space<vmem_shared>>)
        %lt3A_105 = arith.constant 7 : i32
        %lt3A_106 = arith.cmpi slt, %scan3A_16, %lt3A_105 : i32
        %convert_element_type3A_107 = arith.extui %lt3A_106 : i1 to i32
        %cond3A_108 = arith.constant 0 : i32
        %cond3A_109 = arith.cmpi ne, %convert_element_type3A_107, %cond3A_108 : i32
        scf.if %cond3A_109 {
          %add3A_110 = arith.constant 1 : i32
          %add3A_111 = arith.addi %scan3A_16, %add3A_110 : i32
          %dma_wait3A_112 = arith.constant 0 : i32
          %dma_wait3A_113 = arith.constant 0 : i32
          %dma_wait3A_114 = arith.constant 0 : i32
          %dma_wait3A_115 = tpu.memref_slice %arg7[%dma_wait3A_112, %dma_wait3A_113, %dma_wait3A_114] : memref<2x16x80xi32, #tpu.memory_space<vmem>> -> memref<1x16x80xi32, #tpu.memory_space<vmem>>
          %dma_wait3A_116 = tpu.memref_squeeze %dma_wait3A_115 : memref<1x16x80xi32, #tpu.memory_space<vmem>> -> memref<16x80xi32, #tpu.memory_space<vmem>>
          %dma_wait3A_117 = arith.constant 0 : i32
          %dma_wait3A_118 = arith.constant 0 : i32
          %dma_wait3A_119 = tpu.memref_slice %arg3[%add3A, %add3A_111, %dma_wait3A_117, %dma_wait3A_118] : memref<32x8x16x80xi32, #tpu.memory_space<hbm>> -> memref<1x1x16x80xi32, #tpu.memory_space<hbm>>
          %dma_wait3A_120 = tpu.memref_squeeze %dma_wait3A_119 : memref<1x1x16x80xi32, #tpu.memory_space<hbm>> -> memref<16x80xi32, #tpu.memory_space<hbm>>
          %dma_wait3A_121 = arith.constant 0 : i32
          %dma_wait3A_122 = arith.constant 0 : i32
          %dma_wait3A_123 = tpu.memref_slice %arg7[%dma_wait3A_112, %dma_wait3A_121, %dma_wait3A_122] : memref<2x16x80xi32, #tpu.memory_space<vmem>> -> memref<1x16x80xi32, #tpu.memory_space<vmem>>
          %dma_wait3A_124 = tpu.memref_squeeze %dma_wait3A_123 : memref<1x16x80xi32, #tpu.memory_space<vmem>> -> memref<16x80xi32, #tpu.memory_space<vmem>>
          %dma_wait3A_125 = arith.constant 0 : i32
          %dma_wait3A_126 = arith.constant 0 : i32
          %dma_wait3A_127 = tpu.memref_slice %arg3[%add3A, %add3A_111, %dma_wait3A_125, %dma_wait3A_126] : memref<32x8x16x80xi32, #tpu.memory_space<hbm>> -> memref<1x1x16x80xi32, #tpu.memory_space<hbm>>
          %dma_wait3A_128 = tpu.memref_squeeze %dma_wait3A_127 : memref<1x1x16x80xi32, #tpu.memory_space<hbm>> -> memref<16x80xi32, #tpu.memory_space<hbm>>
          tpu.wait_dma2 semaphore(%arg19 : memref<!tpu.dma_semaphore, #tpu.memory_space<semaphore_mem>>) src(%dma_wait3A_128 : memref<16x80xi32, #tpu.memory_space<hbm>>) dst(%dma_wait3A_124 : memref<16x80xi32, #tpu.memory_space<vmem>>)
          %dma_wait3A_129 = arith.constant 0 : i32
          %dma_wait3A_130 = arith.constant 0 : i32
          %dma_wait3A_131 = arith.constant 0 : i32
          %dma_wait3A_132 = tpu.memref_slice %arg8[%dma_wait3A_129, %dma_wait3A_130, %dma_wait3A_131] : memref<2x16x80xi32, #tpu.memory_space<vmem>> -> memref<1x16x80xi32, #tpu.memory_space<vmem>>
          %dma_wait3A_133 = tpu.memref_squeeze %dma_wait3A_132 : memref<1x16x80xi32, #tpu.memory_space<vmem>> -> memref<16x80xi32, #tpu.memory_space<vmem>>
          %dma_wait3A_134 = arith.constant 0 : i32
          %dma_wait3A_135 = arith.constant 0 : i32
          %dma_wait3A_136 = tpu.memref_slice %arg4[%add3A, %add3A_111, %dma_wait3A_134, %dma_wait3A_135] : memref<32x8x16x80xi32, #tpu.memory_space<hbm>> -> memref<1x1x16x80xi32, #tpu.memory_space<hbm>>
          %dma_wait3A_137 = tpu.memref_squeeze %dma_wait3A_136 : memref<1x1x16x80xi32, #tpu.memory_space<hbm>> -> memref<16x80xi32, #tpu.memory_space<hbm>>
          %dma_wait3A_138 = arith.constant 0 : i32
          %dma_wait3A_139 = arith.constant 0 : i32
          %dma_wait3A_140 = tpu.memref_slice %arg8[%dma_wait3A_129, %dma_wait3A_138, %dma_wait3A_139] : memref<2x16x80xi32, #tpu.memory_space<vmem>> -> memref<1x16x80xi32, #tpu.memory_space<vmem>>
          %dma_wait3A_141 = tpu.memref_squeeze %dma_wait3A_140 : memref<1x16x80xi32, #tpu.memory_space<vmem>> -> memref<16x80xi32, #tpu.memory_space<vmem>>
          %dma_wait3A_142 = arith.constant 0 : i32
          %dma_wait3A_143 = arith.constant 0 : i32
          %dma_wait3A_144 = tpu.memref_slice %arg4[%add3A, %add3A_111, %dma_wait3A_142, %dma_wait3A_143] : memref<32x8x16x80xi32, #tpu.memory_space<hbm>> -> memref<1x1x16x80xi32, #tpu.memory_space<hbm>>
          %dma_wait3A_145 = tpu.memref_squeeze %dma_wait3A_144 : memref<1x1x16x80xi32, #tpu.memory_space<hbm>> -> memref<16x80xi32, #tpu.memory_space<hbm>>
          tpu.wait_dma2 semaphore(%arg19 : memref<!tpu.dma_semaphore, #tpu.memory_space<semaphore_mem>>) src(%dma_wait3A_145 : memref<16x80xi32, #tpu.memory_space<hbm>>) dst(%dma_wait3A_141 : memref<16x80xi32, #tpu.memory_space<vmem>>)
        } else {
        }
      } else {
      }
    }
    %scan3A_12 = arith.constant 8 : i32
    %barrier3A_13 = arith.constant 0 : index
    tpu.barrier barrier_id(%barrier3A_13)
    %mul3A_14 = arith.constant 632 : i32
    %mul3A_15 = arith.muli %arg1, %mul3A_14 : i32
    "tpu.region"() ({
      %run_scoped3A_16 = tpu.sem_alloc : memref<!tpu.dma_semaphore, #tpu.memory_space<semaphore_mem>>
      %dma_start3A = arith.constant 0 : i32
      %dma_start3A_17 = tpu.memref_slice %arg6[%arg0, %mul3A_15, %dma_start3A] : memref<2x10112x128xf32, #tpu.memory_space<hbm>> -> memref<1x632x128xf32, #tpu.memory_space<hbm>>
      %dma_start3A_18 = tpu.memref_squeeze %dma_start3A_17 : memref<1x632x128xf32, #tpu.memory_space<hbm>> -> memref<632x128xf32, #tpu.memory_space<hbm>>
      %dma_start3A_19 = arith.constant 0 : i32
      %dma_start3A_20 = tpu.memref_slice %arg10[%mul3A_15, %dma_start3A_19] : memref<10112x128xf32, #tpu.memory_space<vmem_shared>> -> memref<632x128xf32, #tpu.memory_space<vmem_shared>>
      tpu.enqueue_dma source(%dma_start3A_20 : memref<632x128xf32, #tpu.memory_space<vmem_shared>>) target(%dma_start3A_18 : memref<632x128xf32, #tpu.memory_space<hbm>>) target_semaphore(%run_scoped3A_16 : memref<!tpu.dma_semaphore, #tpu.memory_space<semaphore_mem>>)
      %dma_wait3A = arith.constant 0 : i32
      %dma_wait3A_21 = tpu.memref_slice %arg6[%arg0, %mul3A_15, %dma_wait3A] : memref<2x10112x128xf32, #tpu.memory_space<hbm>> -> memref<1x632x128xf32, #tpu.memory_space<hbm>>
      %dma_wait3A_22 = tpu.memref_squeeze %dma_wait3A_21 : memref<1x632x128xf32, #tpu.memory_space<hbm>> -> memref<632x128xf32, #tpu.memory_space<hbm>>
      %dma_wait3A_23 = arith.constant 0 : i32
      %dma_wait3A_24 = tpu.memref_slice %arg10[%mul3A_15, %dma_wait3A_23] : memref<10112x128xf32, #tpu.memory_space<vmem_shared>> -> memref<632x128xf32, #tpu.memory_space<vmem_shared>>
      tpu.wait_dma2 semaphore(%run_scoped3A_16 : memref<!tpu.dma_semaphore, #tpu.memory_space<semaphore_mem>>) src(%dma_wait3A_24 : memref<632x128xf32, #tpu.memory_space<vmem_shared>>) dst(%dma_wait3A_22 : memref<632x128xf32, #tpu.memory_space<hbm>>)
      tpu.yield
    }) : () -> ()
    return
  }
}

#map = affine_map<(d0, d1) -> (0, 0)>
#map1 = affine_map<(d0, d1) -> (0, 0, 0, 0)>
#map2 = affine_map<(d0, d1) -> (0)>
#map3 = affine_map<(d0, d1) -> (0, 0, 0)>
module attributes {stable_mosaic.version = 14 : i64} {
  func.func @body(%arg0: i32, %arg1: i32, %arg2: memref<10000x128xf32, #tpu.memory_space<hbm>>, %arg3: memref<32x8x16x80xi32, #tpu.memory_space<hbm>>, %arg4: memref<32x8x16x80xi32, #tpu.memory_space<hbm>>, %arg5: memref<10112x128xf32, #tpu.memory_space<hbm>>, %arg6: memref<10240xf32, #tpu.memory_space<hbm>>, %arg7: memref<80xf32, #tpu.memory_space<hbm>>, %arg8: memref<2x10112x128xf32, #tpu.memory_space<hbm>>, %arg9: memref<10240xf32, #tpu.memory_space<hbm>>, %arg10: memref<10240xf32, #tpu.memory_space<hbm>>, %arg11: memref<2x16x80xi32, #tpu.memory_space<vmem>>, %arg12: memref<2x16x80xi32, #tpu.memory_space<vmem>>, %arg13: memref<4x80x128xf32, #tpu.memory_space<vmem>>, %arg14: memref<80xf32, #tpu.memory_space<vmem>>, %arg15: memref<10112x128xf32, #tpu.memory_space<vmem_shared>>, %arg16: memref<10240xf32, #tpu.memory_space<vmem_shared>>, %arg17: memref<!tpu.dma_semaphore, #tpu.memory_space<semaphore_mem>>, %arg18: memref<!tpu.dma_semaphore, #tpu.memory_space<semaphore_mem>>, %arg19: memref<!tpu.dma_semaphore, #tpu.memory_space<semaphore_mem>>, %arg20: memref<!tpu.dma_semaphore, #tpu.memory_space<semaphore_mem>>, %arg21: memref<!tpu.dma_semaphore, #tpu.memory_space<semaphore_mem>>, %arg22: memref<!tpu.dma_semaphore, #tpu.memory_space<semaphore_mem>>, %arg23: memref<!tpu.dma_semaphore, #tpu.memory_space<semaphore_mem>>, %arg24: memref<!tpu.dma_semaphore, #tpu.memory_space<semaphore_mem>>, %arg25: memref<!tpu.dma_semaphore, #tpu.memory_space<semaphore_mem>>, %arg26: memref<!tpu.dma_semaphore, #tpu.memory_space<semaphore_mem>>, %arg27: memref<!tpu.dma_semaphore, #tpu.memory_space<semaphore_mem>>) attributes {dimension_semantics = [#tpu.dimension_semantics<core_parallel>, #tpu.dimension_semantics<subcore_parallel>], iteration_bounds = array<i64: 2, 16>, scalar_prefetch = 0 : i64, scratch_operands = 17 : i64, tpu.core_type = #tpu.core_type<sc_vector_subcore>, window_params = [{transform_indices = #map}, {transform_indices = #map1}, {transform_indices = #map1}, {transform_indices = #map}, {transform_indices = #map2}, {transform_indices = #map2}, {transform_indices = #map3}, {transform_indices = #map2}, {transform_indices = #map2}]} {
    %mul3A = arith.constant 16 : i32
    %mul3A_0 = arith.muli %arg0, %mul3A : i32
    %add3A = arith.addi %mul3A_0, %arg1 : i32
    %run_scoped3A = arith.constant 0 : i32
    %run_scoped3A_1 = arith.constant 0 : i32
    "tpu.region"() ({
      %run_scoped3A_35 = tpu.sem_alloc : memref<!tpu.dma_semaphore, #tpu.memory_space<semaphore_mem>>
      %dma_start3A = arith.constant 0 : i32
      %dma_start3A_36 = arith.constant 0 : i32
      %dma_start3A_37 = tpu.memref_slice %arg11[%run_scoped3A_1, %dma_start3A, %dma_start3A_36] : memref<2x16x80xi32, #tpu.memory_space<vmem>> -> memref<1x16x80xi32, #tpu.memory_space<vmem>>
      %dma_start3A_38 = tpu.memref_squeeze %dma_start3A_37 : memref<1x16x80xi32, #tpu.memory_space<vmem>> -> memref<16x80xi32, #tpu.memory_space<vmem>>
      %dma_start3A_39 = arith.constant 0 : i32
      %dma_start3A_40 = arith.constant 0 : i32
      %dma_start3A_41 = tpu.memref_slice %arg3[%add3A, %run_scoped3A, %dma_start3A_39, %dma_start3A_40] : memref<32x8x16x80xi32, #tpu.memory_space<hbm>> -> memref<1x1x16x80xi32, #tpu.memory_space<hbm>>
      %dma_start3A_42 = tpu.memref_squeeze %dma_start3A_41 : memref<1x1x16x80xi32, #tpu.memory_space<hbm>> -> memref<16x80xi32, #tpu.memory_space<hbm>>
      %dma_start3A_43 = arith.constant 0 : i32
      %dma_start3A_44 = arith.constant 0 : i32
      %dma_start3A_45 = tpu.memref_slice %arg11[%run_scoped3A_1, %dma_start3A_43, %dma_start3A_44] : memref<2x16x80xi32, #tpu.memory_space<vmem>> -> memref<1x16x80xi32, #tpu.memory_space<vmem>>
      %dma_start3A_46 = tpu.memref_squeeze %dma_start3A_45 : memref<1x16x80xi32, #tpu.memory_space<vmem>> -> memref<16x80xi32, #tpu.memory_space<vmem>>
      %dma_start3A_47 = arith.constant 0 : i32
      %dma_start3A_48 = arith.constant 0 : i32
      %dma_start3A_49 = tpu.memref_slice %arg3[%add3A, %run_scoped3A, %dma_start3A_47, %dma_start3A_48] : memref<32x8x16x80xi32, #tpu.memory_space<hbm>> -> memref<1x1x16x80xi32, #tpu.memory_space<hbm>>
      %dma_start3A_50 = tpu.memref_squeeze %dma_start3A_49 : memref<1x1x16x80xi32, #tpu.memory_space<hbm>> -> memref<16x80xi32, #tpu.memory_space<hbm>>
      tpu.enqueue_dma source(%dma_start3A_50 : memref<16x80xi32, #tpu.memory_space<hbm>>) target(%dma_start3A_46 : memref<16x80xi32, #tpu.memory_space<vmem>>) target_semaphore(%run_scoped3A_35 : memref<!tpu.dma_semaphore, #tpu.memory_space<semaphore_mem>>)
      %dma_wait3A = arith.constant 0 : i32
      %dma_wait3A_51 = arith.constant 0 : i32
      %dma_wait3A_52 = tpu.memref_slice %arg11[%run_scoped3A_1, %dma_wait3A, %dma_wait3A_51] : memref<2x16x80xi32, #tpu.memory_space<vmem>> -> memref<1x16x80xi32, #tpu.memory_space<vmem>>
      %dma_wait3A_53 = tpu.memref_squeeze %dma_wait3A_52 : memref<1x16x80xi32, #tpu.memory_space<vmem>> -> memref<16x80xi32, #tpu.memory_space<vmem>>
      %dma_wait3A_54 = arith.constant 0 : i32
      %dma_wait3A_55 = arith.constant 0 : i32
      %dma_wait3A_56 = tpu.memref_slice %arg3[%add3A, %run_scoped3A, %dma_wait3A_54, %dma_wait3A_55] : memref<32x8x16x80xi32, #tpu.memory_space<hbm>> -> memref<1x1x16x80xi32, #tpu.memory_space<hbm>>
      %dma_wait3A_57 = tpu.memref_squeeze %dma_wait3A_56 : memref<1x1x16x80xi32, #tpu.memory_space<hbm>> -> memref<16x80xi32, #tpu.memory_space<hbm>>
      %dma_wait3A_58 = arith.constant 0 : i32
      %dma_wait3A_59 = arith.constant 0 : i32
      %dma_wait3A_60 = tpu.memref_slice %arg11[%run_scoped3A_1, %dma_wait3A_58, %dma_wait3A_59] : memref<2x16x80xi32, #tpu.memory_space<vmem>> -> memref<1x16x80xi32, #tpu.memory_space<vmem>>
      %dma_wait3A_61 = tpu.memref_squeeze %dma_wait3A_60 : memref<1x16x80xi32, #tpu.memory_space<vmem>> -> memref<16x80xi32, #tpu.memory_space<vmem>>
      %dma_wait3A_62 = arith.constant 0 : i32
      %dma_wait3A_63 = arith.constant 0 : i32
      %dma_wait3A_64 = tpu.memref_slice %arg3[%add3A, %run_scoped3A, %dma_wait3A_62, %dma_wait3A_63] : memref<32x8x16x80xi32, #tpu.memory_space<hbm>> -> memref<1x1x16x80xi32, #tpu.memory_space<hbm>>
      %dma_wait3A_65 = tpu.memref_squeeze %dma_wait3A_64 : memref<1x1x16x80xi32, #tpu.memory_space<hbm>> -> memref<16x80xi32, #tpu.memory_space<hbm>>
      tpu.wait_dma2 semaphore(%run_scoped3A_35 : memref<!tpu.dma_semaphore, #tpu.memory_space<semaphore_mem>>) src(%dma_wait3A_65 : memref<16x80xi32, #tpu.memory_space<hbm>>) dst(%dma_wait3A_61 : memref<16x80xi32, #tpu.memory_space<vmem>>)
      tpu.yield
    }) : () -> ()
    %run_scoped3A_2 = arith.constant 0 : i32
    %run_scoped3A_3 = arith.constant 0 : i32
    "tpu.region"() ({
      %run_scoped3A_35 = tpu.sem_alloc : memref<!tpu.dma_semaphore, #tpu.memory_space<semaphore_mem>>
      %dma_start3A = arith.constant 0 : i32
      %dma_start3A_36 = arith.constant 0 : i32
      %dma_start3A_37 = tpu.memref_slice %arg12[%run_scoped3A_3, %dma_start3A, %dma_start3A_36] : memref<2x16x80xi32, #tpu.memory_space<vmem>> -> memref<1x16x80xi32, #tpu.memory_space<vmem>>
      %dma_start3A_38 = tpu.memref_squeeze %dma_start3A_37 : memref<1x16x80xi32, #tpu.memory_space<vmem>> -> memref<16x80xi32, #tpu.memory_space<vmem>>
      %dma_start3A_39 = arith.constant 0 : i32
      %dma_start3A_40 = arith.constant 0 : i32
      %dma_start3A_41 = tpu.memref_slice %arg4[%add3A, %run_scoped3A_2, %dma_start3A_39, %dma_start3A_40] : memref<32x8x16x80xi32, #tpu.memory_space<hbm>> -> memref<1x1x16x80xi32, #tpu.memory_space<hbm>>
      %dma_start3A_42 = tpu.memref_squeeze %dma_start3A_41 : memref<1x1x16x80xi32, #tpu.memory_space<hbm>> -> memref<16x80xi32, #tpu.memory_space<hbm>>
      %dma_start3A_43 = arith.constant 0 : i32
      %dma_start3A_44 = arith.constant 0 : i32
      %dma_start3A_45 = tpu.memref_slice %arg12[%run_scoped3A_3, %dma_start3A_43, %dma_start3A_44] : memref<2x16x80xi32, #tpu.memory_space<vmem>> -> memref<1x16x80xi32, #tpu.memory_space<vmem>>
      %dma_start3A_46 = tpu.memref_squeeze %dma_start3A_45 : memref<1x16x80xi32, #tpu.memory_space<vmem>> -> memref<16x80xi32, #tpu.memory_space<vmem>>
      %dma_start3A_47 = arith.constant 0 : i32
      %dma_start3A_48 = arith.constant 0 : i32
      %dma_start3A_49 = tpu.memref_slice %arg4[%add3A, %run_scoped3A_2, %dma_start3A_47, %dma_start3A_48] : memref<32x8x16x80xi32, #tpu.memory_space<hbm>> -> memref<1x1x16x80xi32, #tpu.memory_space<hbm>>
      %dma_start3A_50 = tpu.memref_squeeze %dma_start3A_49 : memref<1x1x16x80xi32, #tpu.memory_space<hbm>> -> memref<16x80xi32, #tpu.memory_space<hbm>>
      tpu.enqueue_dma source(%dma_start3A_50 : memref<16x80xi32, #tpu.memory_space<hbm>>) target(%dma_start3A_46 : memref<16x80xi32, #tpu.memory_space<vmem>>) target_semaphore(%run_scoped3A_35 : memref<!tpu.dma_semaphore, #tpu.memory_space<semaphore_mem>>)
      %dma_wait3A = arith.constant 0 : i32
      %dma_wait3A_51 = arith.constant 0 : i32
      %dma_wait3A_52 = tpu.memref_slice %arg12[%run_scoped3A_3, %dma_wait3A, %dma_wait3A_51] : memref<2x16x80xi32, #tpu.memory_space<vmem>> -> memref<1x16x80xi32, #tpu.memory_space<vmem>>
      %dma_wait3A_53 = tpu.memref_squeeze %dma_wait3A_52 : memref<1x16x80xi32, #tpu.memory_space<vmem>> -> memref<16x80xi32, #tpu.memory_space<vmem>>
      %dma_wait3A_54 = arith.constant 0 : i32
      %dma_wait3A_55 = arith.constant 0 : i32
      %dma_wait3A_56 = tpu.memref_slice %arg4[%add3A, %run_scoped3A_2, %dma_wait3A_54, %dma_wait3A_55] : memref<32x8x16x80xi32, #tpu.memory_space<hbm>> -> memref<1x1x16x80xi32, #tpu.memory_space<hbm>>
      %dma_wait3A_57 = tpu.memref_squeeze %dma_wait3A_56 : memref<1x1x16x80xi32, #tpu.memory_space<hbm>> -> memref<16x80xi32, #tpu.memory_space<hbm>>
      %dma_wait3A_58 = arith.constant 0 : i32
      %dma_wait3A_59 = arith.constant 0 : i32
      %dma_wait3A_60 = tpu.memref_slice %arg12[%run_scoped3A_3, %dma_wait3A_58, %dma_wait3A_59] : memref<2x16x80xi32, #tpu.memory_space<vmem>> -> memref<1x16x80xi32, #tpu.memory_space<vmem>>
      %dma_wait3A_61 = tpu.memref_squeeze %dma_wait3A_60 : memref<1x16x80xi32, #tpu.memory_space<vmem>> -> memref<16x80xi32, #tpu.memory_space<vmem>>
      %dma_wait3A_62 = arith.constant 0 : i32
      %dma_wait3A_63 = arith.constant 0 : i32
      %dma_wait3A_64 = tpu.memref_slice %arg4[%add3A, %run_scoped3A_2, %dma_wait3A_62, %dma_wait3A_63] : memref<32x8x16x80xi32, #tpu.memory_space<hbm>> -> memref<1x1x16x80xi32, #tpu.memory_space<hbm>>
      %dma_wait3A_65 = tpu.memref_squeeze %dma_wait3A_64 : memref<1x1x16x80xi32, #tpu.memory_space<hbm>> -> memref<16x80xi32, #tpu.memory_space<hbm>>
      tpu.wait_dma2 semaphore(%run_scoped3A_35 : memref<!tpu.dma_semaphore, #tpu.memory_space<semaphore_mem>>) src(%dma_wait3A_65 : memref<16x80xi32, #tpu.memory_space<hbm>>) dst(%dma_wait3A_61 : memref<16x80xi32, #tpu.memory_space<vmem>>)
      tpu.yield
    }) : () -> ()
    "tpu.region"() ({
      %run_scoped3A_35 = tpu.sem_alloc : memref<!tpu.dma_semaphore, #tpu.memory_space<semaphore_mem>>
      tpu.enqueue_dma source(%arg7 : memref<80xf32, #tpu.memory_space<hbm>>) target(%arg14 : memref<80xf32, #tpu.memory_space<vmem>>) target_semaphore(%run_scoped3A_35 : memref<!tpu.dma_semaphore, #tpu.memory_space<semaphore_mem>>)
      tpu.wait_dma2 semaphore(%run_scoped3A_35 : memref<!tpu.dma_semaphore, #tpu.memory_space<semaphore_mem>>) src(%arg7 : memref<80xf32, #tpu.memory_space<hbm>>) dst(%arg14 : memref<80xf32, #tpu.memory_space<vmem>>)
      tpu.yield
    }) : () -> ()
    %mul3A_4 = arith.constant 640 : i32
    %mul3A_5 = arith.muli %arg1, %mul3A_4 : i32
    %mul3A_6 = arith.constant 640 : i32
    %mul3A_7 = arith.muli %arg1, %mul3A_6 : i32
    "tpu.region"() ({
      %run_scoped3A_35 = tpu.sem_alloc : memref<!tpu.dma_semaphore, #tpu.memory_space<semaphore_mem>>
      %dma_start3A = tpu.memref_slice %arg16[%mul3A_7] : memref<10240xf32, #tpu.memory_space<vmem_shared>> -> memref<640xf32, #tpu.memory_space<vmem_shared>>
      %dma_start3A_36 = tpu.memref_slice %arg6[%mul3A_5] : memref<10240xf32, #tpu.memory_space<hbm>> -> memref<640xf32, #tpu.memory_space<hbm>>
      tpu.enqueue_dma source(%dma_start3A_36 : memref<640xf32, #tpu.memory_space<hbm>>) target(%dma_start3A : memref<640xf32, #tpu.memory_space<vmem_shared>>) target_semaphore(%run_scoped3A_35 : memref<!tpu.dma_semaphore, #tpu.memory_space<semaphore_mem>>)
      %dma_wait3A = tpu.memref_slice %arg16[%mul3A_7] : memref<10240xf32, #tpu.memory_space<vmem_shared>> -> memref<640xf32, #tpu.memory_space<vmem_shared>>
      %dma_wait3A_37 = tpu.memref_slice %arg6[%mul3A_5] : memref<10240xf32, #tpu.memory_space<hbm>> -> memref<640xf32, #tpu.memory_space<hbm>>
      tpu.wait_dma2 semaphore(%run_scoped3A_35 : memref<!tpu.dma_semaphore, #tpu.memory_space<semaphore_mem>>) src(%dma_wait3A_37 : memref<640xf32, #tpu.memory_space<hbm>>) dst(%dma_wait3A : memref<640xf32, #tpu.memory_space<vmem_shared>>)
      tpu.yield
    }) : () -> ()
    %mul3A_8 = arith.constant 632 : i32
    %mul3A_9 = arith.muli %arg1, %mul3A_8 : i32
    %mul3A_10 = arith.constant 632 : i32
    %mul3A_11 = arith.muli %arg1, %mul3A_10 : i32
    "tpu.region"() ({
      %run_scoped3A_35 = tpu.sem_alloc : memref<!tpu.dma_semaphore, #tpu.memory_space<semaphore_mem>>
      %dma_start3A = arith.constant 0 : i32
      %dma_start3A_36 = tpu.memref_slice %arg15[%mul3A_11, %dma_start3A] : memref<10112x128xf32, #tpu.memory_space<vmem_shared>> -> memref<632x128xf32, #tpu.memory_space<vmem_shared>>
      %dma_start3A_37 = arith.constant 0 : i32
      %dma_start3A_38 = tpu.memref_slice %arg5[%mul3A_9, %dma_start3A_37] : memref<10112x128xf32, #tpu.memory_space<hbm>> -> memref<632x128xf32, #tpu.memory_space<hbm>>
      tpu.enqueue_dma source(%dma_start3A_38 : memref<632x128xf32, #tpu.memory_space<hbm>>) target(%dma_start3A_36 : memref<632x128xf32, #tpu.memory_space<vmem_shared>>) target_semaphore(%run_scoped3A_35 : memref<!tpu.dma_semaphore, #tpu.memory_space<semaphore_mem>>)
      %dma_wait3A = arith.constant 0 : i32
      %dma_wait3A_39 = tpu.memref_slice %arg15[%mul3A_11, %dma_wait3A] : memref<10112x128xf32, #tpu.memory_space<vmem_shared>> -> memref<632x128xf32, #tpu.memory_space<vmem_shared>>
      %dma_wait3A_40 = arith.constant 0 : i32
      %dma_wait3A_41 = tpu.memref_slice %arg5[%mul3A_9, %dma_wait3A_40] : memref<10112x128xf32, #tpu.memory_space<hbm>> -> memref<632x128xf32, #tpu.memory_space<hbm>>
      tpu.wait_dma2 semaphore(%run_scoped3A_35 : memref<!tpu.dma_semaphore, #tpu.memory_space<semaphore_mem>>) src(%dma_wait3A_41 : memref<632x128xf32, #tpu.memory_space<hbm>>) dst(%dma_wait3A_39 : memref<632x128xf32, #tpu.memory_space<vmem_shared>>)
      tpu.yield
    }) : () -> ()
    %barrier3A = arith.constant 0 : index
    tpu.barrier barrier_id(%barrier3A)
    %scan3A = arith.constant 0 : i32
    %scan3A_12 = arith.constant 0 : i32
    %scan3A_13 = arith.constant 8 : i32
    %scan3A_14 = arith.addi %scan3A_12, %scan3A_13 : i32
    %scan3A_15 = arith.constant 1 : i32
    scf.for %scan3A_35 = %scan3A_12 to %scan3A_14 step %scan3A_15  : i32 {
      %rem3A = arith.constant 2 : i32
      %rem3A_36 = arith.remsi %scan3A_35, %rem3A : i32
      %eq3A_37 = arith.constant 0 : i32
      %eq3A_38 = arith.cmpi eq, %rem3A_36, %eq3A_37 : i32
      %convert_element_type3A_39 = arith.extui %eq3A_38 : i1 to i32
      %cond3A_40 = arith.constant 0 : i32
      %cond3A_41 = arith.cmpi ne, %convert_element_type3A_39, %cond3A_40 : i32
      scf.if %cond3A_41 {
        %lt3A = arith.constant 7 : i32
        %lt3A_49 = arith.cmpi slt, %scan3A_35, %lt3A : i32
        %convert_element_type3A_50 = arith.extui %lt3A_49 : i1 to i32
        %cond3A_51 = arith.constant 0 : i32
        %cond3A_52 = arith.cmpi ne, %convert_element_type3A_50, %cond3A_51 : i32
        scf.if %cond3A_52 {
          %add3A_132 = arith.constant 1 : i32
          %add3A_133 = arith.addi %scan3A_35, %add3A_132 : i32
          %dma_start3A_134 = arith.constant 1 : i32
          %dma_start3A_135 = arith.constant 0 : i32
          %dma_start3A_136 = arith.constant 0 : i32
          %dma_start3A_137 = tpu.memref_slice %arg11[%dma_start3A_134, %dma_start3A_135, %dma_start3A_136] : memref<2x16x80xi32, #tpu.memory_space<vmem>> -> memref<1x16x80xi32, #tpu.memory_space<vmem>>
          %dma_start3A_138 = tpu.memref_squeeze %dma_start3A_137 : memref<1x16x80xi32, #tpu.memory_space<vmem>> -> memref<16x80xi32, #tpu.memory_space<vmem>>
          %dma_start3A_139 = arith.constant 0 : i32
          %dma_start3A_140 = arith.constant 0 : i32
          %dma_start3A_141 = tpu.memref_slice %arg3[%add3A, %add3A_133, %dma_start3A_139, %dma_start3A_140] : memref<32x8x16x80xi32, #tpu.memory_space<hbm>> -> memref<1x1x16x80xi32, #tpu.memory_space<hbm>>
          %dma_start3A_142 = tpu.memref_squeeze %dma_start3A_141 : memref<1x1x16x80xi32, #tpu.memory_space<hbm>> -> memref<16x80xi32, #tpu.memory_space<hbm>>
          %dma_start3A_143 = arith.constant 0 : i32
          %dma_start3A_144 = arith.constant 0 : i32
          %dma_start3A_145 = tpu.memref_slice %arg11[%dma_start3A_134, %dma_start3A_143, %dma_start3A_144] : memref<2x16x80xi32, #tpu.memory_space<vmem>> -> memref<1x16x80xi32, #tpu.memory_space<vmem>>
          %dma_start3A_146 = tpu.memref_squeeze %dma_start3A_145 : memref<1x16x80xi32, #tpu.memory_space<vmem>> -> memref<16x80xi32, #tpu.memory_space<vmem>>
          %dma_start3A_147 = arith.constant 0 : i32
          %dma_start3A_148 = arith.constant 0 : i32
          %dma_start3A_149 = tpu.memref_slice %arg3[%add3A, %add3A_133, %dma_start3A_147, %dma_start3A_148] : memref<32x8x16x80xi32, #tpu.memory_space<hbm>> -> memref<1x1x16x80xi32, #tpu.memory_space<hbm>>
          %dma_start3A_150 = tpu.memref_squeeze %dma_start3A_149 : memref<1x1x16x80xi32, #tpu.memory_space<hbm>> -> memref<16x80xi32, #tpu.memory_space<hbm>>
          tpu.enqueue_dma source(%dma_start3A_150 : memref<16x80xi32, #tpu.memory_space<hbm>>) target(%dma_start3A_146 : memref<16x80xi32, #tpu.memory_space<vmem>>) target_semaphore(%arg26 : memref<!tpu.dma_semaphore, #tpu.memory_space<semaphore_mem>>)
          %dma_start3A_151 = arith.constant 1 : i32
          %dma_start3A_152 = arith.constant 0 : i32
          %dma_start3A_153 = arith.constant 0 : i32
          %dma_start3A_154 = tpu.memref_slice %arg12[%dma_start3A_151, %dma_start3A_152, %dma_start3A_153] : memref<2x16x80xi32, #tpu.memory_space<vmem>> -> memref<1x16x80xi32, #tpu.memory_space<vmem>>
          %dma_start3A_155 = tpu.memref_squeeze %dma_start3A_154 : memref<1x16x80xi32, #tpu.memory_space<vmem>> -> memref<16x80xi32, #tpu.memory_space<vmem>>
          %dma_start3A_156 = arith.constant 0 : i32
          %dma_start3A_157 = arith.constant 0 : i32
          %dma_start3A_158 = tpu.memref_slice %arg4[%add3A, %add3A_133, %dma_start3A_156, %dma_start3A_157] : memref<32x8x16x80xi32, #tpu.memory_space<hbm>> -> memref<1x1x16x80xi32, #tpu.memory_space<hbm>>
          %dma_start3A_159 = tpu.memref_squeeze %dma_start3A_158 : memref<1x1x16x80xi32, #tpu.memory_space<hbm>> -> memref<16x80xi32, #tpu.memory_space<hbm>>
          %dma_start3A_160 = arith.constant 0 : i32
          %dma_start3A_161 = arith.constant 0 : i32
          %dma_start3A_162 = tpu.memref_slice %arg12[%dma_start3A_151, %dma_start3A_160, %dma_start3A_161] : memref<2x16x80xi32, #tpu.memory_space<vmem>> -> memref<1x16x80xi32, #tpu.memory_space<vmem>>
          %dma_start3A_163 = tpu.memref_squeeze %dma_start3A_162 : memref<1x16x80xi32, #tpu.memory_space<vmem>> -> memref<16x80xi32, #tpu.memory_space<vmem>>
          %dma_start3A_164 = arith.constant 0 : i32
          %dma_start3A_165 = arith.constant 0 : i32
          %dma_start3A_166 = tpu.memref_slice %arg4[%add3A, %add3A_133, %dma_start3A_164, %dma_start3A_165] : memref<32x8x16x80xi32, #tpu.memory_space<hbm>> -> memref<1x1x16x80xi32, #tpu.memory_space<hbm>>
          %dma_start3A_167 = tpu.memref_squeeze %dma_start3A_166 : memref<1x1x16x80xi32, #tpu.memory_space<hbm>> -> memref<16x80xi32, #tpu.memory_space<hbm>>
          tpu.enqueue_dma source(%dma_start3A_167 : memref<16x80xi32, #tpu.memory_space<hbm>>) target(%dma_start3A_163 : memref<16x80xi32, #tpu.memory_space<vmem>>) target_semaphore(%arg26 : memref<!tpu.dma_semaphore, #tpu.memory_space<semaphore_mem>>)
        } else {
        }
        %dma_start3A = arith.constant 0 : i32
        %dma_start3A_53 = arith.constant 0 : i32
        %dma_start3A_54 = arith.constant 0 : i32
        %dma_start3A_55 = arith.constant 0 : i32
        %dma_start3A_56 = arith.constant 0 : i32
        %dma_start3A_57 = tpu.memref_slice %arg13[%dma_start3A_54, %dma_start3A_55, %dma_start3A_56] : memref<4x80x128xf32, #tpu.memory_space<vmem>> -> memref<1x80x128xf32, #tpu.memory_space<vmem>>
        %dma_start3A_58 = tpu.memref_squeeze %dma_start3A_57 : memref<1x80x128xf32, #tpu.memory_space<vmem>> -> memref<80x128xf32, #tpu.memory_space<vmem>>
        %dma_start3A_59 = arith.constant 0 : i32
        %dma_start3A_60 = arith.constant 0 : i32
        %dma_start3A_61 = tpu.memref_slice %arg11[%dma_start3A, %dma_start3A_59, %dma_start3A_60] : memref<2x16x80xi32, #tpu.memory_space<vmem>> -> memref<1x16x80xi32, #tpu.memory_space<vmem>>
        %dma_start3A_62 = tpu.memref_squeeze %dma_start3A_61 : memref<1x16x80xi32, #tpu.memory_space<vmem>> -> memref<16x80xi32, #tpu.memory_space<vmem>>
        %dma_start3A_63 = arith.constant 0 : i32
        %dma_start3A_64 = tpu.memref_slice %dma_start3A_62[%dma_start3A_53, %dma_start3A_63] : memref<16x80xi32, #tpu.memory_space<vmem>> -> memref<1x80xi32, #tpu.memory_space<vmem>>
        %dma_start3A_65 = tpu.memref_squeeze %dma_start3A_64 : memref<1x80xi32, #tpu.memory_space<vmem>> -> memref<80xi32, #tpu.memory_space<vmem>>
        %dma_start3A_66 = arith.constant 0 : i32
        %dma_start3A_67 = arith.constant 0 : i32
        %dma_start3A_68 = tpu.memref_slice %arg2[%dma_start3A_66, %dma_start3A_67] : memref<10000x128xf32, #tpu.memory_space<hbm>> -> memref<10000x128xf32, #tpu.memory_space<hbm>>
        tpu.enqueue_indirect_dma source(%dma_start3A_68 : memref<10000x128xf32, #tpu.memory_space<hbm>>) target(%dma_start3A_58 : memref<80x128xf32, #tpu.memory_space<vmem>>) offsets(%dma_start3A_65 : memref<80xi32, #tpu.memory_space<vmem>>) semaphore(%arg17 : memref<!tpu.dma_semaphore, #tpu.memory_space<semaphore_mem>>)
        %dma_start3A_69 = arith.constant 0 : i32
        %dma_start3A_70 = arith.constant 1 : i32
        %dma_start3A_71 = arith.constant 1 : i32
        %dma_start3A_72 = arith.constant 0 : i32
        %dma_start3A_73 = arith.constant 0 : i32
        %dma_start3A_74 = tpu.memref_slice %arg13[%dma_start3A_71, %dma_start3A_72, %dma_start3A_73] : memref<4x80x128xf32, #tpu.memory_space<vmem>> -> memref<1x80x128xf32, #tpu.memory_space<vmem>>
        %dma_start3A_75 = tpu.memref_squeeze %dma_start3A_74 : memref<1x80x128xf32, #tpu.memory_space<vmem>> -> memref<80x128xf32, #tpu.memory_space<vmem>>
        %dma_start3A_76 = arith.constant 0 : i32
        %dma_start3A_77 = arith.constant 0 : i32
        %dma_start3A_78 = tpu.memref_slice %arg11[%dma_start3A_69, %dma_start3A_76, %dma_start3A_77] : memref<2x16x80xi32, #tpu.memory_space<vmem>> -> memref<1x16x80xi32, #tpu.memory_space<vmem>>
        %dma_start3A_79 = tpu.memref_squeeze %dma_start3A_78 : memref<1x16x80xi32, #tpu.memory_space<vmem>> -> memref<16x80xi32, #tpu.memory_space<vmem>>
        %dma_start3A_80 = arith.constant 0 : i32
        %dma_start3A_81 = tpu.memref_slice %dma_start3A_79[%dma_start3A_70, %dma_start3A_80] : memref<16x80xi32, #tpu.memory_space<vmem>> -> memref<1x80xi32, #tpu.memory_space<vmem>>
        %dma_start3A_82 = tpu.memref_squeeze %dma_start3A_81 : memref<1x80xi32, #tpu.memory_space<vmem>> -> memref<80xi32, #tpu.memory_space<vmem>>
        %dma_start3A_83 = arith.constant 0 : i32
        %dma_start3A_84 = arith.constant 0 : i32
        %dma_start3A_85 = tpu.memref_slice %arg2[%dma_start3A_83, %dma_start3A_84] : memref<10000x128xf32, #tpu.memory_space<hbm>> -> memref<10000x128xf32, #tpu.memory_space<hbm>>
        tpu.enqueue_indirect_dma source(%dma_start3A_85 : memref<10000x128xf32, #tpu.memory_space<hbm>>) target(%dma_start3A_75 : memref<80x128xf32, #tpu.memory_space<vmem>>) offsets(%dma_start3A_82 : memref<80xi32, #tpu.memory_space<vmem>>) semaphore(%arg18 : memref<!tpu.dma_semaphore, #tpu.memory_space<semaphore_mem>>)
        %dma_start3A_86 = arith.constant 0 : i32
        %dma_start3A_87 = arith.constant 2 : i32
        %dma_start3A_88 = arith.constant 2 : i32
        %dma_start3A_89 = arith.constant 0 : i32
        %dma_start3A_90 = arith.constant 0 : i32
        %dma_start3A_91 = tpu.memref_slice %arg13[%dma_start3A_88, %dma_start3A_89, %dma_start3A_90] : memref<4x80x128xf32, #tpu.memory_space<vmem>> -> memref<1x80x128xf32, #tpu.memory_space<vmem>>
        %dma_start3A_92 = tpu.memref_squeeze %dma_start3A_91 : memref<1x80x128xf32, #tpu.memory_space<vmem>> -> memref<80x128xf32, #tpu.memory_space<vmem>>
        %dma_start3A_93 = arith.constant 0 : i32
        %dma_start3A_94 = arith.constant 0 : i32
        %dma_start3A_95 = tpu.memref_slice %arg11[%dma_start3A_86, %dma_start3A_93, %dma_start3A_94] : memref<2x16x80xi32, #tpu.memory_space<vmem>> -> memref<1x16x80xi32, #tpu.memory_space<vmem>>
        %dma_start3A_96 = tpu.memref_squeeze %dma_start3A_95 : memref<1x16x80xi32, #tpu.memory_space<vmem>> -> memref<16x80xi32, #tpu.memory_space<vmem>>
        %dma_start3A_97 = arith.constant 0 : i32
        %dma_start3A_98 = tpu.memref_slice %dma_start3A_96[%dma_start3A_87, %dma_start3A_97] : memref<16x80xi32, #tpu.memory_space<vmem>> -> memref<1x80xi32, #tpu.memory_space<vmem>>
        %dma_start3A_99 = tpu.memref_squeeze %dma_start3A_98 : memref<1x80xi32, #tpu.memory_space<vmem>> -> memref<80xi32, #tpu.memory_space<vmem>>
        %dma_start3A_100 = arith.constant 0 : i32
        %dma_start3A_101 = arith.constant 0 : i32
        %dma_start3A_102 = tpu.memref_slice %arg2[%dma_start3A_100, %dma_start3A_101] : memref<10000x128xf32, #tpu.memory_space<hbm>> -> memref<10000x128xf32, #tpu.memory_space<hbm>>
        tpu.enqueue_indirect_dma source(%dma_start3A_102 : memref<10000x128xf32, #tpu.memory_space<hbm>>) target(%dma_start3A_92 : memref<80x128xf32, #tpu.memory_space<vmem>>) offsets(%dma_start3A_99 : memref<80xi32, #tpu.memory_space<vmem>>) semaphore(%arg19 : memref<!tpu.dma_semaphore, #tpu.memory_space<semaphore_mem>>)
        %scan3A_103 = arith.constant 0 : i32
        %scan3A_104 = arith.constant 0 : i32
        %scan3A_105 = arith.constant 0 : i32
        %scan3A_106 = arith.constant 0 : i32
        %scan3A_107 = arith.constant 4 : i32
        %scan3A_108 = arith.addi %scan3A_106, %scan3A_107 : i32
        %scan3A_109 = arith.constant 1 : i32
        scf.for %scan3A_132 = %scan3A_106 to %scan3A_108 step %scan3A_109  : i32 {
          %mul3A_133 = arith.constant 4 : i32
          %mul3A_134 = arith.muli %mul3A_133, %scan3A_132 : i32
          %gt3A = arith.constant 0 : i32
          %gt3A_135 = arith.cmpi sgt, %scan3A_132, %gt3A : i32
          %convert_element_type3A_136 = arith.extui %gt3A_135 : i1 to i32
          %cond3A_137 = arith.constant 0 : i32
          %cond3A_138 = arith.cmpi ne, %convert_element_type3A_136, %cond3A_137 : i32
          scf.if %cond3A_138 {
            %sub3A = arith.constant 1 : i32
            %sub3A_388 = arith.subi %mul3A_134, %sub3A : i32
            %dma_wait3A_389 = arith.constant 3 : i32
            %dma_wait3A_390 = arith.constant 0 : i32
            %dma_wait3A_391 = arith.constant 0 : i32
            %dma_wait3A_392 = tpu.memref_slice %arg13[%dma_wait3A_389, %dma_wait3A_390, %dma_wait3A_391] : memref<4x80x128xf32, #tpu.memory_space<vmem>> -> memref<1x80x128xf32, #tpu.memory_space<vmem>>
            %dma_wait3A_393 = tpu.memref_squeeze %dma_wait3A_392 : memref<1x80x128xf32, #tpu.memory_space<vmem>> -> memref<80x128xf32, #tpu.memory_space<vmem>>
            %dma_wait3A_394 = arith.constant 0 : i32
            %dma_wait3A_395 = arith.constant 0 : i32
            %dma_wait3A_396 = tpu.memref_slice %arg12[%scan3A_104, %dma_wait3A_394, %dma_wait3A_395] : memref<2x16x80xi32, #tpu.memory_space<vmem>> -> memref<1x16x80xi32, #tpu.memory_space<vmem>>
            %dma_wait3A_397 = tpu.memref_squeeze %dma_wait3A_396 : memref<1x16x80xi32, #tpu.memory_space<vmem>> -> memref<16x80xi32, #tpu.memory_space<vmem>>
            %dma_wait3A_398 = arith.constant 0 : i32
            %dma_wait3A_399 = tpu.memref_slice %dma_wait3A_397[%sub3A_388, %dma_wait3A_398] : memref<16x80xi32, #tpu.memory_space<vmem>> -> memref<1x80xi32, #tpu.memory_space<vmem>>
            %dma_wait3A_400 = tpu.memref_squeeze %dma_wait3A_399 : memref<1x80xi32, #tpu.memory_space<vmem>> -> memref<80xi32, #tpu.memory_space<vmem>>
            %dma_wait3A_401 = arith.constant 0 : i32
            %dma_wait3A_402 = arith.constant 0 : i32
            %dma_wait3A_403 = tpu.memref_slice %arg15[%dma_wait3A_401, %dma_wait3A_402] : memref<10112x128xf32, #tpu.memory_space<vmem_shared>> -> memref<10112x128xf32, #tpu.memory_space<vmem_shared>>
            tpu.wait_indirect_dma semaphore(%arg24 : memref<!tpu.dma_semaphore, #tpu.memory_space<semaphore_mem>>) src(%dma_wait3A_393 : memref<80x128xf32, #tpu.memory_space<vmem>>) dst(%dma_wait3A_403 : memref<10112x128xf32, #tpu.memory_space<vmem_shared>>)
          } else {
          }
          %add3A_139 = arith.constant 3 : i32
          %add3A_140 = arith.addi %mul3A_134, %add3A_139 : i32
          %dma_start3A_141 = arith.constant 3 : i32
          %dma_start3A_142 = arith.constant 0 : i32
          %dma_start3A_143 = arith.constant 0 : i32
          %dma_start3A_144 = tpu.memref_slice %arg13[%dma_start3A_141, %dma_start3A_142, %dma_start3A_143] : memref<4x80x128xf32, #tpu.memory_space<vmem>> -> memref<1x80x128xf32, #tpu.memory_space<vmem>>
          %dma_start3A_145 = tpu.memref_squeeze %dma_start3A_144 : memref<1x80x128xf32, #tpu.memory_space<vmem>> -> memref<80x128xf32, #tpu.memory_space<vmem>>
          %dma_start3A_146 = arith.constant 0 : i32
          %dma_start3A_147 = arith.constant 0 : i32
          %dma_start3A_148 = tpu.memref_slice %arg11[%scan3A_105, %dma_start3A_146, %dma_start3A_147] : memref<2x16x80xi32, #tpu.memory_space<vmem>> -> memref<1x16x80xi32, #tpu.memory_space<vmem>>
          %dma_start3A_149 = tpu.memref_squeeze %dma_start3A_148 : memref<1x16x80xi32, #tpu.memory_space<vmem>> -> memref<16x80xi32, #tpu.memory_space<vmem>>
          %dma_start3A_150 = arith.constant 0 : i32
          %dma_start3A_151 = tpu.memref_slice %dma_start3A_149[%add3A_140, %dma_start3A_150] : memref<16x80xi32, #tpu.memory_space<vmem>> -> memref<1x80xi32, #tpu.memory_space<vmem>>
          %dma_start3A_152 = tpu.memref_squeeze %dma_start3A_151 : memref<1x80xi32, #tpu.memory_space<vmem>> -> memref<80xi32, #tpu.memory_space<vmem>>
          %dma_start3A_153 = arith.constant 0 : i32
          %dma_start3A_154 = arith.constant 0 : i32
          %dma_start3A_155 = tpu.memref_slice %arg2[%dma_start3A_153, %dma_start3A_154] : memref<10000x128xf32, #tpu.memory_space<hbm>> -> memref<10000x128xf32, #tpu.memory_space<hbm>>
          tpu.enqueue_indirect_dma source(%dma_start3A_155 : memref<10000x128xf32, #tpu.memory_space<hbm>>) target(%dma_start3A_145 : memref<80x128xf32, #tpu.memory_space<vmem>>) offsets(%dma_start3A_152 : memref<80xi32, #tpu.memory_space<vmem>>) semaphore(%arg20 : memref<!tpu.dma_semaphore, #tpu.memory_space<semaphore_mem>>)
          %dma_wait3A_156 = arith.constant 0 : i32
          %dma_wait3A_157 = arith.constant 0 : i32
          %dma_wait3A_158 = arith.constant 0 : i32
          %dma_wait3A_159 = tpu.memref_slice %arg13[%dma_wait3A_156, %dma_wait3A_157, %dma_wait3A_158] : memref<4x80x128xf32, #tpu.memory_space<vmem>> -> memref<1x80x128xf32, #tpu.memory_space<vmem>>
          %dma_wait3A_160 = tpu.memref_squeeze %dma_wait3A_159 : memref<1x80x128xf32, #tpu.memory_space<vmem>> -> memref<80x128xf32, #tpu.memory_space<vmem>>
          %dma_wait3A_161 = arith.constant 0 : i32
          %dma_wait3A_162 = arith.constant 0 : i32
          %dma_wait3A_163 = tpu.memref_slice %arg11[%scan3A_105, %dma_wait3A_161, %dma_wait3A_162] : memref<2x16x80xi32, #tpu.memory_space<vmem>> -> memref<1x16x80xi32, #tpu.memory_space<vmem>>
          %dma_wait3A_164 = tpu.memref_squeeze %dma_wait3A_163 : memref<1x16x80xi32, #tpu.memory_space<vmem>> -> memref<16x80xi32, #tpu.memory_space<vmem>>
          %dma_wait3A_165 = arith.constant 0 : i32
          %dma_wait3A_166 = tpu.memref_slice %dma_wait3A_164[%mul3A_134, %dma_wait3A_165] : memref<16x80xi32, #tpu.memory_space<vmem>> -> memref<1x80xi32, #tpu.memory_space<vmem>>
          %dma_wait3A_167 = tpu.memref_squeeze %dma_wait3A_166 : memref<1x80xi32, #tpu.memory_space<vmem>> -> memref<80xi32, #tpu.memory_space<vmem>>
          %dma_wait3A_168 = arith.constant 0 : i32
          %dma_wait3A_169 = arith.constant 0 : i32
          %dma_wait3A_170 = tpu.memref_slice %arg2[%dma_wait3A_168, %dma_wait3A_169] : memref<10000x128xf32, #tpu.memory_space<hbm>> -> memref<10000x128xf32, #tpu.memory_space<hbm>>
          tpu.wait_indirect_dma semaphore(%arg17 : memref<!tpu.dma_semaphore, #tpu.memory_space<semaphore_mem>>) src(%dma_wait3A_170 : memref<10000x128xf32, #tpu.memory_space<hbm>>) dst(%dma_wait3A_160 : memref<80x128xf32, #tpu.memory_space<vmem>>)
          %dma_start3A_171 = arith.constant 0 : i32
          %dma_start3A_172 = arith.constant 0 : i32
          %dma_start3A_173 = arith.constant 0 : i32
          %dma_start3A_174 = tpu.memref_slice %arg13[%dma_start3A_171, %dma_start3A_172, %dma_start3A_173] : memref<4x80x128xf32, #tpu.memory_space<vmem>> -> memref<1x80x128xf32, #tpu.memory_space<vmem>>
          %dma_start3A_175 = tpu.memref_squeeze %dma_start3A_174 : memref<1x80x128xf32, #tpu.memory_space<vmem>> -> memref<80x128xf32, #tpu.memory_space<vmem>>
          %dma_start3A_176 = arith.constant 0 : i32
          %dma_start3A_177 = arith.constant 0 : i32
          %dma_start3A_178 = tpu.memref_slice %arg12[%scan3A_104, %dma_start3A_176, %dma_start3A_177] : memref<2x16x80xi32, #tpu.memory_space<vmem>> -> memref<1x16x80xi32, #tpu.memory_space<vmem>>
          %dma_start3A_179 = tpu.memref_squeeze %dma_start3A_178 : memref<1x16x80xi32, #tpu.memory_space<vmem>> -> memref<16x80xi32, #tpu.memory_space<vmem>>
          %dma_start3A_180 = arith.constant 0 : i32
          %dma_start3A_181 = tpu.memref_slice %dma_start3A_179[%mul3A_134, %dma_start3A_180] : memref<16x80xi32, #tpu.memory_space<vmem>> -> memref<1x80xi32, #tpu.memory_space<vmem>>
          %dma_start3A_182 = tpu.memref_squeeze %dma_start3A_181 : memref<1x80xi32, #tpu.memory_space<vmem>> -> memref<80xi32, #tpu.memory_space<vmem>>
          %dma_start3A_183 = arith.constant 0 : i32
          %dma_start3A_184 = arith.constant 0 : i32
          %dma_start3A_185 = tpu.memref_slice %arg15[%dma_start3A_183, %dma_start3A_184] : memref<10112x128xf32, #tpu.memory_space<vmem_shared>> -> memref<10112x128xf32, #tpu.memory_space<vmem_shared>>
          tpu.enqueue_indirect_dma source(%dma_start3A_175 : memref<80x128xf32, #tpu.memory_space<vmem>>) target(%dma_start3A_185 : memref<10112x128xf32, #tpu.memory_space<vmem_shared>>) offsets(%dma_start3A_182 : memref<80xi32, #tpu.memory_space<vmem>>) semaphore(%arg21 : memref<!tpu.dma_semaphore, #tpu.memory_space<semaphore_mem>>) {add = true}
          %dma_start3A_186 = arith.constant 0 : i32
          %dma_start3A_187 = arith.constant 0 : i32
          %dma_start3A_188 = tpu.memref_slice %arg12[%scan3A_104, %dma_start3A_186, %dma_start3A_187] : memref<2x16x80xi32, #tpu.memory_space<vmem>> -> memref<1x16x80xi32, #tpu.memory_space<vmem>>
          %dma_start3A_189 = tpu.memref_squeeze %dma_start3A_188 : memref<1x16x80xi32, #tpu.memory_space<vmem>> -> memref<16x80xi32, #tpu.memory_space<vmem>>
          %dma_start3A_190 = arith.constant 0 : i32
          %dma_start3A_191 = tpu.memref_slice %dma_start3A_189[%mul3A_134, %dma_start3A_190] : memref<16x80xi32, #tpu.memory_space<vmem>> -> memref<1x80xi32, #tpu.memory_space<vmem>>
          %dma_start3A_192 = tpu.memref_squeeze %dma_start3A_191 : memref<1x80xi32, #tpu.memory_space<vmem>> -> memref<80xi32, #tpu.memory_space<vmem>>
          %dma_start3A_193 = arith.constant 0 : i32
          %dma_start3A_194 = tpu.memref_slice %arg16[%dma_start3A_193] : memref<10240xf32, #tpu.memory_space<vmem_shared>> -> memref<10240xf32, #tpu.memory_space<vmem_shared>>
          tpu.enqueue_indirect_dma source(%arg14 : memref<80xf32, #tpu.memory_space<vmem>>) target(%dma_start3A_194 : memref<10240xf32, #tpu.memory_space<vmem_shared>>) offsets(%dma_start3A_192 : memref<80xi32, #tpu.memory_space<vmem>>) semaphore(%arg27 : memref<!tpu.dma_semaphore, #tpu.memory_space<semaphore_mem>>) {add = true}
          %add3A_195 = arith.constant 1 : i32
          %add3A_196 = arith.addi %mul3A_134, %add3A_195 : i32
          %dma_wait3A_197 = arith.constant 1 : i32
          %dma_wait3A_198 = arith.constant 0 : i32
          %dma_wait3A_199 = arith.constant 0 : i32
          %dma_wait3A_200 = tpu.memref_slice %arg13[%dma_wait3A_197, %dma_wait3A_198, %dma_wait3A_199] : memref<4x80x128xf32, #tpu.memory_space<vmem>> -> memref<1x80x128xf32, #tpu.memory_space<vmem>>
          %dma_wait3A_201 = tpu.memref_squeeze %dma_wait3A_200 : memref<1x80x128xf32, #tpu.memory_space<vmem>> -> memref<80x128xf32, #tpu.memory_space<vmem>>
          %dma_wait3A_202 = arith.constant 0 : i32
          %dma_wait3A_203 = arith.constant 0 : i32
          %dma_wait3A_204 = tpu.memref_slice %arg11[%scan3A_105, %dma_wait3A_202, %dma_wait3A_203] : memref<2x16x80xi32, #tpu.memory_space<vmem>> -> memref<1x16x80xi32, #tpu.memory_space<vmem>>
          %dma_wait3A_205 = tpu.memref_squeeze %dma_wait3A_204 : memref<1x16x80xi32, #tpu.memory_space<vmem>> -> memref<16x80xi32, #tpu.memory_space<vmem>>
          %dma_wait3A_206 = arith.constant 0 : i32
          %dma_wait3A_207 = tpu.memref_slice %dma_wait3A_205[%add3A_196, %dma_wait3A_206] : memref<16x80xi32, #tpu.memory_space<vmem>> -> memref<1x80xi32, #tpu.memory_space<vmem>>
          %dma_wait3A_208 = tpu.memref_squeeze %dma_wait3A_207 : memref<1x80xi32, #tpu.memory_space<vmem>> -> memref<80xi32, #tpu.memory_space<vmem>>
          %dma_wait3A_209 = arith.constant 0 : i32
          %dma_wait3A_210 = arith.constant 0 : i32
          %dma_wait3A_211 = tpu.memref_slice %arg2[%dma_wait3A_209, %dma_wait3A_210] : memref<10000x128xf32, #tpu.memory_space<hbm>> -> memref<10000x128xf32, #tpu.memory_space<hbm>>
          tpu.wait_indirect_dma semaphore(%arg18 : memref<!tpu.dma_semaphore, #tpu.memory_space<semaphore_mem>>) src(%dma_wait3A_211 : memref<10000x128xf32, #tpu.memory_space<hbm>>) dst(%dma_wait3A_201 : memref<80x128xf32, #tpu.memory_space<vmem>>)
          %add3A_212 = arith.constant 1 : i32
          %add3A_213 = arith.addi %mul3A_134, %add3A_212 : i32
          %dma_start3A_214 = arith.constant 1 : i32
          %dma_start3A_215 = arith.constant 0 : i32
          %dma_start3A_216 = arith.constant 0 : i32
          %dma_start3A_217 = tpu.memref_slice %arg13[%dma_start3A_214, %dma_start3A_215, %dma_start3A_216] : memref<4x80x128xf32, #tpu.memory_space<vmem>> -> memref<1x80x128xf32, #tpu.memory_space<vmem>>
          %dma_start3A_218 = tpu.memref_squeeze %dma_start3A_217 : memref<1x80x128xf32, #tpu.memory_space<vmem>> -> memref<80x128xf32, #tpu.memory_space<vmem>>
          %dma_start3A_219 = arith.constant 0 : i32
          %dma_start3A_220 = arith.constant 0 : i32
          %dma_start3A_221 = tpu.memref_slice %arg12[%scan3A_104, %dma_start3A_219, %dma_start3A_220] : memref<2x16x80xi32, #tpu.memory_space<vmem>> -> memref<1x16x80xi32, #tpu.memory_space<vmem>>
          %dma_start3A_222 = tpu.memref_squeeze %dma_start3A_221 : memref<1x16x80xi32, #tpu.memory_space<vmem>> -> memref<16x80xi32, #tpu.memory_space<vmem>>
          %dma_start3A_223 = arith.constant 0 : i32
          %dma_start3A_224 = tpu.memref_slice %dma_start3A_222[%add3A_213, %dma_start3A_223] : memref<16x80xi32, #tpu.memory_space<vmem>> -> memref<1x80xi32, #tpu.memory_space<vmem>>
          %dma_start3A_225 = tpu.memref_squeeze %dma_start3A_224 : memref<1x80xi32, #tpu.memory_space<vmem>> -> memref<80xi32, #tpu.memory_space<vmem>>
          %dma_start3A_226 = arith.constant 0 : i32
          %dma_start3A_227 = arith.constant 0 : i32
          %dma_start3A_228 = tpu.memref_slice %arg15[%dma_start3A_226, %dma_start3A_227] : memref<10112x128xf32, #tpu.memory_space<vmem_shared>> -> memref<10112x128xf32, #tpu.memory_space<vmem_shared>>
          tpu.enqueue_indirect_dma source(%dma_start3A_218 : memref<80x128xf32, #tpu.memory_space<vmem>>) target(%dma_start3A_228 : memref<10112x128xf32, #tpu.memory_space<vmem_shared>>) offsets(%dma_start3A_225 : memref<80xi32, #tpu.memory_space<vmem>>) semaphore(%arg22 : memref<!tpu.dma_semaphore, #tpu.memory_space<semaphore_mem>>) {add = true}
          %dma_start3A_229 = arith.constant 0 : i32
          %dma_start3A_230 = arith.constant 0 : i32
          %dma_start3A_231 = tpu.memref_slice %arg12[%scan3A_104, %dma_start3A_229, %dma_start3A_230] : memref<2x16x80xi32, #tpu.memory_space<vmem>> -> memref<1x16x80xi32, #tpu.memory_space<vmem>>
          %dma_start3A_232 = tpu.memref_squeeze %dma_start3A_231 : memref<1x16x80xi32, #tpu.memory_space<vmem>> -> memref<16x80xi32, #tpu.memory_space<vmem>>
          %dma_start3A_233 = arith.constant 0 : i32
          %dma_start3A_234 = tpu.memref_slice %dma_start3A_232[%add3A_213, %dma_start3A_233] : memref<16x80xi32, #tpu.memory_space<vmem>> -> memref<1x80xi32, #tpu.memory_space<vmem>>
          %dma_start3A_235 = tpu.memref_squeeze %dma_start3A_234 : memref<1x80xi32, #tpu.memory_space<vmem>> -> memref<80xi32, #tpu.memory_space<vmem>>
          %dma_start3A_236 = arith.constant 0 : i32
          %dma_start3A_237 = tpu.memref_slice %arg16[%dma_start3A_236] : memref<10240xf32, #tpu.memory_space<vmem_shared>> -> memref<10240xf32, #tpu.memory_space<vmem_shared>>
          tpu.enqueue_indirect_dma source(%arg14 : memref<80xf32, #tpu.memory_space<vmem>>) target(%dma_start3A_237 : memref<10240xf32, #tpu.memory_space<vmem_shared>>) offsets(%dma_start3A_235 : memref<80xi32, #tpu.memory_space<vmem>>) semaphore(%arg27 : memref<!tpu.dma_semaphore, #tpu.memory_space<semaphore_mem>>) {add = true}
          %dma_wait3A_238 = arith.constant 0 : i32
          %dma_wait3A_239 = arith.constant 0 : i32
          %dma_wait3A_240 = arith.constant 0 : i32
          %dma_wait3A_241 = tpu.memref_slice %arg13[%dma_wait3A_238, %dma_wait3A_239, %dma_wait3A_240] : memref<4x80x128xf32, #tpu.memory_space<vmem>> -> memref<1x80x128xf32, #tpu.memory_space<vmem>>
          %dma_wait3A_242 = tpu.memref_squeeze %dma_wait3A_241 : memref<1x80x128xf32, #tpu.memory_space<vmem>> -> memref<80x128xf32, #tpu.memory_space<vmem>>
          %dma_wait3A_243 = arith.constant 0 : i32
          %dma_wait3A_244 = arith.constant 0 : i32
          %dma_wait3A_245 = tpu.memref_slice %arg12[%scan3A_104, %dma_wait3A_243, %dma_wait3A_244] : memref<2x16x80xi32, #tpu.memory_space<vmem>> -> memref<1x16x80xi32, #tpu.memory_space<vmem>>
          %dma_wait3A_246 = tpu.memref_squeeze %dma_wait3A_245 : memref<1x16x80xi32, #tpu.memory_space<vmem>> -> memref<16x80xi32, #tpu.memory_space<vmem>>
          %dma_wait3A_247 = arith.constant 0 : i32
          %dma_wait3A_248 = tpu.memref_slice %dma_wait3A_246[%mul3A_134, %dma_wait3A_247] : memref<16x80xi32, #tpu.memory_space<vmem>> -> memref<1x80xi32, #tpu.memory_space<vmem>>
          %dma_wait3A_249 = tpu.memref_squeeze %dma_wait3A_248 : memref<1x80xi32, #tpu.memory_space<vmem>> -> memref<80xi32, #tpu.memory_space<vmem>>
          %dma_wait3A_250 = arith.constant 0 : i32
          %dma_wait3A_251 = arith.constant 0 : i32
          %dma_wait3A_252 = tpu.memref_slice %arg15[%dma_wait3A_250, %dma_wait3A_251] : memref<10112x128xf32, #tpu.memory_space<vmem_shared>> -> memref<10112x128xf32, #tpu.memory_space<vmem_shared>>
          tpu.wait_indirect_dma semaphore(%arg21 : memref<!tpu.dma_semaphore, #tpu.memory_space<semaphore_mem>>) src(%dma_wait3A_242 : memref<80x128xf32, #tpu.memory_space<vmem>>) dst(%dma_wait3A_252 : memref<10112x128xf32, #tpu.memory_space<vmem_shared>>)
          %lt3A_253 = arith.constant 3 : i32
          %lt3A_254 = arith.cmpi slt, %scan3A_132, %lt3A_253 : i32
          %convert_element_type3A_255 = arith.extui %lt3A_254 : i1 to i32
          %cond3A_256 = arith.constant 0 : i32
          %cond3A_257 = arith.cmpi ne, %convert_element_type3A_255, %cond3A_256 : i32
          scf.if %cond3A_257 {
            %add3A_388 = arith.constant 4 : i32
            %add3A_389 = arith.addi %mul3A_134, %add3A_388 : i32
            %dma_start3A_390 = arith.constant 0 : i32
            %dma_start3A_391 = arith.constant 0 : i32
            %dma_start3A_392 = arith.constant 0 : i32
            %dma_start3A_393 = tpu.memref_slice %arg13[%dma_start3A_390, %dma_start3A_391, %dma_start3A_392] : memref<4x80x128xf32, #tpu.memory_space<vmem>> -> memref<1x80x128xf32, #tpu.memory_space<vmem>>
            %dma_start3A_394 = tpu.memref_squeeze %dma_start3A_393 : memref<1x80x128xf32, #tpu.memory_space<vmem>> -> memref<80x128xf32, #tpu.memory_space<vmem>>
            %dma_start3A_395 = arith.constant 0 : i32
            %dma_start3A_396 = arith.constant 0 : i32
            %dma_start3A_397 = tpu.memref_slice %arg11[%scan3A_105, %dma_start3A_395, %dma_start3A_396] : memref<2x16x80xi32, #tpu.memory_space<vmem>> -> memref<1x16x80xi32, #tpu.memory_space<vmem>>
            %dma_start3A_398 = tpu.memref_squeeze %dma_start3A_397 : memref<1x16x80xi32, #tpu.memory_space<vmem>> -> memref<16x80xi32, #tpu.memory_space<vmem>>
            %dma_start3A_399 = arith.constant 0 : i32
            %dma_start3A_400 = tpu.memref_slice %dma_start3A_398[%add3A_389, %dma_start3A_399] : memref<16x80xi32, #tpu.memory_space<vmem>> -> memref<1x80xi32, #tpu.memory_space<vmem>>
            %dma_start3A_401 = tpu.memref_squeeze %dma_start3A_400 : memref<1x80xi32, #tpu.memory_space<vmem>> -> memref<80xi32, #tpu.memory_space<vmem>>
            %dma_start3A_402 = arith.constant 0 : i32
            %dma_start3A_403 = arith.constant 0 : i32
            %dma_start3A_404 = tpu.memref_slice %arg2[%dma_start3A_402, %dma_start3A_403] : memref<10000x128xf32, #tpu.memory_space<hbm>> -> memref<10000x128xf32, #tpu.memory_space<hbm>>
            tpu.enqueue_indirect_dma source(%dma_start3A_404 : memref<10000x128xf32, #tpu.memory_space<hbm>>) target(%dma_start3A_394 : memref<80x128xf32, #tpu.memory_space<vmem>>) offsets(%dma_start3A_401 : memref<80xi32, #tpu.memory_space<vmem>>) semaphore(%arg17 : memref<!tpu.dma_semaphore, #tpu.memory_space<semaphore_mem>>)
          } else {
          }
          %add3A_258 = arith.constant 2 : i32
          %add3A_259 = arith.addi %mul3A_134, %add3A_258 : i32
          %dma_wait3A_260 = arith.constant 2 : i32
          %dma_wait3A_261 = arith.constant 0 : i32
          %dma_wait3A_262 = arith.constant 0 : i32
          %dma_wait3A_263 = tpu.memref_slice %arg13[%dma_wait3A_260, %dma_wait3A_261, %dma_wait3A_262] : memref<4x80x128xf32, #tpu.memory_space<vmem>> -> memref<1x80x128xf32, #tpu.memory_space<vmem>>
          %dma_wait3A_264 = tpu.memref_squeeze %dma_wait3A_263 : memref<1x80x128xf32, #tpu.memory_space<vmem>> -> memref<80x128xf32, #tpu.memory_space<vmem>>
          %dma_wait3A_265 = arith.constant 0 : i32
          %dma_wait3A_266 = arith.constant 0 : i32
          %dma_wait3A_267 = tpu.memref_slice %arg11[%scan3A_105, %dma_wait3A_265, %dma_wait3A_266] : memref<2x16x80xi32, #tpu.memory_space<vmem>> -> memref<1x16x80xi32, #tpu.memory_space<vmem>>
          %dma_wait3A_268 = tpu.memref_squeeze %dma_wait3A_267 : memref<1x16x80xi32, #tpu.memory_space<vmem>> -> memref<16x80xi32, #tpu.memory_space<vmem>>
          %dma_wait3A_269 = arith.constant 0 : i32
          %dma_wait3A_270 = tpu.memref_slice %dma_wait3A_268[%add3A_259, %dma_wait3A_269] : memref<16x80xi32, #tpu.memory_space<vmem>> -> memref<1x80xi32, #tpu.memory_space<vmem>>
          %dma_wait3A_271 = tpu.memref_squeeze %dma_wait3A_270 : memref<1x80xi32, #tpu.memory_space<vmem>> -> memref<80xi32, #tpu.memory_space<vmem>>
          %dma_wait3A_272 = arith.constant 0 : i32
          %dma_wait3A_273 = arith.constant 0 : i32
          %dma_wait3A_274 = tpu.memref_slice %arg2[%dma_wait3A_272, %dma_wait3A_273] : memref<10000x128xf32, #tpu.memory_space<hbm>> -> memref<10000x128xf32, #tpu.memory_space<hbm>>
          tpu.wait_indirect_dma semaphore(%arg19 : memref<!tpu.dma_semaphore, #tpu.memory_space<semaphore_mem>>) src(%dma_wait3A_274 : memref<10000x128xf32, #tpu.memory_space<hbm>>) dst(%dma_wait3A_264 : memref<80x128xf32, #tpu.memory_space<vmem>>)
          %add3A_275 = arith.constant 2 : i32
          %add3A_276 = arith.addi %mul3A_134, %add3A_275 : i32
          %dma_start3A_277 = arith.constant 2 : i32
          %dma_start3A_278 = arith.constant 0 : i32
          %dma_start3A_279 = arith.constant 0 : i32
          %dma_start3A_280 = tpu.memref_slice %arg13[%dma_start3A_277, %dma_start3A_278, %dma_start3A_279] : memref<4x80x128xf32, #tpu.memory_space<vmem>> -> memref<1x80x128xf32, #tpu.memory_space<vmem>>
          %dma_start3A_281 = tpu.memref_squeeze %dma_start3A_280 : memref<1x80x128xf32, #tpu.memory_space<vmem>> -> memref<80x128xf32, #tpu.memory_space<vmem>>
          %dma_start3A_282 = arith.constant 0 : i32
          %dma_start3A_283 = arith.constant 0 : i32
          %dma_start3A_284 = tpu.memref_slice %arg12[%scan3A_104, %dma_start3A_282, %dma_start3A_283] : memref<2x16x80xi32, #tpu.memory_space<vmem>> -> memref<1x16x80xi32, #tpu.memory_space<vmem>>
          %dma_start3A_285 = tpu.memref_squeeze %dma_start3A_284 : memref<1x16x80xi32, #tpu.memory_space<vmem>> -> memref<16x80xi32, #tpu.memory_space<vmem>>
          %dma_start3A_286 = arith.constant 0 : i32
          %dma_start3A_287 = tpu.memref_slice %dma_start3A_285[%add3A_276, %dma_start3A_286] : memref<16x80xi32, #tpu.memory_space<vmem>> -> memref<1x80xi32, #tpu.memory_space<vmem>>
          %dma_start3A_288 = tpu.memref_squeeze %dma_start3A_287 : memref<1x80xi32, #tpu.memory_space<vmem>> -> memref<80xi32, #tpu.memory_space<vmem>>
          %dma_start3A_289 = arith.constant 0 : i32
          %dma_start3A_290 = arith.constant 0 : i32
          %dma_start3A_291 = tpu.memref_slice %arg15[%dma_start3A_289, %dma_start3A_290] : memref<10112x128xf32, #tpu.memory_space<vmem_shared>> -> memref<10112x128xf32, #tpu.memory_space<vmem_shared>>
          tpu.enqueue_indirect_dma source(%dma_start3A_281 : memref<80x128xf32, #tpu.memory_space<vmem>>) target(%dma_start3A_291 : memref<10112x128xf32, #tpu.memory_space<vmem_shared>>) offsets(%dma_start3A_288 : memref<80xi32, #tpu.memory_space<vmem>>) semaphore(%arg23 : memref<!tpu.dma_semaphore, #tpu.memory_space<semaphore_mem>>) {add = true}
          %dma_start3A_292 = arith.constant 0 : i32
          %dma_start3A_293 = arith.constant 0 : i32
          %dma_start3A_294 = tpu.memref_slice %arg12[%scan3A_104, %dma_start3A_292, %dma_start3A_293] : memref<2x16x80xi32, #tpu.memory_space<vmem>> -> memref<1x16x80xi32, #tpu.memory_space<vmem>>
          %dma_start3A_295 = tpu.memref_squeeze %dma_start3A_294 : memref<1x16x80xi32, #tpu.memory_space<vmem>> -> memref<16x80xi32, #tpu.memory_space<vmem>>
          %dma_start3A_296 = arith.constant 0 : i32
          %dma_start3A_297 = tpu.memref_slice %dma_start3A_295[%add3A_276, %dma_start3A_296] : memref<16x80xi32, #tpu.memory_space<vmem>> -> memref<1x80xi32, #tpu.memory_space<vmem>>
          %dma_start3A_298 = tpu.memref_squeeze %dma_start3A_297 : memref<1x80xi32, #tpu.memory_space<vmem>> -> memref<80xi32, #tpu.memory_space<vmem>>
          %dma_start3A_299 = arith.constant 0 : i32
          %dma_start3A_300 = tpu.memref_slice %arg16[%dma_start3A_299] : memref<10240xf32, #tpu.memory_space<vmem_shared>> -> memref<10240xf32, #tpu.memory_space<vmem_shared>>
          tpu.enqueue_indirect_dma source(%arg14 : memref<80xf32, #tpu.memory_space<vmem>>) target(%dma_start3A_300 : memref<10240xf32, #tpu.memory_space<vmem_shared>>) offsets(%dma_start3A_298 : memref<80xi32, #tpu.memory_space<vmem>>) semaphore(%arg27 : memref<!tpu.dma_semaphore, #tpu.memory_space<semaphore_mem>>) {add = true}
          %add3A_301 = arith.constant 1 : i32
          %add3A_302 = arith.addi %mul3A_134, %add3A_301 : i32
          %dma_wait3A_303 = arith.constant 1 : i32
          %dma_wait3A_304 = arith.constant 0 : i32
          %dma_wait3A_305 = arith.constant 0 : i32
          %dma_wait3A_306 = tpu.memref_slice %arg13[%dma_wait3A_303, %dma_wait3A_304, %dma_wait3A_305] : memref<4x80x128xf32, #tpu.memory_space<vmem>> -> memref<1x80x128xf32, #tpu.memory_space<vmem>>
          %dma_wait3A_307 = tpu.memref_squeeze %dma_wait3A_306 : memref<1x80x128xf32, #tpu.memory_space<vmem>> -> memref<80x128xf32, #tpu.memory_space<vmem>>
          %dma_wait3A_308 = arith.constant 0 : i32
          %dma_wait3A_309 = arith.constant 0 : i32
          %dma_wait3A_310 = tpu.memref_slice %arg12[%scan3A_104, %dma_wait3A_308, %dma_wait3A_309] : memref<2x16x80xi32, #tpu.memory_space<vmem>> -> memref<1x16x80xi32, #tpu.memory_space<vmem>>
          %dma_wait3A_311 = tpu.memref_squeeze %dma_wait3A_310 : memref<1x16x80xi32, #tpu.memory_space<vmem>> -> memref<16x80xi32, #tpu.memory_space<vmem>>
          %dma_wait3A_312 = arith.constant 0 : i32
          %dma_wait3A_313 = tpu.memref_slice %dma_wait3A_311[%add3A_302, %dma_wait3A_312] : memref<16x80xi32, #tpu.memory_space<vmem>> -> memref<1x80xi32, #tpu.memory_space<vmem>>
          %dma_wait3A_314 = tpu.memref_squeeze %dma_wait3A_313 : memref<1x80xi32, #tpu.memory_space<vmem>> -> memref<80xi32, #tpu.memory_space<vmem>>
          %dma_wait3A_315 = arith.constant 0 : i32
          %dma_wait3A_316 = arith.constant 0 : i32
          %dma_wait3A_317 = tpu.memref_slice %arg15[%dma_wait3A_315, %dma_wait3A_316] : memref<10112x128xf32, #tpu.memory_space<vmem_shared>> -> memref<10112x128xf32, #tpu.memory_space<vmem_shared>>
          tpu.wait_indirect_dma semaphore(%arg22 : memref<!tpu.dma_semaphore, #tpu.memory_space<semaphore_mem>>) src(%dma_wait3A_307 : memref<80x128xf32, #tpu.memory_space<vmem>>) dst(%dma_wait3A_317 : memref<10112x128xf32, #tpu.memory_space<vmem_shared>>)
          %lt3A_318 = arith.constant 3 : i32
          %lt3A_319 = arith.cmpi slt, %scan3A_132, %lt3A_318 : i32
          %convert_element_type3A_320 = arith.extui %lt3A_319 : i1 to i32
          %cond3A_321 = arith.constant 0 : i32
          %cond3A_322 = arith.cmpi ne, %convert_element_type3A_320, %cond3A_321 : i32
          scf.if %cond3A_322 {
            %add3A_388 = arith.constant 5 : i32
            %add3A_389 = arith.addi %mul3A_134, %add3A_388 : i32
            %dma_start3A_390 = arith.constant 1 : i32
            %dma_start3A_391 = arith.constant 0 : i32
            %dma_start3A_392 = arith.constant 0 : i32
            %dma_start3A_393 = tpu.memref_slice %arg13[%dma_start3A_390, %dma_start3A_391, %dma_start3A_392] : memref<4x80x128xf32, #tpu.memory_space<vmem>> -> memref<1x80x128xf32, #tpu.memory_space<vmem>>
            %dma_start3A_394 = tpu.memref_squeeze %dma_start3A_393 : memref<1x80x128xf32, #tpu.memory_space<vmem>> -> memref<80x128xf32, #tpu.memory_space<vmem>>
            %dma_start3A_395 = arith.constant 0 : i32
            %dma_start3A_396 = arith.constant 0 : i32
            %dma_start3A_397 = tpu.memref_slice %arg11[%scan3A_105, %dma_start3A_395, %dma_start3A_396] : memref<2x16x80xi32, #tpu.memory_space<vmem>> -> memref<1x16x80xi32, #tpu.memory_space<vmem>>
            %dma_start3A_398 = tpu.memref_squeeze %dma_start3A_397 : memref<1x16x80xi32, #tpu.memory_space<vmem>> -> memref<16x80xi32, #tpu.memory_space<vmem>>
            %dma_start3A_399 = arith.constant 0 : i32
            %dma_start3A_400 = tpu.memref_slice %dma_start3A_398[%add3A_389, %dma_start3A_399] : memref<16x80xi32, #tpu.memory_space<vmem>> -> memref<1x80xi32, #tpu.memory_space<vmem>>
            %dma_start3A_401 = tpu.memref_squeeze %dma_start3A_400 : memref<1x80xi32, #tpu.memory_space<vmem>> -> memref<80xi32, #tpu.memory_space<vmem>>
            %dma_start3A_402 = arith.constant 0 : i32
            %dma_start3A_403 = arith.constant 0 : i32
            %dma_start3A_404 = tpu.memref_slice %arg2[%dma_start3A_402, %dma_start3A_403] : memref<10000x128xf32, #tpu.memory_space<hbm>> -> memref<10000x128xf32, #tpu.memory_space<hbm>>
            tpu.enqueue_indirect_dma source(%dma_start3A_404 : memref<10000x128xf32, #tpu.memory_space<hbm>>) target(%dma_start3A_394 : memref<80x128xf32, #tpu.memory_space<vmem>>) offsets(%dma_start3A_401 : memref<80xi32, #tpu.memory_space<vmem>>) semaphore(%arg18 : memref<!tpu.dma_semaphore, #tpu.memory_space<semaphore_mem>>)
          } else {
          }
          %add3A_323 = arith.constant 3 : i32
          %add3A_324 = arith.addi %mul3A_134, %add3A_323 : i32
          %dma_wait3A_325 = arith.constant 3 : i32
          %dma_wait3A_326 = arith.constant 0 : i32
          %dma_wait3A_327 = arith.constant 0 : i32
          %dma_wait3A_328 = tpu.memref_slice %arg13[%dma_wait3A_325, %dma_wait3A_326, %dma_wait3A_327] : memref<4x80x128xf32, #tpu.memory_space<vmem>> -> memref<1x80x128xf32, #tpu.memory_space<vmem>>
          %dma_wait3A_329 = tpu.memref_squeeze %dma_wait3A_328 : memref<1x80x128xf32, #tpu.memory_space<vmem>> -> memref<80x128xf32, #tpu.memory_space<vmem>>
          %dma_wait3A_330 = arith.constant 0 : i32
          %dma_wait3A_331 = arith.constant 0 : i32
          %dma_wait3A_332 = tpu.memref_slice %arg11[%scan3A_105, %dma_wait3A_330, %dma_wait3A_331] : memref<2x16x80xi32, #tpu.memory_space<vmem>> -> memref<1x16x80xi32, #tpu.memory_space<vmem>>
          %dma_wait3A_333 = tpu.memref_squeeze %dma_wait3A_332 : memref<1x16x80xi32, #tpu.memory_space<vmem>> -> memref<16x80xi32, #tpu.memory_space<vmem>>
          %dma_wait3A_334 = arith.constant 0 : i32
          %dma_wait3A_335 = tpu.memref_slice %dma_wait3A_333[%add3A_324, %dma_wait3A_334] : memref<16x80xi32, #tpu.memory_space<vmem>> -> memref<1x80xi32, #tpu.memory_space<vmem>>
          %dma_wait3A_336 = tpu.memref_squeeze %dma_wait3A_335 : memref<1x80xi32, #tpu.memory_space<vmem>> -> memref<80xi32, #tpu.memory_space<vmem>>
          %dma_wait3A_337 = arith.constant 0 : i32
          %dma_wait3A_338 = arith.constant 0 : i32
          %dma_wait3A_339 = tpu.memref_slice %arg2[%dma_wait3A_337, %dma_wait3A_338] : memref<10000x128xf32, #tpu.memory_space<hbm>> -> memref<10000x128xf32, #tpu.memory_space<hbm>>
          tpu.wait_indirect_dma semaphore(%arg20 : memref<!tpu.dma_semaphore, #tpu.memory_space<semaphore_mem>>) src(%dma_wait3A_339 : memref<10000x128xf32, #tpu.memory_space<hbm>>) dst(%dma_wait3A_329 : memref<80x128xf32, #tpu.memory_space<vmem>>)
          %add3A_340 = arith.constant 3 : i32
          %add3A_341 = arith.addi %mul3A_134, %add3A_340 : i32
          %dma_start3A_342 = arith.constant 3 : i32
          %dma_start3A_343 = arith.constant 0 : i32
          %dma_start3A_344 = arith.constant 0 : i32
          %dma_start3A_345 = tpu.memref_slice %arg13[%dma_start3A_342, %dma_start3A_343, %dma_start3A_344] : memref<4x80x128xf32, #tpu.memory_space<vmem>> -> memref<1x80x128xf32, #tpu.memory_space<vmem>>
          %dma_start3A_346 = tpu.memref_squeeze %dma_start3A_345 : memref<1x80x128xf32, #tpu.memory_space<vmem>> -> memref<80x128xf32, #tpu.memory_space<vmem>>
          %dma_start3A_347 = arith.constant 0 : i32
          %dma_start3A_348 = arith.constant 0 : i32
          %dma_start3A_349 = tpu.memref_slice %arg12[%scan3A_104, %dma_start3A_347, %dma_start3A_348] : memref<2x16x80xi32, #tpu.memory_space<vmem>> -> memref<1x16x80xi32, #tpu.memory_space<vmem>>
          %dma_start3A_350 = tpu.memref_squeeze %dma_start3A_349 : memref<1x16x80xi32, #tpu.memory_space<vmem>> -> memref<16x80xi32, #tpu.memory_space<vmem>>
          %dma_start3A_351 = arith.constant 0 : i32
          %dma_start3A_352 = tpu.memref_slice %dma_start3A_350[%add3A_341, %dma_start3A_351] : memref<16x80xi32, #tpu.memory_space<vmem>> -> memref<1x80xi32, #tpu.memory_space<vmem>>
          %dma_start3A_353 = tpu.memref_squeeze %dma_start3A_352 : memref<1x80xi32, #tpu.memory_space<vmem>> -> memref<80xi32, #tpu.memory_space<vmem>>
          %dma_start3A_354 = arith.constant 0 : i32
          %dma_start3A_355 = arith.constant 0 : i32
          %dma_start3A_356 = tpu.memref_slice %arg15[%dma_start3A_354, %dma_start3A_355] : memref<10112x128xf32, #tpu.memory_space<vmem_shared>> -> memref<10112x128xf32, #tpu.memory_space<vmem_shared>>
          tpu.enqueue_indirect_dma source(%dma_start3A_346 : memref<80x128xf32, #tpu.memory_space<vmem>>) target(%dma_start3A_356 : memref<10112x128xf32, #tpu.memory_space<vmem_shared>>) offsets(%dma_start3A_353 : memref<80xi32, #tpu.memory_space<vmem>>) semaphore(%arg24 : memref<!tpu.dma_semaphore, #tpu.memory_space<semaphore_mem>>) {add = true}
          %dma_start3A_357 = arith.constant 0 : i32
          %dma_start3A_358 = arith.constant 0 : i32
          %dma_start3A_359 = tpu.memref_slice %arg12[%scan3A_104, %dma_start3A_357, %dma_start3A_358] : memref<2x16x80xi32, #tpu.memory_space<vmem>> -> memref<1x16x80xi32, #tpu.memory_space<vmem>>
          %dma_start3A_360 = tpu.memref_squeeze %dma_start3A_359 : memref<1x16x80xi32, #tpu.memory_space<vmem>> -> memref<16x80xi32, #tpu.memory_space<vmem>>
          %dma_start3A_361 = arith.constant 0 : i32
          %dma_start3A_362 = tpu.memref_slice %dma_start3A_360[%add3A_341, %dma_start3A_361] : memref<16x80xi32, #tpu.memory_space<vmem>> -> memref<1x80xi32, #tpu.memory_space<vmem>>
          %dma_start3A_363 = tpu.memref_squeeze %dma_start3A_362 : memref<1x80xi32, #tpu.memory_space<vmem>> -> memref<80xi32, #tpu.memory_space<vmem>>
          %dma_start3A_364 = arith.constant 0 : i32
          %dma_start3A_365 = tpu.memref_slice %arg16[%dma_start3A_364] : memref<10240xf32, #tpu.memory_space<vmem_shared>> -> memref<10240xf32, #tpu.memory_space<vmem_shared>>
          tpu.enqueue_indirect_dma source(%arg14 : memref<80xf32, #tpu.memory_space<vmem>>) target(%dma_start3A_365 : memref<10240xf32, #tpu.memory_space<vmem_shared>>) offsets(%dma_start3A_363 : memref<80xi32, #tpu.memory_space<vmem>>) semaphore(%arg27 : memref<!tpu.dma_semaphore, #tpu.memory_space<semaphore_mem>>) {add = true}
          %add3A_366 = arith.constant 2 : i32
          %add3A_367 = arith.addi %mul3A_134, %add3A_366 : i32
          %dma_wait3A_368 = arith.constant 2 : i32
          %dma_wait3A_369 = arith.constant 0 : i32
          %dma_wait3A_370 = arith.constant 0 : i32
          %dma_wait3A_371 = tpu.memref_slice %arg13[%dma_wait3A_368, %dma_wait3A_369, %dma_wait3A_370] : memref<4x80x128xf32, #tpu.memory_space<vmem>> -> memref<1x80x128xf32, #tpu.memory_space<vmem>>
          %dma_wait3A_372 = tpu.memref_squeeze %dma_wait3A_371 : memref<1x80x128xf32, #tpu.memory_space<vmem>> -> memref<80x128xf32, #tpu.memory_space<vmem>>
          %dma_wait3A_373 = arith.constant 0 : i32
          %dma_wait3A_374 = arith.constant 0 : i32
          %dma_wait3A_375 = tpu.memref_slice %arg12[%scan3A_104, %dma_wait3A_373, %dma_wait3A_374] : memref<2x16x80xi32, #tpu.memory_space<vmem>> -> memref<1x16x80xi32, #tpu.memory_space<vmem>>
          %dma_wait3A_376 = tpu.memref_squeeze %dma_wait3A_375 : memref<1x16x80xi32, #tpu.memory_space<vmem>> -> memref<16x80xi32, #tpu.memory_space<vmem>>
          %dma_wait3A_377 = arith.constant 0 : i32
          %dma_wait3A_378 = tpu.memref_slice %dma_wait3A_376[%add3A_367, %dma_wait3A_377] : memref<16x80xi32, #tpu.memory_space<vmem>> -> memref<1x80xi32, #tpu.memory_space<vmem>>
          %dma_wait3A_379 = tpu.memref_squeeze %dma_wait3A_378 : memref<1x80xi32, #tpu.memory_space<vmem>> -> memref<80xi32, #tpu.memory_space<vmem>>
          %dma_wait3A_380 = arith.constant 0 : i32
          %dma_wait3A_381 = arith.constant 0 : i32
          %dma_wait3A_382 = tpu.memref_slice %arg15[%dma_wait3A_380, %dma_wait3A_381] : memref<10112x128xf32, #tpu.memory_space<vmem_shared>> -> memref<10112x128xf32, #tpu.memory_space<vmem_shared>>
          tpu.wait_indirect_dma semaphore(%arg23 : memref<!tpu.dma_semaphore, #tpu.memory_space<semaphore_mem>>) src(%dma_wait3A_372 : memref<80x128xf32, #tpu.memory_space<vmem>>) dst(%dma_wait3A_382 : memref<10112x128xf32, #tpu.memory_space<vmem_shared>>)
          %lt3A_383 = arith.constant 3 : i32
          %lt3A_384 = arith.cmpi slt, %scan3A_132, %lt3A_383 : i32
          %convert_element_type3A_385 = arith.extui %lt3A_384 : i1 to i32
          %cond3A_386 = arith.constant 0 : i32
          %cond3A_387 = arith.cmpi ne, %convert_element_type3A_385, %cond3A_386 : i32
          scf.if %cond3A_387 {
            %add3A_388 = arith.constant 6 : i32
            %add3A_389 = arith.addi %mul3A_134, %add3A_388 : i32
            %dma_start3A_390 = arith.constant 2 : i32
            %dma_start3A_391 = arith.constant 0 : i32
            %dma_start3A_392 = arith.constant 0 : i32
            %dma_start3A_393 = tpu.memref_slice %arg13[%dma_start3A_390, %dma_start3A_391, %dma_start3A_392] : memref<4x80x128xf32, #tpu.memory_space<vmem>> -> memref<1x80x128xf32, #tpu.memory_space<vmem>>
            %dma_start3A_394 = tpu.memref_squeeze %dma_start3A_393 : memref<1x80x128xf32, #tpu.memory_space<vmem>> -> memref<80x128xf32, #tpu.memory_space<vmem>>
            %dma_start3A_395 = arith.constant 0 : i32
            %dma_start3A_396 = arith.constant 0 : i32
            %dma_start3A_397 = tpu.memref_slice %arg11[%scan3A_105, %dma_start3A_395, %dma_start3A_396] : memref<2x16x80xi32, #tpu.memory_space<vmem>> -> memref<1x16x80xi32, #tpu.memory_space<vmem>>
            %dma_start3A_398 = tpu.memref_squeeze %dma_start3A_397 : memref<1x16x80xi32, #tpu.memory_space<vmem>> -> memref<16x80xi32, #tpu.memory_space<vmem>>
            %dma_start3A_399 = arith.constant 0 : i32
            %dma_start3A_400 = tpu.memref_slice %dma_start3A_398[%add3A_389, %dma_start3A_399] : memref<16x80xi32, #tpu.memory_space<vmem>> -> memref<1x80xi32, #tpu.memory_space<vmem>>
            %dma_start3A_401 = tpu.memref_squeeze %dma_start3A_400 : memref<1x80xi32, #tpu.memory_space<vmem>> -> memref<80xi32, #tpu.memory_space<vmem>>
            %dma_start3A_402 = arith.constant 0 : i32
            %dma_start3A_403 = arith.constant 0 : i32
            %dma_start3A_404 = tpu.memref_slice %arg2[%dma_start3A_402, %dma_start3A_403] : memref<10000x128xf32, #tpu.memory_space<hbm>> -> memref<10000x128xf32, #tpu.memory_space<hbm>>
            tpu.enqueue_indirect_dma source(%dma_start3A_404 : memref<10000x128xf32, #tpu.memory_space<hbm>>) target(%dma_start3A_394 : memref<80x128xf32, #tpu.memory_space<vmem>>) offsets(%dma_start3A_401 : memref<80xi32, #tpu.memory_space<vmem>>) semaphore(%arg19 : memref<!tpu.dma_semaphore, #tpu.memory_space<semaphore_mem>>)
          } else {
          }
        }
        %scan3A_110 = arith.constant 4 : i32
        %dma_wait3A = arith.constant 3 : i32
        %dma_wait3A_111 = arith.constant 0 : i32
        %dma_wait3A_112 = arith.constant 15 : i32
        %dma_wait3A_113 = arith.constant 0 : i32
        %dma_wait3A_114 = arith.constant 0 : i32
        %dma_wait3A_115 = tpu.memref_slice %arg13[%dma_wait3A, %dma_wait3A_113, %dma_wait3A_114] : memref<4x80x128xf32, #tpu.memory_space<vmem>> -> memref<1x80x128xf32, #tpu.memory_space<vmem>>
        %dma_wait3A_116 = tpu.memref_squeeze %dma_wait3A_115 : memref<1x80x128xf32, #tpu.memory_space<vmem>> -> memref<80x128xf32, #tpu.memory_space<vmem>>
        %dma_wait3A_117 = arith.constant 0 : i32
        %dma_wait3A_118 = arith.constant 0 : i32
        %dma_wait3A_119 = tpu.memref_slice %arg12[%dma_wait3A_111, %dma_wait3A_117, %dma_wait3A_118] : memref<2x16x80xi32, #tpu.memory_space<vmem>> -> memref<1x16x80xi32, #tpu.memory_space<vmem>>
        %dma_wait3A_120 = tpu.memref_squeeze %dma_wait3A_119 : memref<1x16x80xi32, #tpu.memory_space<vmem>> -> memref<16x80xi32, #tpu.memory_space<vmem>>
        %dma_wait3A_121 = arith.constant 0 : i32
        %dma_wait3A_122 = tpu.memref_slice %dma_wait3A_120[%dma_wait3A_112, %dma_wait3A_121] : memref<16x80xi32, #tpu.memory_space<vmem>> -> memref<1x80xi32, #tpu.memory_space<vmem>>
        %dma_wait3A_123 = tpu.memref_squeeze %dma_wait3A_122 : memref<1x80xi32, #tpu.memory_space<vmem>> -> memref<80xi32, #tpu.memory_space<vmem>>
        %dma_wait3A_124 = arith.constant 0 : i32
        %dma_wait3A_125 = arith.constant 0 : i32
        %dma_wait3A_126 = tpu.memref_slice %arg15[%dma_wait3A_124, %dma_wait3A_125] : memref<10112x128xf32, #tpu.memory_space<vmem_shared>> -> memref<10112x128xf32, #tpu.memory_space<vmem_shared>>
        tpu.wait_indirect_dma semaphore(%arg24 : memref<!tpu.dma_semaphore, #tpu.memory_space<semaphore_mem>>) src(%dma_wait3A_116 : memref<80x128xf32, #tpu.memory_space<vmem>>) dst(%dma_wait3A_126 : memref<10112x128xf32, #tpu.memory_space<vmem_shared>>)
        %lt3A_127 = arith.constant 7 : i32
        %lt3A_128 = arith.cmpi slt, %scan3A_35, %lt3A_127 : i32
        %convert_element_type3A_129 = arith.extui %lt3A_128 : i1 to i32
        %cond3A_130 = arith.constant 0 : i32
        %cond3A_131 = arith.cmpi ne, %convert_element_type3A_129, %cond3A_130 : i32
        scf.if %cond3A_131 {
          %add3A_132 = arith.constant 1 : i32
          %add3A_133 = arith.addi %scan3A_35, %add3A_132 : i32
          %dma_wait3A_134 = arith.constant 1 : i32
          %dma_wait3A_135 = arith.constant 0 : i32
          %dma_wait3A_136 = arith.constant 0 : i32
          %dma_wait3A_137 = tpu.memref_slice %arg11[%dma_wait3A_134, %dma_wait3A_135, %dma_wait3A_136] : memref<2x16x80xi32, #tpu.memory_space<vmem>> -> memref<1x16x80xi32, #tpu.memory_space<vmem>>
          %dma_wait3A_138 = tpu.memref_squeeze %dma_wait3A_137 : memref<1x16x80xi32, #tpu.memory_space<vmem>> -> memref<16x80xi32, #tpu.memory_space<vmem>>
          %dma_wait3A_139 = arith.constant 0 : i32
          %dma_wait3A_140 = arith.constant 0 : i32
          %dma_wait3A_141 = tpu.memref_slice %arg3[%add3A, %add3A_133, %dma_wait3A_139, %dma_wait3A_140] : memref<32x8x16x80xi32, #tpu.memory_space<hbm>> -> memref<1x1x16x80xi32, #tpu.memory_space<hbm>>
          %dma_wait3A_142 = tpu.memref_squeeze %dma_wait3A_141 : memref<1x1x16x80xi32, #tpu.memory_space<hbm>> -> memref<16x80xi32, #tpu.memory_space<hbm>>
          %dma_wait3A_143 = arith.constant 0 : i32
          %dma_wait3A_144 = arith.constant 0 : i32
          %dma_wait3A_145 = tpu.memref_slice %arg11[%dma_wait3A_134, %dma_wait3A_143, %dma_wait3A_144] : memref<2x16x80xi32, #tpu.memory_space<vmem>> -> memref<1x16x80xi32, #tpu.memory_space<vmem>>
          %dma_wait3A_146 = tpu.memref_squeeze %dma_wait3A_145 : memref<1x16x80xi32, #tpu.memory_space<vmem>> -> memref<16x80xi32, #tpu.memory_space<vmem>>
          %dma_wait3A_147 = arith.constant 0 : i32
          %dma_wait3A_148 = arith.constant 0 : i32
          %dma_wait3A_149 = tpu.memref_slice %arg3[%add3A, %add3A_133, %dma_wait3A_147, %dma_wait3A_148] : memref<32x8x16x80xi32, #tpu.memory_space<hbm>> -> memref<1x1x16x80xi32, #tpu.memory_space<hbm>>
          %dma_wait3A_150 = tpu.memref_squeeze %dma_wait3A_149 : memref<1x1x16x80xi32, #tpu.memory_space<hbm>> -> memref<16x80xi32, #tpu.memory_space<hbm>>
          tpu.wait_dma2 semaphore(%arg26 : memref<!tpu.dma_semaphore, #tpu.memory_space<semaphore_mem>>) src(%dma_wait3A_150 : memref<16x80xi32, #tpu.memory_space<hbm>>) dst(%dma_wait3A_146 : memref<16x80xi32, #tpu.memory_space<vmem>>)
          %dma_wait3A_151 = arith.constant 1 : i32
          %dma_wait3A_152 = arith.constant 0 : i32
          %dma_wait3A_153 = arith.constant 0 : i32
          %dma_wait3A_154 = tpu.memref_slice %arg12[%dma_wait3A_151, %dma_wait3A_152, %dma_wait3A_153] : memref<2x16x80xi32, #tpu.memory_space<vmem>> -> memref<1x16x80xi32, #tpu.memory_space<vmem>>
          %dma_wait3A_155 = tpu.memref_squeeze %dma_wait3A_154 : memref<1x16x80xi32, #tpu.memory_space<vmem>> -> memref<16x80xi32, #tpu.memory_space<vmem>>
          %dma_wait3A_156 = arith.constant 0 : i32
          %dma_wait3A_157 = arith.constant 0 : i32
          %dma_wait3A_158 = tpu.memref_slice %arg4[%add3A, %add3A_133, %dma_wait3A_156, %dma_wait3A_157] : memref<32x8x16x80xi32, #tpu.memory_space<hbm>> -> memref<1x1x16x80xi32, #tpu.memory_space<hbm>>
          %dma_wait3A_159 = tpu.memref_squeeze %dma_wait3A_158 : memref<1x1x16x80xi32, #tpu.memory_space<hbm>> -> memref<16x80xi32, #tpu.memory_space<hbm>>
          %dma_wait3A_160 = arith.constant 0 : i32
          %dma_wait3A_161 = arith.constant 0 : i32
          %dma_wait3A_162 = tpu.memref_slice %arg12[%dma_wait3A_151, %dma_wait3A_160, %dma_wait3A_161] : memref<2x16x80xi32, #tpu.memory_space<vmem>> -> memref<1x16x80xi32, #tpu.memory_space<vmem>>
          %dma_wait3A_163 = tpu.memref_squeeze %dma_wait3A_162 : memref<1x16x80xi32, #tpu.memory_space<vmem>> -> memref<16x80xi32, #tpu.memory_space<vmem>>
          %dma_wait3A_164 = arith.constant 0 : i32
          %dma_wait3A_165 = arith.constant 0 : i32
          %dma_wait3A_166 = tpu.memref_slice %arg4[%add3A, %add3A_133, %dma_wait3A_164, %dma_wait3A_165] : memref<32x8x16x80xi32, #tpu.memory_space<hbm>> -> memref<1x1x16x80xi32, #tpu.memory_space<hbm>>
          %dma_wait3A_167 = tpu.memref_squeeze %dma_wait3A_166 : memref<1x1x16x80xi32, #tpu.memory_space<hbm>> -> memref<16x80xi32, #tpu.memory_space<hbm>>
          tpu.wait_dma2 semaphore(%arg26 : memref<!tpu.dma_semaphore, #tpu.memory_space<semaphore_mem>>) src(%dma_wait3A_167 : memref<16x80xi32, #tpu.memory_space<hbm>>) dst(%dma_wait3A_163 : memref<16x80xi32, #tpu.memory_space<vmem>>)
        } else {
        }
      } else {
      }
      %rem3A_42 = arith.constant 2 : i32
      %rem3A_43 = arith.remsi %scan3A_35, %rem3A_42 : i32
      %eq3A_44 = arith.constant 1 : i32
      %eq3A_45 = arith.cmpi eq, %rem3A_43, %eq3A_44 : i32
      %convert_element_type3A_46 = arith.extui %eq3A_45 : i1 to i32
      %cond3A_47 = arith.constant 0 : i32
      %cond3A_48 = arith.cmpi ne, %convert_element_type3A_46, %cond3A_47 : i32
      scf.if %cond3A_48 {
        %lt3A = arith.constant 7 : i32
        %lt3A_49 = arith.cmpi slt, %scan3A_35, %lt3A : i32
        %convert_element_type3A_50 = arith.extui %lt3A_49 : i1 to i32
        %cond3A_51 = arith.constant 0 : i32
        %cond3A_52 = arith.cmpi ne, %convert_element_type3A_50, %cond3A_51 : i32
        scf.if %cond3A_52 {
          %add3A_132 = arith.constant 1 : i32
          %add3A_133 = arith.addi %scan3A_35, %add3A_132 : i32
          %dma_start3A_134 = arith.constant 0 : i32
          %dma_start3A_135 = arith.constant 0 : i32
          %dma_start3A_136 = arith.constant 0 : i32
          %dma_start3A_137 = tpu.memref_slice %arg11[%dma_start3A_134, %dma_start3A_135, %dma_start3A_136] : memref<2x16x80xi32, #tpu.memory_space<vmem>> -> memref<1x16x80xi32, #tpu.memory_space<vmem>>
          %dma_start3A_138 = tpu.memref_squeeze %dma_start3A_137 : memref<1x16x80xi32, #tpu.memory_space<vmem>> -> memref<16x80xi32, #tpu.memory_space<vmem>>
          %dma_start3A_139 = arith.constant 0 : i32
          %dma_start3A_140 = arith.constant 0 : i32
          %dma_start3A_141 = tpu.memref_slice %arg3[%add3A, %add3A_133, %dma_start3A_139, %dma_start3A_140] : memref<32x8x16x80xi32, #tpu.memory_space<hbm>> -> memref<1x1x16x80xi32, #tpu.memory_space<hbm>>
          %dma_start3A_142 = tpu.memref_squeeze %dma_start3A_141 : memref<1x1x16x80xi32, #tpu.memory_space<hbm>> -> memref<16x80xi32, #tpu.memory_space<hbm>>
          %dma_start3A_143 = arith.constant 0 : i32
          %dma_start3A_144 = arith.constant 0 : i32
          %dma_start3A_145 = tpu.memref_slice %arg11[%dma_start3A_134, %dma_start3A_143, %dma_start3A_144] : memref<2x16x80xi32, #tpu.memory_space<vmem>> -> memref<1x16x80xi32, #tpu.memory_space<vmem>>
          %dma_start3A_146 = tpu.memref_squeeze %dma_start3A_145 : memref<1x16x80xi32, #tpu.memory_space<vmem>> -> memref<16x80xi32, #tpu.memory_space<vmem>>
          %dma_start3A_147 = arith.constant 0 : i32
          %dma_start3A_148 = arith.constant 0 : i32
          %dma_start3A_149 = tpu.memref_slice %arg3[%add3A, %add3A_133, %dma_start3A_147, %dma_start3A_148] : memref<32x8x16x80xi32, #tpu.memory_space<hbm>> -> memref<1x1x16x80xi32, #tpu.memory_space<hbm>>
          %dma_start3A_150 = tpu.memref_squeeze %dma_start3A_149 : memref<1x1x16x80xi32, #tpu.memory_space<hbm>> -> memref<16x80xi32, #tpu.memory_space<hbm>>
          tpu.enqueue_dma source(%dma_start3A_150 : memref<16x80xi32, #tpu.memory_space<hbm>>) target(%dma_start3A_146 : memref<16x80xi32, #tpu.memory_space<vmem>>) target_semaphore(%arg25 : memref<!tpu.dma_semaphore, #tpu.memory_space<semaphore_mem>>)
          %dma_start3A_151 = arith.constant 0 : i32
          %dma_start3A_152 = arith.constant 0 : i32
          %dma_start3A_153 = arith.constant 0 : i32
          %dma_start3A_154 = tpu.memref_slice %arg12[%dma_start3A_151, %dma_start3A_152, %dma_start3A_153] : memref<2x16x80xi32, #tpu.memory_space<vmem>> -> memref<1x16x80xi32, #tpu.memory_space<vmem>>
          %dma_start3A_155 = tpu.memref_squeeze %dma_start3A_154 : memref<1x16x80xi32, #tpu.memory_space<vmem>> -> memref<16x80xi32, #tpu.memory_space<vmem>>
          %dma_start3A_156 = arith.constant 0 : i32
          %dma_start3A_157 = arith.constant 0 : i32
          %dma_start3A_158 = tpu.memref_slice %arg4[%add3A, %add3A_133, %dma_start3A_156, %dma_start3A_157] : memref<32x8x16x80xi32, #tpu.memory_space<hbm>> -> memref<1x1x16x80xi32, #tpu.memory_space<hbm>>
          %dma_start3A_159 = tpu.memref_squeeze %dma_start3A_158 : memref<1x1x16x80xi32, #tpu.memory_space<hbm>> -> memref<16x80xi32, #tpu.memory_space<hbm>>
          %dma_start3A_160 = arith.constant 0 : i32
          %dma_start3A_161 = arith.constant 0 : i32
          %dma_start3A_162 = tpu.memref_slice %arg12[%dma_start3A_151, %dma_start3A_160, %dma_start3A_161] : memref<2x16x80xi32, #tpu.memory_space<vmem>> -> memref<1x16x80xi32, #tpu.memory_space<vmem>>
          %dma_start3A_163 = tpu.memref_squeeze %dma_start3A_162 : memref<1x16x80xi32, #tpu.memory_space<vmem>> -> memref<16x80xi32, #tpu.memory_space<vmem>>
          %dma_start3A_164 = arith.constant 0 : i32
          %dma_start3A_165 = arith.constant 0 : i32
          %dma_start3A_166 = tpu.memref_slice %arg4[%add3A, %add3A_133, %dma_start3A_164, %dma_start3A_165] : memref<32x8x16x80xi32, #tpu.memory_space<hbm>> -> memref<1x1x16x80xi32, #tpu.memory_space<hbm>>
          %dma_start3A_167 = tpu.memref_squeeze %dma_start3A_166 : memref<1x1x16x80xi32, #tpu.memory_space<hbm>> -> memref<16x80xi32, #tpu.memory_space<hbm>>
          tpu.enqueue_dma source(%dma_start3A_167 : memref<16x80xi32, #tpu.memory_space<hbm>>) target(%dma_start3A_163 : memref<16x80xi32, #tpu.memory_space<vmem>>) target_semaphore(%arg25 : memref<!tpu.dma_semaphore, #tpu.memory_space<semaphore_mem>>)
        } else {
        }
        %dma_start3A = arith.constant 1 : i32
        %dma_start3A_53 = arith.constant 0 : i32
        %dma_start3A_54 = arith.constant 0 : i32
        %dma_start3A_55 = arith.constant 0 : i32
        %dma_start3A_56 = arith.constant 0 : i32
        %dma_start3A_57 = tpu.memref_slice %arg13[%dma_start3A_54, %dma_start3A_55, %dma_start3A_56] : memref<4x80x128xf32, #tpu.memory_space<vmem>> -> memref<1x80x128xf32, #tpu.memory_space<vmem>>
        %dma_start3A_58 = tpu.memref_squeeze %dma_start3A_57 : memref<1x80x128xf32, #tpu.memory_space<vmem>> -> memref<80x128xf32, #tpu.memory_space<vmem>>
        %dma_start3A_59 = arith.constant 0 : i32
        %dma_start3A_60 = arith.constant 0 : i32
        %dma_start3A_61 = tpu.memref_slice %arg11[%dma_start3A, %dma_start3A_59, %dma_start3A_60] : memref<2x16x80xi32, #tpu.memory_space<vmem>> -> memref<1x16x80xi32, #tpu.memory_space<vmem>>
        %dma_start3A_62 = tpu.memref_squeeze %dma_start3A_61 : memref<1x16x80xi32, #tpu.memory_space<vmem>> -> memref<16x80xi32, #tpu.memory_space<vmem>>
        %dma_start3A_63 = arith.constant 0 : i32
        %dma_start3A_64 = tpu.memref_slice %dma_start3A_62[%dma_start3A_53, %dma_start3A_63] : memref<16x80xi32, #tpu.memory_space<vmem>> -> memref<1x80xi32, #tpu.memory_space<vmem>>
        %dma_start3A_65 = tpu.memref_squeeze %dma_start3A_64 : memref<1x80xi32, #tpu.memory_space<vmem>> -> memref<80xi32, #tpu.memory_space<vmem>>
        %dma_start3A_66 = arith.constant 0 : i32
        %dma_start3A_67 = arith.constant 0 : i32
        %dma_start3A_68 = tpu.memref_slice %arg2[%dma_start3A_66, %dma_start3A_67] : memref<10000x128xf32, #tpu.memory_space<hbm>> -> memref<10000x128xf32, #tpu.memory_space<hbm>>
        tpu.enqueue_indirect_dma source(%dma_start3A_68 : memref<10000x128xf32, #tpu.memory_space<hbm>>) target(%dma_start3A_58 : memref<80x128xf32, #tpu.memory_space<vmem>>) offsets(%dma_start3A_65 : memref<80xi32, #tpu.memory_space<vmem>>) semaphore(%arg17 : memref<!tpu.dma_semaphore, #tpu.memory_space<semaphore_mem>>)
        %dma_start3A_69 = arith.constant 1 : i32
        %dma_start3A_70 = arith.constant 1 : i32
        %dma_start3A_71 = arith.constant 1 : i32
        %dma_start3A_72 = arith.constant 0 : i32
        %dma_start3A_73 = arith.constant 0 : i32
        %dma_start3A_74 = tpu.memref_slice %arg13[%dma_start3A_71, %dma_start3A_72, %dma_start3A_73] : memref<4x80x128xf32, #tpu.memory_space<vmem>> -> memref<1x80x128xf32, #tpu.memory_space<vmem>>
        %dma_start3A_75 = tpu.memref_squeeze %dma_start3A_74 : memref<1x80x128xf32, #tpu.memory_space<vmem>> -> memref<80x128xf32, #tpu.memory_space<vmem>>
        %dma_start3A_76 = arith.constant 0 : i32
        %dma_start3A_77 = arith.constant 0 : i32
        %dma_start3A_78 = tpu.memref_slice %arg11[%dma_start3A_69, %dma_start3A_76, %dma_start3A_77] : memref<2x16x80xi32, #tpu.memory_space<vmem>> -> memref<1x16x80xi32, #tpu.memory_space<vmem>>
        %dma_start3A_79 = tpu.memref_squeeze %dma_start3A_78 : memref<1x16x80xi32, #tpu.memory_space<vmem>> -> memref<16x80xi32, #tpu.memory_space<vmem>>
        %dma_start3A_80 = arith.constant 0 : i32
        %dma_start3A_81 = tpu.memref_slice %dma_start3A_79[%dma_start3A_70, %dma_start3A_80] : memref<16x80xi32, #tpu.memory_space<vmem>> -> memref<1x80xi32, #tpu.memory_space<vmem>>
        %dma_start3A_82 = tpu.memref_squeeze %dma_start3A_81 : memref<1x80xi32, #tpu.memory_space<vmem>> -> memref<80xi32, #tpu.memory_space<vmem>>
        %dma_start3A_83 = arith.constant 0 : i32
        %dma_start3A_84 = arith.constant 0 : i32
        %dma_start3A_85 = tpu.memref_slice %arg2[%dma_start3A_83, %dma_start3A_84] : memref<10000x128xf32, #tpu.memory_space<hbm>> -> memref<10000x128xf32, #tpu.memory_space<hbm>>
        tpu.enqueue_indirect_dma source(%dma_start3A_85 : memref<10000x128xf32, #tpu.memory_space<hbm>>) target(%dma_start3A_75 : memref<80x128xf32, #tpu.memory_space<vmem>>) offsets(%dma_start3A_82 : memref<80xi32, #tpu.memory_space<vmem>>) semaphore(%arg18 : memref<!tpu.dma_semaphore, #tpu.memory_space<semaphore_mem>>)
        %dma_start3A_86 = arith.constant 1 : i32
        %dma_start3A_87 = arith.constant 2 : i32
        %dma_start3A_88 = arith.constant 2 : i32
        %dma_start3A_89 = arith.constant 0 : i32
        %dma_start3A_90 = arith.constant 0 : i32
        %dma_start3A_91 = tpu.memref_slice %arg13[%dma_start3A_88, %dma_start3A_89, %dma_start3A_90] : memref<4x80x128xf32, #tpu.memory_space<vmem>> -> memref<1x80x128xf32, #tpu.memory_space<vmem>>
        %dma_start3A_92 = tpu.memref_squeeze %dma_start3A_91 : memref<1x80x128xf32, #tpu.memory_space<vmem>> -> memref<80x128xf32, #tpu.memory_space<vmem>>
        %dma_start3A_93 = arith.constant 0 : i32
        %dma_start3A_94 = arith.constant 0 : i32
        %dma_start3A_95 = tpu.memref_slice %arg11[%dma_start3A_86, %dma_start3A_93, %dma_start3A_94] : memref<2x16x80xi32, #tpu.memory_space<vmem>> -> memref<1x16x80xi32, #tpu.memory_space<vmem>>
        %dma_start3A_96 = tpu.memref_squeeze %dma_start3A_95 : memref<1x16x80xi32, #tpu.memory_space<vmem>> -> memref<16x80xi32, #tpu.memory_space<vmem>>
        %dma_start3A_97 = arith.constant 0 : i32
        %dma_start3A_98 = tpu.memref_slice %dma_start3A_96[%dma_start3A_87, %dma_start3A_97] : memref<16x80xi32, #tpu.memory_space<vmem>> -> memref<1x80xi32, #tpu.memory_space<vmem>>
        %dma_start3A_99 = tpu.memref_squeeze %dma_start3A_98 : memref<1x80xi32, #tpu.memory_space<vmem>> -> memref<80xi32, #tpu.memory_space<vmem>>
        %dma_start3A_100 = arith.constant 0 : i32
        %dma_start3A_101 = arith.constant 0 : i32
        %dma_start3A_102 = tpu.memref_slice %arg2[%dma_start3A_100, %dma_start3A_101] : memref<10000x128xf32, #tpu.memory_space<hbm>> -> memref<10000x128xf32, #tpu.memory_space<hbm>>
        tpu.enqueue_indirect_dma source(%dma_start3A_102 : memref<10000x128xf32, #tpu.memory_space<hbm>>) target(%dma_start3A_92 : memref<80x128xf32, #tpu.memory_space<vmem>>) offsets(%dma_start3A_99 : memref<80xi32, #tpu.memory_space<vmem>>) semaphore(%arg19 : memref<!tpu.dma_semaphore, #tpu.memory_space<semaphore_mem>>)
        %scan3A_103 = arith.constant 0 : i32
        %scan3A_104 = arith.constant 1 : i32
        %scan3A_105 = arith.constant 1 : i32
        %scan3A_106 = arith.constant 0 : i32
        %scan3A_107 = arith.constant 4 : i32
        %scan3A_108 = arith.addi %scan3A_106, %scan3A_107 : i32
        %scan3A_109 = arith.constant 1 : i32
        scf.for %scan3A_132 = %scan3A_106 to %scan3A_108 step %scan3A_109  : i32 {
          %mul3A_133 = arith.constant 4 : i32
          %mul3A_134 = arith.muli %mul3A_133, %scan3A_132 : i32
          %gt3A = arith.constant 0 : i32
          %gt3A_135 = arith.cmpi sgt, %scan3A_132, %gt3A : i32
          %convert_element_type3A_136 = arith.extui %gt3A_135 : i1 to i32
          %cond3A_137 = arith.constant 0 : i32
          %cond3A_138 = arith.cmpi ne, %convert_element_type3A_136, %cond3A_137 : i32
          scf.if %cond3A_138 {
            %sub3A = arith.constant 1 : i32
            %sub3A_388 = arith.subi %mul3A_134, %sub3A : i32
            %dma_wait3A_389 = arith.constant 3 : i32
            %dma_wait3A_390 = arith.constant 0 : i32
            %dma_wait3A_391 = arith.constant 0 : i32
            %dma_wait3A_392 = tpu.memref_slice %arg13[%dma_wait3A_389, %dma_wait3A_390, %dma_wait3A_391] : memref<4x80x128xf32, #tpu.memory_space<vmem>> -> memref<1x80x128xf32, #tpu.memory_space<vmem>>
            %dma_wait3A_393 = tpu.memref_squeeze %dma_wait3A_392 : memref<1x80x128xf32, #tpu.memory_space<vmem>> -> memref<80x128xf32, #tpu.memory_space<vmem>>
            %dma_wait3A_394 = arith.constant 0 : i32
            %dma_wait3A_395 = arith.constant 0 : i32
            %dma_wait3A_396 = tpu.memref_slice %arg12[%scan3A_104, %dma_wait3A_394, %dma_wait3A_395] : memref<2x16x80xi32, #tpu.memory_space<vmem>> -> memref<1x16x80xi32, #tpu.memory_space<vmem>>
            %dma_wait3A_397 = tpu.memref_squeeze %dma_wait3A_396 : memref<1x16x80xi32, #tpu.memory_space<vmem>> -> memref<16x80xi32, #tpu.memory_space<vmem>>
            %dma_wait3A_398 = arith.constant 0 : i32
            %dma_wait3A_399 = tpu.memref_slice %dma_wait3A_397[%sub3A_388, %dma_wait3A_398] : memref<16x80xi32, #tpu.memory_space<vmem>> -> memref<1x80xi32, #tpu.memory_space<vmem>>
            %dma_wait3A_400 = tpu.memref_squeeze %dma_wait3A_399 : memref<1x80xi32, #tpu.memory_space<vmem>> -> memref<80xi32, #tpu.memory_space<vmem>>
            %dma_wait3A_401 = arith.constant 0 : i32
            %dma_wait3A_402 = arith.constant 0 : i32
            %dma_wait3A_403 = tpu.memref_slice %arg15[%dma_wait3A_401, %dma_wait3A_402] : memref<10112x128xf32, #tpu.memory_space<vmem_shared>> -> memref<10112x128xf32, #tpu.memory_space<vmem_shared>>
            tpu.wait_indirect_dma semaphore(%arg24 : memref<!tpu.dma_semaphore, #tpu.memory_space<semaphore_mem>>) src(%dma_wait3A_393 : memref<80x128xf32, #tpu.memory_space<vmem>>) dst(%dma_wait3A_403 : memref<10112x128xf32, #tpu.memory_space<vmem_shared>>)
          } else {
          }
          %add3A_139 = arith.constant 3 : i32
          %add3A_140 = arith.addi %mul3A_134, %add3A_139 : i32
          %dma_start3A_141 = arith.constant 3 : i32
          %dma_start3A_142 = arith.constant 0 : i32
          %dma_start3A_143 = arith.constant 0 : i32
          %dma_start3A_144 = tpu.memref_slice %arg13[%dma_start3A_141, %dma_start3A_142, %dma_start3A_143] : memref<4x80x128xf32, #tpu.memory_space<vmem>> -> memref<1x80x128xf32, #tpu.memory_space<vmem>>
          %dma_start3A_145 = tpu.memref_squeeze %dma_start3A_144 : memref<1x80x128xf32, #tpu.memory_space<vmem>> -> memref<80x128xf32, #tpu.memory_space<vmem>>
          %dma_start3A_146 = arith.constant 0 : i32
          %dma_start3A_147 = arith.constant 0 : i32
          %dma_start3A_148 = tpu.memref_slice %arg11[%scan3A_105, %dma_start3A_146, %dma_start3A_147] : memref<2x16x80xi32, #tpu.memory_space<vmem>> -> memref<1x16x80xi32, #tpu.memory_space<vmem>>
          %dma_start3A_149 = tpu.memref_squeeze %dma_start3A_148 : memref<1x16x80xi32, #tpu.memory_space<vmem>> -> memref<16x80xi32, #tpu.memory_space<vmem>>
          %dma_start3A_150 = arith.constant 0 : i32
          %dma_start3A_151 = tpu.memref_slice %dma_start3A_149[%add3A_140, %dma_start3A_150] : memref<16x80xi32, #tpu.memory_space<vmem>> -> memref<1x80xi32, #tpu.memory_space<vmem>>
          %dma_start3A_152 = tpu.memref_squeeze %dma_start3A_151 : memref<1x80xi32, #tpu.memory_space<vmem>> -> memref<80xi32, #tpu.memory_space<vmem>>
          %dma_start3A_153 = arith.constant 0 : i32
          %dma_start3A_154 = arith.constant 0 : i32
          %dma_start3A_155 = tpu.memref_slice %arg2[%dma_start3A_153, %dma_start3A_154] : memref<10000x128xf32, #tpu.memory_space<hbm>> -> memref<10000x128xf32, #tpu.memory_space<hbm>>
          tpu.enqueue_indirect_dma source(%dma_start3A_155 : memref<10000x128xf32, #tpu.memory_space<hbm>>) target(%dma_start3A_145 : memref<80x128xf32, #tpu.memory_space<vmem>>) offsets(%dma_start3A_152 : memref<80xi32, #tpu.memory_space<vmem>>) semaphore(%arg20 : memref<!tpu.dma_semaphore, #tpu.memory_space<semaphore_mem>>)
          %dma_wait3A_156 = arith.constant 0 : i32
          %dma_wait3A_157 = arith.constant 0 : i32
          %dma_wait3A_158 = arith.constant 0 : i32
          %dma_wait3A_159 = tpu.memref_slice %arg13[%dma_wait3A_156, %dma_wait3A_157, %dma_wait3A_158] : memref<4x80x128xf32, #tpu.memory_space<vmem>> -> memref<1x80x128xf32, #tpu.memory_space<vmem>>
          %dma_wait3A_160 = tpu.memref_squeeze %dma_wait3A_159 : memref<1x80x128xf32, #tpu.memory_space<vmem>> -> memref<80x128xf32, #tpu.memory_space<vmem>>
          %dma_wait3A_161 = arith.constant 0 : i32
          %dma_wait3A_162 = arith.constant 0 : i32
          %dma_wait3A_163 = tpu.memref_slice %arg11[%scan3A_105, %dma_wait3A_161, %dma_wait3A_162] : memref<2x16x80xi32, #tpu.memory_space<vmem>> -> memref<1x16x80xi32, #tpu.memory_space<vmem>>
          %dma_wait3A_164 = tpu.memref_squeeze %dma_wait3A_163 : memref<1x16x80xi32, #tpu.memory_space<vmem>> -> memref<16x80xi32, #tpu.memory_space<vmem>>
          %dma_wait3A_165 = arith.constant 0 : i32
          %dma_wait3A_166 = tpu.memref_slice %dma_wait3A_164[%mul3A_134, %dma_wait3A_165] : memref<16x80xi32, #tpu.memory_space<vmem>> -> memref<1x80xi32, #tpu.memory_space<vmem>>
          %dma_wait3A_167 = tpu.memref_squeeze %dma_wait3A_166 : memref<1x80xi32, #tpu.memory_space<vmem>> -> memref<80xi32, #tpu.memory_space<vmem>>
          %dma_wait3A_168 = arith.constant 0 : i32
          %dma_wait3A_169 = arith.constant 0 : i32
          %dma_wait3A_170 = tpu.memref_slice %arg2[%dma_wait3A_168, %dma_wait3A_169] : memref<10000x128xf32, #tpu.memory_space<hbm>> -> memref<10000x128xf32, #tpu.memory_space<hbm>>
          tpu.wait_indirect_dma semaphore(%arg17 : memref<!tpu.dma_semaphore, #tpu.memory_space<semaphore_mem>>) src(%dma_wait3A_170 : memref<10000x128xf32, #tpu.memory_space<hbm>>) dst(%dma_wait3A_160 : memref<80x128xf32, #tpu.memory_space<vmem>>)
          %dma_start3A_171 = arith.constant 0 : i32
          %dma_start3A_172 = arith.constant 0 : i32
          %dma_start3A_173 = arith.constant 0 : i32
          %dma_start3A_174 = tpu.memref_slice %arg13[%dma_start3A_171, %dma_start3A_172, %dma_start3A_173] : memref<4x80x128xf32, #tpu.memory_space<vmem>> -> memref<1x80x128xf32, #tpu.memory_space<vmem>>
          %dma_start3A_175 = tpu.memref_squeeze %dma_start3A_174 : memref<1x80x128xf32, #tpu.memory_space<vmem>> -> memref<80x128xf32, #tpu.memory_space<vmem>>
          %dma_start3A_176 = arith.constant 0 : i32
          %dma_start3A_177 = arith.constant 0 : i32
          %dma_start3A_178 = tpu.memref_slice %arg12[%scan3A_104, %dma_start3A_176, %dma_start3A_177] : memref<2x16x80xi32, #tpu.memory_space<vmem>> -> memref<1x16x80xi32, #tpu.memory_space<vmem>>
          %dma_start3A_179 = tpu.memref_squeeze %dma_start3A_178 : memref<1x16x80xi32, #tpu.memory_space<vmem>> -> memref<16x80xi32, #tpu.memory_space<vmem>>
          %dma_start3A_180 = arith.constant 0 : i32
          %dma_start3A_181 = tpu.memref_slice %dma_start3A_179[%mul3A_134, %dma_start3A_180] : memref<16x80xi32, #tpu.memory_space<vmem>> -> memref<1x80xi32, #tpu.memory_space<vmem>>
          %dma_start3A_182 = tpu.memref_squeeze %dma_start3A_181 : memref<1x80xi32, #tpu.memory_space<vmem>> -> memref<80xi32, #tpu.memory_space<vmem>>
          %dma_start3A_183 = arith.constant 0 : i32
          %dma_start3A_184 = arith.constant 0 : i32
          %dma_start3A_185 = tpu.memref_slice %arg15[%dma_start3A_183, %dma_start3A_184] : memref<10112x128xf32, #tpu.memory_space<vmem_shared>> -> memref<10112x128xf32, #tpu.memory_space<vmem_shared>>
          tpu.enqueue_indirect_dma source(%dma_start3A_175 : memref<80x128xf32, #tpu.memory_space<vmem>>) target(%dma_start3A_185 : memref<10112x128xf32, #tpu.memory_space<vmem_shared>>) offsets(%dma_start3A_182 : memref<80xi32, #tpu.memory_space<vmem>>) semaphore(%arg21 : memref<!tpu.dma_semaphore, #tpu.memory_space<semaphore_mem>>) {add = true}
          %dma_start3A_186 = arith.constant 0 : i32
          %dma_start3A_187 = arith.constant 0 : i32
          %dma_start3A_188 = tpu.memref_slice %arg12[%scan3A_104, %dma_start3A_186, %dma_start3A_187] : memref<2x16x80xi32, #tpu.memory_space<vmem>> -> memref<1x16x80xi32, #tpu.memory_space<vmem>>
          %dma_start3A_189 = tpu.memref_squeeze %dma_start3A_188 : memref<1x16x80xi32, #tpu.memory_space<vmem>> -> memref<16x80xi32, #tpu.memory_space<vmem>>
          %dma_start3A_190 = arith.constant 0 : i32
          %dma_start3A_191 = tpu.memref_slice %dma_start3A_189[%mul3A_134, %dma_start3A_190] : memref<16x80xi32, #tpu.memory_space<vmem>> -> memref<1x80xi32, #tpu.memory_space<vmem>>
          %dma_start3A_192 = tpu.memref_squeeze %dma_start3A_191 : memref<1x80xi32, #tpu.memory_space<vmem>> -> memref<80xi32, #tpu.memory_space<vmem>>
          %dma_start3A_193 = arith.constant 0 : i32
          %dma_start3A_194 = tpu.memref_slice %arg16[%dma_start3A_193] : memref<10240xf32, #tpu.memory_space<vmem_shared>> -> memref<10240xf32, #tpu.memory_space<vmem_shared>>
          tpu.enqueue_indirect_dma source(%arg14 : memref<80xf32, #tpu.memory_space<vmem>>) target(%dma_start3A_194 : memref<10240xf32, #tpu.memory_space<vmem_shared>>) offsets(%dma_start3A_192 : memref<80xi32, #tpu.memory_space<vmem>>) semaphore(%arg27 : memref<!tpu.dma_semaphore, #tpu.memory_space<semaphore_mem>>) {add = true}
          %add3A_195 = arith.constant 1 : i32
          %add3A_196 = arith.addi %mul3A_134, %add3A_195 : i32
          %dma_wait3A_197 = arith.constant 1 : i32
          %dma_wait3A_198 = arith.constant 0 : i32
          %dma_wait3A_199 = arith.constant 0 : i32
          %dma_wait3A_200 = tpu.memref_slice %arg13[%dma_wait3A_197, %dma_wait3A_198, %dma_wait3A_199] : memref<4x80x128xf32, #tpu.memory_space<vmem>> -> memref<1x80x128xf32, #tpu.memory_space<vmem>>
          %dma_wait3A_201 = tpu.memref_squeeze %dma_wait3A_200 : memref<1x80x128xf32, #tpu.memory_space<vmem>> -> memref<80x128xf32, #tpu.memory_space<vmem>>
          %dma_wait3A_202 = arith.constant 0 : i32
          %dma_wait3A_203 = arith.constant 0 : i32
          %dma_wait3A_204 = tpu.memref_slice %arg11[%scan3A_105, %dma_wait3A_202, %dma_wait3A_203] : memref<2x16x80xi32, #tpu.memory_space<vmem>> -> memref<1x16x80xi32, #tpu.memory_space<vmem>>
          %dma_wait3A_205 = tpu.memref_squeeze %dma_wait3A_204 : memref<1x16x80xi32, #tpu.memory_space<vmem>> -> memref<16x80xi32, #tpu.memory_space<vmem>>
          %dma_wait3A_206 = arith.constant 0 : i32
          %dma_wait3A_207 = tpu.memref_slice %dma_wait3A_205[%add3A_196, %dma_wait3A_206] : memref<16x80xi32, #tpu.memory_space<vmem>> -> memref<1x80xi32, #tpu.memory_space<vmem>>
          %dma_wait3A_208 = tpu.memref_squeeze %dma_wait3A_207 : memref<1x80xi32, #tpu.memory_space<vmem>> -> memref<80xi32, #tpu.memory_space<vmem>>
          %dma_wait3A_209 = arith.constant 0 : i32
          %dma_wait3A_210 = arith.constant 0 : i32
          %dma_wait3A_211 = tpu.memref_slice %arg2[%dma_wait3A_209, %dma_wait3A_210] : memref<10000x128xf32, #tpu.memory_space<hbm>> -> memref<10000x128xf32, #tpu.memory_space<hbm>>
          tpu.wait_indirect_dma semaphore(%arg18 : memref<!tpu.dma_semaphore, #tpu.memory_space<semaphore_mem>>) src(%dma_wait3A_211 : memref<10000x128xf32, #tpu.memory_space<hbm>>) dst(%dma_wait3A_201 : memref<80x128xf32, #tpu.memory_space<vmem>>)
          %add3A_212 = arith.constant 1 : i32
          %add3A_213 = arith.addi %mul3A_134, %add3A_212 : i32
          %dma_start3A_214 = arith.constant 1 : i32
          %dma_start3A_215 = arith.constant 0 : i32
          %dma_start3A_216 = arith.constant 0 : i32
          %dma_start3A_217 = tpu.memref_slice %arg13[%dma_start3A_214, %dma_start3A_215, %dma_start3A_216] : memref<4x80x128xf32, #tpu.memory_space<vmem>> -> memref<1x80x128xf32, #tpu.memory_space<vmem>>
          %dma_start3A_218 = tpu.memref_squeeze %dma_start3A_217 : memref<1x80x128xf32, #tpu.memory_space<vmem>> -> memref<80x128xf32, #tpu.memory_space<vmem>>
          %dma_start3A_219 = arith.constant 0 : i32
          %dma_start3A_220 = arith.constant 0 : i32
          %dma_start3A_221 = tpu.memref_slice %arg12[%scan3A_104, %dma_start3A_219, %dma_start3A_220] : memref<2x16x80xi32, #tpu.memory_space<vmem>> -> memref<1x16x80xi32, #tpu.memory_space<vmem>>
          %dma_start3A_222 = tpu.memref_squeeze %dma_start3A_221 : memref<1x16x80xi32, #tpu.memory_space<vmem>> -> memref<16x80xi32, #tpu.memory_space<vmem>>
          %dma_start3A_223 = arith.constant 0 : i32
          %dma_start3A_224 = tpu.memref_slice %dma_start3A_222[%add3A_213, %dma_start3A_223] : memref<16x80xi32, #tpu.memory_space<vmem>> -> memref<1x80xi32, #tpu.memory_space<vmem>>
          %dma_start3A_225 = tpu.memref_squeeze %dma_start3A_224 : memref<1x80xi32, #tpu.memory_space<vmem>> -> memref<80xi32, #tpu.memory_space<vmem>>
          %dma_start3A_226 = arith.constant 0 : i32
          %dma_start3A_227 = arith.constant 0 : i32
          %dma_start3A_228 = tpu.memref_slice %arg15[%dma_start3A_226, %dma_start3A_227] : memref<10112x128xf32, #tpu.memory_space<vmem_shared>> -> memref<10112x128xf32, #tpu.memory_space<vmem_shared>>
          tpu.enqueue_indirect_dma source(%dma_start3A_218 : memref<80x128xf32, #tpu.memory_space<vmem>>) target(%dma_start3A_228 : memref<10112x128xf32, #tpu.memory_space<vmem_shared>>) offsets(%dma_start3A_225 : memref<80xi32, #tpu.memory_space<vmem>>) semaphore(%arg22 : memref<!tpu.dma_semaphore, #tpu.memory_space<semaphore_mem>>) {add = true}
          %dma_start3A_229 = arith.constant 0 : i32
          %dma_start3A_230 = arith.constant 0 : i32
          %dma_start3A_231 = tpu.memref_slice %arg12[%scan3A_104, %dma_start3A_229, %dma_start3A_230] : memref<2x16x80xi32, #tpu.memory_space<vmem>> -> memref<1x16x80xi32, #tpu.memory_space<vmem>>
          %dma_start3A_232 = tpu.memref_squeeze %dma_start3A_231 : memref<1x16x80xi32, #tpu.memory_space<vmem>> -> memref<16x80xi32, #tpu.memory_space<vmem>>
          %dma_start3A_233 = arith.constant 0 : i32
          %dma_start3A_234 = tpu.memref_slice %dma_start3A_232[%add3A_213, %dma_start3A_233] : memref<16x80xi32, #tpu.memory_space<vmem>> -> memref<1x80xi32, #tpu.memory_space<vmem>>
          %dma_start3A_235 = tpu.memref_squeeze %dma_start3A_234 : memref<1x80xi32, #tpu.memory_space<vmem>> -> memref<80xi32, #tpu.memory_space<vmem>>
          %dma_start3A_236 = arith.constant 0 : i32
          %dma_start3A_237 = tpu.memref_slice %arg16[%dma_start3A_236] : memref<10240xf32, #tpu.memory_space<vmem_shared>> -> memref<10240xf32, #tpu.memory_space<vmem_shared>>
          tpu.enqueue_indirect_dma source(%arg14 : memref<80xf32, #tpu.memory_space<vmem>>) target(%dma_start3A_237 : memref<10240xf32, #tpu.memory_space<vmem_shared>>) offsets(%dma_start3A_235 : memref<80xi32, #tpu.memory_space<vmem>>) semaphore(%arg27 : memref<!tpu.dma_semaphore, #tpu.memory_space<semaphore_mem>>) {add = true}
          %dma_wait3A_238 = arith.constant 0 : i32
          %dma_wait3A_239 = arith.constant 0 : i32
          %dma_wait3A_240 = arith.constant 0 : i32
          %dma_wait3A_241 = tpu.memref_slice %arg13[%dma_wait3A_238, %dma_wait3A_239, %dma_wait3A_240] : memref<4x80x128xf32, #tpu.memory_space<vmem>> -> memref<1x80x128xf32, #tpu.memory_space<vmem>>
          %dma_wait3A_242 = tpu.memref_squeeze %dma_wait3A_241 : memref<1x80x128xf32, #tpu.memory_space<vmem>> -> memref<80x128xf32, #tpu.memory_space<vmem>>
          %dma_wait3A_243 = arith.constant 0 : i32
          %dma_wait3A_244 = arith.constant 0 : i32
          %dma_wait3A_245 = tpu.memref_slice %arg12[%scan3A_104, %dma_wait3A_243, %dma_wait3A_244] : memref<2x16x80xi32, #tpu.memory_space<vmem>> -> memref<1x16x80xi32, #tpu.memory_space<vmem>>
          %dma_wait3A_246 = tpu.memref_squeeze %dma_wait3A_245 : memref<1x16x80xi32, #tpu.memory_space<vmem>> -> memref<16x80xi32, #tpu.memory_space<vmem>>
          %dma_wait3A_247 = arith.constant 0 : i32
          %dma_wait3A_248 = tpu.memref_slice %dma_wait3A_246[%mul3A_134, %dma_wait3A_247] : memref<16x80xi32, #tpu.memory_space<vmem>> -> memref<1x80xi32, #tpu.memory_space<vmem>>
          %dma_wait3A_249 = tpu.memref_squeeze %dma_wait3A_248 : memref<1x80xi32, #tpu.memory_space<vmem>> -> memref<80xi32, #tpu.memory_space<vmem>>
          %dma_wait3A_250 = arith.constant 0 : i32
          %dma_wait3A_251 = arith.constant 0 : i32
          %dma_wait3A_252 = tpu.memref_slice %arg15[%dma_wait3A_250, %dma_wait3A_251] : memref<10112x128xf32, #tpu.memory_space<vmem_shared>> -> memref<10112x128xf32, #tpu.memory_space<vmem_shared>>
          tpu.wait_indirect_dma semaphore(%arg21 : memref<!tpu.dma_semaphore, #tpu.memory_space<semaphore_mem>>) src(%dma_wait3A_242 : memref<80x128xf32, #tpu.memory_space<vmem>>) dst(%dma_wait3A_252 : memref<10112x128xf32, #tpu.memory_space<vmem_shared>>)
          %lt3A_253 = arith.constant 3 : i32
          %lt3A_254 = arith.cmpi slt, %scan3A_132, %lt3A_253 : i32
          %convert_element_type3A_255 = arith.extui %lt3A_254 : i1 to i32
          %cond3A_256 = arith.constant 0 : i32
          %cond3A_257 = arith.cmpi ne, %convert_element_type3A_255, %cond3A_256 : i32
          scf.if %cond3A_257 {
            %add3A_388 = arith.constant 4 : i32
            %add3A_389 = arith.addi %mul3A_134, %add3A_388 : i32
            %dma_start3A_390 = arith.constant 0 : i32
            %dma_start3A_391 = arith.constant 0 : i32
            %dma_start3A_392 = arith.constant 0 : i32
            %dma_start3A_393 = tpu.memref_slice %arg13[%dma_start3A_390, %dma_start3A_391, %dma_start3A_392] : memref<4x80x128xf32, #tpu.memory_space<vmem>> -> memref<1x80x128xf32, #tpu.memory_space<vmem>>
            %dma_start3A_394 = tpu.memref_squeeze %dma_start3A_393 : memref<1x80x128xf32, #tpu.memory_space<vmem>> -> memref<80x128xf32, #tpu.memory_space<vmem>>
            %dma_start3A_395 = arith.constant 0 : i32
            %dma_start3A_396 = arith.constant 0 : i32
            %dma_start3A_397 = tpu.memref_slice %arg11[%scan3A_105, %dma_start3A_395, %dma_start3A_396] : memref<2x16x80xi32, #tpu.memory_space<vmem>> -> memref<1x16x80xi32, #tpu.memory_space<vmem>>
            %dma_start3A_398 = tpu.memref_squeeze %dma_start3A_397 : memref<1x16x80xi32, #tpu.memory_space<vmem>> -> memref<16x80xi32, #tpu.memory_space<vmem>>
            %dma_start3A_399 = arith.constant 0 : i32
            %dma_start3A_400 = tpu.memref_slice %dma_start3A_398[%add3A_389, %dma_start3A_399] : memref<16x80xi32, #tpu.memory_space<vmem>> -> memref<1x80xi32, #tpu.memory_space<vmem>>
            %dma_start3A_401 = tpu.memref_squeeze %dma_start3A_400 : memref<1x80xi32, #tpu.memory_space<vmem>> -> memref<80xi32, #tpu.memory_space<vmem>>
            %dma_start3A_402 = arith.constant 0 : i32
            %dma_start3A_403 = arith.constant 0 : i32
            %dma_start3A_404 = tpu.memref_slice %arg2[%dma_start3A_402, %dma_start3A_403] : memref<10000x128xf32, #tpu.memory_space<hbm>> -> memref<10000x128xf32, #tpu.memory_space<hbm>>
            tpu.enqueue_indirect_dma source(%dma_start3A_404 : memref<10000x128xf32, #tpu.memory_space<hbm>>) target(%dma_start3A_394 : memref<80x128xf32, #tpu.memory_space<vmem>>) offsets(%dma_start3A_401 : memref<80xi32, #tpu.memory_space<vmem>>) semaphore(%arg17 : memref<!tpu.dma_semaphore, #tpu.memory_space<semaphore_mem>>)
          } else {
          }
          %add3A_258 = arith.constant 2 : i32
          %add3A_259 = arith.addi %mul3A_134, %add3A_258 : i32
          %dma_wait3A_260 = arith.constant 2 : i32
          %dma_wait3A_261 = arith.constant 0 : i32
          %dma_wait3A_262 = arith.constant 0 : i32
          %dma_wait3A_263 = tpu.memref_slice %arg13[%dma_wait3A_260, %dma_wait3A_261, %dma_wait3A_262] : memref<4x80x128xf32, #tpu.memory_space<vmem>> -> memref<1x80x128xf32, #tpu.memory_space<vmem>>
          %dma_wait3A_264 = tpu.memref_squeeze %dma_wait3A_263 : memref<1x80x128xf32, #tpu.memory_space<vmem>> -> memref<80x128xf32, #tpu.memory_space<vmem>>
          %dma_wait3A_265 = arith.constant 0 : i32
          %dma_wait3A_266 = arith.constant 0 : i32
          %dma_wait3A_267 = tpu.memref_slice %arg11[%scan3A_105, %dma_wait3A_265, %dma_wait3A_266] : memref<2x16x80xi32, #tpu.memory_space<vmem>> -> memref<1x16x80xi32, #tpu.memory_space<vmem>>
          %dma_wait3A_268 = tpu.memref_squeeze %dma_wait3A_267 : memref<1x16x80xi32, #tpu.memory_space<vmem>> -> memref<16x80xi32, #tpu.memory_space<vmem>>
          %dma_wait3A_269 = arith.constant 0 : i32
          %dma_wait3A_270 = tpu.memref_slice %dma_wait3A_268[%add3A_259, %dma_wait3A_269] : memref<16x80xi32, #tpu.memory_space<vmem>> -> memref<1x80xi32, #tpu.memory_space<vmem>>
          %dma_wait3A_271 = tpu.memref_squeeze %dma_wait3A_270 : memref<1x80xi32, #tpu.memory_space<vmem>> -> memref<80xi32, #tpu.memory_space<vmem>>
          %dma_wait3A_272 = arith.constant 0 : i32
          %dma_wait3A_273 = arith.constant 0 : i32
          %dma_wait3A_274 = tpu.memref_slice %arg2[%dma_wait3A_272, %dma_wait3A_273] : memref<10000x128xf32, #tpu.memory_space<hbm>> -> memref<10000x128xf32, #tpu.memory_space<hbm>>
          tpu.wait_indirect_dma semaphore(%arg19 : memref<!tpu.dma_semaphore, #tpu.memory_space<semaphore_mem>>) src(%dma_wait3A_274 : memref<10000x128xf32, #tpu.memory_space<hbm>>) dst(%dma_wait3A_264 : memref<80x128xf32, #tpu.memory_space<vmem>>)
          %add3A_275 = arith.constant 2 : i32
          %add3A_276 = arith.addi %mul3A_134, %add3A_275 : i32
          %dma_start3A_277 = arith.constant 2 : i32
          %dma_start3A_278 = arith.constant 0 : i32
          %dma_start3A_279 = arith.constant 0 : i32
          %dma_start3A_280 = tpu.memref_slice %arg13[%dma_start3A_277, %dma_start3A_278, %dma_start3A_279] : memref<4x80x128xf32, #tpu.memory_space<vmem>> -> memref<1x80x128xf32, #tpu.memory_space<vmem>>
          %dma_start3A_281 = tpu.memref_squeeze %dma_start3A_280 : memref<1x80x128xf32, #tpu.memory_space<vmem>> -> memref<80x128xf32, #tpu.memory_space<vmem>>
          %dma_start3A_282 = arith.constant 0 : i32
          %dma_start3A_283 = arith.constant 0 : i32
          %dma_start3A_284 = tpu.memref_slice %arg12[%scan3A_104, %dma_start3A_282, %dma_start3A_283] : memref<2x16x80xi32, #tpu.memory_space<vmem>> -> memref<1x16x80xi32, #tpu.memory_space<vmem>>
          %dma_start3A_285 = tpu.memref_squeeze %dma_start3A_284 : memref<1x16x80xi32, #tpu.memory_space<vmem>> -> memref<16x80xi32, #tpu.memory_space<vmem>>
          %dma_start3A_286 = arith.constant 0 : i32
          %dma_start3A_287 = tpu.memref_slice %dma_start3A_285[%add3A_276, %dma_start3A_286] : memref<16x80xi32, #tpu.memory_space<vmem>> -> memref<1x80xi32, #tpu.memory_space<vmem>>
          %dma_start3A_288 = tpu.memref_squeeze %dma_start3A_287 : memref<1x80xi32, #tpu.memory_space<vmem>> -> memref<80xi32, #tpu.memory_space<vmem>>
          %dma_start3A_289 = arith.constant 0 : i32
          %dma_start3A_290 = arith.constant 0 : i32
          %dma_start3A_291 = tpu.memref_slice %arg15[%dma_start3A_289, %dma_start3A_290] : memref<10112x128xf32, #tpu.memory_space<vmem_shared>> -> memref<10112x128xf32, #tpu.memory_space<vmem_shared>>
          tpu.enqueue_indirect_dma source(%dma_start3A_281 : memref<80x128xf32, #tpu.memory_space<vmem>>) target(%dma_start3A_291 : memref<10112x128xf32, #tpu.memory_space<vmem_shared>>) offsets(%dma_start3A_288 : memref<80xi32, #tpu.memory_space<vmem>>) semaphore(%arg23 : memref<!tpu.dma_semaphore, #tpu.memory_space<semaphore_mem>>) {add = true}
          %dma_start3A_292 = arith.constant 0 : i32
          %dma_start3A_293 = arith.constant 0 : i32
          %dma_start3A_294 = tpu.memref_slice %arg12[%scan3A_104, %dma_start3A_292, %dma_start3A_293] : memref<2x16x80xi32, #tpu.memory_space<vmem>> -> memref<1x16x80xi32, #tpu.memory_space<vmem>>
          %dma_start3A_295 = tpu.memref_squeeze %dma_start3A_294 : memref<1x16x80xi32, #tpu.memory_space<vmem>> -> memref<16x80xi32, #tpu.memory_space<vmem>>
          %dma_start3A_296 = arith.constant 0 : i32
          %dma_start3A_297 = tpu.memref_slice %dma_start3A_295[%add3A_276, %dma_start3A_296] : memref<16x80xi32, #tpu.memory_space<vmem>> -> memref<1x80xi32, #tpu.memory_space<vmem>>
          %dma_start3A_298 = tpu.memref_squeeze %dma_start3A_297 : memref<1x80xi32, #tpu.memory_space<vmem>> -> memref<80xi32, #tpu.memory_space<vmem>>
          %dma_start3A_299 = arith.constant 0 : i32
          %dma_start3A_300 = tpu.memref_slice %arg16[%dma_start3A_299] : memref<10240xf32, #tpu.memory_space<vmem_shared>> -> memref<10240xf32, #tpu.memory_space<vmem_shared>>
          tpu.enqueue_indirect_dma source(%arg14 : memref<80xf32, #tpu.memory_space<vmem>>) target(%dma_start3A_300 : memref<10240xf32, #tpu.memory_space<vmem_shared>>) offsets(%dma_start3A_298 : memref<80xi32, #tpu.memory_space<vmem>>) semaphore(%arg27 : memref<!tpu.dma_semaphore, #tpu.memory_space<semaphore_mem>>) {add = true}
          %add3A_301 = arith.constant 1 : i32
          %add3A_302 = arith.addi %mul3A_134, %add3A_301 : i32
          %dma_wait3A_303 = arith.constant 1 : i32
          %dma_wait3A_304 = arith.constant 0 : i32
          %dma_wait3A_305 = arith.constant 0 : i32
          %dma_wait3A_306 = tpu.memref_slice %arg13[%dma_wait3A_303, %dma_wait3A_304, %dma_wait3A_305] : memref<4x80x128xf32, #tpu.memory_space<vmem>> -> memref<1x80x128xf32, #tpu.memory_space<vmem>>
          %dma_wait3A_307 = tpu.memref_squeeze %dma_wait3A_306 : memref<1x80x128xf32, #tpu.memory_space<vmem>> -> memref<80x128xf32, #tpu.memory_space<vmem>>
          %dma_wait3A_308 = arith.constant 0 : i32
          %dma_wait3A_309 = arith.constant 0 : i32
          %dma_wait3A_310 = tpu.memref_slice %arg12[%scan3A_104, %dma_wait3A_308, %dma_wait3A_309] : memref<2x16x80xi32, #tpu.memory_space<vmem>> -> memref<1x16x80xi32, #tpu.memory_space<vmem>>
          %dma_wait3A_311 = tpu.memref_squeeze %dma_wait3A_310 : memref<1x16x80xi32, #tpu.memory_space<vmem>> -> memref<16x80xi32, #tpu.memory_space<vmem>>
          %dma_wait3A_312 = arith.constant 0 : i32
          %dma_wait3A_313 = tpu.memref_slice %dma_wait3A_311[%add3A_302, %dma_wait3A_312] : memref<16x80xi32, #tpu.memory_space<vmem>> -> memref<1x80xi32, #tpu.memory_space<vmem>>
          %dma_wait3A_314 = tpu.memref_squeeze %dma_wait3A_313 : memref<1x80xi32, #tpu.memory_space<vmem>> -> memref<80xi32, #tpu.memory_space<vmem>>
          %dma_wait3A_315 = arith.constant 0 : i32
          %dma_wait3A_316 = arith.constant 0 : i32
          %dma_wait3A_317 = tpu.memref_slice %arg15[%dma_wait3A_315, %dma_wait3A_316] : memref<10112x128xf32, #tpu.memory_space<vmem_shared>> -> memref<10112x128xf32, #tpu.memory_space<vmem_shared>>
          tpu.wait_indirect_dma semaphore(%arg22 : memref<!tpu.dma_semaphore, #tpu.memory_space<semaphore_mem>>) src(%dma_wait3A_307 : memref<80x128xf32, #tpu.memory_space<vmem>>) dst(%dma_wait3A_317 : memref<10112x128xf32, #tpu.memory_space<vmem_shared>>)
          %lt3A_318 = arith.constant 3 : i32
          %lt3A_319 = arith.cmpi slt, %scan3A_132, %lt3A_318 : i32
          %convert_element_type3A_320 = arith.extui %lt3A_319 : i1 to i32
          %cond3A_321 = arith.constant 0 : i32
          %cond3A_322 = arith.cmpi ne, %convert_element_type3A_320, %cond3A_321 : i32
          scf.if %cond3A_322 {
            %add3A_388 = arith.constant 5 : i32
            %add3A_389 = arith.addi %mul3A_134, %add3A_388 : i32
            %dma_start3A_390 = arith.constant 1 : i32
            %dma_start3A_391 = arith.constant 0 : i32
            %dma_start3A_392 = arith.constant 0 : i32
            %dma_start3A_393 = tpu.memref_slice %arg13[%dma_start3A_390, %dma_start3A_391, %dma_start3A_392] : memref<4x80x128xf32, #tpu.memory_space<vmem>> -> memref<1x80x128xf32, #tpu.memory_space<vmem>>
            %dma_start3A_394 = tpu.memref_squeeze %dma_start3A_393 : memref<1x80x128xf32, #tpu.memory_space<vmem>> -> memref<80x128xf32, #tpu.memory_space<vmem>>
            %dma_start3A_395 = arith.constant 0 : i32
            %dma_start3A_396 = arith.constant 0 : i32
            %dma_start3A_397 = tpu.memref_slice %arg11[%scan3A_105, %dma_start3A_395, %dma_start3A_396] : memref<2x16x80xi32, #tpu.memory_space<vmem>> -> memref<1x16x80xi32, #tpu.memory_space<vmem>>
            %dma_start3A_398 = tpu.memref_squeeze %dma_start3A_397 : memref<1x16x80xi32, #tpu.memory_space<vmem>> -> memref<16x80xi32, #tpu.memory_space<vmem>>
            %dma_start3A_399 = arith.constant 0 : i32
            %dma_start3A_400 = tpu.memref_slice %dma_start3A_398[%add3A_389, %dma_start3A_399] : memref<16x80xi32, #tpu.memory_space<vmem>> -> memref<1x80xi32, #tpu.memory_space<vmem>>
            %dma_start3A_401 = tpu.memref_squeeze %dma_start3A_400 : memref<1x80xi32, #tpu.memory_space<vmem>> -> memref<80xi32, #tpu.memory_space<vmem>>
            %dma_start3A_402 = arith.constant 0 : i32
            %dma_start3A_403 = arith.constant 0 : i32
            %dma_start3A_404 = tpu.memref_slice %arg2[%dma_start3A_402, %dma_start3A_403] : memref<10000x128xf32, #tpu.memory_space<hbm>> -> memref<10000x128xf32, #tpu.memory_space<hbm>>
            tpu.enqueue_indirect_dma source(%dma_start3A_404 : memref<10000x128xf32, #tpu.memory_space<hbm>>) target(%dma_start3A_394 : memref<80x128xf32, #tpu.memory_space<vmem>>) offsets(%dma_start3A_401 : memref<80xi32, #tpu.memory_space<vmem>>) semaphore(%arg18 : memref<!tpu.dma_semaphore, #tpu.memory_space<semaphore_mem>>)
          } else {
          }
          %add3A_323 = arith.constant 3 : i32
          %add3A_324 = arith.addi %mul3A_134, %add3A_323 : i32
          %dma_wait3A_325 = arith.constant 3 : i32
          %dma_wait3A_326 = arith.constant 0 : i32
          %dma_wait3A_327 = arith.constant 0 : i32
          %dma_wait3A_328 = tpu.memref_slice %arg13[%dma_wait3A_325, %dma_wait3A_326, %dma_wait3A_327] : memref<4x80x128xf32, #tpu.memory_space<vmem>> -> memref<1x80x128xf32, #tpu.memory_space<vmem>>
          %dma_wait3A_329 = tpu.memref_squeeze %dma_wait3A_328 : memref<1x80x128xf32, #tpu.memory_space<vmem>> -> memref<80x128xf32, #tpu.memory_space<vmem>>
          %dma_wait3A_330 = arith.constant 0 : i32
          %dma_wait3A_331 = arith.constant 0 : i32
          %dma_wait3A_332 = tpu.memref_slice %arg11[%scan3A_105, %dma_wait3A_330, %dma_wait3A_331] : memref<2x16x80xi32, #tpu.memory_space<vmem>> -> memref<1x16x80xi32, #tpu.memory_space<vmem>>
          %dma_wait3A_333 = tpu.memref_squeeze %dma_wait3A_332 : memref<1x16x80xi32, #tpu.memory_space<vmem>> -> memref<16x80xi32, #tpu.memory_space<vmem>>
          %dma_wait3A_334 = arith.constant 0 : i32
          %dma_wait3A_335 = tpu.memref_slice %dma_wait3A_333[%add3A_324, %dma_wait3A_334] : memref<16x80xi32, #tpu.memory_space<vmem>> -> memref<1x80xi32, #tpu.memory_space<vmem>>
          %dma_wait3A_336 = tpu.memref_squeeze %dma_wait3A_335 : memref<1x80xi32, #tpu.memory_space<vmem>> -> memref<80xi32, #tpu.memory_space<vmem>>
          %dma_wait3A_337 = arith.constant 0 : i32
          %dma_wait3A_338 = arith.constant 0 : i32
          %dma_wait3A_339 = tpu.memref_slice %arg2[%dma_wait3A_337, %dma_wait3A_338] : memref<10000x128xf32, #tpu.memory_space<hbm>> -> memref<10000x128xf32, #tpu.memory_space<hbm>>
          tpu.wait_indirect_dma semaphore(%arg20 : memref<!tpu.dma_semaphore, #tpu.memory_space<semaphore_mem>>) src(%dma_wait3A_339 : memref<10000x128xf32, #tpu.memory_space<hbm>>) dst(%dma_wait3A_329 : memref<80x128xf32, #tpu.memory_space<vmem>>)
          %add3A_340 = arith.constant 3 : i32
          %add3A_341 = arith.addi %mul3A_134, %add3A_340 : i32
          %dma_start3A_342 = arith.constant 3 : i32
          %dma_start3A_343 = arith.constant 0 : i32
          %dma_start3A_344 = arith.constant 0 : i32
          %dma_start3A_345 = tpu.memref_slice %arg13[%dma_start3A_342, %dma_start3A_343, %dma_start3A_344] : memref<4x80x128xf32, #tpu.memory_space<vmem>> -> memref<1x80x128xf32, #tpu.memory_space<vmem>>
          %dma_start3A_346 = tpu.memref_squeeze %dma_start3A_345 : memref<1x80x128xf32, #tpu.memory_space<vmem>> -> memref<80x128xf32, #tpu.memory_space<vmem>>
          %dma_start3A_347 = arith.constant 0 : i32
          %dma_start3A_348 = arith.constant 0 : i32
          %dma_start3A_349 = tpu.memref_slice %arg12[%scan3A_104, %dma_start3A_347, %dma_start3A_348] : memref<2x16x80xi32, #tpu.memory_space<vmem>> -> memref<1x16x80xi32, #tpu.memory_space<vmem>>
          %dma_start3A_350 = tpu.memref_squeeze %dma_start3A_349 : memref<1x16x80xi32, #tpu.memory_space<vmem>> -> memref<16x80xi32, #tpu.memory_space<vmem>>
          %dma_start3A_351 = arith.constant 0 : i32
          %dma_start3A_352 = tpu.memref_slice %dma_start3A_350[%add3A_341, %dma_start3A_351] : memref<16x80xi32, #tpu.memory_space<vmem>> -> memref<1x80xi32, #tpu.memory_space<vmem>>
          %dma_start3A_353 = tpu.memref_squeeze %dma_start3A_352 : memref<1x80xi32, #tpu.memory_space<vmem>> -> memref<80xi32, #tpu.memory_space<vmem>>
          %dma_start3A_354 = arith.constant 0 : i32
          %dma_start3A_355 = arith.constant 0 : i32
          %dma_start3A_356 = tpu.memref_slice %arg15[%dma_start3A_354, %dma_start3A_355] : memref<10112x128xf32, #tpu.memory_space<vmem_shared>> -> memref<10112x128xf32, #tpu.memory_space<vmem_shared>>
          tpu.enqueue_indirect_dma source(%dma_start3A_346 : memref<80x128xf32, #tpu.memory_space<vmem>>) target(%dma_start3A_356 : memref<10112x128xf32, #tpu.memory_space<vmem_shared>>) offsets(%dma_start3A_353 : memref<80xi32, #tpu.memory_space<vmem>>) semaphore(%arg24 : memref<!tpu.dma_semaphore, #tpu.memory_space<semaphore_mem>>) {add = true}
          %dma_start3A_357 = arith.constant 0 : i32
          %dma_start3A_358 = arith.constant 0 : i32
          %dma_start3A_359 = tpu.memref_slice %arg12[%scan3A_104, %dma_start3A_357, %dma_start3A_358] : memref<2x16x80xi32, #tpu.memory_space<vmem>> -> memref<1x16x80xi32, #tpu.memory_space<vmem>>
          %dma_start3A_360 = tpu.memref_squeeze %dma_start3A_359 : memref<1x16x80xi32, #tpu.memory_space<vmem>> -> memref<16x80xi32, #tpu.memory_space<vmem>>
          %dma_start3A_361 = arith.constant 0 : i32
          %dma_start3A_362 = tpu.memref_slice %dma_start3A_360[%add3A_341, %dma_start3A_361] : memref<16x80xi32, #tpu.memory_space<vmem>> -> memref<1x80xi32, #tpu.memory_space<vmem>>
          %dma_start3A_363 = tpu.memref_squeeze %dma_start3A_362 : memref<1x80xi32, #tpu.memory_space<vmem>> -> memref<80xi32, #tpu.memory_space<vmem>>
          %dma_start3A_364 = arith.constant 0 : i32
          %dma_start3A_365 = tpu.memref_slice %arg16[%dma_start3A_364] : memref<10240xf32, #tpu.memory_space<vmem_shared>> -> memref<10240xf32, #tpu.memory_space<vmem_shared>>
          tpu.enqueue_indirect_dma source(%arg14 : memref<80xf32, #tpu.memory_space<vmem>>) target(%dma_start3A_365 : memref<10240xf32, #tpu.memory_space<vmem_shared>>) offsets(%dma_start3A_363 : memref<80xi32, #tpu.memory_space<vmem>>) semaphore(%arg27 : memref<!tpu.dma_semaphore, #tpu.memory_space<semaphore_mem>>) {add = true}
          %add3A_366 = arith.constant 2 : i32
          %add3A_367 = arith.addi %mul3A_134, %add3A_366 : i32
          %dma_wait3A_368 = arith.constant 2 : i32
          %dma_wait3A_369 = arith.constant 0 : i32
          %dma_wait3A_370 = arith.constant 0 : i32
          %dma_wait3A_371 = tpu.memref_slice %arg13[%dma_wait3A_368, %dma_wait3A_369, %dma_wait3A_370] : memref<4x80x128xf32, #tpu.memory_space<vmem>> -> memref<1x80x128xf32, #tpu.memory_space<vmem>>
          %dma_wait3A_372 = tpu.memref_squeeze %dma_wait3A_371 : memref<1x80x128xf32, #tpu.memory_space<vmem>> -> memref<80x128xf32, #tpu.memory_space<vmem>>
          %dma_wait3A_373 = arith.constant 0 : i32
          %dma_wait3A_374 = arith.constant 0 : i32
          %dma_wait3A_375 = tpu.memref_slice %arg12[%scan3A_104, %dma_wait3A_373, %dma_wait3A_374] : memref<2x16x80xi32, #tpu.memory_space<vmem>> -> memref<1x16x80xi32, #tpu.memory_space<vmem>>
          %dma_wait3A_376 = tpu.memref_squeeze %dma_wait3A_375 : memref<1x16x80xi32, #tpu.memory_space<vmem>> -> memref<16x80xi32, #tpu.memory_space<vmem>>
          %dma_wait3A_377 = arith.constant 0 : i32
          %dma_wait3A_378 = tpu.memref_slice %dma_wait3A_376[%add3A_367, %dma_wait3A_377] : memref<16x80xi32, #tpu.memory_space<vmem>> -> memref<1x80xi32, #tpu.memory_space<vmem>>
          %dma_wait3A_379 = tpu.memref_squeeze %dma_wait3A_378 : memref<1x80xi32, #tpu.memory_space<vmem>> -> memref<80xi32, #tpu.memory_space<vmem>>
          %dma_wait3A_380 = arith.constant 0 : i32
          %dma_wait3A_381 = arith.constant 0 : i32
          %dma_wait3A_382 = tpu.memref_slice %arg15[%dma_wait3A_380, %dma_wait3A_381] : memref<10112x128xf32, #tpu.memory_space<vmem_shared>> -> memref<10112x128xf32, #tpu.memory_space<vmem_shared>>
          tpu.wait_indirect_dma semaphore(%arg23 : memref<!tpu.dma_semaphore, #tpu.memory_space<semaphore_mem>>) src(%dma_wait3A_372 : memref<80x128xf32, #tpu.memory_space<vmem>>) dst(%dma_wait3A_382 : memref<10112x128xf32, #tpu.memory_space<vmem_shared>>)
          %lt3A_383 = arith.constant 3 : i32
          %lt3A_384 = arith.cmpi slt, %scan3A_132, %lt3A_383 : i32
          %convert_element_type3A_385 = arith.extui %lt3A_384 : i1 to i32
          %cond3A_386 = arith.constant 0 : i32
          %cond3A_387 = arith.cmpi ne, %convert_element_type3A_385, %cond3A_386 : i32
          scf.if %cond3A_387 {
            %add3A_388 = arith.constant 6 : i32
            %add3A_389 = arith.addi %mul3A_134, %add3A_388 : i32
            %dma_start3A_390 = arith.constant 2 : i32
            %dma_start3A_391 = arith.constant 0 : i32
            %dma_start3A_392 = arith.constant 0 : i32
            %dma_start3A_393 = tpu.memref_slice %arg13[%dma_start3A_390, %dma_start3A_391, %dma_start3A_392] : memref<4x80x128xf32, #tpu.memory_space<vmem>> -> memref<1x80x128xf32, #tpu.memory_space<vmem>>
            %dma_start3A_394 = tpu.memref_squeeze %dma_start3A_393 : memref<1x80x128xf32, #tpu.memory_space<vmem>> -> memref<80x128xf32, #tpu.memory_space<vmem>>
            %dma_start3A_395 = arith.constant 0 : i32
            %dma_start3A_396 = arith.constant 0 : i32
            %dma_start3A_397 = tpu.memref_slice %arg11[%scan3A_105, %dma_start3A_395, %dma_start3A_396] : memref<2x16x80xi32, #tpu.memory_space<vmem>> -> memref<1x16x80xi32, #tpu.memory_space<vmem>>
            %dma_start3A_398 = tpu.memref_squeeze %dma_start3A_397 : memref<1x16x80xi32, #tpu.memory_space<vmem>> -> memref<16x80xi32, #tpu.memory_space<vmem>>
            %dma_start3A_399 = arith.constant 0 : i32
            %dma_start3A_400 = tpu.memref_slice %dma_start3A_398[%add3A_389, %dma_start3A_399] : memref<16x80xi32, #tpu.memory_space<vmem>> -> memref<1x80xi32, #tpu.memory_space<vmem>>
            %dma_start3A_401 = tpu.memref_squeeze %dma_start3A_400 : memref<1x80xi32, #tpu.memory_space<vmem>> -> memref<80xi32, #tpu.memory_space<vmem>>
            %dma_start3A_402 = arith.constant 0 : i32
            %dma_start3A_403 = arith.constant 0 : i32
            %dma_start3A_404 = tpu.memref_slice %arg2[%dma_start3A_402, %dma_start3A_403] : memref<10000x128xf32, #tpu.memory_space<hbm>> -> memref<10000x128xf32, #tpu.memory_space<hbm>>
            tpu.enqueue_indirect_dma source(%dma_start3A_404 : memref<10000x128xf32, #tpu.memory_space<hbm>>) target(%dma_start3A_394 : memref<80x128xf32, #tpu.memory_space<vmem>>) offsets(%dma_start3A_401 : memref<80xi32, #tpu.memory_space<vmem>>) semaphore(%arg19 : memref<!tpu.dma_semaphore, #tpu.memory_space<semaphore_mem>>)
          } else {
          }
        }
        %scan3A_110 = arith.constant 4 : i32
        %dma_wait3A = arith.constant 3 : i32
        %dma_wait3A_111 = arith.constant 1 : i32
        %dma_wait3A_112 = arith.constant 15 : i32
        %dma_wait3A_113 = arith.constant 0 : i32
        %dma_wait3A_114 = arith.constant 0 : i32
        %dma_wait3A_115 = tpu.memref_slice %arg13[%dma_wait3A, %dma_wait3A_113, %dma_wait3A_114] : memref<4x80x128xf32, #tpu.memory_space<vmem>> -> memref<1x80x128xf32, #tpu.memory_space<vmem>>
        %dma_wait3A_116 = tpu.memref_squeeze %dma_wait3A_115 : memref<1x80x128xf32, #tpu.memory_space<vmem>> -> memref<80x128xf32, #tpu.memory_space<vmem>>
        %dma_wait3A_117 = arith.constant 0 : i32
        %dma_wait3A_118 = arith.constant 0 : i32
        %dma_wait3A_119 = tpu.memref_slice %arg12[%dma_wait3A_111, %dma_wait3A_117, %dma_wait3A_118] : memref<2x16x80xi32, #tpu.memory_space<vmem>> -> memref<1x16x80xi32, #tpu.memory_space<vmem>>
        %dma_wait3A_120 = tpu.memref_squeeze %dma_wait3A_119 : memref<1x16x80xi32, #tpu.memory_space<vmem>> -> memref<16x80xi32, #tpu.memory_space<vmem>>
        %dma_wait3A_121 = arith.constant 0 : i32
        %dma_wait3A_122 = tpu.memref_slice %dma_wait3A_120[%dma_wait3A_112, %dma_wait3A_121] : memref<16x80xi32, #tpu.memory_space<vmem>> -> memref<1x80xi32, #tpu.memory_space<vmem>>
        %dma_wait3A_123 = tpu.memref_squeeze %dma_wait3A_122 : memref<1x80xi32, #tpu.memory_space<vmem>> -> memref<80xi32, #tpu.memory_space<vmem>>
        %dma_wait3A_124 = arith.constant 0 : i32
        %dma_wait3A_125 = arith.constant 0 : i32
        %dma_wait3A_126 = tpu.memref_slice %arg15[%dma_wait3A_124, %dma_wait3A_125] : memref<10112x128xf32, #tpu.memory_space<vmem_shared>> -> memref<10112x128xf32, #tpu.memory_space<vmem_shared>>
        tpu.wait_indirect_dma semaphore(%arg24 : memref<!tpu.dma_semaphore, #tpu.memory_space<semaphore_mem>>) src(%dma_wait3A_116 : memref<80x128xf32, #tpu.memory_space<vmem>>) dst(%dma_wait3A_126 : memref<10112x128xf32, #tpu.memory_space<vmem_shared>>)
        %lt3A_127 = arith.constant 7 : i32
        %lt3A_128 = arith.cmpi slt, %scan3A_35, %lt3A_127 : i32
        %convert_element_type3A_129 = arith.extui %lt3A_128 : i1 to i32
        %cond3A_130 = arith.constant 0 : i32
        %cond3A_131 = arith.cmpi ne, %convert_element_type3A_129, %cond3A_130 : i32
        scf.if %cond3A_131 {
          %add3A_132 = arith.constant 1 : i32
          %add3A_133 = arith.addi %scan3A_35, %add3A_132 : i32
          %dma_wait3A_134 = arith.constant 0 : i32
          %dma_wait3A_135 = arith.constant 0 : i32
          %dma_wait3A_136 = arith.constant 0 : i32
          %dma_wait3A_137 = tpu.memref_slice %arg11[%dma_wait3A_134, %dma_wait3A_135, %dma_wait3A_136] : memref<2x16x80xi32, #tpu.memory_space<vmem>> -> memref<1x16x80xi32, #tpu.memory_space<vmem>>
          %dma_wait3A_138 = tpu.memref_squeeze %dma_wait3A_137 : memref<1x16x80xi32, #tpu.memory_space<vmem>> -> memref<16x80xi32, #tpu.memory_space<vmem>>
          %dma_wait3A_139 = arith.constant 0 : i32
          %dma_wait3A_140 = arith.constant 0 : i32
          %dma_wait3A_141 = tpu.memref_slice %arg3[%add3A, %add3A_133, %dma_wait3A_139, %dma_wait3A_140] : memref<32x8x16x80xi32, #tpu.memory_space<hbm>> -> memref<1x1x16x80xi32, #tpu.memory_space<hbm>>
          %dma_wait3A_142 = tpu.memref_squeeze %dma_wait3A_141 : memref<1x1x16x80xi32, #tpu.memory_space<hbm>> -> memref<16x80xi32, #tpu.memory_space<hbm>>
          %dma_wait3A_143 = arith.constant 0 : i32
          %dma_wait3A_144 = arith.constant 0 : i32
          %dma_wait3A_145 = tpu.memref_slice %arg11[%dma_wait3A_134, %dma_wait3A_143, %dma_wait3A_144] : memref<2x16x80xi32, #tpu.memory_space<vmem>> -> memref<1x16x80xi32, #tpu.memory_space<vmem>>
          %dma_wait3A_146 = tpu.memref_squeeze %dma_wait3A_145 : memref<1x16x80xi32, #tpu.memory_space<vmem>> -> memref<16x80xi32, #tpu.memory_space<vmem>>
          %dma_wait3A_147 = arith.constant 0 : i32
          %dma_wait3A_148 = arith.constant 0 : i32
          %dma_wait3A_149 = tpu.memref_slice %arg3[%add3A, %add3A_133, %dma_wait3A_147, %dma_wait3A_148] : memref<32x8x16x80xi32, #tpu.memory_space<hbm>> -> memref<1x1x16x80xi32, #tpu.memory_space<hbm>>
          %dma_wait3A_150 = tpu.memref_squeeze %dma_wait3A_149 : memref<1x1x16x80xi32, #tpu.memory_space<hbm>> -> memref<16x80xi32, #tpu.memory_space<hbm>>
          tpu.wait_dma2 semaphore(%arg25 : memref<!tpu.dma_semaphore, #tpu.memory_space<semaphore_mem>>) src(%dma_wait3A_150 : memref<16x80xi32, #tpu.memory_space<hbm>>) dst(%dma_wait3A_146 : memref<16x80xi32, #tpu.memory_space<vmem>>)
          %dma_wait3A_151 = arith.constant 0 : i32
          %dma_wait3A_152 = arith.constant 0 : i32
          %dma_wait3A_153 = arith.constant 0 : i32
          %dma_wait3A_154 = tpu.memref_slice %arg12[%dma_wait3A_151, %dma_wait3A_152, %dma_wait3A_153] : memref<2x16x80xi32, #tpu.memory_space<vmem>> -> memref<1x16x80xi32, #tpu.memory_space<vmem>>
          %dma_wait3A_155 = tpu.memref_squeeze %dma_wait3A_154 : memref<1x16x80xi32, #tpu.memory_space<vmem>> -> memref<16x80xi32, #tpu.memory_space<vmem>>
          %dma_wait3A_156 = arith.constant 0 : i32
          %dma_wait3A_157 = arith.constant 0 : i32
          %dma_wait3A_158 = tpu.memref_slice %arg4[%add3A, %add3A_133, %dma_wait3A_156, %dma_wait3A_157] : memref<32x8x16x80xi32, #tpu.memory_space<hbm>> -> memref<1x1x16x80xi32, #tpu.memory_space<hbm>>
          %dma_wait3A_159 = tpu.memref_squeeze %dma_wait3A_158 : memref<1x1x16x80xi32, #tpu.memory_space<hbm>> -> memref<16x80xi32, #tpu.memory_space<hbm>>
          %dma_wait3A_160 = arith.constant 0 : i32
          %dma_wait3A_161 = arith.constant 0 : i32
          %dma_wait3A_162 = tpu.memref_slice %arg12[%dma_wait3A_151, %dma_wait3A_160, %dma_wait3A_161] : memref<2x16x80xi32, #tpu.memory_space<vmem>> -> memref<1x16x80xi32, #tpu.memory_space<vmem>>
          %dma_wait3A_163 = tpu.memref_squeeze %dma_wait3A_162 : memref<1x16x80xi32, #tpu.memory_space<vmem>> -> memref<16x80xi32, #tpu.memory_space<vmem>>
          %dma_wait3A_164 = arith.constant 0 : i32
          %dma_wait3A_165 = arith.constant 0 : i32
          %dma_wait3A_166 = tpu.memref_slice %arg4[%add3A, %add3A_133, %dma_wait3A_164, %dma_wait3A_165] : memref<32x8x16x80xi32, #tpu.memory_space<hbm>> -> memref<1x1x16x80xi32, #tpu.memory_space<hbm>>
          %dma_wait3A_167 = tpu.memref_squeeze %dma_wait3A_166 : memref<1x1x16x80xi32, #tpu.memory_space<hbm>> -> memref<16x80xi32, #tpu.memory_space<hbm>>
          tpu.wait_dma2 semaphore(%arg25 : memref<!tpu.dma_semaphore, #tpu.memory_space<semaphore_mem>>) src(%dma_wait3A_167 : memref<16x80xi32, #tpu.memory_space<hbm>>) dst(%dma_wait3A_163 : memref<16x80xi32, #tpu.memory_space<vmem>>)
        } else {
        }
      } else {
      }
    }
    %scan3A_16 = arith.constant 8 : i32
    %scan3A_17 = arith.constant 0 : i32
    %scan3A_18 = arith.constant 0 : i32
    %scan3A_19 = arith.constant 128 : i32
    %scan3A_20 = arith.addi %scan3A_18, %scan3A_19 : i32
    %scan3A_21 = arith.constant 1 : i32
    scf.for %scan3A_35 = %scan3A_18 to %scan3A_20 step %scan3A_21  : i32 {
      %dma_wait3A = arith.constant 0 : i32
      %dma_wait3A_36 = arith.constant 0 : i32
      %dma_wait3A_37 = arith.constant 0 : i32
      %dma_wait3A_38 = tpu.memref_slice %arg12[%dma_wait3A, %dma_wait3A_36, %dma_wait3A_37] : memref<2x16x80xi32, #tpu.memory_space<vmem>> -> memref<1x1x80xi32, #tpu.memory_space<vmem>>
      %dma_wait3A_39 = tpu.memref_squeeze %dma_wait3A_38 : memref<1x1x80xi32, #tpu.memory_space<vmem>> -> memref<80xi32, #tpu.memory_space<vmem>>
      %dma_wait3A_40 = arith.constant 0 : i32
      %dma_wait3A_41 = tpu.memref_slice %arg16[%dma_wait3A_40] : memref<10240xf32, #tpu.memory_space<vmem_shared>> -> memref<10240xf32, #tpu.memory_space<vmem_shared>>
      tpu.wait_indirect_dma semaphore(%arg27 : memref<!tpu.dma_semaphore, #tpu.memory_space<semaphore_mem>>) src(%arg14 : memref<80xf32, #tpu.memory_space<vmem>>) dst(%dma_wait3A_41 : memref<10240xf32, #tpu.memory_space<vmem_shared>>)
    }
    %scan3A_22 = arith.constant 128 : i32
    %barrier3A_23 = arith.constant 0 : index
    tpu.barrier barrier_id(%barrier3A_23)
    %mul3A_24 = arith.constant 632 : i32
    %mul3A_25 = arith.muli %arg1, %mul3A_24 : i32
    "tpu.region"() ({
      %run_scoped3A_35 = tpu.sem_alloc : memref<!tpu.dma_semaphore, #tpu.memory_space<semaphore_mem>>
      %dma_start3A = arith.constant 0 : i32
      %dma_start3A_36 = tpu.memref_slice %arg8[%arg0, %mul3A_25, %dma_start3A] : memref<2x10112x128xf32, #tpu.memory_space<hbm>> -> memref<1x632x128xf32, #tpu.memory_space<hbm>>
      %dma_start3A_37 = tpu.memref_squeeze %dma_start3A_36 : memref<1x632x128xf32, #tpu.memory_space<hbm>> -> memref<632x128xf32, #tpu.memory_space<hbm>>
      %dma_start3A_38 = arith.constant 0 : i32
      %dma_start3A_39 = tpu.memref_slice %arg15[%mul3A_25, %dma_start3A_38] : memref<10112x128xf32, #tpu.memory_space<vmem_shared>> -> memref<632x128xf32, #tpu.memory_space<vmem_shared>>
      tpu.enqueue_dma source(%dma_start3A_39 : memref<632x128xf32, #tpu.memory_space<vmem_shared>>) target(%dma_start3A_37 : memref<632x128xf32, #tpu.memory_space<hbm>>) target_semaphore(%run_scoped3A_35 : memref<!tpu.dma_semaphore, #tpu.memory_space<semaphore_mem>>)
      %dma_wait3A = arith.constant 0 : i32
      %dma_wait3A_40 = tpu.memref_slice %arg8[%arg0, %mul3A_25, %dma_wait3A] : memref<2x10112x128xf32, #tpu.memory_space<hbm>> -> memref<1x632x128xf32, #tpu.memory_space<hbm>>
      %dma_wait3A_41 = tpu.memref_squeeze %dma_wait3A_40 : memref<1x632x128xf32, #tpu.memory_space<hbm>> -> memref<632x128xf32, #tpu.memory_space<hbm>>
      %dma_wait3A_42 = arith.constant 0 : i32
      %dma_wait3A_43 = tpu.memref_slice %arg15[%mul3A_25, %dma_wait3A_42] : memref<10112x128xf32, #tpu.memory_space<vmem_shared>> -> memref<632x128xf32, #tpu.memory_space<vmem_shared>>
      tpu.wait_dma2 semaphore(%run_scoped3A_35 : memref<!tpu.dma_semaphore, #tpu.memory_space<semaphore_mem>>) src(%dma_wait3A_43 : memref<632x128xf32, #tpu.memory_space<vmem_shared>>) dst(%dma_wait3A_41 : memref<632x128xf32, #tpu.memory_space<hbm>>)
      tpu.yield
    }) : () -> ()
    %mul3A_26 = arith.constant 640 : i32
    %mul3A_27 = arith.muli %arg1, %mul3A_26 : i32
    %eq3A = arith.constant 0 : i32
    %eq3A_28 = arith.cmpi eq, %arg0, %eq3A : i32
    %convert_element_type3A = arith.extui %eq3A_28 : i1 to i32
    %cond3A = arith.constant 0 : i32
    %cond3A_29 = arith.cmpi ne, %convert_element_type3A, %cond3A : i32
    scf.if %cond3A_29 {
      "tpu.region"() ({
        %run_scoped3A_35 = tpu.sem_alloc : memref<!tpu.dma_semaphore, #tpu.memory_space<semaphore_mem>>
        %dma_start3A = tpu.memref_slice %arg9[%mul3A_27] : memref<10240xf32, #tpu.memory_space<hbm>> -> memref<640xf32, #tpu.memory_space<hbm>>
        %dma_start3A_36 = tpu.memref_slice %arg16[%mul3A_27] : memref<10240xf32, #tpu.memory_space<vmem_shared>> -> memref<640xf32, #tpu.memory_space<vmem_shared>>
        tpu.enqueue_dma source(%dma_start3A_36 : memref<640xf32, #tpu.memory_space<vmem_shared>>) target(%dma_start3A : memref<640xf32, #tpu.memory_space<hbm>>) target_semaphore(%run_scoped3A_35 : memref<!tpu.dma_semaphore, #tpu.memory_space<semaphore_mem>>)
        %dma_wait3A = tpu.memref_slice %arg9[%mul3A_27] : memref<10240xf32, #tpu.memory_space<hbm>> -> memref<640xf32, #tpu.memory_space<hbm>>
        %dma_wait3A_37 = tpu.memref_slice %arg16[%mul3A_27] : memref<10240xf32, #tpu.memory_space<vmem_shared>> -> memref<640xf32, #tpu.memory_space<vmem_shared>>
        tpu.wait_dma2 semaphore(%run_scoped3A_35 : memref<!tpu.dma_semaphore, #tpu.memory_space<semaphore_mem>>) src(%dma_wait3A_37 : memref<640xf32, #tpu.memory_space<vmem_shared>>) dst(%dma_wait3A : memref<640xf32, #tpu.memory_space<hbm>>)
        tpu.yield
      }) : () -> ()
    } else {
    }
    %eq3A_30 = arith.constant 1 : i32
    %eq3A_31 = arith.cmpi eq, %arg0, %eq3A_30 : i32
    %convert_element_type3A_32 = arith.extui %eq3A_31 : i1 to i32
    %cond3A_33 = arith.constant 0 : i32
    %cond3A_34 = arith.cmpi ne, %convert_element_type3A_32, %cond3A_33 : i32
    scf.if %cond3A_34 {
      "tpu.region"() ({
        %run_scoped3A_35 = tpu.sem_alloc : memref<!tpu.dma_semaphore, #tpu.memory_space<semaphore_mem>>
        %dma_start3A = tpu.memref_slice %arg10[%mul3A_27] : memref<10240xf32, #tpu.memory_space<hbm>> -> memref<640xf32, #tpu.memory_space<hbm>>
        %dma_start3A_36 = tpu.memref_slice %arg16[%mul3A_27] : memref<10240xf32, #tpu.memory_space<vmem_shared>> -> memref<640xf32, #tpu.memory_space<vmem_shared>>
        tpu.enqueue_dma source(%dma_start3A_36 : memref<640xf32, #tpu.memory_space<vmem_shared>>) target(%dma_start3A : memref<640xf32, #tpu.memory_space<hbm>>) target_semaphore(%run_scoped3A_35 : memref<!tpu.dma_semaphore, #tpu.memory_space<semaphore_mem>>)
        %dma_wait3A = tpu.memref_slice %arg10[%mul3A_27] : memref<10240xf32, #tpu.memory_space<hbm>> -> memref<640xf32, #tpu.memory_space<hbm>>
        %dma_wait3A_37 = tpu.memref_slice %arg16[%mul3A_27] : memref<10240xf32, #tpu.memory_space<vmem_shared>> -> memref<640xf32, #tpu.memory_space<vmem_shared>>
        tpu.wait_dma2 semaphore(%run_scoped3A_35 : memref<!tpu.dma_semaphore, #tpu.memory_space<semaphore_mem>>) src(%dma_wait3A_37 : memref<640xf32, #tpu.memory_space<vmem_shared>>) dst(%dma_wait3A : memref<640xf32, #tpu.memory_space<hbm>>)
        tpu.yield
      }) : () -> ()
    } else {
    }
    return
  }
}

#map = affine_map<(d0, d1) -> (0, 0)>
#map1 = affine_map<(d0, d1) -> (0, 0, 0, 0)>
#map2 = affine_map<(d0, d1) -> (0, 0, 0)>
module attributes {stable_mosaic.version = 14 : i64} {
  func.func @body(%arg0: i32, %arg1: i32, %arg2: memref<10000x128xf32, #tpu.memory_space<hbm>>, %arg3: memref<32x8x16x80xi32, #tpu.memory_space<hbm>>, %arg4: memref<32x8x16x80xi32, #tpu.memory_space<hbm>>, %arg5: memref<10112x128xf32, #tpu.memory_space<hbm>>, %arg6: memref<2x10112x128xf32, #tpu.memory_space<hbm>>, %arg7: memref<2x16x80xi32, #tpu.memory_space<vmem>>, %arg8: memref<2x16x80xi32, #tpu.memory_space<vmem>>, %arg9: memref<4x80x128xf32, #tpu.memory_space<vmem>>, %arg10: memref<10112x128xf32, #tpu.memory_space<vmem_shared>>, %arg11: memref<!tpu.dma_semaphore, #tpu.memory_space<semaphore_mem>>, %arg12: memref<!tpu.dma_semaphore, #tpu.memory_space<semaphore_mem>>, %arg13: memref<!tpu.dma_semaphore, #tpu.memory_space<semaphore_mem>>, %arg14: memref<!tpu.dma_semaphore, #tpu.memory_space<semaphore_mem>>, %arg15: memref<!tpu.dma_semaphore, #tpu.memory_space<semaphore_mem>>, %arg16: memref<!tpu.dma_semaphore, #tpu.memory_space<semaphore_mem>>, %arg17: memref<!tpu.dma_semaphore, #tpu.memory_space<semaphore_mem>>, %arg18: memref<!tpu.dma_semaphore, #tpu.memory_space<semaphore_mem>>, %arg19: memref<!tpu.dma_semaphore, #tpu.memory_space<semaphore_mem>>, %arg20: memref<!tpu.dma_semaphore, #tpu.memory_space<semaphore_mem>>) attributes {dimension_semantics = [#tpu.dimension_semantics<core_parallel>, #tpu.dimension_semantics<subcore_parallel>], iteration_bounds = array<i64: 2, 16>, scalar_prefetch = 0 : i64, scratch_operands = 14 : i64, tpu.core_type = #tpu.core_type<sc_vector_subcore>, window_params = [{transform_indices = #map}, {transform_indices = #map1}, {transform_indices = #map1}, {transform_indices = #map}, {transform_indices = #map2}]} {
    %mul3A = arith.constant 16 : i32
    %mul3A_0 = arith.muli %arg0, %mul3A : i32
    %add3A = arith.addi %mul3A_0, %arg1 : i32
    %run_scoped3A = arith.constant 0 : i32
    %run_scoped3A_1 = arith.constant 0 : i32
    "tpu.region"() ({
      %run_scoped3A_16 = tpu.sem_alloc : memref<!tpu.dma_semaphore, #tpu.memory_space<semaphore_mem>>
      %dma_start3A = arith.constant 0 : i32
      %dma_start3A_17 = arith.constant 0 : i32
      %dma_start3A_18 = tpu.memref_slice %arg7[%run_scoped3A_1, %dma_start3A, %dma_start3A_17] : memref<2x16x80xi32, #tpu.memory_space<vmem>> -> memref<1x16x80xi32, #tpu.memory_space<vmem>>
      %dma_start3A_19 = tpu.memref_squeeze %dma_start3A_18 : memref<1x16x80xi32, #tpu.memory_space<vmem>> -> memref<16x80xi32, #tpu.memory_space<vmem>>
      %dma_start3A_20 = arith.constant 0 : i32
      %dma_start3A_21 = arith.constant 0 : i32
      %dma_start3A_22 = tpu.memref_slice %arg3[%add3A, %run_scoped3A, %dma_start3A_20, %dma_start3A_21] : memref<32x8x16x80xi32, #tpu.memory_space<hbm>> -> memref<1x1x16x80xi32, #tpu.memory_space<hbm>>
      %dma_start3A_23 = tpu.memref_squeeze %dma_start3A_22 : memref<1x1x16x80xi32, #tpu.memory_space<hbm>> -> memref<16x80xi32, #tpu.memory_space<hbm>>
      %dma_start3A_24 = arith.constant 0 : i32
      %dma_start3A_25 = arith.constant 0 : i32
      %dma_start3A_26 = tpu.memref_slice %arg7[%run_scoped3A_1, %dma_start3A_24, %dma_start3A_25] : memref<2x16x80xi32, #tpu.memory_space<vmem>> -> memref<1x16x80xi32, #tpu.memory_space<vmem>>
      %dma_start3A_27 = tpu.memref_squeeze %dma_start3A_26 : memref<1x16x80xi32, #tpu.memory_space<vmem>> -> memref<16x80xi32, #tpu.memory_space<vmem>>
      %dma_start3A_28 = arith.constant 0 : i32
      %dma_start3A_29 = arith.constant 0 : i32
      %dma_start3A_30 = tpu.memref_slice %arg3[%add3A, %run_scoped3A, %dma_start3A_28, %dma_start3A_29] : memref<32x8x16x80xi32, #tpu.memory_space<hbm>> -> memref<1x1x16x80xi32, #tpu.memory_space<hbm>>
      %dma_start3A_31 = tpu.memref_squeeze %dma_start3A_30 : memref<1x1x16x80xi32, #tpu.memory_space<hbm>> -> memref<16x80xi32, #tpu.memory_space<hbm>>
      tpu.enqueue_dma source(%dma_start3A_31 : memref<16x80xi32, #tpu.memory_space<hbm>>) target(%dma_start3A_27 : memref<16x80xi32, #tpu.memory_space<vmem>>) target_semaphore(%run_scoped3A_16 : memref<!tpu.dma_semaphore, #tpu.memory_space<semaphore_mem>>)
      %dma_wait3A = arith.constant 0 : i32
      %dma_wait3A_32 = arith.constant 0 : i32
      %dma_wait3A_33 = tpu.memref_slice %arg7[%run_scoped3A_1, %dma_wait3A, %dma_wait3A_32] : memref<2x16x80xi32, #tpu.memory_space<vmem>> -> memref<1x16x80xi32, #tpu.memory_space<vmem>>
      %dma_wait3A_34 = tpu.memref_squeeze %dma_wait3A_33 : memref<1x16x80xi32, #tpu.memory_space<vmem>> -> memref<16x80xi32, #tpu.memory_space<vmem>>
      %dma_wait3A_35 = arith.constant 0 : i32
      %dma_wait3A_36 = arith.constant 0 : i32
      %dma_wait3A_37 = tpu.memref_slice %arg3[%add3A, %run_scoped3A, %dma_wait3A_35, %dma_wait3A_36] : memref<32x8x16x80xi32, #tpu.memory_space<hbm>> -> memref<1x1x16x80xi32, #tpu.memory_space<hbm>>
      %dma_wait3A_38 = tpu.memref_squeeze %dma_wait3A_37 : memref<1x1x16x80xi32, #tpu.memory_space<hbm>> -> memref<16x80xi32, #tpu.memory_space<hbm>>
      %dma_wait3A_39 = arith.constant 0 : i32
      %dma_wait3A_40 = arith.constant 0 : i32
      %dma_wait3A_41 = tpu.memref_slice %arg7[%run_scoped3A_1, %dma_wait3A_39, %dma_wait3A_40] : memref<2x16x80xi32, #tpu.memory_space<vmem>> -> memref<1x16x80xi32, #tpu.memory_space<vmem>>
      %dma_wait3A_42 = tpu.memref_squeeze %dma_wait3A_41 : memref<1x16x80xi32, #tpu.memory_space<vmem>> -> memref<16x80xi32, #tpu.memory_space<vmem>>
      %dma_wait3A_43 = arith.constant 0 : i32
      %dma_wait3A_44 = arith.constant 0 : i32
      %dma_wait3A_45 = tpu.memref_slice %arg3[%add3A, %run_scoped3A, %dma_wait3A_43, %dma_wait3A_44] : memref<32x8x16x80xi32, #tpu.memory_space<hbm>> -> memref<1x1x16x80xi32, #tpu.memory_space<hbm>>
      %dma_wait3A_46 = tpu.memref_squeeze %dma_wait3A_45 : memref<1x1x16x80xi32, #tpu.memory_space<hbm>> -> memref<16x80xi32, #tpu.memory_space<hbm>>
      tpu.wait_dma2 semaphore(%run_scoped3A_16 : memref<!tpu.dma_semaphore, #tpu.memory_space<semaphore_mem>>) src(%dma_wait3A_46 : memref<16x80xi32, #tpu.memory_space<hbm>>) dst(%dma_wait3A_42 : memref<16x80xi32, #tpu.memory_space<vmem>>)
      tpu.yield
    }) : () -> ()
    %run_scoped3A_2 = arith.constant 0 : i32
    %run_scoped3A_3 = arith.constant 0 : i32
    "tpu.region"() ({
      %run_scoped3A_16 = tpu.sem_alloc : memref<!tpu.dma_semaphore, #tpu.memory_space<semaphore_mem>>
      %dma_start3A = arith.constant 0 : i32
      %dma_start3A_17 = arith.constant 0 : i32
      %dma_start3A_18 = tpu.memref_slice %arg8[%run_scoped3A_3, %dma_start3A, %dma_start3A_17] : memref<2x16x80xi32, #tpu.memory_space<vmem>> -> memref<1x16x80xi32, #tpu.memory_space<vmem>>
      %dma_start3A_19 = tpu.memref_squeeze %dma_start3A_18 : memref<1x16x80xi32, #tpu.memory_space<vmem>> -> memref<16x80xi32, #tpu.memory_space<vmem>>
      %dma_start3A_20 = arith.constant 0 : i32
      %dma_start3A_21 = arith.constant 0 : i32
      %dma_start3A_22 = tpu.memref_slice %arg4[%add3A, %run_scoped3A_2, %dma_start3A_20, %dma_start3A_21] : memref<32x8x16x80xi32, #tpu.memory_space<hbm>> -> memref<1x1x16x80xi32, #tpu.memory_space<hbm>>
      %dma_start3A_23 = tpu.memref_squeeze %dma_start3A_22 : memref<1x1x16x80xi32, #tpu.memory_space<hbm>> -> memref<16x80xi32, #tpu.memory_space<hbm>>
      %dma_start3A_24 = arith.constant 0 : i32
      %dma_start3A_25 = arith.constant 0 : i32
      %dma_start3A_26 = tpu.memref_slice %arg8[%run_scoped3A_3, %dma_start3A_24, %dma_start3A_25] : memref<2x16x80xi32, #tpu.memory_space<vmem>> -> memref<1x16x80xi32, #tpu.memory_space<vmem>>
      %dma_start3A_27 = tpu.memref_squeeze %dma_start3A_26 : memref<1x16x80xi32, #tpu.memory_space<vmem>> -> memref<16x80xi32, #tpu.memory_space<vmem>>
      %dma_start3A_28 = arith.constant 0 : i32
      %dma_start3A_29 = arith.constant 0 : i32
      %dma_start3A_30 = tpu.memref_slice %arg4[%add3A, %run_scoped3A_2, %dma_start3A_28, %dma_start3A_29] : memref<32x8x16x80xi32, #tpu.memory_space<hbm>> -> memref<1x1x16x80xi32, #tpu.memory_space<hbm>>
      %dma_start3A_31 = tpu.memref_squeeze %dma_start3A_30 : memref<1x1x16x80xi32, #tpu.memory_space<hbm>> -> memref<16x80xi32, #tpu.memory_space<hbm>>
      tpu.enqueue_dma source(%dma_start3A_31 : memref<16x80xi32, #tpu.memory_space<hbm>>) target(%dma_start3A_27 : memref<16x80xi32, #tpu.memory_space<vmem>>) target_semaphore(%run_scoped3A_16 : memref<!tpu.dma_semaphore, #tpu.memory_space<semaphore_mem>>)
      %dma_wait3A = arith.constant 0 : i32
      %dma_wait3A_32 = arith.constant 0 : i32
      %dma_wait3A_33 = tpu.memref_slice %arg8[%run_scoped3A_3, %dma_wait3A, %dma_wait3A_32] : memref<2x16x80xi32, #tpu.memory_space<vmem>> -> memref<1x16x80xi32, #tpu.memory_space<vmem>>
      %dma_wait3A_34 = tpu.memref_squeeze %dma_wait3A_33 : memref<1x16x80xi32, #tpu.memory_space<vmem>> -> memref<16x80xi32, #tpu.memory_space<vmem>>
      %dma_wait3A_35 = arith.constant 0 : i32
      %dma_wait3A_36 = arith.constant 0 : i32
      %dma_wait3A_37 = tpu.memref_slice %arg4[%add3A, %run_scoped3A_2, %dma_wait3A_35, %dma_wait3A_36] : memref<32x8x16x80xi32, #tpu.memory_space<hbm>> -> memref<1x1x16x80xi32, #tpu.memory_space<hbm>>
      %dma_wait3A_38 = tpu.memref_squeeze %dma_wait3A_37 : memref<1x1x16x80xi32, #tpu.memory_space<hbm>> -> memref<16x80xi32, #tpu.memory_space<hbm>>
      %dma_wait3A_39 = arith.constant 0 : i32
      %dma_wait3A_40 = arith.constant 0 : i32
      %dma_wait3A_41 = tpu.memref_slice %arg8[%run_scoped3A_3, %dma_wait3A_39, %dma_wait3A_40] : memref<2x16x80xi32, #tpu.memory_space<vmem>> -> memref<1x16x80xi32, #tpu.memory_space<vmem>>
      %dma_wait3A_42 = tpu.memref_squeeze %dma_wait3A_41 : memref<1x16x80xi32, #tpu.memory_space<vmem>> -> memref<16x80xi32, #tpu.memory_space<vmem>>
      %dma_wait3A_43 = arith.constant 0 : i32
      %dma_wait3A_44 = arith.constant 0 : i32
      %dma_wait3A_45 = tpu.memref_slice %arg4[%add3A, %run_scoped3A_2, %dma_wait3A_43, %dma_wait3A_44] : memref<32x8x16x80xi32, #tpu.memory_space<hbm>> -> memref<1x1x16x80xi32, #tpu.memory_space<hbm>>
      %dma_wait3A_46 = tpu.memref_squeeze %dma_wait3A_45 : memref<1x1x16x80xi32, #tpu.memory_space<hbm>> -> memref<16x80xi32, #tpu.memory_space<hbm>>
      tpu.wait_dma2 semaphore(%run_scoped3A_16 : memref<!tpu.dma_semaphore, #tpu.memory_space<semaphore_mem>>) src(%dma_wait3A_46 : memref<16x80xi32, #tpu.memory_space<hbm>>) dst(%dma_wait3A_42 : memref<16x80xi32, #tpu.memory_space<vmem>>)
      tpu.yield
    }) : () -> ()
    %mul3A_4 = arith.constant 632 : i32
    %mul3A_5 = arith.muli %arg1, %mul3A_4 : i32
    %mul3A_6 = arith.constant 632 : i32
    %mul3A_7 = arith.muli %arg1, %mul3A_6 : i32
    "tpu.region"() ({
      %run_scoped3A_16 = tpu.sem_alloc : memref<!tpu.dma_semaphore, #tpu.memory_space<semaphore_mem>>
      %dma_start3A = arith.constant 0 : i32
      %dma_start3A_17 = tpu.memref_slice %arg10[%mul3A_7, %dma_start3A] : memref<10112x128xf32, #tpu.memory_space<vmem_shared>> -> memref<632x128xf32, #tpu.memory_space<vmem_shared>>
      %dma_start3A_18 = arith.constant 0 : i32
      %dma_start3A_19 = tpu.memref_slice %arg5[%mul3A_5, %dma_start3A_18] : memref<10112x128xf32, #tpu.memory_space<hbm>> -> memref<632x128xf32, #tpu.memory_space<hbm>>
      tpu.enqueue_dma source(%dma_start3A_19 : memref<632x128xf32, #tpu.memory_space<hbm>>) target(%dma_start3A_17 : memref<632x128xf32, #tpu.memory_space<vmem_shared>>) target_semaphore(%run_scoped3A_16 : memref<!tpu.dma_semaphore, #tpu.memory_space<semaphore_mem>>)
      %dma_wait3A = arith.constant 0 : i32
      %dma_wait3A_20 = tpu.memref_slice %arg10[%mul3A_7, %dma_wait3A] : memref<10112x128xf32, #tpu.memory_space<vmem_shared>> -> memref<632x128xf32, #tpu.memory_space<vmem_shared>>
      %dma_wait3A_21 = arith.constant 0 : i32
      %dma_wait3A_22 = tpu.memref_slice %arg5[%mul3A_5, %dma_wait3A_21] : memref<10112x128xf32, #tpu.memory_space<hbm>> -> memref<632x128xf32, #tpu.memory_space<hbm>>
      tpu.wait_dma2 semaphore(%run_scoped3A_16 : memref<!tpu.dma_semaphore, #tpu.memory_space<semaphore_mem>>) src(%dma_wait3A_22 : memref<632x128xf32, #tpu.memory_space<hbm>>) dst(%dma_wait3A_20 : memref<632x128xf32, #tpu.memory_space<vmem_shared>>)
      tpu.yield
    }) : () -> ()
    %barrier3A = arith.constant 0 : index
    tpu.barrier barrier_id(%barrier3A)
    %scan3A = arith.constant 0 : i32
    %scan3A_8 = arith.constant 0 : i32
    %scan3A_9 = arith.constant 8 : i32
    %scan3A_10 = arith.addi %scan3A_8, %scan3A_9 : i32
    %scan3A_11 = arith.constant 1 : i32
    scf.for %scan3A_16 = %scan3A_8 to %scan3A_10 step %scan3A_11  : i32 {
      %rem3A = arith.constant 2 : i32
      %rem3A_17 = arith.remsi %scan3A_16, %rem3A : i32
      %eq3A = arith.constant 0 : i32
      %eq3A_18 = arith.cmpi eq, %rem3A_17, %eq3A : i32
      %convert_element_type3A = arith.extui %eq3A_18 : i1 to i32
      %cond3A = arith.constant 0 : i32
      %cond3A_19 = arith.cmpi ne, %convert_element_type3A, %cond3A : i32
      scf.if %cond3A_19 {
        %lt3A = arith.constant 7 : i32
        %lt3A_27 = arith.cmpi slt, %scan3A_16, %lt3A : i32
        %convert_element_type3A_28 = arith.extui %lt3A_27 : i1 to i32
        %cond3A_29 = arith.constant 0 : i32
        %cond3A_30 = arith.cmpi ne, %convert_element_type3A_28, %cond3A_29 : i32
        scf.if %cond3A_30 {
          %add3A_110 = arith.constant 1 : i32
          %add3A_111 = arith.addi %scan3A_16, %add3A_110 : i32
          %dma_start3A_112 = arith.constant 1 : i32
          %dma_start3A_113 = arith.constant 0 : i32
          %dma_start3A_114 = arith.constant 0 : i32
          %dma_start3A_115 = tpu.memref_slice %arg7[%dma_start3A_112, %dma_start3A_113, %dma_start3A_114] : memref<2x16x80xi32, #tpu.memory_space<vmem>> -> memref<1x16x80xi32, #tpu.memory_space<vmem>>
          %dma_start3A_116 = tpu.memref_squeeze %dma_start3A_115 : memref<1x16x80xi32, #tpu.memory_space<vmem>> -> memref<16x80xi32, #tpu.memory_space<vmem>>
          %dma_start3A_117 = arith.constant 0 : i32
          %dma_start3A_118 = arith.constant 0 : i32
          %dma_start3A_119 = tpu.memref_slice %arg3[%add3A, %add3A_111, %dma_start3A_117, %dma_start3A_118] : memref<32x8x16x80xi32, #tpu.memory_space<hbm>> -> memref<1x1x16x80xi32, #tpu.memory_space<hbm>>
          %dma_start3A_120 = tpu.memref_squeeze %dma_start3A_119 : memref<1x1x16x80xi32, #tpu.memory_space<hbm>> -> memref<16x80xi32, #tpu.memory_space<hbm>>
          %dma_start3A_121 = arith.constant 0 : i32
          %dma_start3A_122 = arith.constant 0 : i32
          %dma_start3A_123 = tpu.memref_slice %arg7[%dma_start3A_112, %dma_start3A_121, %dma_start3A_122] : memref<2x16x80xi32, #tpu.memory_space<vmem>> -> memref<1x16x80xi32, #tpu.memory_space<vmem>>
          %dma_start3A_124 = tpu.memref_squeeze %dma_start3A_123 : memref<1x16x80xi32, #tpu.memory_space<vmem>> -> memref<16x80xi32, #tpu.memory_space<vmem>>
          %dma_start3A_125 = arith.constant 0 : i32
          %dma_start3A_126 = arith.constant 0 : i32
          %dma_start3A_127 = tpu.memref_slice %arg3[%add3A, %add3A_111, %dma_start3A_125, %dma_start3A_126] : memref<32x8x16x80xi32, #tpu.memory_space<hbm>> -> memref<1x1x16x80xi32, #tpu.memory_space<hbm>>
          %dma_start3A_128 = tpu.memref_squeeze %dma_start3A_127 : memref<1x1x16x80xi32, #tpu.memory_space<hbm>> -> memref<16x80xi32, #tpu.memory_space<hbm>>
          tpu.enqueue_dma source(%dma_start3A_128 : memref<16x80xi32, #tpu.memory_space<hbm>>) target(%dma_start3A_124 : memref<16x80xi32, #tpu.memory_space<vmem>>) target_semaphore(%arg20 : memref<!tpu.dma_semaphore, #tpu.memory_space<semaphore_mem>>)
          %dma_start3A_129 = arith.constant 1 : i32
          %dma_start3A_130 = arith.constant 0 : i32
          %dma_start3A_131 = arith.constant 0 : i32
          %dma_start3A_132 = tpu.memref_slice %arg8[%dma_start3A_129, %dma_start3A_130, %dma_start3A_131] : memref<2x16x80xi32, #tpu.memory_space<vmem>> -> memref<1x16x80xi32, #tpu.memory_space<vmem>>
          %dma_start3A_133 = tpu.memref_squeeze %dma_start3A_132 : memref<1x16x80xi32, #tpu.memory_space<vmem>> -> memref<16x80xi32, #tpu.memory_space<vmem>>
          %dma_start3A_134 = arith.constant 0 : i32
          %dma_start3A_135 = arith.constant 0 : i32
          %dma_start3A_136 = tpu.memref_slice %arg4[%add3A, %add3A_111, %dma_start3A_134, %dma_start3A_135] : memref<32x8x16x80xi32, #tpu.memory_space<hbm>> -> memref<1x1x16x80xi32, #tpu.memory_space<hbm>>
          %dma_start3A_137 = tpu.memref_squeeze %dma_start3A_136 : memref<1x1x16x80xi32, #tpu.memory_space<hbm>> -> memref<16x80xi32, #tpu.memory_space<hbm>>
          %dma_start3A_138 = arith.constant 0 : i32
          %dma_start3A_139 = arith.constant 0 : i32
          %dma_start3A_140 = tpu.memref_slice %arg8[%dma_start3A_129, %dma_start3A_138, %dma_start3A_139] : memref<2x16x80xi32, #tpu.memory_space<vmem>> -> memref<1x16x80xi32, #tpu.memory_space<vmem>>
          %dma_start3A_141 = tpu.memref_squeeze %dma_start3A_140 : memref<1x16x80xi32, #tpu.memory_space<vmem>> -> memref<16x80xi32, #tpu.memory_space<vmem>>
          %dma_start3A_142 = arith.constant 0 : i32
          %dma_start3A_143 = arith.constant 0 : i32
          %dma_start3A_144 = tpu.memref_slice %arg4[%add3A, %add3A_111, %dma_start3A_142, %dma_start3A_143] : memref<32x8x16x80xi32, #tpu.memory_space<hbm>> -> memref<1x1x16x80xi32, #tpu.memory_space<hbm>>
          %dma_start3A_145 = tpu.memref_squeeze %dma_start3A_144 : memref<1x1x16x80xi32, #tpu.memory_space<hbm>> -> memref<16x80xi32, #tpu.memory_space<hbm>>
          tpu.enqueue_dma source(%dma_start3A_145 : memref<16x80xi32, #tpu.memory_space<hbm>>) target(%dma_start3A_141 : memref<16x80xi32, #tpu.memory_space<vmem>>) target_semaphore(%arg20 : memref<!tpu.dma_semaphore, #tpu.memory_space<semaphore_mem>>)
        } else {
        }
        %dma_start3A = arith.constant 0 : i32
        %dma_start3A_31 = arith.constant 0 : i32
        %dma_start3A_32 = arith.constant 0 : i32
        %dma_start3A_33 = arith.constant 0 : i32
        %dma_start3A_34 = arith.constant 0 : i32
        %dma_start3A_35 = tpu.memref_slice %arg9[%dma_start3A_32, %dma_start3A_33, %dma_start3A_34] : memref<4x80x128xf32, #tpu.memory_space<vmem>> -> memref<1x80x128xf32, #tpu.memory_space<vmem>>
        %dma_start3A_36 = tpu.memref_squeeze %dma_start3A_35 : memref<1x80x128xf32, #tpu.memory_space<vmem>> -> memref<80x128xf32, #tpu.memory_space<vmem>>
        %dma_start3A_37 = arith.constant 0 : i32
        %dma_start3A_38 = arith.constant 0 : i32
        %dma_start3A_39 = tpu.memref_slice %arg7[%dma_start3A, %dma_start3A_37, %dma_start3A_38] : memref<2x16x80xi32, #tpu.memory_space<vmem>> -> memref<1x16x80xi32, #tpu.memory_space<vmem>>
        %dma_start3A_40 = tpu.memref_squeeze %dma_start3A_39 : memref<1x16x80xi32, #tpu.memory_space<vmem>> -> memref<16x80xi32, #tpu.memory_space<vmem>>
        %dma_start3A_41 = arith.constant 0 : i32
        %dma_start3A_42 = tpu.memref_slice %dma_start3A_40[%dma_start3A_31, %dma_start3A_41] : memref<16x80xi32, #tpu.memory_space<vmem>> -> memref<1x80xi32, #tpu.memory_space<vmem>>
        %dma_start3A_43 = tpu.memref_squeeze %dma_start3A_42 : memref<1x80xi32, #tpu.memory_space<vmem>> -> memref<80xi32, #tpu.memory_space<vmem>>
        %dma_start3A_44 = arith.constant 0 : i32
        %dma_start3A_45 = arith.constant 0 : i32
        %dma_start3A_46 = tpu.memref_slice %arg2[%dma_start3A_44, %dma_start3A_45] : memref<10000x128xf32, #tpu.memory_space<hbm>> -> memref<10000x128xf32, #tpu.memory_space<hbm>>
        tpu.enqueue_indirect_dma source(%dma_start3A_46 : memref<10000x128xf32, #tpu.memory_space<hbm>>) target(%dma_start3A_36 : memref<80x128xf32, #tpu.memory_space<vmem>>) offsets(%dma_start3A_43 : memref<80xi32, #tpu.memory_space<vmem>>) semaphore(%arg11 : memref<!tpu.dma_semaphore, #tpu.memory_space<semaphore_mem>>)
        %dma_start3A_47 = arith.constant 0 : i32
        %dma_start3A_48 = arith.constant 1 : i32
        %dma_start3A_49 = arith.constant 1 : i32
        %dma_start3A_50 = arith.constant 0 : i32
        %dma_start3A_51 = arith.constant 0 : i32
        %dma_start3A_52 = tpu.memref_slice %arg9[%dma_start3A_49, %dma_start3A_50, %dma_start3A_51] : memref<4x80x128xf32, #tpu.memory_space<vmem>> -> memref<1x80x128xf32, #tpu.memory_space<vmem>>
        %dma_start3A_53 = tpu.memref_squeeze %dma_start3A_52 : memref<1x80x128xf32, #tpu.memory_space<vmem>> -> memref<80x128xf32, #tpu.memory_space<vmem>>
        %dma_start3A_54 = arith.constant 0 : i32
        %dma_start3A_55 = arith.constant 0 : i32
        %dma_start3A_56 = tpu.memref_slice %arg7[%dma_start3A_47, %dma_start3A_54, %dma_start3A_55] : memref<2x16x80xi32, #tpu.memory_space<vmem>> -> memref<1x16x80xi32, #tpu.memory_space<vmem>>
        %dma_start3A_57 = tpu.memref_squeeze %dma_start3A_56 : memref<1x16x80xi32, #tpu.memory_space<vmem>> -> memref<16x80xi32, #tpu.memory_space<vmem>>
        %dma_start3A_58 = arith.constant 0 : i32
        %dma_start3A_59 = tpu.memref_slice %dma_start3A_57[%dma_start3A_48, %dma_start3A_58] : memref<16x80xi32, #tpu.memory_space<vmem>> -> memref<1x80xi32, #tpu.memory_space<vmem>>
        %dma_start3A_60 = tpu.memref_squeeze %dma_start3A_59 : memref<1x80xi32, #tpu.memory_space<vmem>> -> memref<80xi32, #tpu.memory_space<vmem>>
        %dma_start3A_61 = arith.constant 0 : i32
        %dma_start3A_62 = arith.constant 0 : i32
        %dma_start3A_63 = tpu.memref_slice %arg2[%dma_start3A_61, %dma_start3A_62] : memref<10000x128xf32, #tpu.memory_space<hbm>> -> memref<10000x128xf32, #tpu.memory_space<hbm>>
        tpu.enqueue_indirect_dma source(%dma_start3A_63 : memref<10000x128xf32, #tpu.memory_space<hbm>>) target(%dma_start3A_53 : memref<80x128xf32, #tpu.memory_space<vmem>>) offsets(%dma_start3A_60 : memref<80xi32, #tpu.memory_space<vmem>>) semaphore(%arg12 : memref<!tpu.dma_semaphore, #tpu.memory_space<semaphore_mem>>)
        %dma_start3A_64 = arith.constant 0 : i32
        %dma_start3A_65 = arith.constant 2 : i32
        %dma_start3A_66 = arith.constant 2 : i32
        %dma_start3A_67 = arith.constant 0 : i32
        %dma_start3A_68 = arith.constant 0 : i32
        %dma_start3A_69 = tpu.memref_slice %arg9[%dma_start3A_66, %dma_start3A_67, %dma_start3A_68] : memref<4x80x128xf32, #tpu.memory_space<vmem>> -> memref<1x80x128xf32, #tpu.memory_space<vmem>>
        %dma_start3A_70 = tpu.memref_squeeze %dma_start3A_69 : memref<1x80x128xf32, #tpu.memory_space<vmem>> -> memref<80x128xf32, #tpu.memory_space<vmem>>
        %dma_start3A_71 = arith.constant 0 : i32
        %dma_start3A_72 = arith.constant 0 : i32
        %dma_start3A_73 = tpu.memref_slice %arg7[%dma_start3A_64, %dma_start3A_71, %dma_start3A_72] : memref<2x16x80xi32, #tpu.memory_space<vmem>> -> memref<1x16x80xi32, #tpu.memory_space<vmem>>
        %dma_start3A_74 = tpu.memref_squeeze %dma_start3A_73 : memref<1x16x80xi32, #tpu.memory_space<vmem>> -> memref<16x80xi32, #tpu.memory_space<vmem>>
        %dma_start3A_75 = arith.constant 0 : i32
        %dma_start3A_76 = tpu.memref_slice %dma_start3A_74[%dma_start3A_65, %dma_start3A_75] : memref<16x80xi32, #tpu.memory_space<vmem>> -> memref<1x80xi32, #tpu.memory_space<vmem>>
        %dma_start3A_77 = tpu.memref_squeeze %dma_start3A_76 : memref<1x80xi32, #tpu.memory_space<vmem>> -> memref<80xi32, #tpu.memory_space<vmem>>
        %dma_start3A_78 = arith.constant 0 : i32
        %dma_start3A_79 = arith.constant 0 : i32
        %dma_start3A_80 = tpu.memref_slice %arg2[%dma_start3A_78, %dma_start3A_79] : memref<10000x128xf32, #tpu.memory_space<hbm>> -> memref<10000x128xf32, #tpu.memory_space<hbm>>
        tpu.enqueue_indirect_dma source(%dma_start3A_80 : memref<10000x128xf32, #tpu.memory_space<hbm>>) target(%dma_start3A_70 : memref<80x128xf32, #tpu.memory_space<vmem>>) offsets(%dma_start3A_77 : memref<80xi32, #tpu.memory_space<vmem>>) semaphore(%arg13 : memref<!tpu.dma_semaphore, #tpu.memory_space<semaphore_mem>>)
        %scan3A_81 = arith.constant 0 : i32
        %scan3A_82 = arith.constant 0 : i32
        %scan3A_83 = arith.constant 0 : i32
        %scan3A_84 = arith.constant 0 : i32
        %scan3A_85 = arith.constant 4 : i32
        %scan3A_86 = arith.addi %scan3A_84, %scan3A_85 : i32
        %scan3A_87 = arith.constant 1 : i32
        scf.for %scan3A_110 = %scan3A_84 to %scan3A_86 step %scan3A_87  : i32 {
          %mul3A_111 = arith.constant 4 : i32
          %mul3A_112 = arith.muli %mul3A_111, %scan3A_110 : i32
          %gt3A = arith.constant 0 : i32
          %gt3A_113 = arith.cmpi sgt, %scan3A_110, %gt3A : i32
          %convert_element_type3A_114 = arith.extui %gt3A_113 : i1 to i32
          %cond3A_115 = arith.constant 0 : i32
          %cond3A_116 = arith.cmpi ne, %convert_element_type3A_114, %cond3A_115 : i32
          scf.if %cond3A_116 {
            %sub3A = arith.constant 1 : i32
            %sub3A_330 = arith.subi %mul3A_112, %sub3A : i32
            %dma_wait3A_331 = arith.constant 3 : i32
            %dma_wait3A_332 = arith.constant 0 : i32
            %dma_wait3A_333 = arith.constant 0 : i32
            %dma_wait3A_334 = tpu.memref_slice %arg9[%dma_wait3A_331, %dma_wait3A_332, %dma_wait3A_333] : memref<4x80x128xf32, #tpu.memory_space<vmem>> -> memref<1x80x128xf32, #tpu.memory_space<vmem>>
            %dma_wait3A_335 = tpu.memref_squeeze %dma_wait3A_334 : memref<1x80x128xf32, #tpu.memory_space<vmem>> -> memref<80x128xf32, #tpu.memory_space<vmem>>
            %dma_wait3A_336 = arith.constant 0 : i32
            %dma_wait3A_337 = arith.constant 0 : i32
            %dma_wait3A_338 = tpu.memref_slice %arg8[%scan3A_82, %dma_wait3A_336, %dma_wait3A_337] : memref<2x16x80xi32, #tpu.memory_space<vmem>> -> memref<1x16x80xi32, #tpu.memory_space<vmem>>
            %dma_wait3A_339 = tpu.memref_squeeze %dma_wait3A_338 : memref<1x16x80xi32, #tpu.memory_space<vmem>> -> memref<16x80xi32, #tpu.memory_space<vmem>>
            %dma_wait3A_340 = arith.constant 0 : i32
            %dma_wait3A_341 = tpu.memref_slice %dma_wait3A_339[%sub3A_330, %dma_wait3A_340] : memref<16x80xi32, #tpu.memory_space<vmem>> -> memref<1x80xi32, #tpu.memory_space<vmem>>
            %dma_wait3A_342 = tpu.memref_squeeze %dma_wait3A_341 : memref<1x80xi32, #tpu.memory_space<vmem>> -> memref<80xi32, #tpu.memory_space<vmem>>
            %dma_wait3A_343 = arith.constant 0 : i32
            %dma_wait3A_344 = arith.constant 0 : i32
            %dma_wait3A_345 = tpu.memref_slice %arg10[%dma_wait3A_343, %dma_wait3A_344] : memref<10112x128xf32, #tpu.memory_space<vmem_shared>> -> memref<10112x128xf32, #tpu.memory_space<vmem_shared>>
            tpu.wait_indirect_dma semaphore(%arg18 : memref<!tpu.dma_semaphore, #tpu.memory_space<semaphore_mem>>) src(%dma_wait3A_335 : memref<80x128xf32, #tpu.memory_space<vmem>>) dst(%dma_wait3A_345 : memref<10112x128xf32, #tpu.memory_space<vmem_shared>>)
          } else {
          }
          %add3A_117 = arith.constant 3 : i32
          %add3A_118 = arith.addi %mul3A_112, %add3A_117 : i32
          %dma_start3A_119 = arith.constant 3 : i32
          %dma_start3A_120 = arith.constant 0 : i32
          %dma_start3A_121 = arith.constant 0 : i32
          %dma_start3A_122 = tpu.memref_slice %arg9[%dma_start3A_119, %dma_start3A_120, %dma_start3A_121] : memref<4x80x128xf32, #tpu.memory_space<vmem>> -> memref<1x80x128xf32, #tpu.memory_space<vmem>>
          %dma_start3A_123 = tpu.memref_squeeze %dma_start3A_122 : memref<1x80x128xf32, #tpu.memory_space<vmem>> -> memref<80x128xf32, #tpu.memory_space<vmem>>
          %dma_start3A_124 = arith.constant 0 : i32
          %dma_start3A_125 = arith.constant 0 : i32
          %dma_start3A_126 = tpu.memref_slice %arg7[%scan3A_83, %dma_start3A_124, %dma_start3A_125] : memref<2x16x80xi32, #tpu.memory_space<vmem>> -> memref<1x16x80xi32, #tpu.memory_space<vmem>>
          %dma_start3A_127 = tpu.memref_squeeze %dma_start3A_126 : memref<1x16x80xi32, #tpu.memory_space<vmem>> -> memref<16x80xi32, #tpu.memory_space<vmem>>
          %dma_start3A_128 = arith.constant 0 : i32
          %dma_start3A_129 = tpu.memref_slice %dma_start3A_127[%add3A_118, %dma_start3A_128] : memref<16x80xi32, #tpu.memory_space<vmem>> -> memref<1x80xi32, #tpu.memory_space<vmem>>
          %dma_start3A_130 = tpu.memref_squeeze %dma_start3A_129 : memref<1x80xi32, #tpu.memory_space<vmem>> -> memref<80xi32, #tpu.memory_space<vmem>>
          %dma_start3A_131 = arith.constant 0 : i32
          %dma_start3A_132 = arith.constant 0 : i32
          %dma_start3A_133 = tpu.memref_slice %arg2[%dma_start3A_131, %dma_start3A_132] : memref<10000x128xf32, #tpu.memory_space<hbm>> -> memref<10000x128xf32, #tpu.memory_space<hbm>>
          tpu.enqueue_indirect_dma source(%dma_start3A_133 : memref<10000x128xf32, #tpu.memory_space<hbm>>) target(%dma_start3A_123 : memref<80x128xf32, #tpu.memory_space<vmem>>) offsets(%dma_start3A_130 : memref<80xi32, #tpu.memory_space<vmem>>) semaphore(%arg14 : memref<!tpu.dma_semaphore, #tpu.memory_space<semaphore_mem>>)
          %dma_wait3A_134 = arith.constant 0 : i32
          %dma_wait3A_135 = arith.constant 0 : i32
          %dma_wait3A_136 = arith.constant 0 : i32
          %dma_wait3A_137 = tpu.memref_slice %arg9[%dma_wait3A_134, %dma_wait3A_135, %dma_wait3A_136] : memref<4x80x128xf32, #tpu.memory_space<vmem>> -> memref<1x80x128xf32, #tpu.memory_space<vmem>>
          %dma_wait3A_138 = tpu.memref_squeeze %dma_wait3A_137 : memref<1x80x128xf32, #tpu.memory_space<vmem>> -> memref<80x128xf32, #tpu.memory_space<vmem>>
          %dma_wait3A_139 = arith.constant 0 : i32
          %dma_wait3A_140 = arith.constant 0 : i32
          %dma_wait3A_141 = tpu.memref_slice %arg7[%scan3A_83, %dma_wait3A_139, %dma_wait3A_140] : memref<2x16x80xi32, #tpu.memory_space<vmem>> -> memref<1x16x80xi32, #tpu.memory_space<vmem>>
          %dma_wait3A_142 = tpu.memref_squeeze %dma_wait3A_141 : memref<1x16x80xi32, #tpu.memory_space<vmem>> -> memref<16x80xi32, #tpu.memory_space<vmem>>
          %dma_wait3A_143 = arith.constant 0 : i32
          %dma_wait3A_144 = tpu.memref_slice %dma_wait3A_142[%mul3A_112, %dma_wait3A_143] : memref<16x80xi32, #tpu.memory_space<vmem>> -> memref<1x80xi32, #tpu.memory_space<vmem>>
          %dma_wait3A_145 = tpu.memref_squeeze %dma_wait3A_144 : memref<1x80xi32, #tpu.memory_space<vmem>> -> memref<80xi32, #tpu.memory_space<vmem>>
          %dma_wait3A_146 = arith.constant 0 : i32
          %dma_wait3A_147 = arith.constant 0 : i32
          %dma_wait3A_148 = tpu.memref_slice %arg2[%dma_wait3A_146, %dma_wait3A_147] : memref<10000x128xf32, #tpu.memory_space<hbm>> -> memref<10000x128xf32, #tpu.memory_space<hbm>>
          tpu.wait_indirect_dma semaphore(%arg11 : memref<!tpu.dma_semaphore, #tpu.memory_space<semaphore_mem>>) src(%dma_wait3A_148 : memref<10000x128xf32, #tpu.memory_space<hbm>>) dst(%dma_wait3A_138 : memref<80x128xf32, #tpu.memory_space<vmem>>)
          %dma_start3A_149 = arith.constant 0 : i32
          %dma_start3A_150 = arith.constant 0 : i32
          %dma_start3A_151 = arith.constant 0 : i32
          %dma_start3A_152 = tpu.memref_slice %arg9[%dma_start3A_149, %dma_start3A_150, %dma_start3A_151] : memref<4x80x128xf32, #tpu.memory_space<vmem>> -> memref<1x80x128xf32, #tpu.memory_space<vmem>>
          %dma_start3A_153 = tpu.memref_squeeze %dma_start3A_152 : memref<1x80x128xf32, #tpu.memory_space<vmem>> -> memref<80x128xf32, #tpu.memory_space<vmem>>
          %dma_start3A_154 = arith.constant 0 : i32
          %dma_start3A_155 = arith.constant 0 : i32
          %dma_start3A_156 = tpu.memref_slice %arg8[%scan3A_82, %dma_start3A_154, %dma_start3A_155] : memref<2x16x80xi32, #tpu.memory_space<vmem>> -> memref<1x16x80xi32, #tpu.memory_space<vmem>>
          %dma_start3A_157 = tpu.memref_squeeze %dma_start3A_156 : memref<1x16x80xi32, #tpu.memory_space<vmem>> -> memref<16x80xi32, #tpu.memory_space<vmem>>
          %dma_start3A_158 = arith.constant 0 : i32
          %dma_start3A_159 = tpu.memref_slice %dma_start3A_157[%mul3A_112, %dma_start3A_158] : memref<16x80xi32, #tpu.memory_space<vmem>> -> memref<1x80xi32, #tpu.memory_space<vmem>>
          %dma_start3A_160 = tpu.memref_squeeze %dma_start3A_159 : memref<1x80xi32, #tpu.memory_space<vmem>> -> memref<80xi32, #tpu.memory_space<vmem>>
          %dma_start3A_161 = arith.constant 0 : i32
          %dma_start3A_162 = arith.constant 0 : i32
          %dma_start3A_163 = tpu.memref_slice %arg10[%dma_start3A_161, %dma_start3A_162] : memref<10112x128xf32, #tpu.memory_space<vmem_shared>> -> memref<10112x128xf32, #tpu.memory_space<vmem_shared>>
          tpu.enqueue_indirect_dma source(%dma_start3A_153 : memref<80x128xf32, #tpu.memory_space<vmem>>) target(%dma_start3A_163 : memref<10112x128xf32, #tpu.memory_space<vmem_shared>>) offsets(%dma_start3A_160 : memref<80xi32, #tpu.memory_space<vmem>>) semaphore(%arg15 : memref<!tpu.dma_semaphore, #tpu.memory_space<semaphore_mem>>) {add = true}
          %add3A_164 = arith.constant 1 : i32
          %add3A_165 = arith.addi %mul3A_112, %add3A_164 : i32
          %dma_wait3A_166 = arith.constant 1 : i32
          %dma_wait3A_167 = arith.constant 0 : i32
          %dma_wait3A_168 = arith.constant 0 : i32
          %dma_wait3A_169 = tpu.memref_slice %arg9[%dma_wait3A_166, %dma_wait3A_167, %dma_wait3A_168] : memref<4x80x128xf32, #tpu.memory_space<vmem>> -> memref<1x80x128xf32, #tpu.memory_space<vmem>>
          %dma_wait3A_170 = tpu.memref_squeeze %dma_wait3A_169 : memref<1x80x128xf32, #tpu.memory_space<vmem>> -> memref<80x128xf32, #tpu.memory_space<vmem>>
          %dma_wait3A_171 = arith.constant 0 : i32
          %dma_wait3A_172 = arith.constant 0 : i32
          %dma_wait3A_173 = tpu.memref_slice %arg7[%scan3A_83, %dma_wait3A_171, %dma_wait3A_172] : memref<2x16x80xi32, #tpu.memory_space<vmem>> -> memref<1x16x80xi32, #tpu.memory_space<vmem>>
          %dma_wait3A_174 = tpu.memref_squeeze %dma_wait3A_173 : memref<1x16x80xi32, #tpu.memory_space<vmem>> -> memref<16x80xi32, #tpu.memory_space<vmem>>
          %dma_wait3A_175 = arith.constant 0 : i32
          %dma_wait3A_176 = tpu.memref_slice %dma_wait3A_174[%add3A_165, %dma_wait3A_175] : memref<16x80xi32, #tpu.memory_space<vmem>> -> memref<1x80xi32, #tpu.memory_space<vmem>>
          %dma_wait3A_177 = tpu.memref_squeeze %dma_wait3A_176 : memref<1x80xi32, #tpu.memory_space<vmem>> -> memref<80xi32, #tpu.memory_space<vmem>>
          %dma_wait3A_178 = arith.constant 0 : i32
          %dma_wait3A_179 = arith.constant 0 : i32
          %dma_wait3A_180 = tpu.memref_slice %arg2[%dma_wait3A_178, %dma_wait3A_179] : memref<10000x128xf32, #tpu.memory_space<hbm>> -> memref<10000x128xf32, #tpu.memory_space<hbm>>
          tpu.wait_indirect_dma semaphore(%arg12 : memref<!tpu.dma_semaphore, #tpu.memory_space<semaphore_mem>>) src(%dma_wait3A_180 : memref<10000x128xf32, #tpu.memory_space<hbm>>) dst(%dma_wait3A_170 : memref<80x128xf32, #tpu.memory_space<vmem>>)
          %add3A_181 = arith.constant 1 : i32
          %add3A_182 = arith.addi %mul3A_112, %add3A_181 : i32
          %dma_start3A_183 = arith.constant 1 : i32
          %dma_start3A_184 = arith.constant 0 : i32
          %dma_start3A_185 = arith.constant 0 : i32
          %dma_start3A_186 = tpu.memref_slice %arg9[%dma_start3A_183, %dma_start3A_184, %dma_start3A_185] : memref<4x80x128xf32, #tpu.memory_space<vmem>> -> memref<1x80x128xf32, #tpu.memory_space<vmem>>
          %dma_start3A_187 = tpu.memref_squeeze %dma_start3A_186 : memref<1x80x128xf32, #tpu.memory_space<vmem>> -> memref<80x128xf32, #tpu.memory_space<vmem>>
          %dma_start3A_188 = arith.constant 0 : i32
          %dma_start3A_189 = arith.constant 0 : i32
          %dma_start3A_190 = tpu.memref_slice %arg8[%scan3A_82, %dma_start3A_188, %dma_start3A_189] : memref<2x16x80xi32, #tpu.memory_space<vmem>> -> memref<1x16x80xi32, #tpu.memory_space<vmem>>
          %dma_start3A_191 = tpu.memref_squeeze %dma_start3A_190 : memref<1x16x80xi32, #tpu.memory_space<vmem>> -> memref<16x80xi32, #tpu.memory_space<vmem>>
          %dma_start3A_192 = arith.constant 0 : i32
          %dma_start3A_193 = tpu.memref_slice %dma_start3A_191[%add3A_182, %dma_start3A_192] : memref<16x80xi32, #tpu.memory_space<vmem>> -> memref<1x80xi32, #tpu.memory_space<vmem>>
          %dma_start3A_194 = tpu.memref_squeeze %dma_start3A_193 : memref<1x80xi32, #tpu.memory_space<vmem>> -> memref<80xi32, #tpu.memory_space<vmem>>
          %dma_start3A_195 = arith.constant 0 : i32
          %dma_start3A_196 = arith.constant 0 : i32
          %dma_start3A_197 = tpu.memref_slice %arg10[%dma_start3A_195, %dma_start3A_196] : memref<10112x128xf32, #tpu.memory_space<vmem_shared>> -> memref<10112x128xf32, #tpu.memory_space<vmem_shared>>
          tpu.enqueue_indirect_dma source(%dma_start3A_187 : memref<80x128xf32, #tpu.memory_space<vmem>>) target(%dma_start3A_197 : memref<10112x128xf32, #tpu.memory_space<vmem_shared>>) offsets(%dma_start3A_194 : memref<80xi32, #tpu.memory_space<vmem>>) semaphore(%arg16 : memref<!tpu.dma_semaphore, #tpu.memory_space<semaphore_mem>>) {add = true}
          %dma_wait3A_198 = arith.constant 0 : i32
          %dma_wait3A_199 = arith.constant 0 : i32
          %dma_wait3A_200 = arith.constant 0 : i32
          %dma_wait3A_201 = tpu.memref_slice %arg9[%dma_wait3A_198, %dma_wait3A_199, %dma_wait3A_200] : memref<4x80x128xf32, #tpu.memory_space<vmem>> -> memref<1x80x128xf32, #tpu.memory_space<vmem>>
          %dma_wait3A_202 = tpu.memref_squeeze %dma_wait3A_201 : memref<1x80x128xf32, #tpu.memory_space<vmem>> -> memref<80x128xf32, #tpu.memory_space<vmem>>
          %dma_wait3A_203 = arith.constant 0 : i32
          %dma_wait3A_204 = arith.constant 0 : i32
          %dma_wait3A_205 = tpu.memref_slice %arg8[%scan3A_82, %dma_wait3A_203, %dma_wait3A_204] : memref<2x16x80xi32, #tpu.memory_space<vmem>> -> memref<1x16x80xi32, #tpu.memory_space<vmem>>
          %dma_wait3A_206 = tpu.memref_squeeze %dma_wait3A_205 : memref<1x16x80xi32, #tpu.memory_space<vmem>> -> memref<16x80xi32, #tpu.memory_space<vmem>>
          %dma_wait3A_207 = arith.constant 0 : i32
          %dma_wait3A_208 = tpu.memref_slice %dma_wait3A_206[%mul3A_112, %dma_wait3A_207] : memref<16x80xi32, #tpu.memory_space<vmem>> -> memref<1x80xi32, #tpu.memory_space<vmem>>
          %dma_wait3A_209 = tpu.memref_squeeze %dma_wait3A_208 : memref<1x80xi32, #tpu.memory_space<vmem>> -> memref<80xi32, #tpu.memory_space<vmem>>
          %dma_wait3A_210 = arith.constant 0 : i32
          %dma_wait3A_211 = arith.constant 0 : i32
          %dma_wait3A_212 = tpu.memref_slice %arg10[%dma_wait3A_210, %dma_wait3A_211] : memref<10112x128xf32, #tpu.memory_space<vmem_shared>> -> memref<10112x128xf32, #tpu.memory_space<vmem_shared>>
          tpu.wait_indirect_dma semaphore(%arg15 : memref<!tpu.dma_semaphore, #tpu.memory_space<semaphore_mem>>) src(%dma_wait3A_202 : memref<80x128xf32, #tpu.memory_space<vmem>>) dst(%dma_wait3A_212 : memref<10112x128xf32, #tpu.memory_space<vmem_shared>>)
          %lt3A_213 = arith.constant 3 : i32
          %lt3A_214 = arith.cmpi slt, %scan3A_110, %lt3A_213 : i32
          %convert_element_type3A_215 = arith.extui %lt3A_214 : i1 to i32
          %cond3A_216 = arith.constant 0 : i32
          %cond3A_217 = arith.cmpi ne, %convert_element_type3A_215, %cond3A_216 : i32
          scf.if %cond3A_217 {
            %add3A_330 = arith.constant 4 : i32
            %add3A_331 = arith.addi %mul3A_112, %add3A_330 : i32
            %dma_start3A_332 = arith.constant 0 : i32
            %dma_start3A_333 = arith.constant 0 : i32
            %dma_start3A_334 = arith.constant 0 : i32
            %dma_start3A_335 = tpu.memref_slice %arg9[%dma_start3A_332, %dma_start3A_333, %dma_start3A_334] : memref<4x80x128xf32, #tpu.memory_space<vmem>> -> memref<1x80x128xf32, #tpu.memory_space<vmem>>
            %dma_start3A_336 = tpu.memref_squeeze %dma_start3A_335 : memref<1x80x128xf32, #tpu.memory_space<vmem>> -> memref<80x128xf32, #tpu.memory_space<vmem>>
            %dma_start3A_337 = arith.constant 0 : i32
            %dma_start3A_338 = arith.constant 0 : i32
            %dma_start3A_339 = tpu.memref_slice %arg7[%scan3A_83, %dma_start3A_337, %dma_start3A_338] : memref<2x16x80xi32, #tpu.memory_space<vmem>> -> memref<1x16x80xi32, #tpu.memory_space<vmem>>
            %dma_start3A_340 = tpu.memref_squeeze %dma_start3A_339 : memref<1x16x80xi32, #tpu.memory_space<vmem>> -> memref<16x80xi32, #tpu.memory_space<vmem>>
            %dma_start3A_341 = arith.constant 0 : i32
            %dma_start3A_342 = tpu.memref_slice %dma_start3A_340[%add3A_331, %dma_start3A_341] : memref<16x80xi32, #tpu.memory_space<vmem>> -> memref<1x80xi32, #tpu.memory_space<vmem>>
            %dma_start3A_343 = tpu.memref_squeeze %dma_start3A_342 : memref<1x80xi32, #tpu.memory_space<vmem>> -> memref<80xi32, #tpu.memory_space<vmem>>
            %dma_start3A_344 = arith.constant 0 : i32
            %dma_start3A_345 = arith.constant 0 : i32
            %dma_start3A_346 = tpu.memref_slice %arg2[%dma_start3A_344, %dma_start3A_345] : memref<10000x128xf32, #tpu.memory_space<hbm>> -> memref<10000x128xf32, #tpu.memory_space<hbm>>
            tpu.enqueue_indirect_dma source(%dma_start3A_346 : memref<10000x128xf32, #tpu.memory_space<hbm>>) target(%dma_start3A_336 : memref<80x128xf32, #tpu.memory_space<vmem>>) offsets(%dma_start3A_343 : memref<80xi32, #tpu.memory_space<vmem>>) semaphore(%arg11 : memref<!tpu.dma_semaphore, #tpu.memory_space<semaphore_mem>>)
          } else {
          }
          %add3A_218 = arith.constant 2 : i32
          %add3A_219 = arith.addi %mul3A_112, %add3A_218 : i32
          %dma_wait3A_220 = arith.constant 2 : i32
          %dma_wait3A_221 = arith.constant 0 : i32
          %dma_wait3A_222 = arith.constant 0 : i32
          %dma_wait3A_223 = tpu.memref_slice %arg9[%dma_wait3A_220, %dma_wait3A_221, %dma_wait3A_222] : memref<4x80x128xf32, #tpu.memory_space<vmem>> -> memref<1x80x128xf32, #tpu.memory_space<vmem>>
          %dma_wait3A_224 = tpu.memref_squeeze %dma_wait3A_223 : memref<1x80x128xf32, #tpu.memory_space<vmem>> -> memref<80x128xf32, #tpu.memory_space<vmem>>
          %dma_wait3A_225 = arith.constant 0 : i32
          %dma_wait3A_226 = arith.constant 0 : i32
          %dma_wait3A_227 = tpu.memref_slice %arg7[%scan3A_83, %dma_wait3A_225, %dma_wait3A_226] : memref<2x16x80xi32, #tpu.memory_space<vmem>> -> memref<1x16x80xi32, #tpu.memory_space<vmem>>
          %dma_wait3A_228 = tpu.memref_squeeze %dma_wait3A_227 : memref<1x16x80xi32, #tpu.memory_space<vmem>> -> memref<16x80xi32, #tpu.memory_space<vmem>>
          %dma_wait3A_229 = arith.constant 0 : i32
          %dma_wait3A_230 = tpu.memref_slice %dma_wait3A_228[%add3A_219, %dma_wait3A_229] : memref<16x80xi32, #tpu.memory_space<vmem>> -> memref<1x80xi32, #tpu.memory_space<vmem>>
          %dma_wait3A_231 = tpu.memref_squeeze %dma_wait3A_230 : memref<1x80xi32, #tpu.memory_space<vmem>> -> memref<80xi32, #tpu.memory_space<vmem>>
          %dma_wait3A_232 = arith.constant 0 : i32
          %dma_wait3A_233 = arith.constant 0 : i32
          %dma_wait3A_234 = tpu.memref_slice %arg2[%dma_wait3A_232, %dma_wait3A_233] : memref<10000x128xf32, #tpu.memory_space<hbm>> -> memref<10000x128xf32, #tpu.memory_space<hbm>>
          tpu.wait_indirect_dma semaphore(%arg13 : memref<!tpu.dma_semaphore, #tpu.memory_space<semaphore_mem>>) src(%dma_wait3A_234 : memref<10000x128xf32, #tpu.memory_space<hbm>>) dst(%dma_wait3A_224 : memref<80x128xf32, #tpu.memory_space<vmem>>)
          %add3A_235 = arith.constant 2 : i32
          %add3A_236 = arith.addi %mul3A_112, %add3A_235 : i32
          %dma_start3A_237 = arith.constant 2 : i32
          %dma_start3A_238 = arith.constant 0 : i32
          %dma_start3A_239 = arith.constant 0 : i32
          %dma_start3A_240 = tpu.memref_slice %arg9[%dma_start3A_237, %dma_start3A_238, %dma_start3A_239] : memref<4x80x128xf32, #tpu.memory_space<vmem>> -> memref<1x80x128xf32, #tpu.memory_space<vmem>>
          %dma_start3A_241 = tpu.memref_squeeze %dma_start3A_240 : memref<1x80x128xf32, #tpu.memory_space<vmem>> -> memref<80x128xf32, #tpu.memory_space<vmem>>
          %dma_start3A_242 = arith.constant 0 : i32
          %dma_start3A_243 = arith.constant 0 : i32
          %dma_start3A_244 = tpu.memref_slice %arg8[%scan3A_82, %dma_start3A_242, %dma_start3A_243] : memref<2x16x80xi32, #tpu.memory_space<vmem>> -> memref<1x16x80xi32, #tpu.memory_space<vmem>>
          %dma_start3A_245 = tpu.memref_squeeze %dma_start3A_244 : memref<1x16x80xi32, #tpu.memory_space<vmem>> -> memref<16x80xi32, #tpu.memory_space<vmem>>
          %dma_start3A_246 = arith.constant 0 : i32
          %dma_start3A_247 = tpu.memref_slice %dma_start3A_245[%add3A_236, %dma_start3A_246] : memref<16x80xi32, #tpu.memory_space<vmem>> -> memref<1x80xi32, #tpu.memory_space<vmem>>
          %dma_start3A_248 = tpu.memref_squeeze %dma_start3A_247 : memref<1x80xi32, #tpu.memory_space<vmem>> -> memref<80xi32, #tpu.memory_space<vmem>>
          %dma_start3A_249 = arith.constant 0 : i32
          %dma_start3A_250 = arith.constant 0 : i32
          %dma_start3A_251 = tpu.memref_slice %arg10[%dma_start3A_249, %dma_start3A_250] : memref<10112x128xf32, #tpu.memory_space<vmem_shared>> -> memref<10112x128xf32, #tpu.memory_space<vmem_shared>>
          tpu.enqueue_indirect_dma source(%dma_start3A_241 : memref<80x128xf32, #tpu.memory_space<vmem>>) target(%dma_start3A_251 : memref<10112x128xf32, #tpu.memory_space<vmem_shared>>) offsets(%dma_start3A_248 : memref<80xi32, #tpu.memory_space<vmem>>) semaphore(%arg17 : memref<!tpu.dma_semaphore, #tpu.memory_space<semaphore_mem>>) {add = true}
          %add3A_252 = arith.constant 1 : i32
          %add3A_253 = arith.addi %mul3A_112, %add3A_252 : i32
          %dma_wait3A_254 = arith.constant 1 : i32
          %dma_wait3A_255 = arith.constant 0 : i32
          %dma_wait3A_256 = arith.constant 0 : i32
          %dma_wait3A_257 = tpu.memref_slice %arg9[%dma_wait3A_254, %dma_wait3A_255, %dma_wait3A_256] : memref<4x80x128xf32, #tpu.memory_space<vmem>> -> memref<1x80x128xf32, #tpu.memory_space<vmem>>
          %dma_wait3A_258 = tpu.memref_squeeze %dma_wait3A_257 : memref<1x80x128xf32, #tpu.memory_space<vmem>> -> memref<80x128xf32, #tpu.memory_space<vmem>>
          %dma_wait3A_259 = arith.constant 0 : i32
          %dma_wait3A_260 = arith.constant 0 : i32
          %dma_wait3A_261 = tpu.memref_slice %arg8[%scan3A_82, %dma_wait3A_259, %dma_wait3A_260] : memref<2x16x80xi32, #tpu.memory_space<vmem>> -> memref<1x16x80xi32, #tpu.memory_space<vmem>>
          %dma_wait3A_262 = tpu.memref_squeeze %dma_wait3A_261 : memref<1x16x80xi32, #tpu.memory_space<vmem>> -> memref<16x80xi32, #tpu.memory_space<vmem>>
          %dma_wait3A_263 = arith.constant 0 : i32
          %dma_wait3A_264 = tpu.memref_slice %dma_wait3A_262[%add3A_253, %dma_wait3A_263] : memref<16x80xi32, #tpu.memory_space<vmem>> -> memref<1x80xi32, #tpu.memory_space<vmem>>
          %dma_wait3A_265 = tpu.memref_squeeze %dma_wait3A_264 : memref<1x80xi32, #tpu.memory_space<vmem>> -> memref<80xi32, #tpu.memory_space<vmem>>
          %dma_wait3A_266 = arith.constant 0 : i32
          %dma_wait3A_267 = arith.constant 0 : i32
          %dma_wait3A_268 = tpu.memref_slice %arg10[%dma_wait3A_266, %dma_wait3A_267] : memref<10112x128xf32, #tpu.memory_space<vmem_shared>> -> memref<10112x128xf32, #tpu.memory_space<vmem_shared>>
          tpu.wait_indirect_dma semaphore(%arg16 : memref<!tpu.dma_semaphore, #tpu.memory_space<semaphore_mem>>) src(%dma_wait3A_258 : memref<80x128xf32, #tpu.memory_space<vmem>>) dst(%dma_wait3A_268 : memref<10112x128xf32, #tpu.memory_space<vmem_shared>>)
          %lt3A_269 = arith.constant 3 : i32
          %lt3A_270 = arith.cmpi slt, %scan3A_110, %lt3A_269 : i32
          %convert_element_type3A_271 = arith.extui %lt3A_270 : i1 to i32
          %cond3A_272 = arith.constant 0 : i32
          %cond3A_273 = arith.cmpi ne, %convert_element_type3A_271, %cond3A_272 : i32
          scf.if %cond3A_273 {
            %add3A_330 = arith.constant 5 : i32
            %add3A_331 = arith.addi %mul3A_112, %add3A_330 : i32
            %dma_start3A_332 = arith.constant 1 : i32
            %dma_start3A_333 = arith.constant 0 : i32
            %dma_start3A_334 = arith.constant 0 : i32
            %dma_start3A_335 = tpu.memref_slice %arg9[%dma_start3A_332, %dma_start3A_333, %dma_start3A_334] : memref<4x80x128xf32, #tpu.memory_space<vmem>> -> memref<1x80x128xf32, #tpu.memory_space<vmem>>
            %dma_start3A_336 = tpu.memref_squeeze %dma_start3A_335 : memref<1x80x128xf32, #tpu.memory_space<vmem>> -> memref<80x128xf32, #tpu.memory_space<vmem>>
            %dma_start3A_337 = arith.constant 0 : i32
            %dma_start3A_338 = arith.constant 0 : i32
            %dma_start3A_339 = tpu.memref_slice %arg7[%scan3A_83, %dma_start3A_337, %dma_start3A_338] : memref<2x16x80xi32, #tpu.memory_space<vmem>> -> memref<1x16x80xi32, #tpu.memory_space<vmem>>
            %dma_start3A_340 = tpu.memref_squeeze %dma_start3A_339 : memref<1x16x80xi32, #tpu.memory_space<vmem>> -> memref<16x80xi32, #tpu.memory_space<vmem>>
            %dma_start3A_341 = arith.constant 0 : i32
            %dma_start3A_342 = tpu.memref_slice %dma_start3A_340[%add3A_331, %dma_start3A_341] : memref<16x80xi32, #tpu.memory_space<vmem>> -> memref<1x80xi32, #tpu.memory_space<vmem>>
            %dma_start3A_343 = tpu.memref_squeeze %dma_start3A_342 : memref<1x80xi32, #tpu.memory_space<vmem>> -> memref<80xi32, #tpu.memory_space<vmem>>
            %dma_start3A_344 = arith.constant 0 : i32
            %dma_start3A_345 = arith.constant 0 : i32
            %dma_start3A_346 = tpu.memref_slice %arg2[%dma_start3A_344, %dma_start3A_345] : memref<10000x128xf32, #tpu.memory_space<hbm>> -> memref<10000x128xf32, #tpu.memory_space<hbm>>
            tpu.enqueue_indirect_dma source(%dma_start3A_346 : memref<10000x128xf32, #tpu.memory_space<hbm>>) target(%dma_start3A_336 : memref<80x128xf32, #tpu.memory_space<vmem>>) offsets(%dma_start3A_343 : memref<80xi32, #tpu.memory_space<vmem>>) semaphore(%arg12 : memref<!tpu.dma_semaphore, #tpu.memory_space<semaphore_mem>>)
          } else {
          }
          %add3A_274 = arith.constant 3 : i32
          %add3A_275 = arith.addi %mul3A_112, %add3A_274 : i32
          %dma_wait3A_276 = arith.constant 3 : i32
          %dma_wait3A_277 = arith.constant 0 : i32
          %dma_wait3A_278 = arith.constant 0 : i32
          %dma_wait3A_279 = tpu.memref_slice %arg9[%dma_wait3A_276, %dma_wait3A_277, %dma_wait3A_278] : memref<4x80x128xf32, #tpu.memory_space<vmem>> -> memref<1x80x128xf32, #tpu.memory_space<vmem>>
          %dma_wait3A_280 = tpu.memref_squeeze %dma_wait3A_279 : memref<1x80x128xf32, #tpu.memory_space<vmem>> -> memref<80x128xf32, #tpu.memory_space<vmem>>
          %dma_wait3A_281 = arith.constant 0 : i32
          %dma_wait3A_282 = arith.constant 0 : i32
          %dma_wait3A_283 = tpu.memref_slice %arg7[%scan3A_83, %dma_wait3A_281, %dma_wait3A_282] : memref<2x16x80xi32, #tpu.memory_space<vmem>> -> memref<1x16x80xi32, #tpu.memory_space<vmem>>
          %dma_wait3A_284 = tpu.memref_squeeze %dma_wait3A_283 : memref<1x16x80xi32, #tpu.memory_space<vmem>> -> memref<16x80xi32, #tpu.memory_space<vmem>>
          %dma_wait3A_285 = arith.constant 0 : i32
          %dma_wait3A_286 = tpu.memref_slice %dma_wait3A_284[%add3A_275, %dma_wait3A_285] : memref<16x80xi32, #tpu.memory_space<vmem>> -> memref<1x80xi32, #tpu.memory_space<vmem>>
          %dma_wait3A_287 = tpu.memref_squeeze %dma_wait3A_286 : memref<1x80xi32, #tpu.memory_space<vmem>> -> memref<80xi32, #tpu.memory_space<vmem>>
          %dma_wait3A_288 = arith.constant 0 : i32
          %dma_wait3A_289 = arith.constant 0 : i32
          %dma_wait3A_290 = tpu.memref_slice %arg2[%dma_wait3A_288, %dma_wait3A_289] : memref<10000x128xf32, #tpu.memory_space<hbm>> -> memref<10000x128xf32, #tpu.memory_space<hbm>>
          tpu.wait_indirect_dma semaphore(%arg14 : memref<!tpu.dma_semaphore, #tpu.memory_space<semaphore_mem>>) src(%dma_wait3A_290 : memref<10000x128xf32, #tpu.memory_space<hbm>>) dst(%dma_wait3A_280 : memref<80x128xf32, #tpu.memory_space<vmem>>)
          %add3A_291 = arith.constant 3 : i32
          %add3A_292 = arith.addi %mul3A_112, %add3A_291 : i32
          %dma_start3A_293 = arith.constant 3 : i32
          %dma_start3A_294 = arith.constant 0 : i32
          %dma_start3A_295 = arith.constant 0 : i32
          %dma_start3A_296 = tpu.memref_slice %arg9[%dma_start3A_293, %dma_start3A_294, %dma_start3A_295] : memref<4x80x128xf32, #tpu.memory_space<vmem>> -> memref<1x80x128xf32, #tpu.memory_space<vmem>>
          %dma_start3A_297 = tpu.memref_squeeze %dma_start3A_296 : memref<1x80x128xf32, #tpu.memory_space<vmem>> -> memref<80x128xf32, #tpu.memory_space<vmem>>
          %dma_start3A_298 = arith.constant 0 : i32
          %dma_start3A_299 = arith.constant 0 : i32
          %dma_start3A_300 = tpu.memref_slice %arg8[%scan3A_82, %dma_start3A_298, %dma_start3A_299] : memref<2x16x80xi32, #tpu.memory_space<vmem>> -> memref<1x16x80xi32, #tpu.memory_space<vmem>>
          %dma_start3A_301 = tpu.memref_squeeze %dma_start3A_300 : memref<1x16x80xi32, #tpu.memory_space<vmem>> -> memref<16x80xi32, #tpu.memory_space<vmem>>
          %dma_start3A_302 = arith.constant 0 : i32
          %dma_start3A_303 = tpu.memref_slice %dma_start3A_301[%add3A_292, %dma_start3A_302] : memref<16x80xi32, #tpu.memory_space<vmem>> -> memref<1x80xi32, #tpu.memory_space<vmem>>
          %dma_start3A_304 = tpu.memref_squeeze %dma_start3A_303 : memref<1x80xi32, #tpu.memory_space<vmem>> -> memref<80xi32, #tpu.memory_space<vmem>>
          %dma_start3A_305 = arith.constant 0 : i32
          %dma_start3A_306 = arith.constant 0 : i32
          %dma_start3A_307 = tpu.memref_slice %arg10[%dma_start3A_305, %dma_start3A_306] : memref<10112x128xf32, #tpu.memory_space<vmem_shared>> -> memref<10112x128xf32, #tpu.memory_space<vmem_shared>>
          tpu.enqueue_indirect_dma source(%dma_start3A_297 : memref<80x128xf32, #tpu.memory_space<vmem>>) target(%dma_start3A_307 : memref<10112x128xf32, #tpu.memory_space<vmem_shared>>) offsets(%dma_start3A_304 : memref<80xi32, #tpu.memory_space<vmem>>) semaphore(%arg18 : memref<!tpu.dma_semaphore, #tpu.memory_space<semaphore_mem>>) {add = true}
          %add3A_308 = arith.constant 2 : i32
          %add3A_309 = arith.addi %mul3A_112, %add3A_308 : i32
          %dma_wait3A_310 = arith.constant 2 : i32
          %dma_wait3A_311 = arith.constant 0 : i32
          %dma_wait3A_312 = arith.constant 0 : i32
          %dma_wait3A_313 = tpu.memref_slice %arg9[%dma_wait3A_310, %dma_wait3A_311, %dma_wait3A_312] : memref<4x80x128xf32, #tpu.memory_space<vmem>> -> memref<1x80x128xf32, #tpu.memory_space<vmem>>
          %dma_wait3A_314 = tpu.memref_squeeze %dma_wait3A_313 : memref<1x80x128xf32, #tpu.memory_space<vmem>> -> memref<80x128xf32, #tpu.memory_space<vmem>>
          %dma_wait3A_315 = arith.constant 0 : i32
          %dma_wait3A_316 = arith.constant 0 : i32
          %dma_wait3A_317 = tpu.memref_slice %arg8[%scan3A_82, %dma_wait3A_315, %dma_wait3A_316] : memref<2x16x80xi32, #tpu.memory_space<vmem>> -> memref<1x16x80xi32, #tpu.memory_space<vmem>>
          %dma_wait3A_318 = tpu.memref_squeeze %dma_wait3A_317 : memref<1x16x80xi32, #tpu.memory_space<vmem>> -> memref<16x80xi32, #tpu.memory_space<vmem>>
          %dma_wait3A_319 = arith.constant 0 : i32
          %dma_wait3A_320 = tpu.memref_slice %dma_wait3A_318[%add3A_309, %dma_wait3A_319] : memref<16x80xi32, #tpu.memory_space<vmem>> -> memref<1x80xi32, #tpu.memory_space<vmem>>
          %dma_wait3A_321 = tpu.memref_squeeze %dma_wait3A_320 : memref<1x80xi32, #tpu.memory_space<vmem>> -> memref<80xi32, #tpu.memory_space<vmem>>
          %dma_wait3A_322 = arith.constant 0 : i32
          %dma_wait3A_323 = arith.constant 0 : i32
          %dma_wait3A_324 = tpu.memref_slice %arg10[%dma_wait3A_322, %dma_wait3A_323] : memref<10112x128xf32, #tpu.memory_space<vmem_shared>> -> memref<10112x128xf32, #tpu.memory_space<vmem_shared>>
          tpu.wait_indirect_dma semaphore(%arg17 : memref<!tpu.dma_semaphore, #tpu.memory_space<semaphore_mem>>) src(%dma_wait3A_314 : memref<80x128xf32, #tpu.memory_space<vmem>>) dst(%dma_wait3A_324 : memref<10112x128xf32, #tpu.memory_space<vmem_shared>>)
          %lt3A_325 = arith.constant 3 : i32
          %lt3A_326 = arith.cmpi slt, %scan3A_110, %lt3A_325 : i32
          %convert_element_type3A_327 = arith.extui %lt3A_326 : i1 to i32
          %cond3A_328 = arith.constant 0 : i32
          %cond3A_329 = arith.cmpi ne, %convert_element_type3A_327, %cond3A_328 : i32
          scf.if %cond3A_329 {
            %add3A_330 = arith.constant 6 : i32
            %add3A_331 = arith.addi %mul3A_112, %add3A_330 : i32
            %dma_start3A_332 = arith.constant 2 : i32
            %dma_start3A_333 = arith.constant 0 : i32
            %dma_start3A_334 = arith.constant 0 : i32
            %dma_start3A_335 = tpu.memref_slice %arg9[%dma_start3A_332, %dma_start3A_333, %dma_start3A_334] : memref<4x80x128xf32, #tpu.memory_space<vmem>> -> memref<1x80x128xf32, #tpu.memory_space<vmem>>
            %dma_start3A_336 = tpu.memref_squeeze %dma_start3A_335 : memref<1x80x128xf32, #tpu.memory_space<vmem>> -> memref<80x128xf32, #tpu.memory_space<vmem>>
            %dma_start3A_337 = arith.constant 0 : i32
            %dma_start3A_338 = arith.constant 0 : i32
            %dma_start3A_339 = tpu.memref_slice %arg7[%scan3A_83, %dma_start3A_337, %dma_start3A_338] : memref<2x16x80xi32, #tpu.memory_space<vmem>> -> memref<1x16x80xi32, #tpu.memory_space<vmem>>
            %dma_start3A_340 = tpu.memref_squeeze %dma_start3A_339 : memref<1x16x80xi32, #tpu.memory_space<vmem>> -> memref<16x80xi32, #tpu.memory_space<vmem>>
            %dma_start3A_341 = arith.constant 0 : i32
            %dma_start3A_342 = tpu.memref_slice %dma_start3A_340[%add3A_331, %dma_start3A_341] : memref<16x80xi32, #tpu.memory_space<vmem>> -> memref<1x80xi32, #tpu.memory_space<vmem>>
            %dma_start3A_343 = tpu.memref_squeeze %dma_start3A_342 : memref<1x80xi32, #tpu.memory_space<vmem>> -> memref<80xi32, #tpu.memory_space<vmem>>
            %dma_start3A_344 = arith.constant 0 : i32
            %dma_start3A_345 = arith.constant 0 : i32
            %dma_start3A_346 = tpu.memref_slice %arg2[%dma_start3A_344, %dma_start3A_345] : memref<10000x128xf32, #tpu.memory_space<hbm>> -> memref<10000x128xf32, #tpu.memory_space<hbm>>
            tpu.enqueue_indirect_dma source(%dma_start3A_346 : memref<10000x128xf32, #tpu.memory_space<hbm>>) target(%dma_start3A_336 : memref<80x128xf32, #tpu.memory_space<vmem>>) offsets(%dma_start3A_343 : memref<80xi32, #tpu.memory_space<vmem>>) semaphore(%arg13 : memref<!tpu.dma_semaphore, #tpu.memory_space<semaphore_mem>>)
          } else {
          }
        }
        %scan3A_88 = arith.constant 4 : i32
        %dma_wait3A = arith.constant 3 : i32
        %dma_wait3A_89 = arith.constant 0 : i32
        %dma_wait3A_90 = arith.constant 15 : i32
        %dma_wait3A_91 = arith.constant 0 : i32
        %dma_wait3A_92 = arith.constant 0 : i32
        %dma_wait3A_93 = tpu.memref_slice %arg9[%dma_wait3A, %dma_wait3A_91, %dma_wait3A_92] : memref<4x80x128xf32, #tpu.memory_space<vmem>> -> memref<1x80x128xf32, #tpu.memory_space<vmem>>
        %dma_wait3A_94 = tpu.memref_squeeze %dma_wait3A_93 : memref<1x80x128xf32, #tpu.memory_space<vmem>> -> memref<80x128xf32, #tpu.memory_space<vmem>>
        %dma_wait3A_95 = arith.constant 0 : i32
        %dma_wait3A_96 = arith.constant 0 : i32
        %dma_wait3A_97 = tpu.memref_slice %arg8[%dma_wait3A_89, %dma_wait3A_95, %dma_wait3A_96] : memref<2x16x80xi32, #tpu.memory_space<vmem>> -> memref<1x16x80xi32, #tpu.memory_space<vmem>>
        %dma_wait3A_98 = tpu.memref_squeeze %dma_wait3A_97 : memref<1x16x80xi32, #tpu.memory_space<vmem>> -> memref<16x80xi32, #tpu.memory_space<vmem>>
        %dma_wait3A_99 = arith.constant 0 : i32
        %dma_wait3A_100 = tpu.memref_slice %dma_wait3A_98[%dma_wait3A_90, %dma_wait3A_99] : memref<16x80xi32, #tpu.memory_space<vmem>> -> memref<1x80xi32, #tpu.memory_space<vmem>>
        %dma_wait3A_101 = tpu.memref_squeeze %dma_wait3A_100 : memref<1x80xi32, #tpu.memory_space<vmem>> -> memref<80xi32, #tpu.memory_space<vmem>>
        %dma_wait3A_102 = arith.constant 0 : i32
        %dma_wait3A_103 = arith.constant 0 : i32
        %dma_wait3A_104 = tpu.memref_slice %arg10[%dma_wait3A_102, %dma_wait3A_103] : memref<10112x128xf32, #tpu.memory_space<vmem_shared>> -> memref<10112x128xf32, #tpu.memory_space<vmem_shared>>
        tpu.wait_indirect_dma semaphore(%arg18 : memref<!tpu.dma_semaphore, #tpu.memory_space<semaphore_mem>>) src(%dma_wait3A_94 : memref<80x128xf32, #tpu.memory_space<vmem>>) dst(%dma_wait3A_104 : memref<10112x128xf32, #tpu.memory_space<vmem_shared>>)
        %lt3A_105 = arith.constant 7 : i32
        %lt3A_106 = arith.cmpi slt, %scan3A_16, %lt3A_105 : i32
        %convert_element_type3A_107 = arith.extui %lt3A_106 : i1 to i32
        %cond3A_108 = arith.constant 0 : i32
        %cond3A_109 = arith.cmpi ne, %convert_element_type3A_107, %cond3A_108 : i32
        scf.if %cond3A_109 {
          %add3A_110 = arith.constant 1 : i32
          %add3A_111 = arith.addi %scan3A_16, %add3A_110 : i32
          %dma_wait3A_112 = arith.constant 1 : i32
          %dma_wait3A_113 = arith.constant 0 : i32
          %dma_wait3A_114 = arith.constant 0 : i32
          %dma_wait3A_115 = tpu.memref_slice %arg7[%dma_wait3A_112, %dma_wait3A_113, %dma_wait3A_114] : memref<2x16x80xi32, #tpu.memory_space<vmem>> -> memref<1x16x80xi32, #tpu.memory_space<vmem>>
          %dma_wait3A_116 = tpu.memref_squeeze %dma_wait3A_115 : memref<1x16x80xi32, #tpu.memory_space<vmem>> -> memref<16x80xi32, #tpu.memory_space<vmem>>
          %dma_wait3A_117 = arith.constant 0 : i32
          %dma_wait3A_118 = arith.constant 0 : i32
          %dma_wait3A_119 = tpu.memref_slice %arg3[%add3A, %add3A_111, %dma_wait3A_117, %dma_wait3A_118] : memref<32x8x16x80xi32, #tpu.memory_space<hbm>> -> memref<1x1x16x80xi32, #tpu.memory_space<hbm>>
          %dma_wait3A_120 = tpu.memref_squeeze %dma_wait3A_119 : memref<1x1x16x80xi32, #tpu.memory_space<hbm>> -> memref<16x80xi32, #tpu.memory_space<hbm>>
          %dma_wait3A_121 = arith.constant 0 : i32
          %dma_wait3A_122 = arith.constant 0 : i32
          %dma_wait3A_123 = tpu.memref_slice %arg7[%dma_wait3A_112, %dma_wait3A_121, %dma_wait3A_122] : memref<2x16x80xi32, #tpu.memory_space<vmem>> -> memref<1x16x80xi32, #tpu.memory_space<vmem>>
          %dma_wait3A_124 = tpu.memref_squeeze %dma_wait3A_123 : memref<1x16x80xi32, #tpu.memory_space<vmem>> -> memref<16x80xi32, #tpu.memory_space<vmem>>
          %dma_wait3A_125 = arith.constant 0 : i32
          %dma_wait3A_126 = arith.constant 0 : i32
          %dma_wait3A_127 = tpu.memref_slice %arg3[%add3A, %add3A_111, %dma_wait3A_125, %dma_wait3A_126] : memref<32x8x16x80xi32, #tpu.memory_space<hbm>> -> memref<1x1x16x80xi32, #tpu.memory_space<hbm>>
          %dma_wait3A_128 = tpu.memref_squeeze %dma_wait3A_127 : memref<1x1x16x80xi32, #tpu.memory_space<hbm>> -> memref<16x80xi32, #tpu.memory_space<hbm>>
          tpu.wait_dma2 semaphore(%arg20 : memref<!tpu.dma_semaphore, #tpu.memory_space<semaphore_mem>>) src(%dma_wait3A_128 : memref<16x80xi32, #tpu.memory_space<hbm>>) dst(%dma_wait3A_124 : memref<16x80xi32, #tpu.memory_space<vmem>>)
          %dma_wait3A_129 = arith.constant 1 : i32
          %dma_wait3A_130 = arith.constant 0 : i32
          %dma_wait3A_131 = arith.constant 0 : i32
          %dma_wait3A_132 = tpu.memref_slice %arg8[%dma_wait3A_129, %dma_wait3A_130, %dma_wait3A_131] : memref<2x16x80xi32, #tpu.memory_space<vmem>> -> memref<1x16x80xi32, #tpu.memory_space<vmem>>
          %dma_wait3A_133 = tpu.memref_squeeze %dma_wait3A_132 : memref<1x16x80xi32, #tpu.memory_space<vmem>> -> memref<16x80xi32, #tpu.memory_space<vmem>>
          %dma_wait3A_134 = arith.constant 0 : i32
          %dma_wait3A_135 = arith.constant 0 : i32
          %dma_wait3A_136 = tpu.memref_slice %arg4[%add3A, %add3A_111, %dma_wait3A_134, %dma_wait3A_135] : memref<32x8x16x80xi32, #tpu.memory_space<hbm>> -> memref<1x1x16x80xi32, #tpu.memory_space<hbm>>
          %dma_wait3A_137 = tpu.memref_squeeze %dma_wait3A_136 : memref<1x1x16x80xi32, #tpu.memory_space<hbm>> -> memref<16x80xi32, #tpu.memory_space<hbm>>
          %dma_wait3A_138 = arith.constant 0 : i32
          %dma_wait3A_139 = arith.constant 0 : i32
          %dma_wait3A_140 = tpu.memref_slice %arg8[%dma_wait3A_129, %dma_wait3A_138, %dma_wait3A_139] : memref<2x16x80xi32, #tpu.memory_space<vmem>> -> memref<1x16x80xi32, #tpu.memory_space<vmem>>
          %dma_wait3A_141 = tpu.memref_squeeze %dma_wait3A_140 : memref<1x16x80xi32, #tpu.memory_space<vmem>> -> memref<16x80xi32, #tpu.memory_space<vmem>>
          %dma_wait3A_142 = arith.constant 0 : i32
          %dma_wait3A_143 = arith.constant 0 : i32
          %dma_wait3A_144 = tpu.memref_slice %arg4[%add3A, %add3A_111, %dma_wait3A_142, %dma_wait3A_143] : memref<32x8x16x80xi32, #tpu.memory_space<hbm>> -> memref<1x1x16x80xi32, #tpu.memory_space<hbm>>
          %dma_wait3A_145 = tpu.memref_squeeze %dma_wait3A_144 : memref<1x1x16x80xi32, #tpu.memory_space<hbm>> -> memref<16x80xi32, #tpu.memory_space<hbm>>
          tpu.wait_dma2 semaphore(%arg20 : memref<!tpu.dma_semaphore, #tpu.memory_space<semaphore_mem>>) src(%dma_wait3A_145 : memref<16x80xi32, #tpu.memory_space<hbm>>) dst(%dma_wait3A_141 : memref<16x80xi32, #tpu.memory_space<vmem>>)
        } else {
        }
      } else {
      }
      %rem3A_20 = arith.constant 2 : i32
      %rem3A_21 = arith.remsi %scan3A_16, %rem3A_20 : i32
      %eq3A_22 = arith.constant 1 : i32
      %eq3A_23 = arith.cmpi eq, %rem3A_21, %eq3A_22 : i32
      %convert_element_type3A_24 = arith.extui %eq3A_23 : i1 to i32
      %cond3A_25 = arith.constant 0 : i32
      %cond3A_26 = arith.cmpi ne, %convert_element_type3A_24, %cond3A_25 : i32
      scf.if %cond3A_26 {
        %lt3A = arith.constant 7 : i32
        %lt3A_27 = arith.cmpi slt, %scan3A_16, %lt3A : i32
        %convert_element_type3A_28 = arith.extui %lt3A_27 : i1 to i32
        %cond3A_29 = arith.constant 0 : i32
        %cond3A_30 = arith.cmpi ne, %convert_element_type3A_28, %cond3A_29 : i32
        scf.if %cond3A_30 {
          %add3A_110 = arith.constant 1 : i32
          %add3A_111 = arith.addi %scan3A_16, %add3A_110 : i32
          %dma_start3A_112 = arith.constant 0 : i32
          %dma_start3A_113 = arith.constant 0 : i32
          %dma_start3A_114 = arith.constant 0 : i32
          %dma_start3A_115 = tpu.memref_slice %arg7[%dma_start3A_112, %dma_start3A_113, %dma_start3A_114] : memref<2x16x80xi32, #tpu.memory_space<vmem>> -> memref<1x16x80xi32, #tpu.memory_space<vmem>>
          %dma_start3A_116 = tpu.memref_squeeze %dma_start3A_115 : memref<1x16x80xi32, #tpu.memory_space<vmem>> -> memref<16x80xi32, #tpu.memory_space<vmem>>
          %dma_start3A_117 = arith.constant 0 : i32
          %dma_start3A_118 = arith.constant 0 : i32
          %dma_start3A_119 = tpu.memref_slice %arg3[%add3A, %add3A_111, %dma_start3A_117, %dma_start3A_118] : memref<32x8x16x80xi32, #tpu.memory_space<hbm>> -> memref<1x1x16x80xi32, #tpu.memory_space<hbm>>
          %dma_start3A_120 = tpu.memref_squeeze %dma_start3A_119 : memref<1x1x16x80xi32, #tpu.memory_space<hbm>> -> memref<16x80xi32, #tpu.memory_space<hbm>>
          %dma_start3A_121 = arith.constant 0 : i32
          %dma_start3A_122 = arith.constant 0 : i32
          %dma_start3A_123 = tpu.memref_slice %arg7[%dma_start3A_112, %dma_start3A_121, %dma_start3A_122] : memref<2x16x80xi32, #tpu.memory_space<vmem>> -> memref<1x16x80xi32, #tpu.memory_space<vmem>>
          %dma_start3A_124 = tpu.memref_squeeze %dma_start3A_123 : memref<1x16x80xi32, #tpu.memory_space<vmem>> -> memref<16x80xi32, #tpu.memory_space<vmem>>
          %dma_start3A_125 = arith.constant 0 : i32
          %dma_start3A_126 = arith.constant 0 : i32
          %dma_start3A_127 = tpu.memref_slice %arg3[%add3A, %add3A_111, %dma_start3A_125, %dma_start3A_126] : memref<32x8x16x80xi32, #tpu.memory_space<hbm>> -> memref<1x1x16x80xi32, #tpu.memory_space<hbm>>
          %dma_start3A_128 = tpu.memref_squeeze %dma_start3A_127 : memref<1x1x16x80xi32, #tpu.memory_space<hbm>> -> memref<16x80xi32, #tpu.memory_space<hbm>>
          tpu.enqueue_dma source(%dma_start3A_128 : memref<16x80xi32, #tpu.memory_space<hbm>>) target(%dma_start3A_124 : memref<16x80xi32, #tpu.memory_space<vmem>>) target_semaphore(%arg19 : memref<!tpu.dma_semaphore, #tpu.memory_space<semaphore_mem>>)
          %dma_start3A_129 = arith.constant 0 : i32
          %dma_start3A_130 = arith.constant 0 : i32
          %dma_start3A_131 = arith.constant 0 : i32
          %dma_start3A_132 = tpu.memref_slice %arg8[%dma_start3A_129, %dma_start3A_130, %dma_start3A_131] : memref<2x16x80xi32, #tpu.memory_space<vmem>> -> memref<1x16x80xi32, #tpu.memory_space<vmem>>
          %dma_start3A_133 = tpu.memref_squeeze %dma_start3A_132 : memref<1x16x80xi32, #tpu.memory_space<vmem>> -> memref<16x80xi32, #tpu.memory_space<vmem>>
          %dma_start3A_134 = arith.constant 0 : i32
          %dma_start3A_135 = arith.constant 0 : i32
          %dma_start3A_136 = tpu.memref_slice %arg4[%add3A, %add3A_111, %dma_start3A_134, %dma_start3A_135] : memref<32x8x16x80xi32, #tpu.memory_space<hbm>> -> memref<1x1x16x80xi32, #tpu.memory_space<hbm>>
          %dma_start3A_137 = tpu.memref_squeeze %dma_start3A_136 : memref<1x1x16x80xi32, #tpu.memory_space<hbm>> -> memref<16x80xi32, #tpu.memory_space<hbm>>
          %dma_start3A_138 = arith.constant 0 : i32
          %dma_start3A_139 = arith.constant 0 : i32
          %dma_start3A_140 = tpu.memref_slice %arg8[%dma_start3A_129, %dma_start3A_138, %dma_start3A_139] : memref<2x16x80xi32, #tpu.memory_space<vmem>> -> memref<1x16x80xi32, #tpu.memory_space<vmem>>
          %dma_start3A_141 = tpu.memref_squeeze %dma_start3A_140 : memref<1x16x80xi32, #tpu.memory_space<vmem>> -> memref<16x80xi32, #tpu.memory_space<vmem>>
          %dma_start3A_142 = arith.constant 0 : i32
          %dma_start3A_143 = arith.constant 0 : i32
          %dma_start3A_144 = tpu.memref_slice %arg4[%add3A, %add3A_111, %dma_start3A_142, %dma_start3A_143] : memref<32x8x16x80xi32, #tpu.memory_space<hbm>> -> memref<1x1x16x80xi32, #tpu.memory_space<hbm>>
          %dma_start3A_145 = tpu.memref_squeeze %dma_start3A_144 : memref<1x1x16x80xi32, #tpu.memory_space<hbm>> -> memref<16x80xi32, #tpu.memory_space<hbm>>
          tpu.enqueue_dma source(%dma_start3A_145 : memref<16x80xi32, #tpu.memory_space<hbm>>) target(%dma_start3A_141 : memref<16x80xi32, #tpu.memory_space<vmem>>) target_semaphore(%arg19 : memref<!tpu.dma_semaphore, #tpu.memory_space<semaphore_mem>>)
        } else {
        }
        %dma_start3A = arith.constant 1 : i32
        %dma_start3A_31 = arith.constant 0 : i32
        %dma_start3A_32 = arith.constant 0 : i32
        %dma_start3A_33 = arith.constant 0 : i32
        %dma_start3A_34 = arith.constant 0 : i32
        %dma_start3A_35 = tpu.memref_slice %arg9[%dma_start3A_32, %dma_start3A_33, %dma_start3A_34] : memref<4x80x128xf32, #tpu.memory_space<vmem>> -> memref<1x80x128xf32, #tpu.memory_space<vmem>>
        %dma_start3A_36 = tpu.memref_squeeze %dma_start3A_35 : memref<1x80x128xf32, #tpu.memory_space<vmem>> -> memref<80x128xf32, #tpu.memory_space<vmem>>
        %dma_start3A_37 = arith.constant 0 : i32
        %dma_start3A_38 = arith.constant 0 : i32
        %dma_start3A_39 = tpu.memref_slice %arg7[%dma_start3A, %dma_start3A_37, %dma_start3A_38] : memref<2x16x80xi32, #tpu.memory_space<vmem>> -> memref<1x16x80xi32, #tpu.memory_space<vmem>>
        %dma_start3A_40 = tpu.memref_squeeze %dma_start3A_39 : memref<1x16x80xi32, #tpu.memory_space<vmem>> -> memref<16x80xi32, #tpu.memory_space<vmem>>
        %dma_start3A_41 = arith.constant 0 : i32
        %dma_start3A_42 = tpu.memref_slice %dma_start3A_40[%dma_start3A_31, %dma_start3A_41] : memref<16x80xi32, #tpu.memory_space<vmem>> -> memref<1x80xi32, #tpu.memory_space<vmem>>
        %dma_start3A_43 = tpu.memref_squeeze %dma_start3A_42 : memref<1x80xi32, #tpu.memory_space<vmem>> -> memref<80xi32, #tpu.memory_space<vmem>>
        %dma_start3A_44 = arith.constant 0 : i32
        %dma_start3A_45 = arith.constant 0 : i32
        %dma_start3A_46 = tpu.memref_slice %arg2[%dma_start3A_44, %dma_start3A_45] : memref<10000x128xf32, #tpu.memory_space<hbm>> -> memref<10000x128xf32, #tpu.memory_space<hbm>>
        tpu.enqueue_indirect_dma source(%dma_start3A_46 : memref<10000x128xf32, #tpu.memory_space<hbm>>) target(%dma_start3A_36 : memref<80x128xf32, #tpu.memory_space<vmem>>) offsets(%dma_start3A_43 : memref<80xi32, #tpu.memory_space<vmem>>) semaphore(%arg11 : memref<!tpu.dma_semaphore, #tpu.memory_space<semaphore_mem>>)
        %dma_start3A_47 = arith.constant 1 : i32
        %dma_start3A_48 = arith.constant 1 : i32
        %dma_start3A_49 = arith.constant 1 : i32
        %dma_start3A_50 = arith.constant 0 : i32
        %dma_start3A_51 = arith.constant 0 : i32
        %dma_start3A_52 = tpu.memref_slice %arg9[%dma_start3A_49, %dma_start3A_50, %dma_start3A_51] : memref<4x80x128xf32, #tpu.memory_space<vmem>> -> memref<1x80x128xf32, #tpu.memory_space<vmem>>
        %dma_start3A_53 = tpu.memref_squeeze %dma_start3A_52 : memref<1x80x128xf32, #tpu.memory_space<vmem>> -> memref<80x128xf32, #tpu.memory_space<vmem>>
        %dma_start3A_54 = arith.constant 0 : i32
        %dma_start3A_55 = arith.constant 0 : i32
        %dma_start3A_56 = tpu.memref_slice %arg7[%dma_start3A_47, %dma_start3A_54, %dma_start3A_55] : memref<2x16x80xi32, #tpu.memory_space<vmem>> -> memref<1x16x80xi32, #tpu.memory_space<vmem>>
        %dma_start3A_57 = tpu.memref_squeeze %dma_start3A_56 : memref<1x16x80xi32, #tpu.memory_space<vmem>> -> memref<16x80xi32, #tpu.memory_space<vmem>>
        %dma_start3A_58 = arith.constant 0 : i32
        %dma_start3A_59 = tpu.memref_slice %dma_start3A_57[%dma_start3A_48, %dma_start3A_58] : memref<16x80xi32, #tpu.memory_space<vmem>> -> memref<1x80xi32, #tpu.memory_space<vmem>>
        %dma_start3A_60 = tpu.memref_squeeze %dma_start3A_59 : memref<1x80xi32, #tpu.memory_space<vmem>> -> memref<80xi32, #tpu.memory_space<vmem>>
        %dma_start3A_61 = arith.constant 0 : i32
        %dma_start3A_62 = arith.constant 0 : i32
        %dma_start3A_63 = tpu.memref_slice %arg2[%dma_start3A_61, %dma_start3A_62] : memref<10000x128xf32, #tpu.memory_space<hbm>> -> memref<10000x128xf32, #tpu.memory_space<hbm>>
        tpu.enqueue_indirect_dma source(%dma_start3A_63 : memref<10000x128xf32, #tpu.memory_space<hbm>>) target(%dma_start3A_53 : memref<80x128xf32, #tpu.memory_space<vmem>>) offsets(%dma_start3A_60 : memref<80xi32, #tpu.memory_space<vmem>>) semaphore(%arg12 : memref<!tpu.dma_semaphore, #tpu.memory_space<semaphore_mem>>)
        %dma_start3A_64 = arith.constant 1 : i32
        %dma_start3A_65 = arith.constant 2 : i32
        %dma_start3A_66 = arith.constant 2 : i32
        %dma_start3A_67 = arith.constant 0 : i32
        %dma_start3A_68 = arith.constant 0 : i32
        %dma_start3A_69 = tpu.memref_slice %arg9[%dma_start3A_66, %dma_start3A_67, %dma_start3A_68] : memref<4x80x128xf32, #tpu.memory_space<vmem>> -> memref<1x80x128xf32, #tpu.memory_space<vmem>>
        %dma_start3A_70 = tpu.memref_squeeze %dma_start3A_69 : memref<1x80x128xf32, #tpu.memory_space<vmem>> -> memref<80x128xf32, #tpu.memory_space<vmem>>
        %dma_start3A_71 = arith.constant 0 : i32
        %dma_start3A_72 = arith.constant 0 : i32
        %dma_start3A_73 = tpu.memref_slice %arg7[%dma_start3A_64, %dma_start3A_71, %dma_start3A_72] : memref<2x16x80xi32, #tpu.memory_space<vmem>> -> memref<1x16x80xi32, #tpu.memory_space<vmem>>
        %dma_start3A_74 = tpu.memref_squeeze %dma_start3A_73 : memref<1x16x80xi32, #tpu.memory_space<vmem>> -> memref<16x80xi32, #tpu.memory_space<vmem>>
        %dma_start3A_75 = arith.constant 0 : i32
        %dma_start3A_76 = tpu.memref_slice %dma_start3A_74[%dma_start3A_65, %dma_start3A_75] : memref<16x80xi32, #tpu.memory_space<vmem>> -> memref<1x80xi32, #tpu.memory_space<vmem>>
        %dma_start3A_77 = tpu.memref_squeeze %dma_start3A_76 : memref<1x80xi32, #tpu.memory_space<vmem>> -> memref<80xi32, #tpu.memory_space<vmem>>
        %dma_start3A_78 = arith.constant 0 : i32
        %dma_start3A_79 = arith.constant 0 : i32
        %dma_start3A_80 = tpu.memref_slice %arg2[%dma_start3A_78, %dma_start3A_79] : memref<10000x128xf32, #tpu.memory_space<hbm>> -> memref<10000x128xf32, #tpu.memory_space<hbm>>
        tpu.enqueue_indirect_dma source(%dma_start3A_80 : memref<10000x128xf32, #tpu.memory_space<hbm>>) target(%dma_start3A_70 : memref<80x128xf32, #tpu.memory_space<vmem>>) offsets(%dma_start3A_77 : memref<80xi32, #tpu.memory_space<vmem>>) semaphore(%arg13 : memref<!tpu.dma_semaphore, #tpu.memory_space<semaphore_mem>>)
        %scan3A_81 = arith.constant 0 : i32
        %scan3A_82 = arith.constant 1 : i32
        %scan3A_83 = arith.constant 1 : i32
        %scan3A_84 = arith.constant 0 : i32
        %scan3A_85 = arith.constant 4 : i32
        %scan3A_86 = arith.addi %scan3A_84, %scan3A_85 : i32
        %scan3A_87 = arith.constant 1 : i32
        scf.for %scan3A_110 = %scan3A_84 to %scan3A_86 step %scan3A_87  : i32 {
          %mul3A_111 = arith.constant 4 : i32
          %mul3A_112 = arith.muli %mul3A_111, %scan3A_110 : i32
          %gt3A = arith.constant 0 : i32
          %gt3A_113 = arith.cmpi sgt, %scan3A_110, %gt3A : i32
          %convert_element_type3A_114 = arith.extui %gt3A_113 : i1 to i32
          %cond3A_115 = arith.constant 0 : i32
          %cond3A_116 = arith.cmpi ne, %convert_element_type3A_114, %cond3A_115 : i32
          scf.if %cond3A_116 {
            %sub3A = arith.constant 1 : i32
            %sub3A_330 = arith.subi %mul3A_112, %sub3A : i32
            %dma_wait3A_331 = arith.constant 3 : i32
            %dma_wait3A_332 = arith.constant 0 : i32
            %dma_wait3A_333 = arith.constant 0 : i32
            %dma_wait3A_334 = tpu.memref_slice %arg9[%dma_wait3A_331, %dma_wait3A_332, %dma_wait3A_333] : memref<4x80x128xf32, #tpu.memory_space<vmem>> -> memref<1x80x128xf32, #tpu.memory_space<vmem>>
            %dma_wait3A_335 = tpu.memref_squeeze %dma_wait3A_334 : memref<1x80x128xf32, #tpu.memory_space<vmem>> -> memref<80x128xf32, #tpu.memory_space<vmem>>
            %dma_wait3A_336 = arith.constant 0 : i32
            %dma_wait3A_337 = arith.constant 0 : i32
            %dma_wait3A_338 = tpu.memref_slice %arg8[%scan3A_82, %dma_wait3A_336, %dma_wait3A_337] : memref<2x16x80xi32, #tpu.memory_space<vmem>> -> memref<1x16x80xi32, #tpu.memory_space<vmem>>
            %dma_wait3A_339 = tpu.memref_squeeze %dma_wait3A_338 : memref<1x16x80xi32, #tpu.memory_space<vmem>> -> memref<16x80xi32, #tpu.memory_space<vmem>>
            %dma_wait3A_340 = arith.constant 0 : i32
            %dma_wait3A_341 = tpu.memref_slice %dma_wait3A_339[%sub3A_330, %dma_wait3A_340] : memref<16x80xi32, #tpu.memory_space<vmem>> -> memref<1x80xi32, #tpu.memory_space<vmem>>
            %dma_wait3A_342 = tpu.memref_squeeze %dma_wait3A_341 : memref<1x80xi32, #tpu.memory_space<vmem>> -> memref<80xi32, #tpu.memory_space<vmem>>
            %dma_wait3A_343 = arith.constant 0 : i32
            %dma_wait3A_344 = arith.constant 0 : i32
            %dma_wait3A_345 = tpu.memref_slice %arg10[%dma_wait3A_343, %dma_wait3A_344] : memref<10112x128xf32, #tpu.memory_space<vmem_shared>> -> memref<10112x128xf32, #tpu.memory_space<vmem_shared>>
            tpu.wait_indirect_dma semaphore(%arg18 : memref<!tpu.dma_semaphore, #tpu.memory_space<semaphore_mem>>) src(%dma_wait3A_335 : memref<80x128xf32, #tpu.memory_space<vmem>>) dst(%dma_wait3A_345 : memref<10112x128xf32, #tpu.memory_space<vmem_shared>>)
          } else {
          }
          %add3A_117 = arith.constant 3 : i32
          %add3A_118 = arith.addi %mul3A_112, %add3A_117 : i32
          %dma_start3A_119 = arith.constant 3 : i32
          %dma_start3A_120 = arith.constant 0 : i32
          %dma_start3A_121 = arith.constant 0 : i32
          %dma_start3A_122 = tpu.memref_slice %arg9[%dma_start3A_119, %dma_start3A_120, %dma_start3A_121] : memref<4x80x128xf32, #tpu.memory_space<vmem>> -> memref<1x80x128xf32, #tpu.memory_space<vmem>>
          %dma_start3A_123 = tpu.memref_squeeze %dma_start3A_122 : memref<1x80x128xf32, #tpu.memory_space<vmem>> -> memref<80x128xf32, #tpu.memory_space<vmem>>
          %dma_start3A_124 = arith.constant 0 : i32
          %dma_start3A_125 = arith.constant 0 : i32
          %dma_start3A_126 = tpu.memref_slice %arg7[%scan3A_83, %dma_start3A_124, %dma_start3A_125] : memref<2x16x80xi32, #tpu.memory_space<vmem>> -> memref<1x16x80xi32, #tpu.memory_space<vmem>>
          %dma_start3A_127 = tpu.memref_squeeze %dma_start3A_126 : memref<1x16x80xi32, #tpu.memory_space<vmem>> -> memref<16x80xi32, #tpu.memory_space<vmem>>
          %dma_start3A_128 = arith.constant 0 : i32
          %dma_start3A_129 = tpu.memref_slice %dma_start3A_127[%add3A_118, %dma_start3A_128] : memref<16x80xi32, #tpu.memory_space<vmem>> -> memref<1x80xi32, #tpu.memory_space<vmem>>
          %dma_start3A_130 = tpu.memref_squeeze %dma_start3A_129 : memref<1x80xi32, #tpu.memory_space<vmem>> -> memref<80xi32, #tpu.memory_space<vmem>>
          %dma_start3A_131 = arith.constant 0 : i32
          %dma_start3A_132 = arith.constant 0 : i32
          %dma_start3A_133 = tpu.memref_slice %arg2[%dma_start3A_131, %dma_start3A_132] : memref<10000x128xf32, #tpu.memory_space<hbm>> -> memref<10000x128xf32, #tpu.memory_space<hbm>>
          tpu.enqueue_indirect_dma source(%dma_start3A_133 : memref<10000x128xf32, #tpu.memory_space<hbm>>) target(%dma_start3A_123 : memref<80x128xf32, #tpu.memory_space<vmem>>) offsets(%dma_start3A_130 : memref<80xi32, #tpu.memory_space<vmem>>) semaphore(%arg14 : memref<!tpu.dma_semaphore, #tpu.memory_space<semaphore_mem>>)
          %dma_wait3A_134 = arith.constant 0 : i32
          %dma_wait3A_135 = arith.constant 0 : i32
          %dma_wait3A_136 = arith.constant 0 : i32
          %dma_wait3A_137 = tpu.memref_slice %arg9[%dma_wait3A_134, %dma_wait3A_135, %dma_wait3A_136] : memref<4x80x128xf32, #tpu.memory_space<vmem>> -> memref<1x80x128xf32, #tpu.memory_space<vmem>>
          %dma_wait3A_138 = tpu.memref_squeeze %dma_wait3A_137 : memref<1x80x128xf32, #tpu.memory_space<vmem>> -> memref<80x128xf32, #tpu.memory_space<vmem>>
          %dma_wait3A_139 = arith.constant 0 : i32
          %dma_wait3A_140 = arith.constant 0 : i32
          %dma_wait3A_141 = tpu.memref_slice %arg7[%scan3A_83, %dma_wait3A_139, %dma_wait3A_140] : memref<2x16x80xi32, #tpu.memory_space<vmem>> -> memref<1x16x80xi32, #tpu.memory_space<vmem>>
          %dma_wait3A_142 = tpu.memref_squeeze %dma_wait3A_141 : memref<1x16x80xi32, #tpu.memory_space<vmem>> -> memref<16x80xi32, #tpu.memory_space<vmem>>
          %dma_wait3A_143 = arith.constant 0 : i32
          %dma_wait3A_144 = tpu.memref_slice %dma_wait3A_142[%mul3A_112, %dma_wait3A_143] : memref<16x80xi32, #tpu.memory_space<vmem>> -> memref<1x80xi32, #tpu.memory_space<vmem>>
          %dma_wait3A_145 = tpu.memref_squeeze %dma_wait3A_144 : memref<1x80xi32, #tpu.memory_space<vmem>> -> memref<80xi32, #tpu.memory_space<vmem>>
          %dma_wait3A_146 = arith.constant 0 : i32
          %dma_wait3A_147 = arith.constant 0 : i32
          %dma_wait3A_148 = tpu.memref_slice %arg2[%dma_wait3A_146, %dma_wait3A_147] : memref<10000x128xf32, #tpu.memory_space<hbm>> -> memref<10000x128xf32, #tpu.memory_space<hbm>>
          tpu.wait_indirect_dma semaphore(%arg11 : memref<!tpu.dma_semaphore, #tpu.memory_space<semaphore_mem>>) src(%dma_wait3A_148 : memref<10000x128xf32, #tpu.memory_space<hbm>>) dst(%dma_wait3A_138 : memref<80x128xf32, #tpu.memory_space<vmem>>)
          %dma_start3A_149 = arith.constant 0 : i32
          %dma_start3A_150 = arith.constant 0 : i32
          %dma_start3A_151 = arith.constant 0 : i32
          %dma_start3A_152 = tpu.memref_slice %arg9[%dma_start3A_149, %dma_start3A_150, %dma_start3A_151] : memref<4x80x128xf32, #tpu.memory_space<vmem>> -> memref<1x80x128xf32, #tpu.memory_space<vmem>>
          %dma_start3A_153 = tpu.memref_squeeze %dma_start3A_152 : memref<1x80x128xf32, #tpu.memory_space<vmem>> -> memref<80x128xf32, #tpu.memory_space<vmem>>
          %dma_start3A_154 = arith.constant 0 : i32
          %dma_start3A_155 = arith.constant 0 : i32
          %dma_start3A_156 = tpu.memref_slice %arg8[%scan3A_82, %dma_start3A_154, %dma_start3A_155] : memref<2x16x80xi32, #tpu.memory_space<vmem>> -> memref<1x16x80xi32, #tpu.memory_space<vmem>>
          %dma_start3A_157 = tpu.memref_squeeze %dma_start3A_156 : memref<1x16x80xi32, #tpu.memory_space<vmem>> -> memref<16x80xi32, #tpu.memory_space<vmem>>
          %dma_start3A_158 = arith.constant 0 : i32
          %dma_start3A_159 = tpu.memref_slice %dma_start3A_157[%mul3A_112, %dma_start3A_158] : memref<16x80xi32, #tpu.memory_space<vmem>> -> memref<1x80xi32, #tpu.memory_space<vmem>>
          %dma_start3A_160 = tpu.memref_squeeze %dma_start3A_159 : memref<1x80xi32, #tpu.memory_space<vmem>> -> memref<80xi32, #tpu.memory_space<vmem>>
          %dma_start3A_161 = arith.constant 0 : i32
          %dma_start3A_162 = arith.constant 0 : i32
          %dma_start3A_163 = tpu.memref_slice %arg10[%dma_start3A_161, %dma_start3A_162] : memref<10112x128xf32, #tpu.memory_space<vmem_shared>> -> memref<10112x128xf32, #tpu.memory_space<vmem_shared>>
          tpu.enqueue_indirect_dma source(%dma_start3A_153 : memref<80x128xf32, #tpu.memory_space<vmem>>) target(%dma_start3A_163 : memref<10112x128xf32, #tpu.memory_space<vmem_shared>>) offsets(%dma_start3A_160 : memref<80xi32, #tpu.memory_space<vmem>>) semaphore(%arg15 : memref<!tpu.dma_semaphore, #tpu.memory_space<semaphore_mem>>) {add = true}
          %add3A_164 = arith.constant 1 : i32
          %add3A_165 = arith.addi %mul3A_112, %add3A_164 : i32
          %dma_wait3A_166 = arith.constant 1 : i32
          %dma_wait3A_167 = arith.constant 0 : i32
          %dma_wait3A_168 = arith.constant 0 : i32
          %dma_wait3A_169 = tpu.memref_slice %arg9[%dma_wait3A_166, %dma_wait3A_167, %dma_wait3A_168] : memref<4x80x128xf32, #tpu.memory_space<vmem>> -> memref<1x80x128xf32, #tpu.memory_space<vmem>>
          %dma_wait3A_170 = tpu.memref_squeeze %dma_wait3A_169 : memref<1x80x128xf32, #tpu.memory_space<vmem>> -> memref<80x128xf32, #tpu.memory_space<vmem>>
          %dma_wait3A_171 = arith.constant 0 : i32
          %dma_wait3A_172 = arith.constant 0 : i32
          %dma_wait3A_173 = tpu.memref_slice %arg7[%scan3A_83, %dma_wait3A_171, %dma_wait3A_172] : memref<2x16x80xi32, #tpu.memory_space<vmem>> -> memref<1x16x80xi32, #tpu.memory_space<vmem>>
          %dma_wait3A_174 = tpu.memref_squeeze %dma_wait3A_173 : memref<1x16x80xi32, #tpu.memory_space<vmem>> -> memref<16x80xi32, #tpu.memory_space<vmem>>
          %dma_wait3A_175 = arith.constant 0 : i32
          %dma_wait3A_176 = tpu.memref_slice %dma_wait3A_174[%add3A_165, %dma_wait3A_175] : memref<16x80xi32, #tpu.memory_space<vmem>> -> memref<1x80xi32, #tpu.memory_space<vmem>>
          %dma_wait3A_177 = tpu.memref_squeeze %dma_wait3A_176 : memref<1x80xi32, #tpu.memory_space<vmem>> -> memref<80xi32, #tpu.memory_space<vmem>>
          %dma_wait3A_178 = arith.constant 0 : i32
          %dma_wait3A_179 = arith.constant 0 : i32
          %dma_wait3A_180 = tpu.memref_slice %arg2[%dma_wait3A_178, %dma_wait3A_179] : memref<10000x128xf32, #tpu.memory_space<hbm>> -> memref<10000x128xf32, #tpu.memory_space<hbm>>
          tpu.wait_indirect_dma semaphore(%arg12 : memref<!tpu.dma_semaphore, #tpu.memory_space<semaphore_mem>>) src(%dma_wait3A_180 : memref<10000x128xf32, #tpu.memory_space<hbm>>) dst(%dma_wait3A_170 : memref<80x128xf32, #tpu.memory_space<vmem>>)
          %add3A_181 = arith.constant 1 : i32
          %add3A_182 = arith.addi %mul3A_112, %add3A_181 : i32
          %dma_start3A_183 = arith.constant 1 : i32
          %dma_start3A_184 = arith.constant 0 : i32
          %dma_start3A_185 = arith.constant 0 : i32
          %dma_start3A_186 = tpu.memref_slice %arg9[%dma_start3A_183, %dma_start3A_184, %dma_start3A_185] : memref<4x80x128xf32, #tpu.memory_space<vmem>> -> memref<1x80x128xf32, #tpu.memory_space<vmem>>
          %dma_start3A_187 = tpu.memref_squeeze %dma_start3A_186 : memref<1x80x128xf32, #tpu.memory_space<vmem>> -> memref<80x128xf32, #tpu.memory_space<vmem>>
          %dma_start3A_188 = arith.constant 0 : i32
          %dma_start3A_189 = arith.constant 0 : i32
          %dma_start3A_190 = tpu.memref_slice %arg8[%scan3A_82, %dma_start3A_188, %dma_start3A_189] : memref<2x16x80xi32, #tpu.memory_space<vmem>> -> memref<1x16x80xi32, #tpu.memory_space<vmem>>
          %dma_start3A_191 = tpu.memref_squeeze %dma_start3A_190 : memref<1x16x80xi32, #tpu.memory_space<vmem>> -> memref<16x80xi32, #tpu.memory_space<vmem>>
          %dma_start3A_192 = arith.constant 0 : i32
          %dma_start3A_193 = tpu.memref_slice %dma_start3A_191[%add3A_182, %dma_start3A_192] : memref<16x80xi32, #tpu.memory_space<vmem>> -> memref<1x80xi32, #tpu.memory_space<vmem>>
          %dma_start3A_194 = tpu.memref_squeeze %dma_start3A_193 : memref<1x80xi32, #tpu.memory_space<vmem>> -> memref<80xi32, #tpu.memory_space<vmem>>
          %dma_start3A_195 = arith.constant 0 : i32
          %dma_start3A_196 = arith.constant 0 : i32
          %dma_start3A_197 = tpu.memref_slice %arg10[%dma_start3A_195, %dma_start3A_196] : memref<10112x128xf32, #tpu.memory_space<vmem_shared>> -> memref<10112x128xf32, #tpu.memory_space<vmem_shared>>
          tpu.enqueue_indirect_dma source(%dma_start3A_187 : memref<80x128xf32, #tpu.memory_space<vmem>>) target(%dma_start3A_197 : memref<10112x128xf32, #tpu.memory_space<vmem_shared>>) offsets(%dma_start3A_194 : memref<80xi32, #tpu.memory_space<vmem>>) semaphore(%arg16 : memref<!tpu.dma_semaphore, #tpu.memory_space<semaphore_mem>>) {add = true}
          %dma_wait3A_198 = arith.constant 0 : i32
          %dma_wait3A_199 = arith.constant 0 : i32
          %dma_wait3A_200 = arith.constant 0 : i32
          %dma_wait3A_201 = tpu.memref_slice %arg9[%dma_wait3A_198, %dma_wait3A_199, %dma_wait3A_200] : memref<4x80x128xf32, #tpu.memory_space<vmem>> -> memref<1x80x128xf32, #tpu.memory_space<vmem>>
          %dma_wait3A_202 = tpu.memref_squeeze %dma_wait3A_201 : memref<1x80x128xf32, #tpu.memory_space<vmem>> -> memref<80x128xf32, #tpu.memory_space<vmem>>
          %dma_wait3A_203 = arith.constant 0 : i32
          %dma_wait3A_204 = arith.constant 0 : i32
          %dma_wait3A_205 = tpu.memref_slice %arg8[%scan3A_82, %dma_wait3A_203, %dma_wait3A_204] : memref<2x16x80xi32, #tpu.memory_space<vmem>> -> memref<1x16x80xi32, #tpu.memory_space<vmem>>
          %dma_wait3A_206 = tpu.memref_squeeze %dma_wait3A_205 : memref<1x16x80xi32, #tpu.memory_space<vmem>> -> memref<16x80xi32, #tpu.memory_space<vmem>>
          %dma_wait3A_207 = arith.constant 0 : i32
          %dma_wait3A_208 = tpu.memref_slice %dma_wait3A_206[%mul3A_112, %dma_wait3A_207] : memref<16x80xi32, #tpu.memory_space<vmem>> -> memref<1x80xi32, #tpu.memory_space<vmem>>
          %dma_wait3A_209 = tpu.memref_squeeze %dma_wait3A_208 : memref<1x80xi32, #tpu.memory_space<vmem>> -> memref<80xi32, #tpu.memory_space<vmem>>
          %dma_wait3A_210 = arith.constant 0 : i32
          %dma_wait3A_211 = arith.constant 0 : i32
          %dma_wait3A_212 = tpu.memref_slice %arg10[%dma_wait3A_210, %dma_wait3A_211] : memref<10112x128xf32, #tpu.memory_space<vmem_shared>> -> memref<10112x128xf32, #tpu.memory_space<vmem_shared>>
          tpu.wait_indirect_dma semaphore(%arg15 : memref<!tpu.dma_semaphore, #tpu.memory_space<semaphore_mem>>) src(%dma_wait3A_202 : memref<80x128xf32, #tpu.memory_space<vmem>>) dst(%dma_wait3A_212 : memref<10112x128xf32, #tpu.memory_space<vmem_shared>>)
          %lt3A_213 = arith.constant 3 : i32
          %lt3A_214 = arith.cmpi slt, %scan3A_110, %lt3A_213 : i32
          %convert_element_type3A_215 = arith.extui %lt3A_214 : i1 to i32
          %cond3A_216 = arith.constant 0 : i32
          %cond3A_217 = arith.cmpi ne, %convert_element_type3A_215, %cond3A_216 : i32
          scf.if %cond3A_217 {
            %add3A_330 = arith.constant 4 : i32
            %add3A_331 = arith.addi %mul3A_112, %add3A_330 : i32
            %dma_start3A_332 = arith.constant 0 : i32
            %dma_start3A_333 = arith.constant 0 : i32
            %dma_start3A_334 = arith.constant 0 : i32
            %dma_start3A_335 = tpu.memref_slice %arg9[%dma_start3A_332, %dma_start3A_333, %dma_start3A_334] : memref<4x80x128xf32, #tpu.memory_space<vmem>> -> memref<1x80x128xf32, #tpu.memory_space<vmem>>
            %dma_start3A_336 = tpu.memref_squeeze %dma_start3A_335 : memref<1x80x128xf32, #tpu.memory_space<vmem>> -> memref<80x128xf32, #tpu.memory_space<vmem>>
            %dma_start3A_337 = arith.constant 0 : i32
            %dma_start3A_338 = arith.constant 0 : i32
            %dma_start3A_339 = tpu.memref_slice %arg7[%scan3A_83, %dma_start3A_337, %dma_start3A_338] : memref<2x16x80xi32, #tpu.memory_space<vmem>> -> memref<1x16x80xi32, #tpu.memory_space<vmem>>
            %dma_start3A_340 = tpu.memref_squeeze %dma_start3A_339 : memref<1x16x80xi32, #tpu.memory_space<vmem>> -> memref<16x80xi32, #tpu.memory_space<vmem>>
            %dma_start3A_341 = arith.constant 0 : i32
            %dma_start3A_342 = tpu.memref_slice %dma_start3A_340[%add3A_331, %dma_start3A_341] : memref<16x80xi32, #tpu.memory_space<vmem>> -> memref<1x80xi32, #tpu.memory_space<vmem>>
            %dma_start3A_343 = tpu.memref_squeeze %dma_start3A_342 : memref<1x80xi32, #tpu.memory_space<vmem>> -> memref<80xi32, #tpu.memory_space<vmem>>
            %dma_start3A_344 = arith.constant 0 : i32
            %dma_start3A_345 = arith.constant 0 : i32
            %dma_start3A_346 = tpu.memref_slice %arg2[%dma_start3A_344, %dma_start3A_345] : memref<10000x128xf32, #tpu.memory_space<hbm>> -> memref<10000x128xf32, #tpu.memory_space<hbm>>
            tpu.enqueue_indirect_dma source(%dma_start3A_346 : memref<10000x128xf32, #tpu.memory_space<hbm>>) target(%dma_start3A_336 : memref<80x128xf32, #tpu.memory_space<vmem>>) offsets(%dma_start3A_343 : memref<80xi32, #tpu.memory_space<vmem>>) semaphore(%arg11 : memref<!tpu.dma_semaphore, #tpu.memory_space<semaphore_mem>>)
          } else {
          }
          %add3A_218 = arith.constant 2 : i32
          %add3A_219 = arith.addi %mul3A_112, %add3A_218 : i32
          %dma_wait3A_220 = arith.constant 2 : i32
          %dma_wait3A_221 = arith.constant 0 : i32
          %dma_wait3A_222 = arith.constant 0 : i32
          %dma_wait3A_223 = tpu.memref_slice %arg9[%dma_wait3A_220, %dma_wait3A_221, %dma_wait3A_222] : memref<4x80x128xf32, #tpu.memory_space<vmem>> -> memref<1x80x128xf32, #tpu.memory_space<vmem>>
          %dma_wait3A_224 = tpu.memref_squeeze %dma_wait3A_223 : memref<1x80x128xf32, #tpu.memory_space<vmem>> -> memref<80x128xf32, #tpu.memory_space<vmem>>
          %dma_wait3A_225 = arith.constant 0 : i32
          %dma_wait3A_226 = arith.constant 0 : i32
          %dma_wait3A_227 = tpu.memref_slice %arg7[%scan3A_83, %dma_wait3A_225, %dma_wait3A_226] : memref<2x16x80xi32, #tpu.memory_space<vmem>> -> memref<1x16x80xi32, #tpu.memory_space<vmem>>
          %dma_wait3A_228 = tpu.memref_squeeze %dma_wait3A_227 : memref<1x16x80xi32, #tpu.memory_space<vmem>> -> memref<16x80xi32, #tpu.memory_space<vmem>>
          %dma_wait3A_229 = arith.constant 0 : i32
          %dma_wait3A_230 = tpu.memref_slice %dma_wait3A_228[%add3A_219, %dma_wait3A_229] : memref<16x80xi32, #tpu.memory_space<vmem>> -> memref<1x80xi32, #tpu.memory_space<vmem>>
          %dma_wait3A_231 = tpu.memref_squeeze %dma_wait3A_230 : memref<1x80xi32, #tpu.memory_space<vmem>> -> memref<80xi32, #tpu.memory_space<vmem>>
          %dma_wait3A_232 = arith.constant 0 : i32
          %dma_wait3A_233 = arith.constant 0 : i32
          %dma_wait3A_234 = tpu.memref_slice %arg2[%dma_wait3A_232, %dma_wait3A_233] : memref<10000x128xf32, #tpu.memory_space<hbm>> -> memref<10000x128xf32, #tpu.memory_space<hbm>>
          tpu.wait_indirect_dma semaphore(%arg13 : memref<!tpu.dma_semaphore, #tpu.memory_space<semaphore_mem>>) src(%dma_wait3A_234 : memref<10000x128xf32, #tpu.memory_space<hbm>>) dst(%dma_wait3A_224 : memref<80x128xf32, #tpu.memory_space<vmem>>)
          %add3A_235 = arith.constant 2 : i32
          %add3A_236 = arith.addi %mul3A_112, %add3A_235 : i32
          %dma_start3A_237 = arith.constant 2 : i32
          %dma_start3A_238 = arith.constant 0 : i32
          %dma_start3A_239 = arith.constant 0 : i32
          %dma_start3A_240 = tpu.memref_slice %arg9[%dma_start3A_237, %dma_start3A_238, %dma_start3A_239] : memref<4x80x128xf32, #tpu.memory_space<vmem>> -> memref<1x80x128xf32, #tpu.memory_space<vmem>>
          %dma_start3A_241 = tpu.memref_squeeze %dma_start3A_240 : memref<1x80x128xf32, #tpu.memory_space<vmem>> -> memref<80x128xf32, #tpu.memory_space<vmem>>
          %dma_start3A_242 = arith.constant 0 : i32
          %dma_start3A_243 = arith.constant 0 : i32
          %dma_start3A_244 = tpu.memref_slice %arg8[%scan3A_82, %dma_start3A_242, %dma_start3A_243] : memref<2x16x80xi32, #tpu.memory_space<vmem>> -> memref<1x16x80xi32, #tpu.memory_space<vmem>>
          %dma_start3A_245 = tpu.memref_squeeze %dma_start3A_244 : memref<1x16x80xi32, #tpu.memory_space<vmem>> -> memref<16x80xi32, #tpu.memory_space<vmem>>
          %dma_start3A_246 = arith.constant 0 : i32
          %dma_start3A_247 = tpu.memref_slice %dma_start3A_245[%add3A_236, %dma_start3A_246] : memref<16x80xi32, #tpu.memory_space<vmem>> -> memref<1x80xi32, #tpu.memory_space<vmem>>
          %dma_start3A_248 = tpu.memref_squeeze %dma_start3A_247 : memref<1x80xi32, #tpu.memory_space<vmem>> -> memref<80xi32, #tpu.memory_space<vmem>>
          %dma_start3A_249 = arith.constant 0 : i32
          %dma_start3A_250 = arith.constant 0 : i32
          %dma_start3A_251 = tpu.memref_slice %arg10[%dma_start3A_249, %dma_start3A_250] : memref<10112x128xf32, #tpu.memory_space<vmem_shared>> -> memref<10112x128xf32, #tpu.memory_space<vmem_shared>>
          tpu.enqueue_indirect_dma source(%dma_start3A_241 : memref<80x128xf32, #tpu.memory_space<vmem>>) target(%dma_start3A_251 : memref<10112x128xf32, #tpu.memory_space<vmem_shared>>) offsets(%dma_start3A_248 : memref<80xi32, #tpu.memory_space<vmem>>) semaphore(%arg17 : memref<!tpu.dma_semaphore, #tpu.memory_space<semaphore_mem>>) {add = true}
          %add3A_252 = arith.constant 1 : i32
          %add3A_253 = arith.addi %mul3A_112, %add3A_252 : i32
          %dma_wait3A_254 = arith.constant 1 : i32
          %dma_wait3A_255 = arith.constant 0 : i32
          %dma_wait3A_256 = arith.constant 0 : i32
          %dma_wait3A_257 = tpu.memref_slice %arg9[%dma_wait3A_254, %dma_wait3A_255, %dma_wait3A_256] : memref<4x80x128xf32, #tpu.memory_space<vmem>> -> memref<1x80x128xf32, #tpu.memory_space<vmem>>
          %dma_wait3A_258 = tpu.memref_squeeze %dma_wait3A_257 : memref<1x80x128xf32, #tpu.memory_space<vmem>> -> memref<80x128xf32, #tpu.memory_space<vmem>>
          %dma_wait3A_259 = arith.constant 0 : i32
          %dma_wait3A_260 = arith.constant 0 : i32
          %dma_wait3A_261 = tpu.memref_slice %arg8[%scan3A_82, %dma_wait3A_259, %dma_wait3A_260] : memref<2x16x80xi32, #tpu.memory_space<vmem>> -> memref<1x16x80xi32, #tpu.memory_space<vmem>>
          %dma_wait3A_262 = tpu.memref_squeeze %dma_wait3A_261 : memref<1x16x80xi32, #tpu.memory_space<vmem>> -> memref<16x80xi32, #tpu.memory_space<vmem>>
          %dma_wait3A_263 = arith.constant 0 : i32
          %dma_wait3A_264 = tpu.memref_slice %dma_wait3A_262[%add3A_253, %dma_wait3A_263] : memref<16x80xi32, #tpu.memory_space<vmem>> -> memref<1x80xi32, #tpu.memory_space<vmem>>
          %dma_wait3A_265 = tpu.memref_squeeze %dma_wait3A_264 : memref<1x80xi32, #tpu.memory_space<vmem>> -> memref<80xi32, #tpu.memory_space<vmem>>
          %dma_wait3A_266 = arith.constant 0 : i32
          %dma_wait3A_267 = arith.constant 0 : i32
          %dma_wait3A_268 = tpu.memref_slice %arg10[%dma_wait3A_266, %dma_wait3A_267] : memref<10112x128xf32, #tpu.memory_space<vmem_shared>> -> memref<10112x128xf32, #tpu.memory_space<vmem_shared>>
          tpu.wait_indirect_dma semaphore(%arg16 : memref<!tpu.dma_semaphore, #tpu.memory_space<semaphore_mem>>) src(%dma_wait3A_258 : memref<80x128xf32, #tpu.memory_space<vmem>>) dst(%dma_wait3A_268 : memref<10112x128xf32, #tpu.memory_space<vmem_shared>>)
          %lt3A_269 = arith.constant 3 : i32
          %lt3A_270 = arith.cmpi slt, %scan3A_110, %lt3A_269 : i32
          %convert_element_type3A_271 = arith.extui %lt3A_270 : i1 to i32
          %cond3A_272 = arith.constant 0 : i32
          %cond3A_273 = arith.cmpi ne, %convert_element_type3A_271, %cond3A_272 : i32
          scf.if %cond3A_273 {
            %add3A_330 = arith.constant 5 : i32
            %add3A_331 = arith.addi %mul3A_112, %add3A_330 : i32
            %dma_start3A_332 = arith.constant 1 : i32
            %dma_start3A_333 = arith.constant 0 : i32
            %dma_start3A_334 = arith.constant 0 : i32
            %dma_start3A_335 = tpu.memref_slice %arg9[%dma_start3A_332, %dma_start3A_333, %dma_start3A_334] : memref<4x80x128xf32, #tpu.memory_space<vmem>> -> memref<1x80x128xf32, #tpu.memory_space<vmem>>
            %dma_start3A_336 = tpu.memref_squeeze %dma_start3A_335 : memref<1x80x128xf32, #tpu.memory_space<vmem>> -> memref<80x128xf32, #tpu.memory_space<vmem>>
            %dma_start3A_337 = arith.constant 0 : i32
            %dma_start3A_338 = arith.constant 0 : i32
            %dma_start3A_339 = tpu.memref_slice %arg7[%scan3A_83, %dma_start3A_337, %dma_start3A_338] : memref<2x16x80xi32, #tpu.memory_space<vmem>> -> memref<1x16x80xi32, #tpu.memory_space<vmem>>
            %dma_start3A_340 = tpu.memref_squeeze %dma_start3A_339 : memref<1x16x80xi32, #tpu.memory_space<vmem>> -> memref<16x80xi32, #tpu.memory_space<vmem>>
            %dma_start3A_341 = arith.constant 0 : i32
            %dma_start3A_342 = tpu.memref_slice %dma_start3A_340[%add3A_331, %dma_start3A_341] : memref<16x80xi32, #tpu.memory_space<vmem>> -> memref<1x80xi32, #tpu.memory_space<vmem>>
            %dma_start3A_343 = tpu.memref_squeeze %dma_start3A_342 : memref<1x80xi32, #tpu.memory_space<vmem>> -> memref<80xi32, #tpu.memory_space<vmem>>
            %dma_start3A_344 = arith.constant 0 : i32
            %dma_start3A_345 = arith.constant 0 : i32
            %dma_start3A_346 = tpu.memref_slice %arg2[%dma_start3A_344, %dma_start3A_345] : memref<10000x128xf32, #tpu.memory_space<hbm>> -> memref<10000x128xf32, #tpu.memory_space<hbm>>
            tpu.enqueue_indirect_dma source(%dma_start3A_346 : memref<10000x128xf32, #tpu.memory_space<hbm>>) target(%dma_start3A_336 : memref<80x128xf32, #tpu.memory_space<vmem>>) offsets(%dma_start3A_343 : memref<80xi32, #tpu.memory_space<vmem>>) semaphore(%arg12 : memref<!tpu.dma_semaphore, #tpu.memory_space<semaphore_mem>>)
          } else {
          }
          %add3A_274 = arith.constant 3 : i32
          %add3A_275 = arith.addi %mul3A_112, %add3A_274 : i32
          %dma_wait3A_276 = arith.constant 3 : i32
          %dma_wait3A_277 = arith.constant 0 : i32
          %dma_wait3A_278 = arith.constant 0 : i32
          %dma_wait3A_279 = tpu.memref_slice %arg9[%dma_wait3A_276, %dma_wait3A_277, %dma_wait3A_278] : memref<4x80x128xf32, #tpu.memory_space<vmem>> -> memref<1x80x128xf32, #tpu.memory_space<vmem>>
          %dma_wait3A_280 = tpu.memref_squeeze %dma_wait3A_279 : memref<1x80x128xf32, #tpu.memory_space<vmem>> -> memref<80x128xf32, #tpu.memory_space<vmem>>
          %dma_wait3A_281 = arith.constant 0 : i32
          %dma_wait3A_282 = arith.constant 0 : i32
          %dma_wait3A_283 = tpu.memref_slice %arg7[%scan3A_83, %dma_wait3A_281, %dma_wait3A_282] : memref<2x16x80xi32, #tpu.memory_space<vmem>> -> memref<1x16x80xi32, #tpu.memory_space<vmem>>
          %dma_wait3A_284 = tpu.memref_squeeze %dma_wait3A_283 : memref<1x16x80xi32, #tpu.memory_space<vmem>> -> memref<16x80xi32, #tpu.memory_space<vmem>>
          %dma_wait3A_285 = arith.constant 0 : i32
          %dma_wait3A_286 = tpu.memref_slice %dma_wait3A_284[%add3A_275, %dma_wait3A_285] : memref<16x80xi32, #tpu.memory_space<vmem>> -> memref<1x80xi32, #tpu.memory_space<vmem>>
          %dma_wait3A_287 = tpu.memref_squeeze %dma_wait3A_286 : memref<1x80xi32, #tpu.memory_space<vmem>> -> memref<80xi32, #tpu.memory_space<vmem>>
          %dma_wait3A_288 = arith.constant 0 : i32
          %dma_wait3A_289 = arith.constant 0 : i32
          %dma_wait3A_290 = tpu.memref_slice %arg2[%dma_wait3A_288, %dma_wait3A_289] : memref<10000x128xf32, #tpu.memory_space<hbm>> -> memref<10000x128xf32, #tpu.memory_space<hbm>>
          tpu.wait_indirect_dma semaphore(%arg14 : memref<!tpu.dma_semaphore, #tpu.memory_space<semaphore_mem>>) src(%dma_wait3A_290 : memref<10000x128xf32, #tpu.memory_space<hbm>>) dst(%dma_wait3A_280 : memref<80x128xf32, #tpu.memory_space<vmem>>)
          %add3A_291 = arith.constant 3 : i32
          %add3A_292 = arith.addi %mul3A_112, %add3A_291 : i32
          %dma_start3A_293 = arith.constant 3 : i32
          %dma_start3A_294 = arith.constant 0 : i32
          %dma_start3A_295 = arith.constant 0 : i32
          %dma_start3A_296 = tpu.memref_slice %arg9[%dma_start3A_293, %dma_start3A_294, %dma_start3A_295] : memref<4x80x128xf32, #tpu.memory_space<vmem>> -> memref<1x80x128xf32, #tpu.memory_space<vmem>>
          %dma_start3A_297 = tpu.memref_squeeze %dma_start3A_296 : memref<1x80x128xf32, #tpu.memory_space<vmem>> -> memref<80x128xf32, #tpu.memory_space<vmem>>
          %dma_start3A_298 = arith.constant 0 : i32
          %dma_start3A_299 = arith.constant 0 : i32
          %dma_start3A_300 = tpu.memref_slice %arg8[%scan3A_82, %dma_start3A_298, %dma_start3A_299] : memref<2x16x80xi32, #tpu.memory_space<vmem>> -> memref<1x16x80xi32, #tpu.memory_space<vmem>>
          %dma_start3A_301 = tpu.memref_squeeze %dma_start3A_300 : memref<1x16x80xi32, #tpu.memory_space<vmem>> -> memref<16x80xi32, #tpu.memory_space<vmem>>
          %dma_start3A_302 = arith.constant 0 : i32
          %dma_start3A_303 = tpu.memref_slice %dma_start3A_301[%add3A_292, %dma_start3A_302] : memref<16x80xi32, #tpu.memory_space<vmem>> -> memref<1x80xi32, #tpu.memory_space<vmem>>
          %dma_start3A_304 = tpu.memref_squeeze %dma_start3A_303 : memref<1x80xi32, #tpu.memory_space<vmem>> -> memref<80xi32, #tpu.memory_space<vmem>>
          %dma_start3A_305 = arith.constant 0 : i32
          %dma_start3A_306 = arith.constant 0 : i32
          %dma_start3A_307 = tpu.memref_slice %arg10[%dma_start3A_305, %dma_start3A_306] : memref<10112x128xf32, #tpu.memory_space<vmem_shared>> -> memref<10112x128xf32, #tpu.memory_space<vmem_shared>>
          tpu.enqueue_indirect_dma source(%dma_start3A_297 : memref<80x128xf32, #tpu.memory_space<vmem>>) target(%dma_start3A_307 : memref<10112x128xf32, #tpu.memory_space<vmem_shared>>) offsets(%dma_start3A_304 : memref<80xi32, #tpu.memory_space<vmem>>) semaphore(%arg18 : memref<!tpu.dma_semaphore, #tpu.memory_space<semaphore_mem>>) {add = true}
          %add3A_308 = arith.constant 2 : i32
          %add3A_309 = arith.addi %mul3A_112, %add3A_308 : i32
          %dma_wait3A_310 = arith.constant 2 : i32
          %dma_wait3A_311 = arith.constant 0 : i32
          %dma_wait3A_312 = arith.constant 0 : i32
          %dma_wait3A_313 = tpu.memref_slice %arg9[%dma_wait3A_310, %dma_wait3A_311, %dma_wait3A_312] : memref<4x80x128xf32, #tpu.memory_space<vmem>> -> memref<1x80x128xf32, #tpu.memory_space<vmem>>
          %dma_wait3A_314 = tpu.memref_squeeze %dma_wait3A_313 : memref<1x80x128xf32, #tpu.memory_space<vmem>> -> memref<80x128xf32, #tpu.memory_space<vmem>>
          %dma_wait3A_315 = arith.constant 0 : i32
          %dma_wait3A_316 = arith.constant 0 : i32
          %dma_wait3A_317 = tpu.memref_slice %arg8[%scan3A_82, %dma_wait3A_315, %dma_wait3A_316] : memref<2x16x80xi32, #tpu.memory_space<vmem>> -> memref<1x16x80xi32, #tpu.memory_space<vmem>>
          %dma_wait3A_318 = tpu.memref_squeeze %dma_wait3A_317 : memref<1x16x80xi32, #tpu.memory_space<vmem>> -> memref<16x80xi32, #tpu.memory_space<vmem>>
          %dma_wait3A_319 = arith.constant 0 : i32
          %dma_wait3A_320 = tpu.memref_slice %dma_wait3A_318[%add3A_309, %dma_wait3A_319] : memref<16x80xi32, #tpu.memory_space<vmem>> -> memref<1x80xi32, #tpu.memory_space<vmem>>
          %dma_wait3A_321 = tpu.memref_squeeze %dma_wait3A_320 : memref<1x80xi32, #tpu.memory_space<vmem>> -> memref<80xi32, #tpu.memory_space<vmem>>
          %dma_wait3A_322 = arith.constant 0 : i32
          %dma_wait3A_323 = arith.constant 0 : i32
          %dma_wait3A_324 = tpu.memref_slice %arg10[%dma_wait3A_322, %dma_wait3A_323] : memref<10112x128xf32, #tpu.memory_space<vmem_shared>> -> memref<10112x128xf32, #tpu.memory_space<vmem_shared>>
          tpu.wait_indirect_dma semaphore(%arg17 : memref<!tpu.dma_semaphore, #tpu.memory_space<semaphore_mem>>) src(%dma_wait3A_314 : memref<80x128xf32, #tpu.memory_space<vmem>>) dst(%dma_wait3A_324 : memref<10112x128xf32, #tpu.memory_space<vmem_shared>>)
          %lt3A_325 = arith.constant 3 : i32
          %lt3A_326 = arith.cmpi slt, %scan3A_110, %lt3A_325 : i32
          %convert_element_type3A_327 = arith.extui %lt3A_326 : i1 to i32
          %cond3A_328 = arith.constant 0 : i32
          %cond3A_329 = arith.cmpi ne, %convert_element_type3A_327, %cond3A_328 : i32
          scf.if %cond3A_329 {
            %add3A_330 = arith.constant 6 : i32
            %add3A_331 = arith.addi %mul3A_112, %add3A_330 : i32
            %dma_start3A_332 = arith.constant 2 : i32
            %dma_start3A_333 = arith.constant 0 : i32
            %dma_start3A_334 = arith.constant 0 : i32
            %dma_start3A_335 = tpu.memref_slice %arg9[%dma_start3A_332, %dma_start3A_333, %dma_start3A_334] : memref<4x80x128xf32, #tpu.memory_space<vmem>> -> memref<1x80x128xf32, #tpu.memory_space<vmem>>
            %dma_start3A_336 = tpu.memref_squeeze %dma_start3A_335 : memref<1x80x128xf32, #tpu.memory_space<vmem>> -> memref<80x128xf32, #tpu.memory_space<vmem>>
            %dma_start3A_337 = arith.constant 0 : i32
            %dma_start3A_338 = arith.constant 0 : i32
            %dma_start3A_339 = tpu.memref_slice %arg7[%scan3A_83, %dma_start3A_337, %dma_start3A_338] : memref<2x16x80xi32, #tpu.memory_space<vmem>> -> memref<1x16x80xi32, #tpu.memory_space<vmem>>
            %dma_start3A_340 = tpu.memref_squeeze %dma_start3A_339 : memref<1x16x80xi32, #tpu.memory_space<vmem>> -> memref<16x80xi32, #tpu.memory_space<vmem>>
            %dma_start3A_341 = arith.constant 0 : i32
            %dma_start3A_342 = tpu.memref_slice %dma_start3A_340[%add3A_331, %dma_start3A_341] : memref<16x80xi32, #tpu.memory_space<vmem>> -> memref<1x80xi32, #tpu.memory_space<vmem>>
            %dma_start3A_343 = tpu.memref_squeeze %dma_start3A_342 : memref<1x80xi32, #tpu.memory_space<vmem>> -> memref<80xi32, #tpu.memory_space<vmem>>
            %dma_start3A_344 = arith.constant 0 : i32
            %dma_start3A_345 = arith.constant 0 : i32
            %dma_start3A_346 = tpu.memref_slice %arg2[%dma_start3A_344, %dma_start3A_345] : memref<10000x128xf32, #tpu.memory_space<hbm>> -> memref<10000x128xf32, #tpu.memory_space<hbm>>
            tpu.enqueue_indirect_dma source(%dma_start3A_346 : memref<10000x128xf32, #tpu.memory_space<hbm>>) target(%dma_start3A_336 : memref<80x128xf32, #tpu.memory_space<vmem>>) offsets(%dma_start3A_343 : memref<80xi32, #tpu.memory_space<vmem>>) semaphore(%arg13 : memref<!tpu.dma_semaphore, #tpu.memory_space<semaphore_mem>>)
          } else {
          }
        }
        %scan3A_88 = arith.constant 4 : i32
        %dma_wait3A = arith.constant 3 : i32
        %dma_wait3A_89 = arith.constant 1 : i32
        %dma_wait3A_90 = arith.constant 15 : i32
        %dma_wait3A_91 = arith.constant 0 : i32
        %dma_wait3A_92 = arith.constant 0 : i32
        %dma_wait3A_93 = tpu.memref_slice %arg9[%dma_wait3A, %dma_wait3A_91, %dma_wait3A_92] : memref<4x80x128xf32, #tpu.memory_space<vmem>> -> memref<1x80x128xf32, #tpu.memory_space<vmem>>
        %dma_wait3A_94 = tpu.memref_squeeze %dma_wait3A_93 : memref<1x80x128xf32, #tpu.memory_space<vmem>> -> memref<80x128xf32, #tpu.memory_space<vmem>>
        %dma_wait3A_95 = arith.constant 0 : i32
        %dma_wait3A_96 = arith.constant 0 : i32
        %dma_wait3A_97 = tpu.memref_slice %arg8[%dma_wait3A_89, %dma_wait3A_95, %dma_wait3A_96] : memref<2x16x80xi32, #tpu.memory_space<vmem>> -> memref<1x16x80xi32, #tpu.memory_space<vmem>>
        %dma_wait3A_98 = tpu.memref_squeeze %dma_wait3A_97 : memref<1x16x80xi32, #tpu.memory_space<vmem>> -> memref<16x80xi32, #tpu.memory_space<vmem>>
        %dma_wait3A_99 = arith.constant 0 : i32
        %dma_wait3A_100 = tpu.memref_slice %dma_wait3A_98[%dma_wait3A_90, %dma_wait3A_99] : memref<16x80xi32, #tpu.memory_space<vmem>> -> memref<1x80xi32, #tpu.memory_space<vmem>>
        %dma_wait3A_101 = tpu.memref_squeeze %dma_wait3A_100 : memref<1x80xi32, #tpu.memory_space<vmem>> -> memref<80xi32, #tpu.memory_space<vmem>>
        %dma_wait3A_102 = arith.constant 0 : i32
        %dma_wait3A_103 = arith.constant 0 : i32
        %dma_wait3A_104 = tpu.memref_slice %arg10[%dma_wait3A_102, %dma_wait3A_103] : memref<10112x128xf32, #tpu.memory_space<vmem_shared>> -> memref<10112x128xf32, #tpu.memory_space<vmem_shared>>
        tpu.wait_indirect_dma semaphore(%arg18 : memref<!tpu.dma_semaphore, #tpu.memory_space<semaphore_mem>>) src(%dma_wait3A_94 : memref<80x128xf32, #tpu.memory_space<vmem>>) dst(%dma_wait3A_104 : memref<10112x128xf32, #tpu.memory_space<vmem_shared>>)
        %lt3A_105 = arith.constant 7 : i32
        %lt3A_106 = arith.cmpi slt, %scan3A_16, %lt3A_105 : i32
        %convert_element_type3A_107 = arith.extui %lt3A_106 : i1 to i32
        %cond3A_108 = arith.constant 0 : i32
        %cond3A_109 = arith.cmpi ne, %convert_element_type3A_107, %cond3A_108 : i32
        scf.if %cond3A_109 {
          %add3A_110 = arith.constant 1 : i32
          %add3A_111 = arith.addi %scan3A_16, %add3A_110 : i32
          %dma_wait3A_112 = arith.constant 0 : i32
          %dma_wait3A_113 = arith.constant 0 : i32
          %dma_wait3A_114 = arith.constant 0 : i32
          %dma_wait3A_115 = tpu.memref_slice %arg7[%dma_wait3A_112, %dma_wait3A_113, %dma_wait3A_114] : memref<2x16x80xi32, #tpu.memory_space<vmem>> -> memref<1x16x80xi32, #tpu.memory_space<vmem>>
          %dma_wait3A_116 = tpu.memref_squeeze %dma_wait3A_115 : memref<1x16x80xi32, #tpu.memory_space<vmem>> -> memref<16x80xi32, #tpu.memory_space<vmem>>
          %dma_wait3A_117 = arith.constant 0 : i32
          %dma_wait3A_118 = arith.constant 0 : i32
          %dma_wait3A_119 = tpu.memref_slice %arg3[%add3A, %add3A_111, %dma_wait3A_117, %dma_wait3A_118] : memref<32x8x16x80xi32, #tpu.memory_space<hbm>> -> memref<1x1x16x80xi32, #tpu.memory_space<hbm>>
          %dma_wait3A_120 = tpu.memref_squeeze %dma_wait3A_119 : memref<1x1x16x80xi32, #tpu.memory_space<hbm>> -> memref<16x80xi32, #tpu.memory_space<hbm>>
          %dma_wait3A_121 = arith.constant 0 : i32
          %dma_wait3A_122 = arith.constant 0 : i32
          %dma_wait3A_123 = tpu.memref_slice %arg7[%dma_wait3A_112, %dma_wait3A_121, %dma_wait3A_122] : memref<2x16x80xi32, #tpu.memory_space<vmem>> -> memref<1x16x80xi32, #tpu.memory_space<vmem>>
          %dma_wait3A_124 = tpu.memref_squeeze %dma_wait3A_123 : memref<1x16x80xi32, #tpu.memory_space<vmem>> -> memref<16x80xi32, #tpu.memory_space<vmem>>
          %dma_wait3A_125 = arith.constant 0 : i32
          %dma_wait3A_126 = arith.constant 0 : i32
          %dma_wait3A_127 = tpu.memref_slice %arg3[%add3A, %add3A_111, %dma_wait3A_125, %dma_wait3A_126] : memref<32x8x16x80xi32, #tpu.memory_space<hbm>> -> memref<1x1x16x80xi32, #tpu.memory_space<hbm>>
          %dma_wait3A_128 = tpu.memref_squeeze %dma_wait3A_127 : memref<1x1x16x80xi32, #tpu.memory_space<hbm>> -> memref<16x80xi32, #tpu.memory_space<hbm>>
          tpu.wait_dma2 semaphore(%arg19 : memref<!tpu.dma_semaphore, #tpu.memory_space<semaphore_mem>>) src(%dma_wait3A_128 : memref<16x80xi32, #tpu.memory_space<hbm>>) dst(%dma_wait3A_124 : memref<16x80xi32, #tpu.memory_space<vmem>>)
          %dma_wait3A_129 = arith.constant 0 : i32
          %dma_wait3A_130 = arith.constant 0 : i32
          %dma_wait3A_131 = arith.constant 0 : i32
          %dma_wait3A_132 = tpu.memref_slice %arg8[%dma_wait3A_129, %dma_wait3A_130, %dma_wait3A_131] : memref<2x16x80xi32, #tpu.memory_space<vmem>> -> memref<1x16x80xi32, #tpu.memory_space<vmem>>
          %dma_wait3A_133 = tpu.memref_squeeze %dma_wait3A_132 : memref<1x16x80xi32, #tpu.memory_space<vmem>> -> memref<16x80xi32, #tpu.memory_space<vmem>>
          %dma_wait3A_134 = arith.constant 0 : i32
          %dma_wait3A_135 = arith.constant 0 : i32
          %dma_wait3A_136 = tpu.memref_slice %arg4[%add3A, %add3A_111, %dma_wait3A_134, %dma_wait3A_135] : memref<32x8x16x80xi32, #tpu.memory_space<hbm>> -> memref<1x1x16x80xi32, #tpu.memory_space<hbm>>
          %dma_wait3A_137 = tpu.memref_squeeze %dma_wait3A_136 : memref<1x1x16x80xi32, #tpu.memory_space<hbm>> -> memref<16x80xi32, #tpu.memory_space<hbm>>
          %dma_wait3A_138 = arith.constant 0 : i32
          %dma_wait3A_139 = arith.constant 0 : i32
          %dma_wait3A_140 = tpu.memref_slice %arg8[%dma_wait3A_129, %dma_wait3A_138, %dma_wait3A_139] : memref<2x16x80xi32, #tpu.memory_space<vmem>> -> memref<1x16x80xi32, #tpu.memory_space<vmem>>
          %dma_wait3A_141 = tpu.memref_squeeze %dma_wait3A_140 : memref<1x16x80xi32, #tpu.memory_space<vmem>> -> memref<16x80xi32, #tpu.memory_space<vmem>>
          %dma_wait3A_142 = arith.constant 0 : i32
          %dma_wait3A_143 = arith.constant 0 : i32
          %dma_wait3A_144 = tpu.memref_slice %arg4[%add3A, %add3A_111, %dma_wait3A_142, %dma_wait3A_143] : memref<32x8x16x80xi32, #tpu.memory_space<hbm>> -> memref<1x1x16x80xi32, #tpu.memory_space<hbm>>
          %dma_wait3A_145 = tpu.memref_squeeze %dma_wait3A_144 : memref<1x1x16x80xi32, #tpu.memory_space<hbm>> -> memref<16x80xi32, #tpu.memory_space<hbm>>
          tpu.wait_dma2 semaphore(%arg19 : memref<!tpu.dma_semaphore, #tpu.memory_space<semaphore_mem>>) src(%dma_wait3A_145 : memref<16x80xi32, #tpu.memory_space<hbm>>) dst(%dma_wait3A_141 : memref<16x80xi32, #tpu.memory_space<vmem>>)
        } else {
        }
      } else {
      }
    }
    %scan3A_12 = arith.constant 8 : i32
    %barrier3A_13 = arith.constant 0 : index
    tpu.barrier barrier_id(%barrier3A_13)
    %mul3A_14 = arith.constant 632 : i32
    %mul3A_15 = arith.muli %arg1, %mul3A_14 : i32
    "tpu.region"() ({
      %run_scoped3A_16 = tpu.sem_alloc : memref<!tpu.dma_semaphore, #tpu.memory_space<semaphore_mem>>
      %dma_start3A = arith.constant 0 : i32
      %dma_start3A_17 = tpu.memref_slice %arg6[%arg0, %mul3A_15, %dma_start3A] : memref<2x10112x128xf32, #tpu.memory_space<hbm>> -> memref<1x632x128xf32, #tpu.memory_space<hbm>>
      %dma_start3A_18 = tpu.memref_squeeze %dma_start3A_17 : memref<1x632x128xf32, #tpu.memory_space<hbm>> -> memref<632x128xf32, #tpu.memory_space<hbm>>
      %dma_start3A_19 = arith.constant 0 : i32
      %dma_start3A_20 = tpu.memref_slice %arg10[%mul3A_15, %dma_start3A_19] : memref<10112x128xf32, #tpu.memory_space<vmem_shared>> -> memref<632x128xf32, #tpu.memory_space<vmem_shared>>
      tpu.enqueue_dma source(%dma_start3A_20 : memref<632x128xf32, #tpu.memory_space<vmem_shared>>) target(%dma_start3A_18 : memref<632x128xf32, #tpu.memory_space<hbm>>) target_semaphore(%run_scoped3A_16 : memref<!tpu.dma_semaphore, #tpu.memory_space<semaphore_mem>>)
      %dma_wait3A = arith.constant 0 : i32
      %dma_wait3A_21 = tpu.memref_slice %arg6[%arg0, %mul3A_15, %dma_wait3A] : memref<2x10112x128xf32, #tpu.memory_space<hbm>> -> memref<1x632x128xf32, #tpu.memory_space<hbm>>
      %dma_wait3A_22 = tpu.memref_squeeze %dma_wait3A_21 : memref<1x632x128xf32, #tpu.memory_space<hbm>> -> memref<632x128xf32, #tpu.memory_space<hbm>>
      %dma_wait3A_23 = arith.constant 0 : i32
      %dma_wait3A_24 = tpu.memref_slice %arg10[%mul3A_15, %dma_wait3A_23] : memref<10112x128xf32, #tpu.memory_space<vmem_shared>> -> memref<632x128xf32, #tpu.memory_space<vmem_shared>>
      tpu.wait_dma2 semaphore(%run_scoped3A_16 : memref<!tpu.dma_semaphore, #tpu.memory_space<semaphore_mem>>) src(%dma_wait3A_24 : memref<632x128xf32, #tpu.memory_space<vmem_shared>>) dst(%dma_wait3A_22 : memref<632x128xf32, #tpu.memory_space<hbm>>)
      tpu.yield
    }) : () -> ()
    return
  }
}

module attributes {stable_mosaic.version = 14 : i64} {
  func.func @_mm_body(%arg0: i32, %arg1: memref<1000x128xf32, #tpu.memory_space<vmem>>, %arg2: memref<128x128xf32, #tpu.memory_space<vmem>>, %arg3: memref<1000x128xf32, #tpu.memory_space<vmem>>) attributes {dimension_semantics = [#tpu.dimension_semantics<arbitrary>], iteration_bounds = array<i64: 10>, scalar_prefetch = 0 : i64, scratch_operands = 0 : i64, tpu.core_type = #tpu.core_type<tc>, window_params = [{transform_indices = @transform_0, window_bounds = array<i64: 1000, 128>}, {pipeline_mode = #tpu.pipeline_mode<synchronous>, transform_indices = @transform_1, window_bounds = array<i64: 128, 128>}, {transform_indices = @transform_2, window_bounds = array<i64: 1000, 128>}]} {
    %get3A = arith.constant 0 : index
    %get3A_0 = arith.constant 0 : index
    %get3A_1 = vector.load %arg1[%get3A, %get3A_0] : memref<1000x128xf32, #tpu.memory_space<vmem>>, vector<1000x128xf32>
    %get3A_2 = arith.constant 0 : index
    %get3A_3 = arith.constant 0 : index
    %get3A_4 = vector.load %arg2[%get3A_2, %get3A_3] : memref<128x128xf32, #tpu.memory_space<vmem>>, vector<128x128xf32>
    %dot_general3A = arith.constant dense<0.000000e+00> : vector<1000x128xf32>
    %dot_general3A_5 = tpu.matmul %get3A_1, %get3A_4, %dot_general3A {dimension_numbers = #tpu.dot_dimension_numbers<[1], [0], [0], [1], [0, 0, 1, 1], [], []>, transpose_lhs_hint = false} : vector<1000x128xf32>, vector<128x128xf32>, vector<1000x128xf32> -> vector<1000x128xf32>
    %swap3A = arith.constant 0 : index
    %swap3A_6 = arith.constant 0 : index
    %swap3A_7 = vector.load %arg3[%swap3A, %swap3A_6] : memref<1000x128xf32, #tpu.memory_space<vmem>>, vector<1000x128xf32>
    tpu.vector_store %arg3[%swap3A, %swap3A_6], %dot_general3A_5 {strides = array<i32>} : memref<1000x128xf32, #tpu.memory_space<vmem>>, vector<1000x128xf32>,
    return
  }
  func.func @transform_0(%arg0: i32) -> (i32, i32) {
    %c0_i32 = arith.constant 0 : i32
    %c0_i32_0 = arith.constant 0 : i32
    return %arg0, %c0_i32 : i32, i32
  }
  func.func @transform_1(%arg0: i32) -> (i32, i32) {
    %c0_i32 = arith.constant 0 : i32
    %c0_i32_0 = arith.constant 0 : i32
    %c0_i32_1 = arith.constant 0 : i32
    return %c0_i32, %c0_i32_0 : i32, i32
  }
  func.func @transform_2(%arg0: i32) -> (i32, i32) {
    %c0_i32 = arith.constant 0 : i32
    %c0_i32_0 = arith.constant 0 : i32
    return %arg0, %c0_i32 : i32, i32
  }
}

module attributes {stable_mosaic.version = 14 : i64} {
  func.func @_fused_body(%arg0: i32, %arg1: memref<1000x128xf32, #tpu.memory_space<vmem>>, %arg2: memref<1x1000x128xf32, #tpu.memory_space<vmem>>, %arg3: memref<1x1000x128xf32, #tpu.memory_space<vmem>>, %arg4: memref<1000x1xf32, #tpu.memory_space<vmem>>, %arg5: memref<1000x1xf32, #tpu.memory_space<vmem>>, %arg6: memref<1x128xf32, #tpu.memory_space<vmem>>, %arg7: memref<128x128xf32, #tpu.memory_space<vmem>>, %arg8: memref<1000x128xf32, #tpu.memory_space<vmem>>) attributes {dimension_semantics = [#tpu.dimension_semantics<arbitrary>], iteration_bounds = array<i64: 10>, scalar_prefetch = 0 : i64, scratch_operands = 0 : i64, tpu.core_type = #tpu.core_type<tc>, window_params = [{transform_indices = @transform_0, window_bounds = array<i64: 1000, 128>}, {transform_indices = @transform_1, window_bounds = array<i64: 1, 1000, 128>}, {transform_indices = @transform_2, window_bounds = array<i64: 1, 1000, 128>}, {transform_indices = @transform_3, window_bounds = array<i64: 1000, 1>}, {transform_indices = @transform_4, window_bounds = array<i64: 1000, 1>}, {pipeline_mode = #tpu.pipeline_mode<synchronous>, transform_indices = @transform_5, window_bounds = array<i64: 1, 128>}, {pipeline_mode = #tpu.pipeline_mode<synchronous>, transform_indices = @transform_6, window_bounds = array<i64: 128, 128>}, {transform_indices = @transform_7, window_bounds = array<i64: 1000, 128>}]} {
    %get3A = arith.constant 0 : index
    %get3A_0 = arith.constant 0 : index
    %get3A_1 = vector.load %arg4[%get3A, %get3A_0] : memref<1000x1xf32, #tpu.memory_space<vmem>>, vector<1000x1xf32>
    %get3A_2 = arith.constant 0 : index
    %get3A_3 = arith.constant 0 : index
    %get3A_4 = vector.load %arg5[%get3A_2, %get3A_3] : memref<1000x1xf32, #tpu.memory_space<vmem>>, vector<1000x1xf32>
    %add3A = arith.addf %get3A_1, %get3A_4 : vector<1000x1xf32>
    %max3A = arith.constant 1.000000e+00 : f32
    %max3A_5 = vector.broadcast %max3A : f32 to vector<1000x1xf32>
    %max3A_6 = arith.maximumf %add3A, %max3A_5 : vector<1000x1xf32>
    %div3A = arith.constant 1.000000e+00 : f32
    %div3A_7 = vector.broadcast %div3A : f32 to vector<1000x1xf32>
    %div3A_8 = arith.divf %div3A_7, %max3A_6 : vector<1000x1xf32>
    %get3A_9 = arith.constant 0 : index
    %get3A_10 = arith.constant 0 : index
    %get3A_11 = vector.load %arg1[%get3A_9, %get3A_10] : memref<1000x128xf32, #tpu.memory_space<vmem>>, vector<1000x128xf32>
    %get3A_12 = arith.constant 0 : index
    %get3A_13 = arith.constant 0 : index
    %get3A_14 = vector.load %arg6[%get3A_12, %get3A_13] : memref<1x128xf32, #tpu.memory_space<vmem>>, vector<1x128xf32>
    %add3A_15 = vector.broadcast %get3A_14 : vector<1x128xf32> to vector<1000x128xf32>
    %add3A_16 = arith.addf %get3A_11, %add3A_15 : vector<1000x128xf32>
    %get3A_17 = arith.constant 0 : index
    %get3A_18 = arith.constant 0 : index
    %get3A_19 = arith.constant 0 : index
    %get3A_20 = vector.load %arg2[%get3A_17, %get3A_18, %get3A_19] : memref<1x1000x128xf32, #tpu.memory_space<vmem>>, vector<1x1000x128xf32>
    %get3A_21 = vector.shape_cast %get3A_20 : vector<1x1000x128xf32> to vector<1000x128xf32>
    %get3A_22 = arith.constant 0 : index
    %get3A_23 = arith.constant 0 : index
    %get3A_24 = arith.constant 0 : index
    %get3A_25 = vector.load %arg3[%get3A_22, %get3A_23, %get3A_24] : memref<1x1000x128xf32, #tpu.memory_space<vmem>>, vector<1x1000x128xf32>
    %get3A_26 = vector.shape_cast %get3A_25 : vector<1x1000x128xf32> to vector<1000x128xf32>
    %add3A_27 = arith.addf %get3A_21, %get3A_26 : vector<1000x128xf32>
    %mul3A = vector.broadcast %div3A_8 : vector<1000x1xf32> to vector<1000x128xf32>
    %mul3A_28 = arith.mulf %add3A_27, %mul3A : vector<1000x128xf32>
    %add3A_29 = arith.addf %add3A_16, %mul3A_28 : vector<1000x128xf32>
    %max3A_30 = arith.constant 0.000000e+00 : f32
    %max3A_31 = vector.broadcast %max3A_30 : f32 to vector<1000x128xf32>
    %max3A_32 = arith.maximumf %add3A_29, %max3A_31 : vector<1000x128xf32>
    %get3A_33 = arith.constant 0 : index
    %get3A_34 = arith.constant 0 : index
    %get3A_35 = vector.load %arg7[%get3A_33, %get3A_34] : memref<128x128xf32, #tpu.memory_space<vmem>>, vector<128x128xf32>
    %dot_general3A = arith.constant dense<0.000000e+00> : vector<1000x128xf32>
    %dot_general3A_36 = tpu.matmul %max3A_32, %get3A_35, %dot_general3A {dimension_numbers = #tpu.dot_dimension_numbers<[1], [0], [0], [1], [0, 0, 1, 1], [], []>, transpose_lhs_hint = false} : vector<1000x128xf32>, vector<128x128xf32>, vector<1000x128xf32> -> vector<1000x128xf32>
    %swap3A = arith.constant 0 : index
    %swap3A_37 = arith.constant 0 : index
    %swap3A_38 = vector.load %arg8[%swap3A, %swap3A_37] : memref<1000x128xf32, #tpu.memory_space<vmem>>, vector<1000x128xf32>
    tpu.vector_store %arg8[%swap3A, %swap3A_37], %dot_general3A_36 {strides = array<i32>} : memref<1000x128xf32, #tpu.memory_space<vmem>>, vector<1000x128xf32>,
    return
  }
  func.func @transform_0(%arg0: i32) -> (i32, i32) {
    %c0_i32 = arith.constant 0 : i32
    %c0_i32_0 = arith.constant 0 : i32
    return %arg0, %c0_i32 : i32, i32
  }
  func.func @transform_1(%arg0: i32) -> (i32, i32, i32) {
    %c0_i32 = arith.constant 0 : i32
    %c0_i32_0 = arith.constant 0 : i32
    %c0_i32_1 = arith.constant 0 : i32
    return %c0_i32, %arg0, %c0_i32_0 : i32, i32, i32
  }
  func.func @transform_2(%arg0: i32) -> (i32, i32, i32) {
    %c1_i32 = arith.constant 1 : i32
    %c0_i32 = arith.constant 0 : i32
    %c0_i32_0 = arith.constant 0 : i32
    return %c1_i32, %arg0, %c0_i32 : i32, i32, i32
  }
  func.func @transform_3(%arg0: i32) -> (i32, i32) {
    %c0_i32 = arith.constant 0 : i32
    %c0_i32_0 = arith.constant 0 : i32
    return %arg0, %c0_i32 : i32, i32
  }
  func.func @transform_4(%arg0: i32) -> (i32, i32) {
    %c0_i32 = arith.constant 0 : i32
    %c0_i32_0 = arith.constant 0 : i32
    return %arg0, %c0_i32 : i32, i32
  }
  func.func @transform_5(%arg0: i32) -> (i32, i32) {
    %c0_i32 = arith.constant 0 : i32
    %c0_i32_0 = arith.constant 0 : i32
    %c0_i32_1 = arith.constant 0 : i32
    return %c0_i32, %c0_i32_0 : i32, i32
  }
  func.func @transform_6(%arg0: i32) -> (i32, i32) {
    %c0_i32 = arith.constant 0 : i32
    %c0_i32_0 = arith.constant 0 : i32
    %c0_i32_1 = arith.constant 0 : i32
    return %c0_i32, %c0_i32_0 : i32, i32
  }
  func.func @transform_7(%arg0: i32) -> (i32, i32) {
    %c0_i32 = arith.constant 0 : i32
    %c0_i32_0 = arith.constant 0 : i32
    return %arg0, %c0_i32 : i32, i32
  }
}

module attributes {stable_mosaic.version = 14 : i64} {
  func.func @_final_body(%arg0: i32, %arg1: memref<1000x128xf32, #tpu.memory_space<vmem>>, %arg2: memref<1x1000x128xf32, #tpu.memory_space<vmem>>, %arg3: memref<1x1000x128xf32, #tpu.memory_space<vmem>>, %arg4: memref<1000x1xf32, #tpu.memory_space<vmem>>, %arg5: memref<1000x1xf32, #tpu.memory_space<vmem>>, %arg6: memref<1x128xf32, #tpu.memory_space<vmem>>, %arg7: memref<1000x128xf32, #tpu.memory_space<vmem>>) attributes {dimension_semantics = [#tpu.dimension_semantics<arbitrary>], iteration_bounds = array<i64: 10>, scalar_prefetch = 0 : i64, scratch_operands = 0 : i64, tpu.core_type = #tpu.core_type<tc>, window_params = [{transform_indices = @transform_0, window_bounds = array<i64: 1000, 128>}, {transform_indices = @transform_1, window_bounds = array<i64: 1, 1000, 128>}, {transform_indices = @transform_2, window_bounds = array<i64: 1, 1000, 128>}, {transform_indices = @transform_3, window_bounds = array<i64: 1000, 1>}, {transform_indices = @transform_4, window_bounds = array<i64: 1000, 1>}, {pipeline_mode = #tpu.pipeline_mode<synchronous>, transform_indices = @transform_5, window_bounds = array<i64: 1, 128>}, {transform_indices = @transform_6, window_bounds = array<i64: 1000, 128>}]} {
    %get3A = arith.constant 0 : index
    %get3A_0 = arith.constant 0 : index
    %get3A_1 = vector.load %arg4[%get3A, %get3A_0] : memref<1000x1xf32, #tpu.memory_space<vmem>>, vector<1000x1xf32>
    %get3A_2 = arith.constant 0 : index
    %get3A_3 = arith.constant 0 : index
    %get3A_4 = vector.load %arg5[%get3A_2, %get3A_3] : memref<1000x1xf32, #tpu.memory_space<vmem>>, vector<1000x1xf32>
    %add3A = arith.addf %get3A_1, %get3A_4 : vector<1000x1xf32>
    %max3A = arith.constant 1.000000e+00 : f32
    %max3A_5 = vector.broadcast %max3A : f32 to vector<1000x1xf32>
    %max3A_6 = arith.maximumf %add3A, %max3A_5 : vector<1000x1xf32>
    %div3A = arith.constant 1.000000e+00 : f32
    %div3A_7 = vector.broadcast %div3A : f32 to vector<1000x1xf32>
    %div3A_8 = arith.divf %div3A_7, %max3A_6 : vector<1000x1xf32>
    %get3A_9 = arith.constant 0 : index
    %get3A_10 = arith.constant 0 : index
    %get3A_11 = vector.load %arg1[%get3A_9, %get3A_10] : memref<1000x128xf32, #tpu.memory_space<vmem>>, vector<1000x128xf32>
    %get3A_12 = arith.constant 0 : index
    %get3A_13 = arith.constant 0 : index
    %get3A_14 = vector.load %arg6[%get3A_12, %get3A_13] : memref<1x128xf32, #tpu.memory_space<vmem>>, vector<1x128xf32>
    %add3A_15 = vector.broadcast %get3A_14 : vector<1x128xf32> to vector<1000x128xf32>
    %add3A_16 = arith.addf %get3A_11, %add3A_15 : vector<1000x128xf32>
    %get3A_17 = arith.constant 0 : index
    %get3A_18 = arith.constant 0 : index
    %get3A_19 = arith.constant 0 : index
    %get3A_20 = vector.load %arg2[%get3A_17, %get3A_18, %get3A_19] : memref<1x1000x128xf32, #tpu.memory_space<vmem>>, vector<1x1000x128xf32>
    %get3A_21 = vector.shape_cast %get3A_20 : vector<1x1000x128xf32> to vector<1000x128xf32>
    %get3A_22 = arith.constant 0 : index
    %get3A_23 = arith.constant 0 : index
    %get3A_24 = arith.constant 0 : index
    %get3A_25 = vector.load %arg3[%get3A_22, %get3A_23, %get3A_24] : memref<1x1000x128xf32, #tpu.memory_space<vmem>>, vector<1x1000x128xf32>
    %get3A_26 = vector.shape_cast %get3A_25 : vector<1x1000x128xf32> to vector<1000x128xf32>
    %add3A_27 = arith.addf %get3A_21, %get3A_26 : vector<1000x128xf32>
    %mul3A = vector.broadcast %div3A_8 : vector<1000x1xf32> to vector<1000x128xf32>
    %mul3A_28 = arith.mulf %add3A_27, %mul3A : vector<1000x128xf32>
    %add3A_29 = arith.addf %add3A_16, %mul3A_28 : vector<1000x128xf32>
    %swap3A = arith.constant 0 : index
    %swap3A_30 = arith.constant 0 : index
    %swap3A_31 = vector.load %arg7[%swap3A, %swap3A_30] : memref<1000x128xf32, #tpu.memory_space<vmem>>, vector<1000x128xf32>
    tpu.vector_store %arg7[%swap3A, %swap3A_30], %add3A_29 {strides = array<i32>} : memref<1000x128xf32, #tpu.memory_space<vmem>>, vector<1000x128xf32>,
    return
  }
  func.func @transform_0(%arg0: i32) -> (i32, i32) {
    %c0_i32 = arith.constant 0 : i32
    %c0_i32_0 = arith.constant 0 : i32
    return %arg0, %c0_i32 : i32, i32
  }
  func.func @transform_1(%arg0: i32) -> (i32, i32, i32) {
    %c0_i32 = arith.constant 0 : i32
    %c0_i32_0 = arith.constant 0 : i32
    %c0_i32_1 = arith.constant 0 : i32
    return %c0_i32, %arg0, %c0_i32_0 : i32, i32, i32
  }
  func.func @transform_2(%arg0: i32) -> (i32, i32, i32) {
    %c1_i32 = arith.constant 1 : i32
    %c0_i32 = arith.constant 0 : i32
    %c0_i32_0 = arith.constant 0 : i32
    return %c1_i32, %arg0, %c0_i32 : i32, i32, i32
  }
  func.func @transform_3(%arg0: i32) -> (i32, i32) {
    %c0_i32 = arith.constant 0 : i32
    %c0_i32_0 = arith.constant 0 : i32
    return %arg0, %c0_i32 : i32, i32
  }
  func.func @transform_4(%arg0: i32) -> (i32, i32) {
    %c0_i32 = arith.constant 0 : i32
    %c0_i32_0 = arith.constant 0 : i32
    return %arg0, %c0_i32 : i32, i32
  }
  func.func @transform_5(%arg0: i32) -> (i32, i32) {
    %c0_i32 = arith.constant 0 : i32
    %c0_i32_0 = arith.constant 0 : i32
    %c0_i32_1 = arith.constant 0 : i32
    return %c0_i32, %c0_i32_0 : i32, i32
  }
  func.func @transform_6(%arg0: i32) -> (i32, i32) {
    %c0_i32 = arith.constant 0 : i32
    %c0_i32_0 = arith.constant 0 : i32
    return %arg0, %c0_i32 : i32, i32
  }
}

</mosaic_0001>

<sc_bundles>
// kernel: kernel.12.cloned.1.call-start
scs
__scs_entry_jumppad:
0x0: {  	(pc) =	sbr.rel $0x88, $3  }
0x1: {  	(tag) =	ssettag $0x0;
	lr =	simm.s32 $0x1  }
0x2: {  	[smem:$0x3F99] =	sst lr;
	_ =	strace $0xD0000000  }
0x3: {  	_ = 	snop  }
0x4: {  	_ = 	snop  }
0x5: {  	_ = 	snop  }
0x6: {  	_ = 	snop  }
0x7: {  	_ = 	snop  }
__scs_overlays_trampoline_lowered:
0x8: {  	[smem:$0x3FA8] =	sst s0  }
0x9: {  	[smem:$0x3FA9] =	sst s1  }
0xa: {  	[smem:$0x3FAA] =	sst s2  }
0xb: {  	[smem:$0x3FAB] =	sst s3  }
0xc: {  	[smem:$0x3FAC] =	sst s4  }
0xd: {  	[smem:$0x3FAD] =	sst s5  }
0xe: {  	[smem:$0x3FAE] =	sst s6  }
0xf: {  	[smem:$0x3FAF] =	sst s7  }
0x10: {  	[smem:$0x3FB0] =	sst s8  }
0x11: {  	[smem:$0x3FB1] =	sst s9;
	s0 =	simm.s32 @!p0 $0x0  }
0x12: {  	s1 =	sld [smem:$0x3F97];
	s0 =	simm.s32 @p0 $0x1  }
0x13: {  	[smem:$0x3FB2] =	sst s0;
	s0 =	simm.s32 @!p1 $0x0  }
0x14: {  	s2 =	sld [smem:$0x3F96];
	s0 =	simm.s32 @p1 $0x1  }
0x15: {  	[smem:$0x3FB3] =	sst s0;
	s0 =	simm.s32 @!p2 $0x0  }
0x16: {  	s3 =	sld [smem:$0x3FDB];
	s0 =	simm.s32 @p2 $0x1  }
0x17: {  	s4 =	simm.s32 $0x1BF5;
	[smem:$0x3FB5] =	sst s0  }
0x18: {  	s0 =	sld [smem:$0x3F98];
	_ =	swait.ge [sflag:s4], $0x0  }
0x19: {  	s7 =	sld [smem:$0x3F99]  }
0x1a: {  	s8 =	sadd.s32 $0xFFFFE003, lr  }
0x1b: {  	s9 =	sadd.s32 $0xFFFFFEF7, lr;
	s5 =	simm.s32 $0xFFFFFFFF;
	p2 =	slt.u32 s8, $0xFFFFF086  }
0x1c: {  	p1 =	slt.u32 s9, $0xF7A;
	s5 =	simm.s32 @!p2 $0x0  }
0x1d: {  	s5 =	simm.s32 @p1 $0x1;
	p0 =	seq.s32 s7, s2  }
0x1e: {  	s7 =	smul.u32 @!p0 $0xF7A, s2;
	p2 =	seq.s32 @!p0 s5, $0x0  }
0x1f: {  	s9 =	smul.u32 $0xF7A, s1;
	s8 =	simm.s32 @!p0 $0x1BF5;
	p2 =	por !p2, p0  }
0x20: {  	[sflag:s8] =	ssyncset.s32 @!p0 $0xFFFFF086;
	s6 =	sadd.s32 @!p0 s3, s7;
	s7 =	simm.s32 @!p0 $0x108  }
0x21: {  	s3 =	sadd.s32 s3, s9;
	s6 =	sadd.s32 @!p0 $0x88, s6;
	s7 =	simm.s32 @p2 $0x1082  }
0x22: {  	[simem:s7], [sflag:s8] =	dma.local @!p0 [hbm:s6], $0xF7A  }
0x23: {  	s9 =	sor.u32 $0xD0000000, s2;
	s6 =	simm.s32 $0x108;
	_ =	swait.ge @!p0 [sflag:s8], $0x0  }
0x24: {  	s3 =	sadd.s32 $0x88, s3;
	s6 =	simm.s32 @!p1 $0x1082;
	[sflag:s4] =	ssyncset.s32 $0xFFFFF086  }
0x25: {  	[simem:s6], [sflag:s4] =	dma.local [hbm:s3], $0xF7A  }
0x26: {  	[smem:$0x3F99] =	sst s1;
	(tag) =	ssettag s2;
	_ =	strace s9  }
0x27: {  	s1 =	sld [smem:$0x3FA9]  }
0x28: {  	s2 =	sld [smem:$0x3FAA]  }
0x29: {  	s4 =	sld [smem:$0x3FAC]  }
0x2a: {  	p0 =	seq.s32 s5, $0x0;
	s5 =	sld [smem:$0x3FAD]  }
0x2b: {  	s6 =	sld [smem:$0x3FAE]  }
0x2c: {  	s7 =	sld [smem:$0x3FAF]  }
0x2d: {  	s3 =	simm.s32 $0x108;
	s8 =	sld [smem:$0x3FB0]  }
0x2e: {  	s3 =	simm.s32 @!p0 $0x1082;
	s9 =	sld [smem:$0x3FB1]  }
0x2f: {  	lr =	sadd.s32 s0, s3;
	s0 =	sld [smem:$0x3FA8]  }
0x30: {  	s3 =	sld [smem:$0x3FAB]  }
0x31: {  	[smem:$0x3FB4] =	sst s10  }
0x32: {  	s10 =	sld [smem:$0x3FB2];
	_ =	sdelay $0x3  }
0x33: {  	p0 =	seq.s32 s10, $0x1;
	s10 =	sld [smem:$0x3FB4];
	_ =	sdelay $0x3  }
0x34: {  	[smem:$0x3FB4] =	sst s10  }
0x35: {  	s10 =	sld [smem:$0x3FB3];
	_ =	sdelay $0x3  }
0x36: {  	p1 =	seq.s32 s10, $0x1;
	s10 =	sld [smem:$0x3FB4];
	_ =	sdelay $0x3  }
0x37: {  	[smem:$0x3FB4] =	sst s10  }
0x38: {  	s10 =	sld [smem:$0x3FB5]  }
0x39: {  	_ = 	snop;
	(pc) =	sbr.ind lr, $3  }
0x3a: {  	_ = 	snop  }
0x3b: {  	_ = 	snop  }
0x3c: {  	p2 =	seq.s32 s10, $0x1;
	s10 =	sld [smem:$0x3FB4]  }
0x3d: {  	_ =	shalt  }
0x3e: {  	_ =	shalt  }
0x3f: {  	_ =	shalt  }
0x40: {  	_ =	shalt  }
0x41: {  	_ =	shalt  }
0x42: {  	_ =	shalt  }
0x43: {  	_ =	shalt  }
0x44: {  	_ =	shalt  }
0x45: {  	_ =	shalt  }
0x46: {  	_ =	shalt  }
0x47: {  	_ =	shalt  }
0x48: {  	_ =	shalt  }
0x49: {  	_ =	shalt  }
0x4a: {  	_ =	shalt  }
0x4b: {  	_ =	shalt  }
0x4c: {  	_ =	shalt  }
0x4d: {  	_ =	shalt  }
0x4e: {  	_ =	shalt  }
0x4f: {  	_ =	shalt  }
0x50: {  	_ =	shalt  }
0x51: {  	_ =	shalt  }
0x52: {  	_ =	shalt  }
0x53: {  	_ =	shalt  }
0x54: {  	_ =	shalt  }
0x55: {  	_ =	shalt  }
0x56: {  	_ =	shalt  }
0x57: {  	_ =	shalt  }
0x58: {  	_ =	shalt  }
0x59: {  	_ =	shalt  }
0x5a: {  	_ =	shalt  }
0x5b: {  	_ =	shalt  }
0x5c: {  	_ =	shalt  }
0x5d: {  	_ =	shalt  }
0x5e: {  	_ =	shalt  }
0x5f: {  	_ =	shalt  }
0x60: {  	_ =	shalt  }
0x61: {  	_ =	shalt  }
0x62: {  	_ =	shalt  }
0x63: {  	_ =	shalt  }
0x64: {  	_ =	shalt  }
0x65: {  	_ =	shalt  }
0x66: {  	_ =	shalt  }
0x67: {  	_ =	shalt  }
0x68: {  	_ =	shalt  }
0x69: {  	_ =	shalt  }
0x6a: {  	_ =	shalt  }
0x6b: {  	_ =	shalt  }
0x6c: {  	_ =	shalt  }
0x6d: {  	_ =	shalt  }
0x6e: {  	_ =	shalt  }
0x6f: {  	_ =	shalt  }
0x70: {  	_ =	shalt  }
0x71: {  	_ =	shalt  }
0x72: {  	_ =	shalt  }
0x73: {  	_ =	shalt  }
0x74: {  	_ =	shalt  }
0x75: {  	_ =	shalt  }
0x76: {  	_ =	shalt  }
0x77: {  	_ =	shalt  }
0x78: {  	_ =	shalt  }
0x79: {  	_ =	shalt  }
0x7a: {  	_ =	shalt  }
0x7b: {  	_ =	shalt  }
0x7c: {  	_ =	shalt  }
0x7d: {  	_ =	shalt  }
0x7e: {  	_ =	shalt  }
0x7f: {  	_ =	shalt  }
0x80: {  	_ =	shalt  }
0x81: {  	_ =	shalt  }
0x82: {  	_ =	shalt  }
0x83: {  	_ =	shalt  }
0x84: {  	_ =	shalt  }
0x85: {  	_ =	shalt  }
0x86: {  	_ =	shalt  }
0x87: {  	_ =	shalt  }
.Lfunc_end0:
.L_simem_size_0:
called_computation.1_lowered:
.L_overlay_start_0:
0x88: {  	s2 =	sld [smem:$0x3FD9]  }
0x89: {  	s3 =	sld [smem:$0x3FFE];
	_ =	sdelay $0x1  }
0x8a: {  	s1 =	srdreg.scid  }
0x8b: {  	s0 =	sand.u32 $0x1, s1  }
0x8c: {  	s17 =	sshll.u32 s0, $0xA;
	s2 =	sadd.s32 s3, s2  }
0x8d: {  	s2 =	sadd.s32 s2, s17  }
0x8e: {  	[smem:$0x3FC0] =	sst s2  }
0x8f: {  	_ = 	snop  }
0x90: {  	s2 =	sld [smem:$0x3FD0];
	(tm) =	ssettm $0x1  }
0x91: {  	s18 =	sld [smem:$0x3FFB];
	_ =	sdelay $0x3  }
0x92: {  	_ =	strace s18  }
0x93: {  	s3 =	sld [smem:$0x3FFC];
	_ =	sdelay $0x3  }
0x94: {  	_ =	strace s3  }
0x95: {  	s3 =	sld [smem:$0x3FFD];
	_ =	sdelay $0x3  }
0x96: {  	_ =	strace s3  }
0x97: {  	_ =	strace $0x8FFFFFFF  }
0x98: {  	s19 =	sld [smem:$0x3FDB];
	_ =	sdelay $0x1  }
0x99: {  	s4 =	simm.s32 $_scs_section_size  }
0x9a: {  	s5 =	simm.s32 $_size__tile_overlayer_lowered;
	s6 =	simm.s32 $_tile_overlayer_lowered  }
0x9b: {  	s22 =	simm.s32 $0x1BFF;
	s21 =	sshll.u32 s6, $0x1;
	s3 =	sadd.s32 s4, s19  }
0x9c: {  	s7 =	simm.s32 $0x0;
	s20 =	sshll.u32 s5, $0x1;
	s5 =	sadd.s32 s21, s3  }
0x9d: {  	[timem:s7], [sflag:s22] =	dma.local [hbm:s5], s20  }
0x9e: {  	_ =	swait.ge [sflag:s22], s20  }
0x9f: {  	s4 =	ssub.s32 $0x0, s20;
	[sflag:s22] =	ssyncset.done $0x0  }
0xa0: {  	[sflag:s22] =	ssyncadd.s32 s4;
	_ =	sdelay $0x1  }
0xa1: {  	s23 =	simm.s32 $0x1B8B  }
0xa2: {  	_ =	swait.ge [sflag:s23], $0x1  }
0xa3: {  	[sflag:s23] =	ssyncset.done $0x0  }
0xa4: {  	s25 =	simm.s32 $0x1B8E;
	s24 =	sld [smem:$0x3FFE];
	[sflag:s23] =	ssyncadd.s32 $0xFFFFFFFF  }
0xa5: {  	s26 =	simm.s32 $execute0_lowered;
	[smem:$0x3FD2] =	sst s25  }
0xa6: {  	s5 =	sshll.u32 s26, $0x1;
	_ =	strace $0x80000049;
	[dreg:$0x1] =	wrdreg $0xFFFFFFFF  }
0xa7: {  	s28 =	simm.s32 $_size_execute0_lowered;
	s3 =	sadd.s32 s3, s5;
	[dreg:$0x0] =	wrdreg $0x0  }
0xa8: {  	s5 =	sshll.u32 s28, $0x1;
	[dreg:$0x2] =	wrdreg s3  }
0xa9: {  	[dreg:$0x3] =	wrdreg s5  }
0xaa: {  	[dreg:$0x4] =	wrdreg $0xC0  }
0xab: {  	_ =	task [dreg:s7], $0x5FFFF  }
0xac: {  	[dreg:$0x1] =	wrdreg $0xFFFFFFFF  }
0xad: {  	[dreg:$0x0] =	wrdreg $0x60  }
0xae: {  	[dreg:$0x2] =	wrdreg s2  }
0xaf: {  	[dreg:$0x3] =	wrdreg s24  }
0xb0: {  	[dreg:$0x4] =	wrdreg $0xB4000  }
0xb1: {  	[dreg:$0x5] =	wrdreg $0x9  }
0xb2: {  	_ =	task.clear_ibuf [dreg:s7], $0x6FFFF;
	_ =	strace $0x90000049  }
0xb3: {  	s29 =	simm.s32 $0x9;
	_ =	strace $0x8000004B  }
0xb4: {  	_ =	swait.ge [sflag:s29], $0x1  }
0xb5: {  	[sflag:s29] =	ssyncadd.s32 $0xFFFFFFFF  }
0xb6: {  	_ =	strace $0x9000004B  }
0xb7: {  	_ =	sfence  }
0xb8: {  	s30 =	sld [smem:$0x0];
	_ =	sdelay $0x2  }
0xb9: {  	s31 =	sshll.u32 s1, $0xD;
	s1 =	sshrl.u32 s1, $0x2  }
0xba: {  	s3 =	sand.u32 $0x4000, s31;
	s1 =	sadd.s32 s1, s30  }
0xbb: {  	s0 =	sor.u32 s3, s0;
	s1 =	sshll.u32 s1, $0x11  }
0xbc: {  	s0 =	sor.u32 s1, s0  }
0xbd: {  	s0 =	sadd.s32 $0x8F2B, s0  }
0xbe: {  	[sflag:s0] =	ssyncadd.remote.s32 $0x1  }
0xbf: {  	_ =	sfence.sel $0xFFFF  }
0xc0: {  	[dreg:$0x0] =	wrdreg $0xFFFFFFFF;
	(pc) =	sbr.abs _section_cstart, $3  }
0xc1: {  	[dreg:$0x1] =	wrdreg $0xFFFFFFFF  }
0xc2: {  	_ =	task.clear_ibuf [dreg:s7], $0x2FFFF;
	_ =	strace $0x9FFFFFFF  }
0xc3: {  	(tm) =	ssettm $0x7FFFFFFF  }
tec
execute0_lowered:
.L_overlay_start_1:
0x0: {  	(tag) =	ssettag $0x1  }
0x1: {  	s1 =	rddreg [dreg:$0x0]  }
0x2: {  	s0 =	rddreg [dreg:$0x1]  }
0x3: {  	s3 =	rddreg [dreg:$0x2]  }
0x4: {  	s2 =	srdreg.scid;
	s4 =	simm.s32 $0x0;
	s13 =	stileid.u32  }
0x5: {  	s16 =	simm.s32 $0x50;
	s17 =	simm.s32 $0x500;
	s18 =	simm.s32 $0x1400  }
0x6: {  	s28 =	simm.s32 $0x2;
	s30 =	simm.s32 $0x5;
	s31 =	simm.s32 $0xD70  }
0x7: {  	s14 =	simm.s32 $0xEB0;
	s15 =	simm.s32 $0x0;
	s2 =	sand.u32 $0x1, s2  }
0x8: {  	[smem:$0x7FF] =	sst s4;
	s5 =	smul.u32 $0x13C00, s13;
	s8 =	sadd.s32 $0x3800, s0  }
0x9: {  	s9 =	sadd.s32 $0xD800, s0;
	s12 =	smul.u32 $0x2800, s13;
	s29 =	sshll.u32 s13, $0x6  }
0xa: {  	s6 =	sshll.u32 s2, $0x4;
	_ =	strace $0x8000004A;
	s7 =	smul.u32 $0x13C000, s2  }
0xb: {  	s11 =	smul.u32 $0x28000, s2;
	s2 =	ssub.s32 $0x2, s2;
	s6 =	sor.u32 s13, s6  }
0xc: {  	s10 =	sshrl.u32 s5, $0x3;
	s19 =	sshrl.u32 s2, $0x1;
	s13 =	simm.s32 $0xDC0  }
0xd: {  	s6 =	smul.u32 $0x2800, s6;
	s7 =	sadd.s32 s5, s7;
	s10 =	sadd.s32 s10, s0  }
0xe: {  	s2 =	ssub.s32 s2, s19;
	s20 =	sadd.s32 s12, s11;
	s5 =	sadd.s32 s5, s3  }
0xf: {  	s19 =	simm.s32 $0xB;
	s11 =	simm.s32 $0x8;
	s7 =	sshrl.u32 s7, $0x3  }
0x10: {  	s22 =	sor.u32 $0x500, s20;
	s23 =	sadd.s32 $0x18000, s10;
	s24 =	smax.u32 s2, $0x1  }
0x11: {  	s20 =	simm.s32 $0x3C00;
	s2 =	simm.s32 $0x460;
	[dreg:$0x6] =	wrdreg s23  }
0x12: {  	s6 =	sshrl.u32 s6, $0x3;
	[dreg:$0x8] =	wrdreg s24;
	s23 =	sor.u32 $0x1C0B, s29  }
0x13: {  	s10 =	simm.s32 $0xE60;
	s21 =	sadd.s32 s8, s6;
	[dreg:$0xb] =	wrdreg s23  }
0x14: {  	s0 =	sadd.s32 s7, s0;
	s6 =	sadd.s32 s9, s6;
	[dreg:$0x4] =	wrdreg s21  }
0x15: {  	s24 =	simm.s32 $0x8C00;
	s0 =	sadd.s32 $0x3F800, s0;
	[dreg:$0x5] =	wrdreg s6  }
0x16: {  	s7 =	simm.s32 $0x4;
	s6 =	sshrl.u32 s22, $0x3;
	[dreg:$0x7] =	wrdreg s0  }
.Ltmp0:
0x17: {  	s21 =	sshrl.u32 s5, $0x3;
	s22 =	simm.s32 $0x6400;
	(pc) =	sbr.rel .LBB2_1-.Ltmp0, $4  }
0x18: {  	s0 =	simm.s32 $0x3;
	s5 =	simm.s32 $0x6;
	s25 =	sadd.s32 s6, s9  }
0x19: {  	s26 =	sadd.s32 s6, s8;
	s9 =	simm.s32 $0x7;
	[dreg:$0xc] =	wrdreg s21  }
0x1a: {  	s6 =	simm.s32 $0x4B0;
	s8 =	simm.s32 $0xE10;
	[dreg:$0x9] =	wrdreg s25  }
0x1b: {  	[dreg:$0xa] =	wrdreg s26;
	s25 =	simm.s32 $0x1;
	s26 =	simm.s32 $0xF00  }
.LBB2_6:
0x1c: {  	[bflag:$0x0] =	sbarrier.arrive $0xFFFF  }
0x1d: {  	s12 =	rddreg [dreg:$0x7]  }
0x1e: {  	s23 =	rddreg [dreg:$0xb]  }
0x1f: {  	s19 =	simm.s32 $0xB;
	s21 =	rddreg [dreg:$0xc]  }
0x20: {  	[hbm:s12], [sflag:s23] =	dma.local [spmem:s21], $0x2780  }
0x21: {  	_ =	swait.ge [sflag:s19], $0x2780  }
0x22: {  	s15 =	sadd.s32 $0x1, s15;
	s29 =	rddreg [dreg:$0x8]  }
0x23: {  	p0 =	sne.s32 s15, s29  }
.Ltmp1:
0x24: {  	_ = 	snop;
	(pc) =	sbr.rel @!p0 .LBB2_7-.Ltmp1, $3  }
0x25: {  	_ =	sdelay $0x1  }
0x26: {  	[sflag:s19] =	ssyncset.done $0x0  }
0x27: {  	[sflag:s19] =	ssyncadd.s32 $0xFFFFD880  }
.LBB2_1:
0x28: {  	s12 =	rddreg [dreg:$0x4]  }
0x29: {  	[tilespmem:s4], [sflag:$0xB] =	stream.linear.gather [hbm4b:s12+s4], $0x500, $0x38;
	[tilespmem:$0x1F000] =	vst v63  }
0x2a: {  	_ =	swait.ge [sflag:s19], $0x500  }
0x2b: {  	s29 =	smov.u32 s21;
	[sflag:s19] =	ssyncset.done $0x0  }
0x2c: {  	s21 =	simm.s32 $0xA00;
	s12 =	rddreg [dreg:$0x5];
	[sflag:s19] =	ssyncadd.s32 $0xFFFFFB00  }
0x2d: {  	[tilespmem:s21], [sflag:$0xB] =	stream.linear.gather [hbm4b:s12+s4], $0x500, $0x38;
	[tilespmem:$0x1F000] =	vst v63  }
0x2e: {  	_ =	swait.ge [sflag:s19], $0x500  }
0x2f: {  	[sflag:s19] =	ssyncset.done $0x0  }
0x30: {  	s21 =	rddreg [dreg:$0x6];
	[sflag:s19] =	ssyncadd.s32 $0xFFFFFB00  }
0x31: {  	[spmem:s29], [sflag:s23] =	dma.local [hbm:s21], $0x2780  }
0x32: {  	_ =	swait.ge [sflag:s19], $0x2780  }
.Ltmp2:
0x33: {  	[sflag:s19] =	ssyncset.done $0x0;
	(pc) =	sbr.rel .LBB2_2-.Ltmp2, $4  }
0x34: {  	[sflag:s19] =	ssyncadd.s32 $0xFFFFD880  }
0x35: {  	[bflag:$0x0] =	sbarrier.arrive $0xFFFF  }
0x36: {  	s19 =	rddreg [dreg:$0xa]  }
0x37: {  	s21 =	simm.s32 $0x0;
	s12 =	rddreg [dreg:$0x9]  }
.LBB2_3:
0x38: {  	[tilespmem:s17], [sflag:$0xA] =	stream.linear.gather [hbm4b:s19+s4], $0x500, $0x38;
	[tilespmem:$0x1F000] =	vst v63  }
0x39: {  	_ = 	snop  }
0x3a: {  	[tilespmem:s26], [sflag:$0xA] =	stream.linear.gather [hbm4b:s12+s4], $0x500, $0x38;
	[tilespmem:$0x1F000] =	vst v63  }
0x3b: {  	_ = 	snop  }
0x3c: {  	[tilespmem:s18], [sflag:$0x1] =	stream.indirect.gather [hbm4b:s1+s16], $0x80, s4, s16, $0xb8;
	[tilespmem:$0x1F000] =	vst v63  }
0x3d: {  	_ = 	snop  }
0x3e: {  	[tilespmem:s20], [sflag:$0x2] =	stream.indirect.gather [hbm4b:s1+s16], $0x80, s16, s16, $0xb8;
	[tilespmem:$0x1F000] =	vst v63  }
0x3f: {  	s23 =	simm.s32 $0xA0  }
0x40: {  	[tilespmem:s22], [sflag:$0x3] =	stream.indirect.gather [hbm4b:s1+s16], $0x80, s23, s16, $0xb8;
	[tilespmem:$0x1F000] =	vst v63  }
0x41: {  	s29 =	simm.s32 $0xF0  }
0x42: {  	[tilespmem:s24], [sflag:$0x4] =	stream.indirect.gather [hbm4b:s1+s16], $0x80, s29, s16, $0xb8;
	[tilespmem:$0x1F000] =	vst v63  }
0x43: {  	_ =	swait.ge [sflag:s25], $0x2800  }
0x44: {  	[sflag:s25] =	ssyncset.done $0x0  }
0x45: {  	s29 =	simm.s32 $0xA00;
	[sflag:s25] =	ssyncadd.s32 $0xFFFFD800  }
0x46: {  	[spmem:s3] =	stream.indirect.scatter.add.f32 [tilespmem:s18], [sflag:$0x5], $0x80, s29, s16, $0xb8;
	[tilespmem:$0x1F000] =	vst v63  }
0x47: {  	_ =	swait.ge [sflag:s28], $0x2800  }
0x48: {  	[sflag:s28] =	ssyncset.done $0x0  }
0x49: {  	s29 =	simm.s32 $0xA50;
	[sflag:s28] =	ssyncadd.s32 $0xFFFFD800  }
0x4a: {  	[spmem:s3] =	stream.indirect.scatter.add.f32 [tilespmem:s20], [sflag:$0x6], $0x80, s29, s16, $0xb8;
	[tilespmem:$0x1F000] =	vst v63  }
0x4b: {  	_ =	swait.ge [sflag:s30], $0x2800  }
0x4c: {  	[sflag:s30] =	ssyncset.done $0x0  }
0x4d: {  	s29 =	simm.s32 $0x140;
	[sflag:s30] =	ssyncadd.s32 $0xFFFFD800  }
0x4e: {  	[tilespmem:s18], [sflag:$0x1] =	stream.indirect.gather [hbm4b:s1+s16], $0x80, s29, s16, $0xb8;
	[tilespmem:$0x1F000] =	vst v63  }
0x4f: {  	_ =	swait.ge [sflag:s0], $0x2800  }
0x50: {  	[sflag:s0] =	ssyncset.done $0x0  }
0x51: {  	s29 =	simm.s32 $0xAA0;
	[sflag:s0] =	ssyncadd.s32 $0xFFFFD800  }
0x52: {  	[spmem:s3] =	stream.indirect.scatter.add.f32 [tilespmem:s22], [sflag:$0x7], $0x80, s29, s16, $0xb8;
	[tilespmem:$0x1F000] =	vst v63  }
0x53: {  	_ =	swait.ge [sflag:s5], $0x2800  }
0x54: {  	[sflag:s5] =	ssyncset.done $0x0  }
0x55: {  	s29 =	simm.s32 $0x190;
	[sflag:s5] =	ssyncadd.s32 $0xFFFFD800  }
0x56: {  	[tilespmem:s20], [sflag:$0x2] =	stream.indirect.gather [hbm4b:s1+s16], $0x80, s29, s16, $0xb8;
	[tilespmem:$0x1F000] =	vst v63  }
0x57: {  	_ =	swait.ge [sflag:s7], $0x2800  }
0x58: {  	[sflag:s7] =	ssyncset.done $0x0  }
0x59: {  	s29 =	simm.s32 $0xAF0;
	[sflag:s7] =	ssyncadd.s32 $0xFFFFD800  }
0x5a: {  	[spmem:s3] =	stream.indirect.scatter.add.f32 [tilespmem:s24], [sflag:$0x8], $0x80, s29, s16, $0xb8;
	[tilespmem:$0x1F000] =	vst v63  }
0x5b: {  	_ =	swait.ge [sflag:s9], $0x2800  }
0x5c: {  	[sflag:s9] =	ssyncset.done $0x0  }
0x5d: {  	s29 =	simm.s32 $0x1E0;
	[sflag:s9] =	ssyncadd.s32 $0xFFFFD800  }
0x5e: {  	[tilespmem:s22], [sflag:$0x3] =	stream.indirect.gather [hbm4b:s1+s16], $0x80, s29, s16, $0xb8;
	[tilespmem:$0x1F000] =	vst v63  }
0x5f: {  	_ =	swait.ge [sflag:s11], $0x2800  }
0x60: {  	[sflag:s11] =	ssyncset.done $0x0  }
0x61: {  	s29 =	simm.s32 $0x230;
	[sflag:s11] =	ssyncadd.s32 $0xFFFFD800  }
0x62: {  	[tilespmem:s24], [sflag:$0x4] =	stream.indirect.gather [hbm4b:s1+s16], $0x80, s29, s16, $0xb8;
	[tilespmem:$0x1F000] =	vst v63  }
0x63: {  	_ =	swait.ge [sflag:s25], $0x2800  }
0x64: {  	[sflag:s25] =	ssyncset.done $0x0  }
0x65: {  	s29 =	simm.s32 $0xB40;
	[sflag:s25] =	ssyncadd.s32 $0xFFFFD800  }
0x66: {  	[spmem:s3] =	stream.indirect.scatter.add.f32 [tilespmem:s18], [sflag:$0x5], $0x80, s29, s16, $0xb8;
	[tilespmem:$0x1F000] =	vst v63  }
0x67: {  	_ =	swait.ge [sflag:s28], $0x2800  }
0x68: {  	[sflag:s28] =	ssyncset.done $0x0  }
0x69: {  	s29 =	simm.s32 $0xB90;
	[sflag:s28] =	ssyncadd.s32 $0xFFFFD800  }
0x6a: {  	[spmem:s3] =	stream.indirect.scatter.add.f32 [tilespmem:s20], [sflag:$0x6], $0x80, s29, s16, $0xb8;
	[tilespmem:$0x1F000] =	vst v63  }
0x6b: {  	_ =	swait.ge [sflag:s30], $0x2800  }
0x6c: {  	[sflag:s30] =	ssyncset.done $0x0  }
0x6d: {  	s29 =	simm.s32 $0x280;
	[sflag:s30] =	ssyncadd.s32 $0xFFFFD800  }
0x6e: {  	[tilespmem:s18], [sflag:$0x1] =	stream.indirect.gather [hbm4b:s1+s16], $0x80, s29, s16, $0xb8;
	[tilespmem:$0x1F000] =	vst v63  }
0x6f: {  	_ =	swait.ge [sflag:s0], $0x2800  }
0x70: {  	[sflag:s0] =	ssyncset.done $0x0  }
0x71: {  	s29 =	simm.s32 $0xBE0;
	[sflag:s0] =	ssyncadd.s32 $0xFFFFD800  }
0x72: {  	[spmem:s3] =	stream.indirect.scatter.add.f32 [tilespmem:s22], [sflag:$0x7], $0x80, s29, s16, $0xb8;
	[tilespmem:$0x1F000] =	vst v63  }
0x73: {  	_ =	swait.ge [sflag:s5], $0x2800  }
0x74: {  	[sflag:s5] =	ssyncset.done $0x0  }
0x75: {  	s29 =	simm.s32 $0x2D0;
	[sflag:s5] =	ssyncadd.s32 $0xFFFFD800  }
0x76: {  	[tilespmem:s20], [sflag:$0x2] =	stream.indirect.gather [hbm4b:s1+s16], $0x80, s29, s16, $0xb8;
	[tilespmem:$0x1F000] =	vst v63  }
0x77: {  	_ =	swait.ge [sflag:s7], $0x2800  }
0x78: {  	[sflag:s7] =	ssyncset.done $0x0  }
0x79: {  	s29 =	simm.s32 $0xC30;
	[sflag:s7] =	ssyncadd.s32 $0xFFFFD800  }
0x7a: {  	[spmem:s3] =	stream.indirect.scatter.add.f32 [tilespmem:s24], [sflag:$0x8], $0x80, s29, s16, $0xb8;
	[tilespmem:$0x1F000] =	vst v63  }
0x7b: {  	_ =	swait.ge [sflag:s9], $0x2800  }
0x7c: {  	[sflag:s9] =	ssyncset.done $0x0  }
0x7d: {  	s29 =	simm.s32 $0x320;
	[sflag:s9] =	ssyncadd.s32 $0xFFFFD800  }
0x7e: {  	[tilespmem:s22], [sflag:$0x3] =	stream.indirect.gather [hbm4b:s1+s16], $0x80, s29, s16, $0xb8;
	[tilespmem:$0x1F000] =	vst v63  }
0x7f: {  	_ =	swait.ge [sflag:s11], $0x2800  }
0x80: {  	[sflag:s11] =	ssyncset.done $0x0  }
0x81: {  	s29 =	simm.s32 $0x370;
	[sflag:s11] =	ssyncadd.s32 $0xFFFFD800  }
0x82: {  	[tilespmem:s24], [sflag:$0x4] =	stream.indirect.gather [hbm4b:s1+s16], $0x80, s29, s16, $0xb8;
	[tilespmem:$0x1F000] =	vst v63  }
0x83: {  	_ =	swait.ge [sflag:s25], $0x2800  }
0x84: {  	[sflag:s25] =	ssyncset.done $0x0  }
0x85: {  	s29 =	simm.s32 $0xC80;
	[sflag:s25] =	ssyncadd.s32 $0xFFFFD800  }
0x86: {  	[spmem:s3] =	stream.indirect.scatter.add.f32 [tilespmem:s18], [sflag:$0x5], $0x80, s29, s16, $0xb8;
	[tilespmem:$0x1F000] =	vst v63  }
0x87: {  	_ =	swait.ge [sflag:s28], $0x2800  }
0x88: {  	[sflag:s28] =	ssyncset.done $0x0  }
0x89: {  	s29 =	simm.s32 $0xCD0;
	[sflag:s28] =	ssyncadd.s32 $0xFFFFD800  }
0x8a: {  	[spmem:s3] =	stream.indirect.scatter.add.f32 [tilespmem:s20], [sflag:$0x6], $0x80, s29, s16, $0xb8;
	[tilespmem:$0x1F000] =	vst v63  }
0x8b: {  	_ =	swait.ge [sflag:s30], $0x2800  }
0x8c: {  	[sflag:s30] =	ssyncset.done $0x0  }
0x8d: {  	s29 =	simm.s32 $0x3C0;
	[sflag:s30] =	ssyncadd.s32 $0xFFFFD800  }
0x8e: {  	[tilespmem:s18], [sflag:$0x1] =	stream.indirect.gather [hbm4b:s1+s16], $0x80, s29, s16, $0xb8;
	[tilespmem:$0x1F000] =	vst v63  }
0x8f: {  	_ =	swait.ge [sflag:s0], $0x2800  }
0x90: {  	[sflag:s0] =	ssyncset.done $0x0  }
0x91: {  	s29 =	simm.s32 $0xD20;
	[sflag:s0] =	ssyncadd.s32 $0xFFFFD800  }
0x92: {  	[spmem:s3] =	stream.indirect.scatter.add.f32 [tilespmem:s22], [sflag:$0x7], $0x80, s29, s16, $0xb8;
	[tilespmem:$0x1F000] =	vst v63  }
0x93: {  	_ =	swait.ge [sflag:s5], $0x2800  }
0x94: {  	[sflag:s5] =	ssyncset.done $0x0  }
0x95: {  	s29 =	simm.s32 $0x410;
	[sflag:s5] =	ssyncadd.s32 $0xFFFFD800  }
0x96: {  	[tilespmem:s20], [sflag:$0x2] =	stream.indirect.gather [hbm4b:s1+s16], $0x80, s29, s16, $0xb8;
	[tilespmem:$0x1F000] =	vst v63  }
0x97: {  	_ =	swait.ge [sflag:s7], $0x2800  }
0x98: {  	[sflag:s7] =	ssyncset.done $0x0  }
0x99: {  	[sflag:s7] =	ssyncadd.s32 $0xFFFFD800  }
0x9a: {  	[spmem:s3] =	stream.indirect.scatter.add.f32 [tilespmem:s24], [sflag:$0x8], $0x80, s31, s16, $0xb8;
	[tilespmem:$0x1F000] =	vst v63  }
0x9b: {  	_ =	swait.ge [sflag:s9], $0x2800  }
0x9c: {  	[sflag:s9] =	ssyncset.done $0x0  }
0x9d: {  	[sflag:s9] =	ssyncadd.s32 $0xFFFFD800  }
0x9e: {  	[tilespmem:s22], [sflag:$0x3] =	stream.indirect.gather [hbm4b:s1+s16], $0x80, s2, s16, $0xb8;
	[tilespmem:$0x1F000] =	vst v63  }
0x9f: {  	_ =	swait.ge [sflag:s11], $0x2800  }
0xa0: {  	[sflag:s11] =	ssyncset.done $0x0  }
0xa1: {  	[sflag:s11] =	ssyncadd.s32 $0xFFFFD800  }
0xa2: {  	[tilespmem:s24], [sflag:$0x4] =	stream.indirect.gather [hbm4b:s1+s16], $0x80, s6, s16, $0xb8;
	[tilespmem:$0x1F000] =	vst v63  }
0xa3: {  	_ =	swait.ge [sflag:s25], $0x2800  }
0xa4: {  	[sflag:s25] =	ssyncset.done $0x0  }
0xa5: {  	[sflag:s25] =	ssyncadd.s32 $0xFFFFD800  }
0xa6: {  	[spmem:s3] =	stream.indirect.scatter.add.f32 [tilespmem:s18], [sflag:$0x5], $0x80, s13, s16, $0xb8;
	[tilespmem:$0x1F000] =	vst v63  }
0xa7: {  	_ =	swait.ge [sflag:s28], $0x2800  }
0xa8: {  	[sflag:s28] =	ssyncset.done $0x0  }
0xa9: {  	[sflag:s28] =	ssyncadd.s32 $0xFFFFD800  }
0xaa: {  	[spmem:s3] =	stream.indirect.scatter.add.f32 [tilespmem:s20], [sflag:$0x6], $0x80, s8, s16, $0xb8;
	[tilespmem:$0x1F000] =	vst v63  }
0xab: {  	_ =	swait.ge [sflag:s30], $0x2800  }
0xac: {  	[sflag:s30] =	ssyncset.done $0x0  }
0xad: {  	[sflag:s30] =	ssyncadd.s32 $0xFFFFD800  }
0xae: {  	_ =	swait.ge [sflag:s0], $0x2800  }
0xaf: {  	[sflag:s0] =	ssyncset.done $0x0  }
0xb0: {  	[sflag:s0] =	ssyncadd.s32 $0xFFFFD800  }
0xb1: {  	[spmem:s3] =	stream.indirect.scatter.add.f32 [tilespmem:s22], [sflag:$0x7], $0x80, s10, s16, $0xb8;
	[tilespmem:$0x1F000] =	vst v63  }
0xb2: {  	_ =	swait.ge [sflag:s5], $0x2800  }
0xb3: {  	[sflag:s5] =	ssyncset.done $0x0  }
0xb4: {  	[sflag:s5] =	ssyncadd.s32 $0xFFFFD800  }
0xb5: {  	_ =	swait.ge [sflag:s7], $0x2800  }
0xb6: {  	[sflag:s7] =	ssyncset.done $0x0  }
0xb7: {  	[sflag:s7] =	ssyncadd.s32 $0xFFFFD800  }
0xb8: {  	[spmem:s3] =	stream.indirect.scatter.add.f32 [tilespmem:s24], [sflag:$0x8], $0x80, s14, s16, $0xb8;
	[tilespmem:$0x1F000] =	vst v63  }
0xb9: {  	_ =	swait.ge [sflag:s9], $0x2800  }
0xba: {  	[sflag:s9] =	ssyncset.done $0x0  }
0xbb: {  	[sflag:s9] =	ssyncadd.s32 $0xFFFFD800  }
0xbc: {  	_ =	swait.ge [sflag:s11], $0x2800  }
0xbd: {  	[sflag:s11] =	ssyncset.done $0x0  }
0xbe: {  	s23 =	simm.s32 $0xA;
	[sflag:s11] =	ssyncadd.s32 $0xFFFFD800  }
.LBB2_5:
0xbf: {  	s21 =	sadd.s32 $0x1, s21  }
0xc0: {  	_ =	swait.ge [sflag:s23], $0x500;
	p0 =	sne.s32 s21, $0x8  }
.Ltmp3:
0xc1: {  	[sflag:s23] =	ssyncset.done $0x0;
	(pc) =	sbr.rel @!p0 .LBB2_6-.Ltmp3, $4  }
0xc2: {  	[sflag:s23] =	ssyncadd.s32 $0xFFFFFB00  }
0xc3: {  	_ =	swait.ge [sflag:s23], $0x500  }
0xc4: {  	[sflag:s23] =	ssyncset.done $0x0  }
0xc5: {  	s12 =	sadd.s32 $0xA0, s12;
	s19 =	sadd.s32 $0xA0, s19;
	[sflag:s23] =	ssyncadd.s32 $0xFFFFFB00  }
.LBB2_2:
0xc6: {  	s23 =	sand.u32 $0x1, s21  }
0xc7: {  	p0 =	seq.s32 s23, $0x1  }
.Ltmp4:
0xc8: {  	_ = 	snop;
	(pc) =	sbr.rel @!p0 .LBB2_3-.Ltmp4, $1  }
0xc9: {  	_ =	sdelay $0x3  }
0xca: {  	p0 =	seq.s32 s21, $0x7  }
0xcb: {  	s23 =	simm.s32 @!p0 $0x0  }
0xcc: {  	[tilespmem:s23], [sflag:$0x9] =	stream.linear.gather @!p0 [hbm4b:s19+s23], $0x500, $0x38;
	[tilespmem:$0x1F000] =	vst v63  }
0xcd: {  	s29 =	simm.s32 @!p0 $0xA00  }
0xce: {  	[tilespmem:s29], [sflag:$0x9] =	stream.linear.gather @!p0 [hbm4b:s12+s23], $0x500, $0x38;
	[tilespmem:$0x1F000] =	vst v63  }
0xcf: {  	_ = 	snop  }
0xd0: {  	[tilespmem:s18], [sflag:$0x1] =	stream.indirect.gather [hbm4b:s1+s16], $0x80, s17, s16, $0xb8;
	[tilespmem:$0x1F000] =	vst v63  }
0xd1: {  	s29 =	simm.s32 $0x550  }
0xd2: {  	[tilespmem:s20], [sflag:$0x2] =	stream.indirect.gather [hbm4b:s1+s16], $0x80, s29, s16, $0xb8;
	[tilespmem:$0x1F000] =	vst v63  }
0xd3: {  	s29 =	simm.s32 $0x5A0  }
0xd4: {  	[tilespmem:s22], [sflag:$0x3] =	stream.indirect.gather [hbm4b:s1+s16], $0x80, s29, s16, $0xb8;
	[tilespmem:$0x1F000] =	vst v63  }
0xd5: {  	s29 =	simm.s32 $0x5F0  }
0xd6: {  	[tilespmem:s24], [sflag:$0x4] =	stream.indirect.gather [hbm4b:s1+s16], $0x80, s29, s16, $0xb8;
	[tilespmem:$0x1F000] =	vst v63  }
0xd7: {  	_ =	swait.ge [sflag:s25], $0x2800  }
0xd8: {  	[sflag:s25] =	ssyncset.done $0x0  }
0xd9: {  	[sflag:s25] =	ssyncadd.s32 $0xFFFFD800  }
0xda: {  	[spmem:s3] =	stream.indirect.scatter.add.f32 [tilespmem:s18], [sflag:$0x5], $0x80, s26, s16, $0xb8;
	[tilespmem:$0x1F000] =	vst v63  }
0xdb: {  	_ =	swait.ge [sflag:s28], $0x2800  }
0xdc: {  	[sflag:s28] =	ssyncset.done $0x0  }
0xdd: {  	s29 =	simm.s32 $0xF50;
	[sflag:s28] =	ssyncadd.s32 $0xFFFFD800  }
0xde: {  	[spmem:s3] =	stream.indirect.scatter.add.f32 [tilespmem:s20], [sflag:$0x6], $0x80, s29, s16, $0xb8;
	[tilespmem:$0x1F000] =	vst v63  }
0xdf: {  	_ =	swait.ge [sflag:s30], $0x2800  }
0xe0: {  	[sflag:s30] =	ssyncset.done $0x0  }
0xe1: {  	s29 =	simm.s32 $0x640;
	[sflag:s30] =	ssyncadd.s32 $0xFFFFD800  }
0xe2: {  	[tilespmem:s18], [sflag:$0x1] =	stream.indirect.gather [hbm4b:s1+s16], $0x80, s29, s16, $0xb8;
	[tilespmem:$0x1F000] =	vst v63  }
0xe3: {  	_ =	swait.ge [sflag:s0], $0x2800  }
0xe4: {  	[sflag:s0] =	ssyncset.done $0x0  }
0xe5: {  	s29 =	simm.s32 $0xFA0;
	[sflag:s0] =	ssyncadd.s32 $0xFFFFD800  }
0xe6: {  	[spmem:s3] =	stream.indirect.scatter.add.f32 [tilespmem:s22], [sflag:$0x7], $0x80, s29, s16, $0xb8;
	[tilespmem:$0x1F000] =	vst v63  }
0xe7: {  	_ =	swait.ge [sflag:s5], $0x2800  }
0xe8: {  	[sflag:s5] =	ssyncset.done $0x0  }
0xe9: {  	s29 =	simm.s32 $0x690;
	[sflag:s5] =	ssyncadd.s32 $0xFFFFD800  }
0xea: {  	[tilespmem:s20], [sflag:$0x2] =	stream.indirect.gather [hbm4b:s1+s16], $0x80, s29, s16, $0xb8;
	[tilespmem:$0x1F000] =	vst v63  }
0xeb: {  	_ =	swait.ge [sflag:s7], $0x2800  }
0xec: {  	[sflag:s7] =	ssyncset.done $0x0  }
0xed: {  	s29 =	simm.s32 $0xFF0;
	[sflag:s7] =	ssyncadd.s32 $0xFFFFD800  }
0xee: {  	[spmem:s3] =	stream.indirect.scatter.add.f32 [tilespmem:s24], [sflag:$0x8], $0x80, s29, s16, $0xb8;
	[tilespmem:$0x1F000] =	vst v63  }
0xef: {  	_ =	swait.ge [sflag:s9], $0x2800  }
0xf0: {  	[sflag:s9] =	ssyncset.done $0x0  }
0xf1: {  	s29 =	simm.s32 $0x6E0;
	[sflag:s9] =	ssyncadd.s32 $0xFFFFD800  }
0xf2: {  	[tilespmem:s22], [sflag:$0x3] =	stream.indirect.gather [hbm4b:s1+s16], $0x80, s29, s16, $0xb8;
	[tilespmem:$0x1F000] =	vst v63  }
0xf3: {  	_ =	swait.ge [sflag:s11], $0x2800  }
0xf4: {  	[sflag:s11] =	ssyncset.done $0x0  }
0xf5: {  	s29 =	simm.s32 $0x730;
	[sflag:s11] =	ssyncadd.s32 $0xFFFFD800  }
0xf6: {  	[tilespmem:s24], [sflag:$0x4] =	stream.indirect.gather [hbm4b:s1+s16], $0x80, s29, s16, $0xb8;
	[tilespmem:$0x1F000] =	vst v63  }
0xf7: {  	_ =	swait.ge [sflag:s25], $0x2800  }
0xf8: {  	[sflag:s25] =	ssyncset.done $0x0  }
0xf9: {  	s29 =	simm.s32 $0x1040;
	[sflag:s25] =	ssyncadd.s32 $0xFFFFD800  }
0xfa: {  	[spmem:s3] =	stream.indirect.scatter.add.f32 [tilespmem:s18], [sflag:$0x5], $0x80, s29, s16, $0xb8;
	[tilespmem:$0x1F000] =	vst v63  }
0xfb: {  	_ =	swait.ge [sflag:s28], $0x2800  }
0xfc: {  	[sflag:s28] =	ssyncset.done $0x0  }
0xfd: {  	s29 =	simm.s32 $0x1090;
	[sflag:s28] =	ssyncadd.s32 $0xFFFFD800  }
0xfe: {  	[spmem:s3] =	stream.indirect.scatter.add.f32 [tilespmem:s20], [sflag:$0x6], $0x80, s29, s16, $0xb8;
	[tilespmem:$0x1F000] =	vst v63  }
0xff: {  	_ =	swait.ge [sflag:s30], $0x2800  }
0x100: {  	[sflag:s30] =	ssyncset.done $0x0  }
0x101: {  	s29 =	simm.s32 $0x780;
	[sflag:s30] =	ssyncadd.s32 $0xFFFFD800  }
0x102: {  	[tilespmem:s18], [sflag:$0x1] =	stream.indirect.gather [hbm4b:s1+s16], $0x80, s29, s16, $0xb8;
	[tilespmem:$0x1F000] =	vst v63  }
0x103: {  	_ =	swait.ge [sflag:s0], $0x2800  }
0x104: {  	[sflag:s0] =	ssyncset.done $0x0  }
0x105: {  	s29 =	simm.s32 $0x10E0;
	[sflag:s0] =	ssyncadd.s32 $0xFFFFD800  }
0x106: {  	[spmem:s3] =	stream.indirect.scatter.add.f32 [tilespmem:s22], [sflag:$0x7], $0x80, s29, s16, $0xb8;
	[tilespmem:$0x1F000] =	vst v63  }
0x107: {  	_ =	swait.ge [sflag:s5], $0x2800  }
0x108: {  	[sflag:s5] =	ssyncset.done $0x0  }
0x109: {  	s29 =	simm.s32 $0x7D0;
	[sflag:s5] =	ssyncadd.s32 $0xFFFFD800  }
0x10a: {  	[tilespmem:s20], [sflag:$0x2] =	stream.indirect.gather [hbm4b:s1+s16], $0x80, s29, s16, $0xb8;
	[tilespmem:$0x1F000] =	vst v63  }
0x10b: {  	_ =	swait.ge [sflag:s7], $0x2800  }
0x10c: {  	[sflag:s7] =	ssyncset.done $0x0  }
0x10d: {  	s29 =	simm.s32 $0x1130;
	[sflag:s7] =	ssyncadd.s32 $0xFFFFD800  }
0x10e: {  	[spmem:s3] =	stream.indirect.scatter.add.f32 [tilespmem:s24], [sflag:$0x8], $0x80, s29, s16, $0xb8;
	[tilespmem:$0x1F000] =	vst v63  }
0x10f: {  	_ =	swait.ge [sflag:s9], $0x2800  }
0x110: {  	[sflag:s9] =	ssyncset.done $0x0  }
0x111: {  	s29 =	simm.s32 $0x820;
	[sflag:s9] =	ssyncadd.s32 $0xFFFFD800  }
0x112: {  	[tilespmem:s22], [sflag:$0x3] =	stream.indirect.gather [hbm4b:s1+s16], $0x80, s29, s16, $0xb8;
	[tilespmem:$0x1F000] =	vst v63  }
0x113: {  	_ =	swait.ge [sflag:s11], $0x2800  }
0x114: {  	[sflag:s11] =	ssyncset.done $0x0  }
0x115: {  	s29 =	simm.s32 $0x870;
	[sflag:s11] =	ssyncadd.s32 $0xFFFFD800  }
0x116: {  	[tilespmem:s24], [sflag:$0x4] =	stream.indirect.gather [hbm4b:s1+s16], $0x80, s29, s16, $0xb8;
	[tilespmem:$0x1F000] =	vst v63  }
0x117: {  	_ =	swait.ge [sflag:s25], $0x2800  }
0x118: {  	[sflag:s25] =	ssyncset.done $0x0  }
0x119: {  	s29 =	simm.s32 $0x1180;
	[sflag:s25] =	ssyncadd.s32 $0xFFFFD800  }
0x11a: {  	[spmem:s3] =	stream.indirect.scatter.add.f32 [tilespmem:s18], [sflag:$0x5], $0x80, s29, s16, $0xb8;
	[tilespmem:$0x1F000] =	vst v63  }
0x11b: {  	_ =	swait.ge [sflag:s28], $0x2800  }
0x11c: {  	[sflag:s28] =	ssyncset.done $0x0  }
0x11d: {  	s29 =	simm.s32 $0x11D0;
	[sflag:s28] =	ssyncadd.s32 $0xFFFFD800  }
0x11e: {  	[spmem:s3] =	stream.indirect.scatter.add.f32 [tilespmem:s20], [sflag:$0x6], $0x80, s29, s16, $0xb8;
	[tilespmem:$0x1F000] =	vst v63  }
0x11f: {  	_ =	swait.ge [sflag:s30], $0x2800  }
0x120: {  	[sflag:s30] =	ssyncset.done $0x0  }
0x121: {  	s29 =	simm.s32 $0x8C0;
	[sflag:s30] =	ssyncadd.s32 $0xFFFFD800  }
0x122: {  	[tilespmem:s18], [sflag:$0x1] =	stream.indirect.gather [hbm4b:s1+s16], $0x80, s29, s16, $0xb8;
	[tilespmem:$0x1F000] =	vst v63  }
0x123: {  	_ =	swait.ge [sflag:s0], $0x2800  }
0x124: {  	[sflag:s0] =	ssyncset.done $0x0  }
0x125: {  	s29 =	simm.s32 $0x1220;
	[sflag:s0] =	ssyncadd.s32 $0xFFFFD800  }
0x126: {  	[spmem:s3] =	stream.indirect.scatter.add.f32 [tilespmem:s22], [sflag:$0x7], $0x80, s29, s16, $0xb8;
	[tilespmem:$0x1F000] =	vst v63  }
0x127: {  	_ =	swait.ge [sflag:s5], $0x2800  }
0x128: {  	[sflag:s5] =	ssyncset.done $0x0  }
0x129: {  	s29 =	simm.s32 $0x910;
	[sflag:s5] =	ssyncadd.s32 $0xFFFFD800  }
0x12a: {  	[tilespmem:s20], [sflag:$0x2] =	stream.indirect.gather [hbm4b:s1+s16], $0x80, s29, s16, $0xb8;
	[tilespmem:$0x1F000] =	vst v63  }
0x12b: {  	_ =	swait.ge [sflag:s7], $0x2800  }
0x12c: {  	[sflag:s7] =	ssyncset.done $0x0  }
0x12d: {  	s29 =	simm.s32 $0x1270;
	[sflag:s7] =	ssyncadd.s32 $0xFFFFD800  }
0x12e: {  	[spmem:s3] =	stream.indirect.scatter.add.f32 [tilespmem:s24], [sflag:$0x8], $0x80, s29, s16, $0xb8;
	[tilespmem:$0x1F000] =	vst v63  }
0x12f: {  	_ =	swait.ge [sflag:s9], $0x2800  }
0x130: {  	[sflag:s9] =	ssyncset.done $0x0  }
0x131: {  	s29 =	simm.s32 $0x960;
	[sflag:s9] =	ssyncadd.s32 $0xFFFFD800  }
0x132: {  	[tilespmem:s22], [sflag:$0x3] =	stream.indirect.gather [hbm4b:s1+s16], $0x80, s29, s16, $0xb8;
	[tilespmem:$0x1F000] =	vst v63  }
0x133: {  	_ =	swait.ge [sflag:s11], $0x2800  }
0x134: {  	[sflag:s11] =	ssyncset.done $0x0  }
0x135: {  	s29 =	simm.s32 $0x9B0;
	[sflag:s11] =	ssyncadd.s32 $0xFFFFD800  }
0x136: {  	[tilespmem:s24], [sflag:$0x4] =	stream.indirect.gather [hbm4b:s1+s16], $0x80, s29, s16, $0xb8;
	[tilespmem:$0x1F000] =	vst v63  }
0x137: {  	_ =	swait.ge [sflag:s25], $0x2800  }
0x138: {  	[sflag:s25] =	ssyncset.done $0x0  }
0x139: {  	s29 =	simm.s32 $0x12C0;
	[sflag:s25] =	ssyncadd.s32 $0xFFFFD800  }
0x13a: {  	[spmem:s3] =	stream.indirect.scatter.add.f32 [tilespmem:s18], [sflag:$0x5], $0x80, s29, s16, $0xb8;
	[tilespmem:$0x1F000] =	vst v63  }
0x13b: {  	_ =	swait.ge [sflag:s28], $0x2800  }
0x13c: {  	[sflag:s28] =	ssyncset.done $0x0  }
0x13d: {  	s29 =	simm.s32 $0x1310;
	[sflag:s28] =	ssyncadd.s32 $0xFFFFD800  }
0x13e: {  	[spmem:s3] =	stream.indirect.scatter.add.f32 [tilespmem:s20], [sflag:$0x6], $0x80, s29, s16, $0xb8;
	[tilespmem:$0x1F000] =	vst v63  }
0x13f: {  	_ =	swait.ge [sflag:s30], $0x2800  }
0x140: {  	[sflag:s30] =	ssyncset.done $0x0  }
0x141: {  	[sflag:s30] =	ssyncadd.s32 $0xFFFFD800  }
0x142: {  	_ =	swait.ge [sflag:s0], $0x2800  }
0x143: {  	[sflag:s0] =	ssyncset.done $0x0  }
0x144: {  	s29 =	simm.s32 $0x1360;
	[sflag:s0] =	ssyncadd.s32 $0xFFFFD800  }
0x145: {  	[spmem:s3] =	stream.indirect.scatter.add.f32 [tilespmem:s22], [sflag:$0x7], $0x80, s29, s16, $0xb8;
	[tilespmem:$0x1F000] =	vst v63  }
0x146: {  	_ =	swait.ge [sflag:s5], $0x2800  }
0x147: {  	[sflag:s5] =	ssyncset.done $0x0  }
0x148: {  	[sflag:s5] =	ssyncadd.s32 $0xFFFFD800  }
0x149: {  	_ =	swait.ge [sflag:s7], $0x2800  }
0x14a: {  	[sflag:s7] =	ssyncset.done $0x0  }
0x14b: {  	s29 =	simm.s32 $0x13B0;
	[sflag:s7] =	ssyncadd.s32 $0xFFFFD800  }
0x14c: {  	[spmem:s3] =	stream.indirect.scatter.add.f32 [tilespmem:s24], [sflag:$0x8], $0x80, s29, s16, $0xb8;
	[tilespmem:$0x1F000] =	vst v63  }
0x14d: {  	_ =	swait.ge [sflag:s9], $0x2800  }
.Ltmp5:
0x14e: {  	[sflag:s9] =	ssyncset.done $0x0;
	(pc) =	sbr.rel @!p0 .LBB2_5-.Ltmp5, $4  }
.Ltmp6:
0x14f: {  	[sflag:s9] =	ssyncadd.s32 $0xFFFFD800;
	(pc) =	sbr.rel @p0 .LBB2_6-.Ltmp6, $4  }
0x150: {  	_ =	swait.ge [sflag:s11], $0x2800  }
0x151: {  	[sflag:s11] =	ssyncset.done $0x0  }
0x152: {  	s23 =	simm.s32 $0x9;
	[sflag:s11] =	ssyncadd.s32 $0xFFFFD800  }
0x153: {  	_ = 	snop  }
.LBB2_7:
0x154: {  	_ =	sfence.sel $0x180000  }
0x155: {  	[bflag:$0x0] =	sbarrier.arrive $0xFFFF  }
0x156: {  	_ =	strace $0x9000004A  }
0x157: {  	s0 =	stileid.u32;
	[bflag:$0x2] =	sbarrier.arrive $0xFFFF  }
0x158: {  	p0 =	sne.s32 s0, $0x0;
	s0 =	rddreg [dreg:$0x3]  }
0x159: {  	s0 =	sadd.s32 @!p0 $0x100000, s0  }
0x15a: {  	[sflag:s0] =	ssyncadd.tile.s32 @!p0 $0x1;
	_ =	shalt  }
.Lfunc_end2:
_tile_overlayer_lowered:
.L_overlay_start_2:
0x15b: {  	(tag) =	ssettag $0x2  }
0x15c: {  	s0 =	rddreg [dreg:$0x0];
	s2 =	stileid.u32  }
0x15d: {  	s1 =	rddreg [dreg:$0x1];
	p0 =	sne.s32 s2, $0x0  }
0x15e: {  	s3 =	rddreg [dreg:$0x2];
	[bflag:$0x3] =	sbarrier.arrive $0xFFFF;
	s2 =	simm.s32 @!p0 $0x1C0B  }
0x15f: {  	[timem:s3], [sflag:s2] =	dma.local @!p0 [hbm:s0], s1  }
0x160: {  	s0 =	simm.s32 @!p0 $0xB  }
0x161: {  	_ =	swait.ge @!p0 [sflag:s0], s1  }
0x162: {  	s1 =	ssub.s32 @!p0 $0x0, s1;
	[sflag:s0] =	ssyncset.done @!p0 $0x0  }
0x163: {  	[sflag:s0] =	ssyncadd.s32 @!p0 s1  }
0x164: {  	[bflag:$0x3] =	sbarrier.arrive $0xFFFF  }
0x165: {  	_ =	shalt  }

// kernel: kernel.15.cloned.1.call-start
scs
__scs_entry_jumppad:
0x0: {  	(pc) =	sbr.rel $0x88, $3  }
0x1: {  	(tag) =	ssettag $0x0;
	lr =	simm.s32 $0x1  }
0x2: {  	[smem:$0x3F99] =	sst lr;
	_ =	strace $0xD0000000  }
0x3: {  	_ = 	snop  }
0x4: {  	_ = 	snop  }
0x5: {  	_ = 	snop  }
0x6: {  	_ = 	snop  }
0x7: {  	_ = 	snop  }
__scs_overlays_trampoline_lowered:
0x8: {  	[smem:$0x3FA8] =	sst s0  }
0x9: {  	[smem:$0x3FA9] =	sst s1  }
0xa: {  	[smem:$0x3FAA] =	sst s2  }
0xb: {  	[smem:$0x3FAB] =	sst s3  }
0xc: {  	[smem:$0x3FAC] =	sst s4  }
0xd: {  	[smem:$0x3FAD] =	sst s5  }
0xe: {  	[smem:$0x3FAE] =	sst s6  }
0xf: {  	[smem:$0x3FAF] =	sst s7  }
0x10: {  	[smem:$0x3FB0] =	sst s8  }
0x11: {  	[smem:$0x3FB1] =	sst s9;
	s0 =	simm.s32 @!p0 $0x0  }
0x12: {  	s1 =	sld [smem:$0x3F97];
	s0 =	simm.s32 @p0 $0x1  }
0x13: {  	[smem:$0x3FB2] =	sst s0;
	s0 =	simm.s32 @!p1 $0x0  }
0x14: {  	s2 =	sld [smem:$0x3F96];
	s0 =	simm.s32 @p1 $0x1  }
0x15: {  	[smem:$0x3FB3] =	sst s0;
	s0 =	simm.s32 @!p2 $0x0  }
0x16: {  	s3 =	sld [smem:$0x3FDB];
	s0 =	simm.s32 @p2 $0x1  }
0x17: {  	s4 =	simm.s32 $0x1BF5;
	[smem:$0x3FB5] =	sst s0  }
0x18: {  	s0 =	sld [smem:$0x3F98];
	_ =	swait.ge [sflag:s4], $0x0  }
0x19: {  	s7 =	sld [smem:$0x3F99]  }
0x1a: {  	s8 =	sadd.s32 $0xFFFFE003, lr  }
0x1b: {  	s9 =	sadd.s32 $0xFFFFFEF7, lr;
	s5 =	simm.s32 $0xFFFFFFFF;
	p2 =	slt.u32 s8, $0xFFFFF086  }
0x1c: {  	p1 =	slt.u32 s9, $0xF7A;
	s5 =	simm.s32 @!p2 $0x0  }
0x1d: {  	s5 =	simm.s32 @p1 $0x1;
	p0 =	seq.s32 s7, s2  }
0x1e: {  	s7 =	smul.u32 @!p0 $0xF7A, s2;
	p2 =	seq.s32 @!p0 s5, $0x0  }
0x1f: {  	s9 =	smul.u32 $0xF7A, s1;
	s8 =	simm.s32 @!p0 $0x1BF5;
	p2 =	por !p2, p0  }
0x20: {  	[sflag:s8] =	ssyncset.s32 @!p0 $0xFFFFF086;
	s6 =	sadd.s32 @!p0 s3, s7;
	s7 =	simm.s32 @!p0 $0x108  }
0x21: {  	s3 =	sadd.s32 s3, s9;
	s6 =	sadd.s32 @!p0 $0x88, s6;
	s7 =	simm.s32 @p2 $0x1082  }
0x22: {  	[simem:s7], [sflag:s8] =	dma.local @!p0 [hbm:s6], $0xF7A  }
0x23: {  	s9 =	sor.u32 $0xD0000000, s2;
	s6 =	simm.s32 $0x108;
	_ =	swait.ge @!p0 [sflag:s8], $0x0  }
0x24: {  	s3 =	sadd.s32 $0x88, s3;
	s6 =	simm.s32 @!p1 $0x1082;
	[sflag:s4] =	ssyncset.s32 $0xFFFFF086  }
0x25: {  	[simem:s6], [sflag:s4] =	dma.local [hbm:s3], $0xF7A  }
0x26: {  	[smem:$0x3F99] =	sst s1;
	(tag) =	ssettag s2;
	_ =	strace s9  }
0x27: {  	s1 =	sld [smem:$0x3FA9]  }
0x28: {  	s2 =	sld [smem:$0x3FAA]  }
0x29: {  	s4 =	sld [smem:$0x3FAC]  }
0x2a: {  	p0 =	seq.s32 s5, $0x0;
	s5 =	sld [smem:$0x3FAD]  }
0x2b: {  	s6 =	sld [smem:$0x3FAE]  }
0x2c: {  	s7 =	sld [smem:$0x3FAF]  }
0x2d: {  	s3 =	simm.s32 $0x108;
	s8 =	sld [smem:$0x3FB0]  }
0x2e: {  	s3 =	simm.s32 @!p0 $0x1082;
	s9 =	sld [smem:$0x3FB1]  }
0x2f: {  	lr =	sadd.s32 s0, s3;
	s0 =	sld [smem:$0x3FA8]  }
0x30: {  	s3 =	sld [smem:$0x3FAB]  }
0x31: {  	[smem:$0x3FB4] =	sst s10  }
0x32: {  	s10 =	sld [smem:$0x3FB2];
	_ =	sdelay $0x3  }
0x33: {  	p0 =	seq.s32 s10, $0x1;
	s10 =	sld [smem:$0x3FB4];
	_ =	sdelay $0x3  }
0x34: {  	[smem:$0x3FB4] =	sst s10  }
0x35: {  	s10 =	sld [smem:$0x3FB3];
	_ =	sdelay $0x3  }
0x36: {  	p1 =	seq.s32 s10, $0x1;
	s10 =	sld [smem:$0x3FB4];
	_ =	sdelay $0x3  }
0x37: {  	[smem:$0x3FB4] =	sst s10  }
0x38: {  	s10 =	sld [smem:$0x3FB5]  }
0x39: {  	_ = 	snop;
	(pc) =	sbr.ind lr, $3  }
0x3a: {  	_ = 	snop  }
0x3b: {  	_ = 	snop  }
0x3c: {  	p2 =	seq.s32 s10, $0x1;
	s10 =	sld [smem:$0x3FB4]  }
0x3d: {  	_ =	shalt  }
0x3e: {  	_ =	shalt  }
0x3f: {  	_ =	shalt  }
0x40: {  	_ =	shalt  }
0x41: {  	_ =	shalt  }
0x42: {  	_ =	shalt  }
0x43: {  	_ =	shalt  }
0x44: {  	_ =	shalt  }
0x45: {  	_ =	shalt  }
0x46: {  	_ =	shalt  }
0x47: {  	_ =	shalt  }
0x48: {  	_ =	shalt  }
0x49: {  	_ =	shalt  }
0x4a: {  	_ =	shalt  }
0x4b: {  	_ =	shalt  }
0x4c: {  	_ =	shalt  }
0x4d: {  	_ =	shalt  }
0x4e: {  	_ =	shalt  }
0x4f: {  	_ =	shalt  }
0x50: {  	_ =	shalt  }
0x51: {  	_ =	shalt  }
0x52: {  	_ =	shalt  }
0x53: {  	_ =	shalt  }
0x54: {  	_ =	shalt  }
0x55: {  	_ =	shalt  }
0x56: {  	_ =	shalt  }
0x57: {  	_ =	shalt  }
0x58: {  	_ =	shalt  }
0x59: {  	_ =	shalt  }
0x5a: {  	_ =	shalt  }
0x5b: {  	_ =	shalt  }
0x5c: {  	_ =	shalt  }
0x5d: {  	_ =	shalt  }
0x5e: {  	_ =	shalt  }
0x5f: {  	_ =	shalt  }
0x60: {  	_ =	shalt  }
0x61: {  	_ =	shalt  }
0x62: {  	_ =	shalt  }
0x63: {  	_ =	shalt  }
0x64: {  	_ =	shalt  }
0x65: {  	_ =	shalt  }
0x66: {  	_ =	shalt  }
0x67: {  	_ =	shalt  }
0x68: {  	_ =	shalt  }
0x69: {  	_ =	shalt  }
0x6a: {  	_ =	shalt  }
0x6b: {  	_ =	shalt  }
0x6c: {  	_ =	shalt  }
0x6d: {  	_ =	shalt  }
0x6e: {  	_ =	shalt  }
0x6f: {  	_ =	shalt  }
0x70: {  	_ =	shalt  }
0x71: {  	_ =	shalt  }
0x72: {  	_ =	shalt  }
0x73: {  	_ =	shalt  }
0x74: {  	_ =	shalt  }
0x75: {  	_ =	shalt  }
0x76: {  	_ =	shalt  }
0x77: {  	_ =	shalt  }
0x78: {  	_ =	shalt  }
0x79: {  	_ =	shalt  }
0x7a: {  	_ =	shalt  }
0x7b: {  	_ =	shalt  }
0x7c: {  	_ =	shalt  }
0x7d: {  	_ =	shalt  }
0x7e: {  	_ =	shalt  }
0x7f: {  	_ =	shalt  }
0x80: {  	_ =	shalt  }
0x81: {  	_ =	shalt  }
0x82: {  	_ =	shalt  }
0x83: {  	_ =	shalt  }
0x84: {  	_ =	shalt  }
0x85: {  	_ =	shalt  }
0x86: {  	_ =	shalt  }
0x87: {  	_ =	shalt  }
.Lfunc_end0:
.L_simem_size_0:
called_computation.2_lowered:
.L_overlay_start_0:
0x88: {  	s2 =	sld [smem:$0x3FD9]  }
0x89: {  	s3 =	sld [smem:$0x3FFE];
	_ =	sdelay $0x1  }
0x8a: {  	s1 =	srdreg.scid  }
0x8b: {  	s0 =	sand.u32 $0x1, s1  }
0x8c: {  	s17 =	sshll.u32 s0, $0xA;
	s2 =	sadd.s32 s3, s2  }
0x8d: {  	s2 =	sadd.s32 s2, s17  }
0x8e: {  	[smem:$0x3FC0] =	sst s2  }
0x8f: {  	_ = 	snop  }
0x90: {  	s2 =	sld [smem:$0x3FD0];
	(tm) =	ssettm $0x1  }
0x91: {  	s18 =	sld [smem:$0x3FFB];
	_ =	sdelay $0x3  }
0x92: {  	_ =	strace s18  }
0x93: {  	s3 =	sld [smem:$0x3FFC];
	_ =	sdelay $0x3  }
0x94: {  	_ =	strace s3  }
0x95: {  	s3 =	sld [smem:$0x3FFD];
	_ =	sdelay $0x3  }
0x96: {  	_ =	strace s3  }
0x97: {  	_ =	strace $0x8FFFFFFF  }
0x98: {  	s19 =	sld [smem:$0x3FDB];
	_ =	sdelay $0x1  }
0x99: {  	s4 =	simm.s32 $_scs_section_size  }
0x9a: {  	s5 =	simm.s32 $_size__tile_overlayer_lowered;
	s6 =	simm.s32 $_tile_overlayer_lowered  }
0x9b: {  	s22 =	simm.s32 $0x1BFF;
	s21 =	sshll.u32 s6, $0x1;
	s3 =	sadd.s32 s4, s19  }
0x9c: {  	s7 =	simm.s32 $0x0;
	s20 =	sshll.u32 s5, $0x1;
	s5 =	sadd.s32 s21, s3  }
0x9d: {  	[timem:s7], [sflag:s22] =	dma.local [hbm:s5], s20  }
0x9e: {  	_ =	swait.ge [sflag:s22], s20  }
0x9f: {  	s4 =	ssub.s32 $0x0, s20;
	[sflag:s22] =	ssyncset.done $0x0  }
0xa0: {  	[sflag:s22] =	ssyncadd.s32 s4;
	_ =	sdelay $0x1  }
0xa1: {  	s23 =	simm.s32 $0x1B8B  }
0xa2: {  	_ =	swait.ge [sflag:s23], $0x1  }
0xa3: {  	[sflag:s23] =	ssyncset.done $0x0  }
0xa4: {  	s25 =	simm.s32 $0x1B8E;
	s24 =	sld [smem:$0x3FFE];
	[sflag:s23] =	ssyncadd.s32 $0xFFFFFFFF  }
0xa5: {  	s26 =	simm.s32 $execute0_lowered;
	[smem:$0x3FD2] =	sst s25  }
0xa6: {  	s5 =	sshll.u32 s26, $0x1;
	_ =	strace $0x8000004C;
	[dreg:$0x1] =	wrdreg $0xFFFFFFFF  }
0xa7: {  	s28 =	simm.s32 $_size_execute0_lowered;
	s3 =	sadd.s32 s3, s5;
	[dreg:$0x0] =	wrdreg $0x0  }
0xa8: {  	s5 =	sshll.u32 s28, $0x1;
	[dreg:$0x2] =	wrdreg s3  }
0xa9: {  	[dreg:$0x3] =	wrdreg s5  }
0xaa: {  	[dreg:$0x4] =	wrdreg $0xC0  }
0xab: {  	_ =	task [dreg:s7], $0x5FFFF  }
0xac: {  	[dreg:$0x1] =	wrdreg $0xFFFFFFFF  }
0xad: {  	[dreg:$0x0] =	wrdreg $0x60  }
0xae: {  	[dreg:$0x2] =	wrdreg s2  }
0xaf: {  	[dreg:$0x3] =	wrdreg s24  }
0xb0: {  	[dreg:$0x4] =	wrdreg $0xB4000  }
0xb1: {  	[dreg:$0x5] =	wrdreg $0x9  }
0xb2: {  	_ =	task.clear_ibuf [dreg:s7], $0x6FFFF;
	_ =	strace $0x9000004C  }
0xb3: {  	s29 =	simm.s32 $0x9;
	_ =	strace $0x8000004E  }
0xb4: {  	_ =	swait.ge [sflag:s29], $0x1  }
0xb5: {  	[sflag:s29] =	ssyncadd.s32 $0xFFFFFFFF  }
0xb6: {  	_ =	strace $0x9000004E  }
0xb7: {  	_ =	sfence  }
0xb8: {  	s30 =	sld [smem:$0x0];
	_ =	sdelay $0x2  }
0xb9: {  	s31 =	sshll.u32 s1, $0xD;
	s1 =	sshrl.u32 s1, $0x2  }
0xba: {  	s3 =	sand.u32 $0x4000, s31;
	s1 =	sadd.s32 s1, s30  }
0xbb: {  	s0 =	sor.u32 s3, s0;
	s1 =	sshll.u32 s1, $0x11  }
0xbc: {  	s0 =	sor.u32 s1, s0  }
0xbd: {  	s0 =	sadd.s32 $0x8F2B, s0  }
0xbe: {  	[sflag:s0] =	ssyncadd.remote.s32 $0x1  }
0xbf: {  	_ =	sfence.sel $0xFFFF  }
0xc0: {  	[dreg:$0x0] =	wrdreg $0xFFFFFFFF;
	(pc) =	sbr.abs _section_cstart, $3  }
0xc1: {  	[dreg:$0x1] =	wrdreg $0xFFFFFFFF  }
0xc2: {  	_ =	task.clear_ibuf [dreg:s7], $0x2FFFF;
	_ =	strace $0x9FFFFFFF  }
0xc3: {  	(tm) =	ssettm $0x7FFFFFFF  }
tec
execute0_lowered:
.L_overlay_start_1:
0x0: {  	(tag) =	ssettag $0x1  }
0x1: {  	s1 =	rddreg [dreg:$0x0]  }
0x2: {  	s0 =	rddreg [dreg:$0x1]  }
0x3: {  	s3 =	rddreg [dreg:$0x2]  }
0x4: {  	s2 =	srdreg.scid;
	s4 =	simm.s32 $0x0;
	s13 =	stileid.u32  }
0x5: {  	s16 =	simm.s32 $0x50;
	s17 =	simm.s32 $0x500;
	s18 =	simm.s32 $0x1400  }
0x6: {  	s28 =	simm.s32 $0x2;
	s30 =	simm.s32 $0x5;
	s31 =	simm.s32 $0xD70  }
0x7: {  	s14 =	simm.s32 $0xEB0;
	s15 =	simm.s32 $0x0;
	s2 =	sand.u32 $0x1, s2  }
0x8: {  	[smem:$0x7FF] =	sst s4;
	s5 =	smul.u32 $0x13C00, s13;
	s8 =	sadd.s32 $0x3800, s0  }
0x9: {  	s9 =	sadd.s32 $0xD800, s0;
	s12 =	smul.u32 $0x2800, s13;
	s29 =	sshll.u32 s13, $0x6  }
0xa: {  	s6 =	sshll.u32 s2, $0x4;
	_ =	strace $0x8000004D;
	s7 =	smul.u32 $0x13C000, s2  }
0xb: {  	s11 =	smul.u32 $0x28000, s2;
	s2 =	ssub.s32 $0x2, s2;
	s6 =	sor.u32 s13, s6  }
0xc: {  	s10 =	sshrl.u32 s5, $0x3;
	s19 =	sshrl.u32 s2, $0x1;
	s13 =	simm.s32 $0xDC0  }
0xd: {  	s6 =	smul.u32 $0x2800, s6;
	s7 =	sadd.s32 s5, s7;
	s10 =	sadd.s32 s10, s0  }
0xe: {  	s2 =	ssub.s32 s2, s19;
	s20 =	sadd.s32 s12, s11;
	s5 =	sadd.s32 s5, s3  }
0xf: {  	s19 =	simm.s32 $0xB;
	s11 =	simm.s32 $0x8;
	s7 =	sshrl.u32 s7, $0x3  }
0x10: {  	s22 =	sor.u32 $0x500, s20;
	s23 =	sadd.s32 $0x18000, s10;
	s24 =	smax.u32 s2, $0x1  }
0x11: {  	s20 =	simm.s32 $0x3C00;
	s2 =	simm.s32 $0x460;
	[dreg:$0x6] =	wrdreg s23  }
0x12: {  	s6 =	sshrl.u32 s6, $0x3;
	[dreg:$0x8] =	wrdreg s24;
	s23 =	sor.u32 $0x1C0B, s29  }
0x13: {  	s10 =	simm.s32 $0xE60;
	s21 =	sadd.s32 s8, s6;
	[dreg:$0xb] =	wrdreg s23  }
0x14: {  	s0 =	sadd.s32 s7, s0;
	s6 =	sadd.s32 s9, s6;
	[dreg:$0x4] =	wrdreg s21  }
0x15: {  	s24 =	simm.s32 $0x8C00;
	s0 =	sadd.s32 $0x3F800, s0;
	[dreg:$0x5] =	wrdreg s6  }
0x16: {  	s7 =	simm.s32 $0x4;
	s6 =	sshrl.u32 s22, $0x3;
	[dreg:$0x7] =	wrdreg s0  }
.Ltmp0:
0x17: {  	s21 =	sshrl.u32 s5, $0x3;
	s22 =	simm.s32 $0x6400;
	(pc) =	sbr.rel .LBB2_1-.Ltmp0, $4  }
0x18: {  	s0 =	simm.s32 $0x3;
	s5 =	simm.s32 $0x6;
	s25 =	sadd.s32 s6, s9  }
0x19: {  	s26 =	sadd.s32 s6, s8;
	s9 =	simm.s32 $0x7;
	[dreg:$0xc] =	wrdreg s21  }
0x1a: {  	s6 =	simm.s32 $0x4B0;
	s8 =	simm.s32 $0xE10;
	[dreg:$0x9] =	wrdreg s25  }
0x1b: {  	[dreg:$0xa] =	wrdreg s26;
	s25 =	simm.s32 $0x1;
	s26 =	simm.s32 $0xF00  }
.LBB2_6:
0x1c: {  	[bflag:$0x0] =	sbarrier.arrive $0xFFFF  }
0x1d: {  	s12 =	rddreg [dreg:$0x7]  }
0x1e: {  	s23 =	rddreg [dreg:$0xb]  }
0x1f: {  	s19 =	simm.s32 $0xB;
	s21 =	rddreg [dreg:$0xc]  }
0x20: {  	[hbm:s12], [sflag:s23] =	dma.local [spmem:s21], $0x2780  }
0x21: {  	_ =	swait.ge [sflag:s19], $0x2780  }
0x22: {  	s15 =	sadd.s32 $0x1, s15;
	s29 =	rddreg [dreg:$0x8]  }
0x23: {  	p0 =	sne.s32 s15, s29  }
.Ltmp1:
0x24: {  	_ = 	snop;
	(pc) =	sbr.rel @!p0 .LBB2_7-.Ltmp1, $3  }
0x25: {  	_ =	sdelay $0x1  }
0x26: {  	[sflag:s19] =	ssyncset.done $0x0  }
0x27: {  	[sflag:s19] =	ssyncadd.s32 $0xFFFFD880  }
.LBB2_1:
0x28: {  	s12 =	rddreg [dreg:$0x4]  }
0x29: {  	[tilespmem:s4], [sflag:$0xB] =	stream.linear.gather [hbm4b:s12+s4], $0x500, $0x38;
	[tilespmem:$0x1F000] =	vst v63  }
0x2a: {  	_ =	swait.ge [sflag:s19], $0x500  }
0x2b: {  	s29 =	smov.u32 s21;
	[sflag:s19] =	ssyncset.done $0x0  }
0x2c: {  	s21 =	simm.s32 $0xA00;
	s12 =	rddreg [dreg:$0x5];
	[sflag:s19] =	ssyncadd.s32 $0xFFFFFB00  }
0x2d: {  	[tilespmem:s21], [sflag:$0xB] =	stream.linear.gather [hbm4b:s12+s4], $0x500, $0x38;
	[tilespmem:$0x1F000] =	vst v63  }
0x2e: {  	_ =	swait.ge [sflag:s19], $0x500  }
0x2f: {  	[sflag:s19] =	ssyncset.done $0x0  }
0x30: {  	s21 =	rddreg [dreg:$0x6];
	[sflag:s19] =	ssyncadd.s32 $0xFFFFFB00  }
0x31: {  	[spmem:s29], [sflag:s23] =	dma.local [hbm:s21], $0x2780  }
0x32: {  	_ =	swait.ge [sflag:s19], $0x2780  }
.Ltmp2:
0x33: {  	[sflag:s19] =	ssyncset.done $0x0;
	(pc) =	sbr.rel .LBB2_2-.Ltmp2, $4  }
0x34: {  	[sflag:s19] =	ssyncadd.s32 $0xFFFFD880  }
0x35: {  	[bflag:$0x0] =	sbarrier.arrive $0xFFFF  }
0x36: {  	s19 =	rddreg [dreg:$0xa]  }
0x37: {  	s21 =	simm.s32 $0x0;
	s12 =	rddreg [dreg:$0x9]  }
.LBB2_3:
0x38: {  	[tilespmem:s17], [sflag:$0xA] =	stream.linear.gather [hbm4b:s19+s4], $0x500, $0x38;
	[tilespmem:$0x1F000] =	vst v63  }
0x39: {  	_ = 	snop  }
0x3a: {  	[tilespmem:s26], [sflag:$0xA] =	stream.linear.gather [hbm4b:s12+s4], $0x500, $0x38;
	[tilespmem:$0x1F000] =	vst v63  }
0x3b: {  	_ = 	snop  }
0x3c: {  	[tilespmem:s18], [sflag:$0x1] =	stream.indirect.gather [hbm4b:s1+s16], $0x80, s4, s16, $0xb8;
	[tilespmem:$0x1F000] =	vst v63  }
0x3d: {  	_ = 	snop  }
0x3e: {  	[tilespmem:s20], [sflag:$0x2] =	stream.indirect.gather [hbm4b:s1+s16], $0x80, s16, s16, $0xb8;
	[tilespmem:$0x1F000] =	vst v63  }
0x3f: {  	s23 =	simm.s32 $0xA0  }
0x40: {  	[tilespmem:s22], [sflag:$0x3] =	stream.indirect.gather [hbm4b:s1+s16], $0x80, s23, s16, $0xb8;
	[tilespmem:$0x1F000] =	vst v63  }
0x41: {  	s29 =	simm.s32 $0xF0  }
0x42: {  	[tilespmem:s24], [sflag:$0x4] =	stream.indirect.gather [hbm4b:s1+s16], $0x80, s29, s16, $0xb8;
	[tilespmem:$0x1F000] =	vst v63  }
0x43: {  	_ =	swait.ge [sflag:s25], $0x2800  }
0x44: {  	[sflag:s25] =	ssyncset.done $0x0  }
0x45: {  	s29 =	simm.s32 $0xA00;
	[sflag:s25] =	ssyncadd.s32 $0xFFFFD800  }
0x46: {  	[spmem:s3] =	stream.indirect.scatter.add.f32 [tilespmem:s18], [sflag:$0x5], $0x80, s29, s16, $0xb8;
	[tilespmem:$0x1F000] =	vst v63  }
0x47: {  	_ =	swait.ge [sflag:s28], $0x2800  }
0x48: {  	[sflag:s28] =	ssyncset.done $0x0  }
0x49: {  	s29 =	simm.s32 $0xA50;
	[sflag:s28] =	ssyncadd.s32 $0xFFFFD800  }
0x4a: {  	[spmem:s3] =	stream.indirect.scatter.add.f32 [tilespmem:s20], [sflag:$0x6], $0x80, s29, s16, $0xb8;
	[tilespmem:$0x1F000] =	vst v63  }
0x4b: {  	_ =	swait.ge [sflag:s30], $0x2800  }
0x4c: {  	[sflag:s30] =	ssyncset.done $0x0  }
0x4d: {  	s29 =	simm.s32 $0x140;
	[sflag:s30] =	ssyncadd.s32 $0xFFFFD800  }
0x4e: {  	[tilespmem:s18], [sflag:$0x1] =	stream.indirect.gather [hbm4b:s1+s16], $0x80, s29, s16, $0xb8;
	[tilespmem:$0x1F000] =	vst v63  }
0x4f: {  	_ =	swait.ge [sflag:s0], $0x2800  }
0x50: {  	[sflag:s0] =	ssyncset.done $0x0  }
0x51: {  	s29 =	simm.s32 $0xAA0;
	[sflag:s0] =	ssyncadd.s32 $0xFFFFD800  }
0x52: {  	[spmem:s3] =	stream.indirect.scatter.add.f32 [tilespmem:s22], [sflag:$0x7], $0x80, s29, s16, $0xb8;
	[tilespmem:$0x1F000] =	vst v63  }
0x53: {  	_ =	swait.ge [sflag:s5], $0x2800  }
0x54: {  	[sflag:s5] =	ssyncset.done $0x0  }
0x55: {  	s29 =	simm.s32 $0x190;
	[sflag:s5] =	ssyncadd.s32 $0xFFFFD800  }
0x56: {  	[tilespmem:s20], [sflag:$0x2] =	stream.indirect.gather [hbm4b:s1+s16], $0x80, s29, s16, $0xb8;
	[tilespmem:$0x1F000] =	vst v63  }
0x57: {  	_ =	swait.ge [sflag:s7], $0x2800  }
0x58: {  	[sflag:s7] =	ssyncset.done $0x0  }
0x59: {  	s29 =	simm.s32 $0xAF0;
	[sflag:s7] =	ssyncadd.s32 $0xFFFFD800  }
0x5a: {  	[spmem:s3] =	stream.indirect.scatter.add.f32 [tilespmem:s24], [sflag:$0x8], $0x80, s29, s16, $0xb8;
	[tilespmem:$0x1F000] =	vst v63  }
0x5b: {  	_ =	swait.ge [sflag:s9], $0x2800  }
0x5c: {  	[sflag:s9] =	ssyncset.done $0x0  }
0x5d: {  	s29 =	simm.s32 $0x1E0;
	[sflag:s9] =	ssyncadd.s32 $0xFFFFD800  }
0x5e: {  	[tilespmem:s22], [sflag:$0x3] =	stream.indirect.gather [hbm4b:s1+s16], $0x80, s29, s16, $0xb8;
	[tilespmem:$0x1F000] =	vst v63  }
0x5f: {  	_ =	swait.ge [sflag:s11], $0x2800  }
0x60: {  	[sflag:s11] =	ssyncset.done $0x0  }
0x61: {  	s29 =	simm.s32 $0x230;
	[sflag:s11] =	ssyncadd.s32 $0xFFFFD800  }
0x62: {  	[tilespmem:s24], [sflag:$0x4] =	stream.indirect.gather [hbm4b:s1+s16], $0x80, s29, s16, $0xb8;
	[tilespmem:$0x1F000] =	vst v63  }
0x63: {  	_ =	swait.ge [sflag:s25], $0x2800  }
0x64: {  	[sflag:s25] =	ssyncset.done $0x0  }
0x65: {  	s29 =	simm.s32 $0xB40;
	[sflag:s25] =	ssyncadd.s32 $0xFFFFD800  }
0x66: {  	[spmem:s3] =	stream.indirect.scatter.add.f32 [tilespmem:s18], [sflag:$0x5], $0x80, s29, s16, $0xb8;
	[tilespmem:$0x1F000] =	vst v63  }
0x67: {  	_ =	swait.ge [sflag:s28], $0x2800  }
0x68: {  	[sflag:s28] =	ssyncset.done $0x0  }
0x69: {  	s29 =	simm.s32 $0xB90;
	[sflag:s28] =	ssyncadd.s32 $0xFFFFD800  }
0x6a: {  	[spmem:s3] =	stream.indirect.scatter.add.f32 [tilespmem:s20], [sflag:$0x6], $0x80, s29, s16, $0xb8;
	[tilespmem:$0x1F000] =	vst v63  }
0x6b: {  	_ =	swait.ge [sflag:s30], $0x2800  }
0x6c: {  	[sflag:s30] =	ssyncset.done $0x0  }
0x6d: {  	s29 =	simm.s32 $0x280;
	[sflag:s30] =	ssyncadd.s32 $0xFFFFD800  }
0x6e: {  	[tilespmem:s18], [sflag:$0x1] =	stream.indirect.gather [hbm4b:s1+s16], $0x80, s29, s16, $0xb8;
	[tilespmem:$0x1F000] =	vst v63  }
0x6f: {  	_ =	swait.ge [sflag:s0], $0x2800  }
0x70: {  	[sflag:s0] =	ssyncset.done $0x0  }
0x71: {  	s29 =	simm.s32 $0xBE0;
	[sflag:s0] =	ssyncadd.s32 $0xFFFFD800  }
0x72: {  	[spmem:s3] =	stream.indirect.scatter.add.f32 [tilespmem:s22], [sflag:$0x7], $0x80, s29, s16, $0xb8;
	[tilespmem:$0x1F000] =	vst v63  }
0x73: {  	_ =	swait.ge [sflag:s5], $0x2800  }
0x74: {  	[sflag:s5] =	ssyncset.done $0x0  }
0x75: {  	s29 =	simm.s32 $0x2D0;
	[sflag:s5] =	ssyncadd.s32 $0xFFFFD800  }
0x76: {  	[tilespmem:s20], [sflag:$0x2] =	stream.indirect.gather [hbm4b:s1+s16], $0x80, s29, s16, $0xb8;
	[tilespmem:$0x1F000] =	vst v63  }
0x77: {  	_ =	swait.ge [sflag:s7], $0x2800  }
0x78: {  	[sflag:s7] =	ssyncset.done $0x0  }
0x79: {  	s29 =	simm.s32 $0xC30;
	[sflag:s7] =	ssyncadd.s32 $0xFFFFD800  }
0x7a: {  	[spmem:s3] =	stream.indirect.scatter.add.f32 [tilespmem:s24], [sflag:$0x8], $0x80, s29, s16, $0xb8;
	[tilespmem:$0x1F000] =	vst v63  }
0x7b: {  	_ =	swait.ge [sflag:s9], $0x2800  }
0x7c: {  	[sflag:s9] =	ssyncset.done $0x0  }
0x7d: {  	s29 =	simm.s32 $0x320;
	[sflag:s9] =	ssyncadd.s32 $0xFFFFD800  }
0x7e: {  	[tilespmem:s22], [sflag:$0x3] =	stream.indirect.gather [hbm4b:s1+s16], $0x80, s29, s16, $0xb8;
	[tilespmem:$0x1F000] =	vst v63  }
0x7f: {  	_ =	swait.ge [sflag:s11], $0x2800  }
0x80: {  	[sflag:s11] =	ssyncset.done $0x0  }
0x81: {  	s29 =	simm.s32 $0x370;
	[sflag:s11] =	ssyncadd.s32 $0xFFFFD800  }
0x82: {  	[tilespmem:s24], [sflag:$0x4] =	stream.indirect.gather [hbm4b:s1+s16], $0x80, s29, s16, $0xb8;
	[tilespmem:$0x1F000] =	vst v63  }
0x83: {  	_ =	swait.ge [sflag:s25], $0x2800  }
0x84: {  	[sflag:s25] =	ssyncset.done $0x0  }
0x85: {  	s29 =	simm.s32 $0xC80;
	[sflag:s25] =	ssyncadd.s32 $0xFFFFD800  }
0x86: {  	[spmem:s3] =	stream.indirect.scatter.add.f32 [tilespmem:s18], [sflag:$0x5], $0x80, s29, s16, $0xb8;
	[tilespmem:$0x1F000] =	vst v63  }
0x87: {  	_ =	swait.ge [sflag:s28], $0x2800  }
0x88: {  	[sflag:s28] =	ssyncset.done $0x0  }
0x89: {  	s29 =	simm.s32 $0xCD0;
	[sflag:s28] =	ssyncadd.s32 $0xFFFFD800  }
0x8a: {  	[spmem:s3] =	stream.indirect.scatter.add.f32 [tilespmem:s20], [sflag:$0x6], $0x80, s29, s16, $0xb8;
	[tilespmem:$0x1F000] =	vst v63  }
0x8b: {  	_ =	swait.ge [sflag:s30], $0x2800  }
0x8c: {  	[sflag:s30] =	ssyncset.done $0x0  }
0x8d: {  	s29 =	simm.s32 $0x3C0;
	[sflag:s30] =	ssyncadd.s32 $0xFFFFD800  }
0x8e: {  	[tilespmem:s18], [sflag:$0x1] =	stream.indirect.gather [hbm4b:s1+s16], $0x80, s29, s16, $0xb8;
	[tilespmem:$0x1F000] =	vst v63  }
0x8f: {  	_ =	swait.ge [sflag:s0], $0x2800  }
0x90: {  	[sflag:s0] =	ssyncset.done $0x0  }
0x91: {  	s29 =	simm.s32 $0xD20;
	[sflag:s0] =	ssyncadd.s32 $0xFFFFD800  }
0x92: {  	[spmem:s3] =	stream.indirect.scatter.add.f32 [tilespmem:s22], [sflag:$0x7], $0x80, s29, s16, $0xb8;
	[tilespmem:$0x1F000] =	vst v63  }
0x93: {  	_ =	swait.ge [sflag:s5], $0x2800  }
0x94: {  	[sflag:s5] =	ssyncset.done $0x0  }
0x95: {  	s29 =	simm.s32 $0x410;
	[sflag:s5] =	ssyncadd.s32 $0xFFFFD800  }
0x96: {  	[tilespmem:s20], [sflag:$0x2] =	stream.indirect.gather [hbm4b:s1+s16], $0x80, s29, s16, $0xb8;
	[tilespmem:$0x1F000] =	vst v63  }
0x97: {  	_ =	swait.ge [sflag:s7], $0x2800  }
0x98: {  	[sflag:s7] =	ssyncset.done $0x0  }
0x99: {  	[sflag:s7] =	ssyncadd.s32 $0xFFFFD800  }
0x9a: {  	[spmem:s3] =	stream.indirect.scatter.add.f32 [tilespmem:s24], [sflag:$0x8], $0x80, s31, s16, $0xb8;
	[tilespmem:$0x1F000] =	vst v63  }
0x9b: {  	_ =	swait.ge [sflag:s9], $0x2800  }
0x9c: {  	[sflag:s9] =	ssyncset.done $0x0  }
0x9d: {  	[sflag:s9] =	ssyncadd.s32 $0xFFFFD800  }
0x9e: {  	[tilespmem:s22], [sflag:$0x3] =	stream.indirect.gather [hbm4b:s1+s16], $0x80, s2, s16, $0xb8;
	[tilespmem:$0x1F000] =	vst v63  }
0x9f: {  	_ =	swait.ge [sflag:s11], $0x2800  }
0xa0: {  	[sflag:s11] =	ssyncset.done $0x0  }
0xa1: {  	[sflag:s11] =	ssyncadd.s32 $0xFFFFD800  }
0xa2: {  	[tilespmem:s24], [sflag:$0x4] =	stream.indirect.gather [hbm4b:s1+s16], $0x80, s6, s16, $0xb8;
	[tilespmem:$0x1F000] =	vst v63  }
0xa3: {  	_ =	swait.ge [sflag:s25], $0x2800  }
0xa4: {  	[sflag:s25] =	ssyncset.done $0x0  }
0xa5: {  	[sflag:s25] =	ssyncadd.s32 $0xFFFFD800  }
0xa6: {  	[spmem:s3] =	stream.indirect.scatter.add.f32 [tilespmem:s18], [sflag:$0x5], $0x80, s13, s16, $0xb8;
	[tilespmem:$0x1F000] =	vst v63  }
0xa7: {  	_ =	swait.ge [sflag:s28], $0x2800  }
0xa8: {  	[sflag:s28] =	ssyncset.done $0x0  }
0xa9: {  	[sflag:s28] =	ssyncadd.s32 $0xFFFFD800  }
0xaa: {  	[spmem:s3] =	stream.indirect.scatter.add.f32 [tilespmem:s20], [sflag:$0x6], $0x80, s8, s16, $0xb8;
	[tilespmem:$0x1F000] =	vst v63  }
0xab: {  	_ =	swait.ge [sflag:s30], $0x2800  }
0xac: {  	[sflag:s30] =	ssyncset.done $0x0  }
0xad: {  	[sflag:s30] =	ssyncadd.s32 $0xFFFFD800  }
0xae: {  	_ =	swait.ge [sflag:s0], $0x2800  }
0xaf: {  	[sflag:s0] =	ssyncset.done $0x0  }
0xb0: {  	[sflag:s0] =	ssyncadd.s32 $0xFFFFD800  }
0xb1: {  	[spmem:s3] =	stream.indirect.scatter.add.f32 [tilespmem:s22], [sflag:$0x7], $0x80, s10, s16, $0xb8;
	[tilespmem:$0x1F000] =	vst v63  }
0xb2: {  	_ =	swait.ge [sflag:s5], $0x2800  }
0xb3: {  	[sflag:s5] =	ssyncset.done $0x0  }
0xb4: {  	[sflag:s5] =	ssyncadd.s32 $0xFFFFD800  }
0xb5: {  	_ =	swait.ge [sflag:s7], $0x2800  }
0xb6: {  	[sflag:s7] =	ssyncset.done $0x0  }
0xb7: {  	[sflag:s7] =	ssyncadd.s32 $0xFFFFD800  }
0xb8: {  	[spmem:s3] =	stream.indirect.scatter.add.f32 [tilespmem:s24], [sflag:$0x8], $0x80, s14, s16, $0xb8;
	[tilespmem:$0x1F000] =	vst v63  }
0xb9: {  	_ =	swait.ge [sflag:s9], $0x2800  }
0xba: {  	[sflag:s9] =	ssyncset.done $0x0  }
0xbb: {  	[sflag:s9] =	ssyncadd.s32 $0xFFFFD800  }
0xbc: {  	_ =	swait.ge [sflag:s11], $0x2800  }
0xbd: {  	[sflag:s11] =	ssyncset.done $0x0  }
0xbe: {  	s23 =	simm.s32 $0xA;
	[sflag:s11] =	ssyncadd.s32 $0xFFFFD800  }
.LBB2_5:
0xbf: {  	s21 =	sadd.s32 $0x1, s21  }
0xc0: {  	_ =	swait.ge [sflag:s23], $0x500;
	p0 =	sne.s32 s21, $0x8  }
.Ltmp3:
0xc1: {  	[sflag:s23] =	ssyncset.done $0x0;
	(pc) =	sbr.rel @!p0 .LBB2_6-.Ltmp3, $4  }
0xc2: {  	[sflag:s23] =	ssyncadd.s32 $0xFFFFFB00  }
0xc3: {  	_ =	swait.ge [sflag:s23], $0x500  }
0xc4: {  	[sflag:s23] =	ssyncset.done $0x0  }
0xc5: {  	s12 =	sadd.s32 $0xA0, s12;
	s19 =	sadd.s32 $0xA0, s19;
	[sflag:s23] =	ssyncadd.s32 $0xFFFFFB00  }
.LBB2_2:
0xc6: {  	s23 =	sand.u32 $0x1, s21  }
0xc7: {  	p0 =	seq.s32 s23, $0x1  }
.Ltmp4:
0xc8: {  	_ = 	snop;
	(pc) =	sbr.rel @!p0 .LBB2_3-.Ltmp4, $1  }
0xc9: {  	_ =	sdelay $0x3  }
0xca: {  	p0 =	seq.s32 s21, $0x7  }
0xcb: {  	s23 =	simm.s32 @!p0 $0x0  }
0xcc: {  	[tilespmem:s23], [sflag:$0x9] =	stream.linear.gather @!p0 [hbm4b:s19+s23], $0x500, $0x38;
	[tilespmem:$0x1F000] =	vst v63  }
0xcd: {  	s29 =	simm.s32 @!p0 $0xA00  }
0xce: {  	[tilespmem:s29], [sflag:$0x9] =	stream.linear.gather @!p0 [hbm4b:s12+s23], $0x500, $0x38;
	[tilespmem:$0x1F000] =	vst v63  }
0xcf: {  	_ = 	snop  }
0xd0: {  	[tilespmem:s18], [sflag:$0x1] =	stream.indirect.gather [hbm4b:s1+s16], $0x80, s17, s16, $0xb8;
	[tilespmem:$0x1F000] =	vst v63  }
0xd1: {  	s29 =	simm.s32 $0x550  }
0xd2: {  	[tilespmem:s20], [sflag:$0x2] =	stream.indirect.gather [hbm4b:s1+s16], $0x80, s29, s16, $0xb8;
	[tilespmem:$0x1F000] =	vst v63  }
0xd3: {  	s29 =	simm.s32 $0x5A0  }
0xd4: {  	[tilespmem:s22], [sflag:$0x3] =	stream.indirect.gather [hbm4b:s1+s16], $0x80, s29, s16, $0xb8;
	[tilespmem:$0x1F000] =	vst v63  }
0xd5: {  	s29 =	simm.s32 $0x5F0  }
0xd6: {  	[tilespmem:s24], [sflag:$0x4] =	stream.indirect.gather [hbm4b:s1+s16], $0x80, s29, s16, $0xb8;
	[tilespmem:$0x1F000] =	vst v63  }
0xd7: {  	_ =	swait.ge [sflag:s25], $0x2800  }
0xd8: {  	[sflag:s25] =	ssyncset.done $0x0  }
0xd9: {  	[sflag:s25] =	ssyncadd.s32 $0xFFFFD800  }
0xda: {  	[spmem:s3] =	stream.indirect.scatter.add.f32 [tilespmem:s18], [sflag:$0x5], $0x80, s26, s16, $0xb8;
	[tilespmem:$0x1F000] =	vst v63  }
0xdb: {  	_ =	swait.ge [sflag:s28], $0x2800  }
0xdc: {  	[sflag:s28] =	ssyncset.done $0x0  }
0xdd: {  	s29 =	simm.s32 $0xF50;
	[sflag:s28] =	ssyncadd.s32 $0xFFFFD800  }
0xde: {  	[spmem:s3] =	stream.indirect.scatter.add.f32 [tilespmem:s20], [sflag:$0x6], $0x80, s29, s16, $0xb8;
	[tilespmem:$0x1F000] =	vst v63  }
0xdf: {  	_ =	swait.ge [sflag:s30], $0x2800  }
0xe0: {  	[sflag:s30] =	ssyncset.done $0x0  }
0xe1: {  	s29 =	simm.s32 $0x640;
	[sflag:s30] =	ssyncadd.s32 $0xFFFFD800  }
0xe2: {  	[tilespmem:s18], [sflag:$0x1] =	stream.indirect.gather [hbm4b:s1+s16], $0x80, s29, s16, $0xb8;
	[tilespmem:$0x1F000] =	vst v63  }
0xe3: {  	_ =	swait.ge [sflag:s0], $0x2800  }
0xe4: {  	[sflag:s0] =	ssyncset.done $0x0  }
0xe5: {  	s29 =	simm.s32 $0xFA0;
	[sflag:s0] =	ssyncadd.s32 $0xFFFFD800  }
0xe6: {  	[spmem:s3] =	stream.indirect.scatter.add.f32 [tilespmem:s22], [sflag:$0x7], $0x80, s29, s16, $0xb8;
	[tilespmem:$0x1F000] =	vst v63  }
0xe7: {  	_ =	swait.ge [sflag:s5], $0x2800  }
0xe8: {  	[sflag:s5] =	ssyncset.done $0x0  }
0xe9: {  	s29 =	simm.s32 $0x690;
	[sflag:s5] =	ssyncadd.s32 $0xFFFFD800  }
0xea: {  	[tilespmem:s20], [sflag:$0x2] =	stream.indirect.gather [hbm4b:s1+s16], $0x80, s29, s16, $0xb8;
	[tilespmem:$0x1F000] =	vst v63  }
0xeb: {  	_ =	swait.ge [sflag:s7], $0x2800  }
0xec: {  	[sflag:s7] =	ssyncset.done $0x0  }
0xed: {  	s29 =	simm.s32 $0xFF0;
	[sflag:s7] =	ssyncadd.s32 $0xFFFFD800  }
0xee: {  	[spmem:s3] =	stream.indirect.scatter.add.f32 [tilespmem:s24], [sflag:$0x8], $0x80, s29, s16, $0xb8;
	[tilespmem:$0x1F000] =	vst v63  }
0xef: {  	_ =	swait.ge [sflag:s9], $0x2800  }
0xf0: {  	[sflag:s9] =	ssyncset.done $0x0  }
0xf1: {  	s29 =	simm.s32 $0x6E0;
	[sflag:s9] =	ssyncadd.s32 $0xFFFFD800  }
0xf2: {  	[tilespmem:s22], [sflag:$0x3] =	stream.indirect.gather [hbm4b:s1+s16], $0x80, s29, s16, $0xb8;
	[tilespmem:$0x1F000] =	vst v63  }
0xf3: {  	_ =	swait.ge [sflag:s11], $0x2800  }
0xf4: {  	[sflag:s11] =	ssyncset.done $0x0  }
0xf5: {  	s29 =	simm.s32 $0x730;
	[sflag:s11] =	ssyncadd.s32 $0xFFFFD800  }
0xf6: {  	[tilespmem:s24], [sflag:$0x4] =	stream.indirect.gather [hbm4b:s1+s16], $0x80, s29, s16, $0xb8;
	[tilespmem:$0x1F000] =	vst v63  }
0xf7: {  	_ =	swait.ge [sflag:s25], $0x2800  }
0xf8: {  	[sflag:s25] =	ssyncset.done $0x0  }
0xf9: {  	s29 =	simm.s32 $0x1040;
	[sflag:s25] =	ssyncadd.s32 $0xFFFFD800  }
0xfa: {  	[spmem:s3] =	stream.indirect.scatter.add.f32 [tilespmem:s18], [sflag:$0x5], $0x80, s29, s16, $0xb8;
	[tilespmem:$0x1F000] =	vst v63  }
0xfb: {  	_ =	swait.ge [sflag:s28], $0x2800  }
0xfc: {  	[sflag:s28] =	ssyncset.done $0x0  }
0xfd: {  	s29 =	simm.s32 $0x1090;
	[sflag:s28] =	ssyncadd.s32 $0xFFFFD800  }
0xfe: {  	[spmem:s3] =	stream.indirect.scatter.add.f32 [tilespmem:s20], [sflag:$0x6], $0x80, s29, s16, $0xb8;
	[tilespmem:$0x1F000] =	vst v63  }
0xff: {  	_ =	swait.ge [sflag:s30], $0x2800  }
0x100: {  	[sflag:s30] =	ssyncset.done $0x0  }
0x101: {  	s29 =	simm.s32 $0x780;
	[sflag:s30] =	ssyncadd.s32 $0xFFFFD800  }
0x102: {  	[tilespmem:s18], [sflag:$0x1] =	stream.indirect.gather [hbm4b:s1+s16], $0x80, s29, s16, $0xb8;
	[tilespmem:$0x1F000] =	vst v63  }
0x103: {  	_ =	swait.ge [sflag:s0], $0x2800  }
0x104: {  	[sflag:s0] =	ssyncset.done $0x0  }
0x105: {  	s29 =	simm.s32 $0x10E0;
	[sflag:s0] =	ssyncadd.s32 $0xFFFFD800  }
0x106: {  	[spmem:s3] =	stream.indirect.scatter.add.f32 [tilespmem:s22], [sflag:$0x7], $0x80, s29, s16, $0xb8;
	[tilespmem:$0x1F000] =	vst v63  }
0x107: {  	_ =	swait.ge [sflag:s5], $0x2800  }
0x108: {  	[sflag:s5] =	ssyncset.done $0x0  }
0x109: {  	s29 =	simm.s32 $0x7D0;
	[sflag:s5] =	ssyncadd.s32 $0xFFFFD800  }
0x10a: {  	[tilespmem:s20], [sflag:$0x2] =	stream.indirect.gather [hbm4b:s1+s16], $0x80, s29, s16, $0xb8;
	[tilespmem:$0x1F000] =	vst v63  }
0x10b: {  	_ =	swait.ge [sflag:s7], $0x2800  }
0x10c: {  	[sflag:s7] =	ssyncset.done $0x0  }
0x10d: {  	s29 =	simm.s32 $0x1130;
	[sflag:s7] =	ssyncadd.s32 $0xFFFFD800  }
0x10e: {  	[spmem:s3] =	stream.indirect.scatter.add.f32 [tilespmem:s24], [sflag:$0x8], $0x80, s29, s16, $0xb8;
	[tilespmem:$0x1F000] =	vst v63  }
0x10f: {  	_ =	swait.ge [sflag:s9], $0x2800  }
0x110: {  	[sflag:s9] =	ssyncset.done $0x0  }
0x111: {  	s29 =	simm.s32 $0x820;
	[sflag:s9] =	ssyncadd.s32 $0xFFFFD800  }
0x112: {  	[tilespmem:s22], [sflag:$0x3] =	stream.indirect.gather [hbm4b:s1+s16], $0x80, s29, s16, $0xb8;
	[tilespmem:$0x1F000] =	vst v63  }
0x113: {  	_ =	swait.ge [sflag:s11], $0x2800  }
0x114: {  	[sflag:s11] =	ssyncset.done $0x0  }
0x115: {  	s29 =	simm.s32 $0x870;
	[sflag:s11] =	ssyncadd.s32 $0xFFFFD800  }
0x116: {  	[tilespmem:s24], [sflag:$0x4] =	stream.indirect.gather [hbm4b:s1+s16], $0x80, s29, s16, $0xb8;
	[tilespmem:$0x1F000] =	vst v63  }
0x117: {  	_ =	swait.ge [sflag:s25], $0x2800  }
0x118: {  	[sflag:s25] =	ssyncset.done $0x0  }
0x119: {  	s29 =	simm.s32 $0x1180;
	[sflag:s25] =	ssyncadd.s32 $0xFFFFD800  }
0x11a: {  	[spmem:s3] =	stream.indirect.scatter.add.f32 [tilespmem:s18], [sflag:$0x5], $0x80, s29, s16, $0xb8;
	[tilespmem:$0x1F000] =	vst v63  }
0x11b: {  	_ =	swait.ge [sflag:s28], $0x2800  }
0x11c: {  	[sflag:s28] =	ssyncset.done $0x0  }
0x11d: {  	s29 =	simm.s32 $0x11D0;
	[sflag:s28] =	ssyncadd.s32 $0xFFFFD800  }
0x11e: {  	[spmem:s3] =	stream.indirect.scatter.add.f32 [tilespmem:s20], [sflag:$0x6], $0x80, s29, s16, $0xb8;
	[tilespmem:$0x1F000] =	vst v63  }
0x11f: {  	_ =	swait.ge [sflag:s30], $0x2800  }
0x120: {  	[sflag:s30] =	ssyncset.done $0x0  }
0x121: {  	s29 =	simm.s32 $0x8C0;
	[sflag:s30] =	ssyncadd.s32 $0xFFFFD800  }
0x122: {  	[tilespmem:s18], [sflag:$0x1] =	stream.indirect.gather [hbm4b:s1+s16], $0x80, s29, s16, $0xb8;
	[tilespmem:$0x1F000] =	vst v63  }
0x123: {  	_ =	swait.ge [sflag:s0], $0x2800  }
0x124: {  	[sflag:s0] =	ssyncset.done $0x0  }
0x125: {  	s29 =	simm.s32 $0x1220;
	[sflag:s0] =	ssyncadd.s32 $0xFFFFD800  }
0x126: {  	[spmem:s3] =	stream.indirect.scatter.add.f32 [tilespmem:s22], [sflag:$0x7], $0x80, s29, s16, $0xb8;
	[tilespmem:$0x1F000] =	vst v63  }
0x127: {  	_ =	swait.ge [sflag:s5], $0x2800  }
0x128: {  	[sflag:s5] =	ssyncset.done $0x0  }
0x129: {  	s29 =	simm.s32 $0x910;
	[sflag:s5] =	ssyncadd.s32 $0xFFFFD800  }
0x12a: {  	[tilespmem:s20], [sflag:$0x2] =	stream.indirect.gather [hbm4b:s1+s16], $0x80, s29, s16, $0xb8;
	[tilespmem:$0x1F000] =	vst v63  }
0x12b: {  	_ =	swait.ge [sflag:s7], $0x2800  }
0x12c: {  	[sflag:s7] =	ssyncset.done $0x0  }
0x12d: {  	s29 =	simm.s32 $0x1270;
	[sflag:s7] =	ssyncadd.s32 $0xFFFFD800  }
0x12e: {  	[spmem:s3] =	stream.indirect.scatter.add.f32 [tilespmem:s24], [sflag:$0x8], $0x80, s29, s16, $0xb8;
	[tilespmem:$0x1F000] =	vst v63  }
0x12f: {  	_ =	swait.ge [sflag:s9], $0x2800  }
0x130: {  	[sflag:s9] =	ssyncset.done $0x0  }
0x131: {  	s29 =	simm.s32 $0x960;
	[sflag:s9] =	ssyncadd.s32 $0xFFFFD800  }
0x132: {  	[tilespmem:s22], [sflag:$0x3] =	stream.indirect.gather [hbm4b:s1+s16], $0x80, s29, s16, $0xb8;
	[tilespmem:$0x1F000] =	vst v63  }
0x133: {  	_ =	swait.ge [sflag:s11], $0x2800  }
0x134: {  	[sflag:s11] =	ssyncset.done $0x0  }
0x135: {  	s29 =	simm.s32 $0x9B0;
	[sflag:s11] =	ssyncadd.s32 $0xFFFFD800  }
0x136: {  	[tilespmem:s24], [sflag:$0x4] =	stream.indirect.gather [hbm4b:s1+s16], $0x80, s29, s16, $0xb8;
	[tilespmem:$0x1F000] =	vst v63  }
0x137: {  	_ =	swait.ge [sflag:s25], $0x2800  }
0x138: {  	[sflag:s25] =	ssyncset.done $0x0  }
0x139: {  	s29 =	simm.s32 $0x12C0;
	[sflag:s25] =	ssyncadd.s32 $0xFFFFD800  }
0x13a: {  	[spmem:s3] =	stream.indirect.scatter.add.f32 [tilespmem:s18], [sflag:$0x5], $0x80, s29, s16, $0xb8;
	[tilespmem:$0x1F000] =	vst v63  }
0x13b: {  	_ =	swait.ge [sflag:s28], $0x2800  }
0x13c: {  	[sflag:s28] =	ssyncset.done $0x0  }
0x13d: {  	s29 =	simm.s32 $0x1310;
	[sflag:s28] =	ssyncadd.s32 $0xFFFFD800  }
0x13e: {  	[spmem:s3] =	stream.indirect.scatter.add.f32 [tilespmem:s20], [sflag:$0x6], $0x80, s29, s16, $0xb8;
	[tilespmem:$0x1F000] =	vst v63  }
0x13f: {  	_ =	swait.ge [sflag:s30], $0x2800  }
0x140: {  	[sflag:s30] =	ssyncset.done $0x0  }
0x141: {  	[sflag:s30] =	ssyncadd.s32 $0xFFFFD800  }
0x142: {  	_ =	swait.ge [sflag:s0], $0x2800  }
0x143: {  	[sflag:s0] =	ssyncset.done $0x0  }
0x144: {  	s29 =	simm.s32 $0x1360;
	[sflag:s0] =	ssyncadd.s32 $0xFFFFD800  }
0x145: {  	[spmem:s3] =	stream.indirect.scatter.add.f32 [tilespmem:s22], [sflag:$0x7], $0x80, s29, s16, $0xb8;
	[tilespmem:$0x1F000] =	vst v63  }
0x146: {  	_ =	swait.ge [sflag:s5], $0x2800  }
0x147: {  	[sflag:s5] =	ssyncset.done $0x0  }
0x148: {  	[sflag:s5] =	ssyncadd.s32 $0xFFFFD800  }
0x149: {  	_ =	swait.ge [sflag:s7], $0x2800  }
0x14a: {  	[sflag:s7] =	ssyncset.done $0x0  }
0x14b: {  	s29 =	simm.s32 $0x13B0;
	[sflag:s7] =	ssyncadd.s32 $0xFFFFD800  }
0x14c: {  	[spmem:s3] =	stream.indirect.scatter.add.f32 [tilespmem:s24], [sflag:$0x8], $0x80, s29, s16, $0xb8;
	[tilespmem:$0x1F000] =	vst v63  }
0x14d: {  	_ =	swait.ge [sflag:s9], $0x2800  }
.Ltmp5:
0x14e: {  	[sflag:s9] =	ssyncset.done $0x0;
	(pc) =	sbr.rel @!p0 .LBB2_5-.Ltmp5, $4  }
.Ltmp6:
0x14f: {  	[sflag:s9] =	ssyncadd.s32 $0xFFFFD800;
	(pc) =	sbr.rel @p0 .LBB2_6-.Ltmp6, $4  }
0x150: {  	_ =	swait.ge [sflag:s11], $0x2800  }
0x151: {  	[sflag:s11] =	ssyncset.done $0x0  }
0x152: {  	s23 =	simm.s32 $0x9;
	[sflag:s11] =	ssyncadd.s32 $0xFFFFD800  }
0x153: {  	_ = 	snop  }
.LBB2_7:
0x154: {  	_ =	sfence.sel $0x180000  }
0x155: {  	[bflag:$0x0] =	sbarrier.arrive $0xFFFF  }
0x156: {  	_ =	strace $0x9000004D  }
0x157: {  	s0 =	stileid.u32;
	[bflag:$0x2] =	sbarrier.arrive $0xFFFF  }
0x158: {  	p0 =	sne.s32 s0, $0x0;
	s0 =	rddreg [dreg:$0x3]  }
0x159: {  	s0 =	sadd.s32 @!p0 $0x100000, s0  }
0x15a: {  	[sflag:s0] =	ssyncadd.tile.s32 @!p0 $0x1;
	_ =	shalt  }
.Lfunc_end2:
_tile_overlayer_lowered:
.L_overlay_start_2:
0x15b: {  	(tag) =	ssettag $0x2  }
0x15c: {  	s0 =	rddreg [dreg:$0x0];
	s2 =	stileid.u32  }
0x15d: {  	s1 =	rddreg [dreg:$0x1];
	p0 =	sne.s32 s2, $0x0  }
0x15e: {  	s3 =	rddreg [dreg:$0x2];
	[bflag:$0x3] =	sbarrier.arrive $0xFFFF;
	s2 =	simm.s32 @!p0 $0x1C0B  }
0x15f: {  	[timem:s3], [sflag:s2] =	dma.local @!p0 [hbm:s0], s1  }
0x160: {  	s0 =	simm.s32 @!p0 $0xB  }
0x161: {  	_ =	swait.ge @!p0 [sflag:s0], s1  }
0x162: {  	s1 =	ssub.s32 @!p0 $0x0, s1;
	[sflag:s0] =	ssyncset.done @!p0 $0x0  }
0x163: {  	[sflag:s0] =	ssyncadd.s32 @!p0 s1  }
0x164: {  	[bflag:$0x3] =	sbarrier.arrive $0xFFFF  }
0x165: {  	_ =	shalt  }

// kernel: kernel.9.cloned.1.call-start
scs
__scs_entry_jumppad:
0x0: {  	(pc) =	sbr.rel $0x88, $3  }
0x1: {  	(tag) =	ssettag $0x0;
	lr =	simm.s32 $0x1  }
0x2: {  	[smem:$0x3F99] =	sst lr;
	_ =	strace $0xD0000000  }
0x3: {  	_ = 	snop  }
0x4: {  	_ = 	snop  }
0x5: {  	_ = 	snop  }
0x6: {  	_ = 	snop  }
0x7: {  	_ = 	snop  }
__scs_overlays_trampoline_lowered:
0x8: {  	[smem:$0x3FA8] =	sst s0  }
0x9: {  	[smem:$0x3FA9] =	sst s1  }
0xa: {  	[smem:$0x3FAA] =	sst s2  }
0xb: {  	[smem:$0x3FAB] =	sst s3  }
0xc: {  	[smem:$0x3FAC] =	sst s4  }
0xd: {  	[smem:$0x3FAD] =	sst s5  }
0xe: {  	[smem:$0x3FAE] =	sst s6  }
0xf: {  	[smem:$0x3FAF] =	sst s7  }
0x10: {  	[smem:$0x3FB0] =	sst s8  }
0x11: {  	[smem:$0x3FB1] =	sst s9;
	s0 =	simm.s32 @!p0 $0x0  }
0x12: {  	s1 =	sld [smem:$0x3F97];
	s0 =	simm.s32 @p0 $0x1  }
0x13: {  	[smem:$0x3FB2] =	sst s0;
	s0 =	simm.s32 @!p1 $0x0  }
0x14: {  	s2 =	sld [smem:$0x3F96];
	s0 =	simm.s32 @p1 $0x1  }
0x15: {  	[smem:$0x3FB3] =	sst s0;
	s0 =	simm.s32 @!p2 $0x0  }
0x16: {  	s3 =	sld [smem:$0x3FDB];
	s0 =	simm.s32 @p2 $0x1  }
0x17: {  	s4 =	simm.s32 $0x1BF5;
	[smem:$0x3FB5] =	sst s0  }
0x18: {  	s0 =	sld [smem:$0x3F98];
	_ =	swait.ge [sflag:s4], $0x0  }
0x19: {  	s7 =	sld [smem:$0x3F99]  }
0x1a: {  	s8 =	sadd.s32 $0xFFFFE003, lr  }
0x1b: {  	s9 =	sadd.s32 $0xFFFFFEF7, lr;
	s5 =	simm.s32 $0xFFFFFFFF;
	p2 =	slt.u32 s8, $0xFFFFF086  }
0x1c: {  	p1 =	slt.u32 s9, $0xF7A;
	s5 =	simm.s32 @!p2 $0x0  }
0x1d: {  	s5 =	simm.s32 @p1 $0x1;
	p0 =	seq.s32 s7, s2  }
0x1e: {  	s7 =	smul.u32 @!p0 $0xF7A, s2;
	p2 =	seq.s32 @!p0 s5, $0x0  }
0x1f: {  	s9 =	smul.u32 $0xF7A, s1;
	s8 =	simm.s32 @!p0 $0x1BF5;
	p2 =	por !p2, p0  }
0x20: {  	[sflag:s8] =	ssyncset.s32 @!p0 $0xFFFFF086;
	s6 =	sadd.s32 @!p0 s3, s7;
	s7 =	simm.s32 @!p0 $0x108  }
0x21: {  	s3 =	sadd.s32 s3, s9;
	s6 =	sadd.s32 @!p0 $0x88, s6;
	s7 =	simm.s32 @p2 $0x1082  }
0x22: {  	[simem:s7], [sflag:s8] =	dma.local @!p0 [hbm:s6], $0xF7A  }
0x23: {  	s9 =	sor.u32 $0xD0000000, s2;
	s6 =	simm.s32 $0x108;
	_ =	swait.ge @!p0 [sflag:s8], $0x0  }
0x24: {  	s3 =	sadd.s32 $0x88, s3;
	s6 =	simm.s32 @!p1 $0x1082;
	[sflag:s4] =	ssyncset.s32 $0xFFFFF086  }
0x25: {  	[simem:s6], [sflag:s4] =	dma.local [hbm:s3], $0xF7A  }
0x26: {  	[smem:$0x3F99] =	sst s1;
	(tag) =	ssettag s2;
	_ =	strace s9  }
0x27: {  	s1 =	sld [smem:$0x3FA9]  }
0x28: {  	s2 =	sld [smem:$0x3FAA]  }
0x29: {  	s4 =	sld [smem:$0x3FAC]  }
0x2a: {  	p0 =	seq.s32 s5, $0x0;
	s5 =	sld [smem:$0x3FAD]  }
0x2b: {  	s6 =	sld [smem:$0x3FAE]  }
0x2c: {  	s7 =	sld [smem:$0x3FAF]  }
0x2d: {  	s3 =	simm.s32 $0x108;
	s8 =	sld [smem:$0x3FB0]  }
0x2e: {  	s3 =	simm.s32 @!p0 $0x1082;
	s9 =	sld [smem:$0x3FB1]  }
0x2f: {  	lr =	sadd.s32 s0, s3;
	s0 =	sld [smem:$0x3FA8]  }
0x30: {  	s3 =	sld [smem:$0x3FAB]  }
0x31: {  	[smem:$0x3FB4] =	sst s10  }
0x32: {  	s10 =	sld [smem:$0x3FB2];
	_ =	sdelay $0x3  }
0x33: {  	p0 =	seq.s32 s10, $0x1;
	s10 =	sld [smem:$0x3FB4];
	_ =	sdelay $0x3  }
0x34: {  	[smem:$0x3FB4] =	sst s10  }
0x35: {  	s10 =	sld [smem:$0x3FB3];
	_ =	sdelay $0x3  }
0x36: {  	p1 =	seq.s32 s10, $0x1;
	s10 =	sld [smem:$0x3FB4];
	_ =	sdelay $0x3  }
0x37: {  	[smem:$0x3FB4] =	sst s10  }
0x38: {  	s10 =	sld [smem:$0x3FB5]  }
0x39: {  	_ = 	snop;
	(pc) =	sbr.ind lr, $3  }
0x3a: {  	_ = 	snop  }
0x3b: {  	_ = 	snop  }
0x3c: {  	p2 =	seq.s32 s10, $0x1;
	s10 =	sld [smem:$0x3FB4]  }
0x3d: {  	_ =	shalt  }
0x3e: {  	_ =	shalt  }
0x3f: {  	_ =	shalt  }
0x40: {  	_ =	shalt  }
0x41: {  	_ =	shalt  }
0x42: {  	_ =	shalt  }
0x43: {  	_ =	shalt  }
0x44: {  	_ =	shalt  }
0x45: {  	_ =	shalt  }
0x46: {  	_ =	shalt  }
0x47: {  	_ =	shalt  }
0x48: {  	_ =	shalt  }
0x49: {  	_ =	shalt  }
0x4a: {  	_ =	shalt  }
0x4b: {  	_ =	shalt  }
0x4c: {  	_ =	shalt  }
0x4d: {  	_ =	shalt  }
0x4e: {  	_ =	shalt  }
0x4f: {  	_ =	shalt  }
0x50: {  	_ =	shalt  }
0x51: {  	_ =	shalt  }
0x52: {  	_ =	shalt  }
0x53: {  	_ =	shalt  }
0x54: {  	_ =	shalt  }
0x55: {  	_ =	shalt  }
0x56: {  	_ =	shalt  }
0x57: {  	_ =	shalt  }
0x58: {  	_ =	shalt  }
0x59: {  	_ =	shalt  }
0x5a: {  	_ =	shalt  }
0x5b: {  	_ =	shalt  }
0x5c: {  	_ =	shalt  }
0x5d: {  	_ =	shalt  }
0x5e: {  	_ =	shalt  }
0x5f: {  	_ =	shalt  }
0x60: {  	_ =	shalt  }
0x61: {  	_ =	shalt  }
0x62: {  	_ =	shalt  }
0x63: {  	_ =	shalt  }
0x64: {  	_ =	shalt  }
0x65: {  	_ =	shalt  }
0x66: {  	_ =	shalt  }
0x67: {  	_ =	shalt  }
0x68: {  	_ =	shalt  }
0x69: {  	_ =	shalt  }
0x6a: {  	_ =	shalt  }
0x6b: {  	_ =	shalt  }
0x6c: {  	_ =	shalt  }
0x6d: {  	_ =	shalt  }
0x6e: {  	_ =	shalt  }
0x6f: {  	_ =	shalt  }
0x70: {  	_ =	shalt  }
0x71: {  	_ =	shalt  }
0x72: {  	_ =	shalt  }
0x73: {  	_ =	shalt  }
0x74: {  	_ =	shalt  }
0x75: {  	_ =	shalt  }
0x76: {  	_ =	shalt  }
0x77: {  	_ =	shalt  }
0x78: {  	_ =	shalt  }
0x79: {  	_ =	shalt  }
0x7a: {  	_ =	shalt  }
0x7b: {  	_ =	shalt  }
0x7c: {  	_ =	shalt  }
0x7d: {  	_ =	shalt  }
0x7e: {  	_ =	shalt  }
0x7f: {  	_ =	shalt  }
0x80: {  	_ =	shalt  }
0x81: {  	_ =	shalt  }
0x82: {  	_ =	shalt  }
0x83: {  	_ =	shalt  }
0x84: {  	_ =	shalt  }
0x85: {  	_ =	shalt  }
0x86: {  	_ =	shalt  }
0x87: {  	_ =	shalt  }
.Lfunc_end0:
.L_simem_size_0:
called_computation_lowered:
.L_overlay_start_0:
0x88: {  	s2 =	sld [smem:$0x3FD9]  }
0x89: {  	s3 =	sld [smem:$0x3FFE];
	_ =	sdelay $0x1  }
0x8a: {  	s1 =	srdreg.scid  }
0x8b: {  	s0 =	sand.u32 $0x1, s1  }
0x8c: {  	s17 =	sshll.u32 s0, $0xA;
	s2 =	sadd.s32 s3, s2  }
0x8d: {  	s2 =	sadd.s32 s2, s17  }
0x8e: {  	[smem:$0x3FC0] =	sst s2  }
0x8f: {  	_ = 	snop  }
0x90: {  	s2 =	sld [smem:$0x3FD0];
	(tm) =	ssettm $0x1  }
0x91: {  	s18 =	sld [smem:$0x3FFB];
	_ =	sdelay $0x3  }
0x92: {  	_ =	strace s18  }
0x93: {  	s3 =	sld [smem:$0x3FFC];
	_ =	sdelay $0x3  }
0x94: {  	_ =	strace s3  }
0x95: {  	s3 =	sld [smem:$0x3FFD];
	_ =	sdelay $0x3  }
0x96: {  	_ =	strace s3  }
0x97: {  	_ =	strace $0x8FFFFFFF  }
0x98: {  	s19 =	sld [smem:$0x3FDB];
	_ =	sdelay $0x1  }
0x99: {  	s4 =	simm.s32 $_scs_section_size  }
0x9a: {  	s5 =	simm.s32 $_size__tile_overlayer_lowered;
	s6 =	simm.s32 $_tile_overlayer_lowered  }
0x9b: {  	s22 =	simm.s32 $0x1BFF;
	s21 =	sshll.u32 s6, $0x1;
	s3 =	sadd.s32 s4, s19  }
0x9c: {  	s7 =	simm.s32 $0x0;
	s20 =	sshll.u32 s5, $0x1;
	s5 =	sadd.s32 s21, s3  }
0x9d: {  	[timem:s7], [sflag:s22] =	dma.local [hbm:s5], s20  }
0x9e: {  	_ =	swait.ge [sflag:s22], s20  }
0x9f: {  	s4 =	ssub.s32 $0x0, s20;
	[sflag:s22] =	ssyncset.done $0x0  }
0xa0: {  	[sflag:s22] =	ssyncadd.s32 s4;
	_ =	sdelay $0x1  }
0xa1: {  	s23 =	simm.s32 $0x1B8B  }
0xa2: {  	_ =	swait.ge [sflag:s23], $0x1  }
0xa3: {  	[sflag:s23] =	ssyncset.done $0x0  }
0xa4: {  	s25 =	simm.s32 $0x1B8E;
	s24 =	sld [smem:$0x3FFE];
	[sflag:s23] =	ssyncadd.s32 $0xFFFFFFFF  }
0xa5: {  	s26 =	simm.s32 $execute0_lowered;
	[smem:$0x3FD2] =	sst s25  }
0xa6: {  	s5 =	sshll.u32 s26, $0x1;
	_ =	strace $0x80000046;
	[dreg:$0x1] =	wrdreg $0xFFFFFFFF  }
0xa7: {  	s28 =	simm.s32 $_size_execute0_lowered;
	s3 =	sadd.s32 s3, s5;
	[dreg:$0x0] =	wrdreg $0x0  }
0xa8: {  	s5 =	sshll.u32 s28, $0x1;
	[dreg:$0x2] =	wrdreg s3  }
0xa9: {  	[dreg:$0x3] =	wrdreg s5  }
0xaa: {  	[dreg:$0x4] =	wrdreg $0xC0  }
0xab: {  	_ =	task [dreg:s7], $0x5FFFF  }
0xac: {  	[dreg:$0x1] =	wrdreg $0xFFFFFFFF  }
0xad: {  	[dreg:$0x0] =	wrdreg $0x60  }
0xae: {  	[dreg:$0x2] =	wrdreg s2  }
0xaf: {  	[dreg:$0x3] =	wrdreg s24  }
0xb0: {  	[dreg:$0x4] =	wrdreg $0x1F0500  }
0xb1: {  	[dreg:$0x5] =	wrdreg $0xB4500  }
0xb2: {  	[dreg:$0x6] =	wrdreg $0x9  }
0xb3: {  	_ =	task.clear_ibuf [dreg:s7], $0x7FFFF;
	_ =	strace $0x90000046  }
0xb4: {  	s29 =	simm.s32 $0x9;
	_ =	strace $0x80000048  }
0xb5: {  	_ =	swait.ge [sflag:s29], $0x1  }
0xb6: {  	[sflag:s29] =	ssyncadd.s32 $0xFFFFFFFF  }
0xb7: {  	_ =	strace $0x90000048  }
0xb8: {  	_ =	sfence  }
0xb9: {  	s30 =	sld [smem:$0x0];
	_ =	sdelay $0x2  }
0xba: {  	s31 =	sshll.u32 s1, $0xD;
	s1 =	sshrl.u32 s1, $0x2  }
0xbb: {  	s3 =	sand.u32 $0x4000, s31;
	s1 =	sadd.s32 s1, s30  }
0xbc: {  	s0 =	sor.u32 s3, s0;
	s1 =	sshll.u32 s1, $0x11  }
0xbd: {  	s0 =	sor.u32 s1, s0  }
0xbe: {  	s0 =	sadd.s32 $0x8F2B, s0  }
0xbf: {  	[sflag:s0] =	ssyncadd.remote.s32 $0x1  }
0xc0: {  	_ =	sfence.sel $0xFFFF  }
0xc1: {  	[dreg:$0x0] =	wrdreg $0xFFFFFFFF;
	(pc) =	sbr.abs _section_cstart, $3  }
0xc2: {  	[dreg:$0x1] =	wrdreg $0xFFFFFFFF  }
0xc3: {  	_ =	task.clear_ibuf [dreg:s7], $0x2FFFF;
	_ =	strace $0x9FFFFFFF  }
0xc4: {  	(tm) =	ssettm $0x7FFFFFFF  }
0xc5: {  	_ =	shalt  }
tec
execute0_lowered:
.L_overlay_start_1:
0x0: {  	(tag) =	ssettag $0x1  }
0x1: {  	s1 =	rddreg [dreg:$0x0]  }
0x2: {  	s0 =	rddreg [dreg:$0x1]  }
0x3: {  	s2 =	rddreg [dreg:$0x2]  }
0x4: {  	s3 =	rddreg [dreg:$0x3]  }
0x5: {  	s5 =	simm.s32 $0x0;
	s15 =	stileid.u32;
	s7 =	srdreg.scid  }
0x6: {  	s28 =	simm.s32 $0x6400;
	s30 =	simm.s32 $0x8C00;
	s31 =	simm.s32 $0x1  }
0x7: {  	s29 =	simm.s32 $0xDC0;
	[smem:$0x7FF] =	sst s5;
	s6 =	smul.u32 $0x13C00, s15  }
0x8: {  	s4 =	sadd.s32 $0x3800, s0;
	s8 =	sadd.s32 $0xD800, s0;
	s9 =	smul.u32 $0x280, s15  }
0x9: {  	s7 =	sand.u32 $0x1, s7;
	s14 =	sadd.s32 $0x17800, s0;
	s20 =	smul.u32 $0x2800, s15  }
0xa: {  	_ =	strace $0x80000047;
	s11 =	smul.u32 $0x13C000, s7;
	s12 =	sshll.u32 s7, $0x4  }
0xb: {  	[dreg:$0x5] =	wrdreg s14;
	s16 =	ssub.s32 $0x2, s7;
	s19 =	smul.u32 $0x28000, s7  }
0xc: {  	p0 =	seq.s32 s7, $0x1;
	s7 =	simm.s32 $0x5;
	s14 =	simm.s32 $0xD70  }
0xd: {  	s10 =	sshrl.u32 s6, $0x3;
	s13 =	sshrl.u32 s9, $0x3;
	s12 =	sor.u32 s15, s12  }
0xe: {  	s17 =	sshrl.u32 s16, $0x1;
	s9 =	sadd.s32 s9, s2;
	s15 =	simm.s32 $0x7  }
0xf: {  	s10 =	sadd.s32 s10, s0;
	s13 =	sadd.s32 s13, s0;
	s11 =	sadd.s32 s6, s11  }
0x10: {  	s12 =	smul.u32 $0x2800, s12;
	[dreg:$0x8] =	wrdreg s9;
	s6 =	sadd.s32 s6, s3  }
0x11: {  	s23 =	sadd.s32 s20, s19;
	s20 =	simm.s32 $0xB400;
	s9 =	simm.s32 $0x3  }
0x12: {  	s19 =	simm.s32 $0xD20;
	s11 =	sshrl.u32 s11, $0x3;
	s21 =	sadd.s32 $0x17A00, s13  }
0x13: {  	[dreg:$0xa] =	wrdreg s6;
	s22 =	sadd.s32 $0x18000, s10;
	s6 =	simm.s32 $0x3FE00  }
0x14: {  	s24 =	sor.u32 $0x500, s23;
	s10 =	simm.s32 $0xC;
	s23 =	simm.s32 $0x1400  }
0x15: {  	s0 =	sadd.s32 s11, s0;
	s12 =	sshrl.u32 s12, $0x3;
	[dreg:$0x9] =	wrdreg s21  }
0x16: {  	s11 =	ssub.s32 s16, s17;
	[dreg:$0xb] =	wrdreg s22;
	s18 =	sadd.s32 s4, s12  }
0x17: {  	s6 =	simm.s32 @!p0 $0x3F800;
	s12 =	sadd.s32 s8, s12;
	[dreg:$0x6] =	wrdreg s18  }
0x18: {  	s21 =	simm.s32 $0x50;
	s0 =	sadd.s32 $0x40400, s0;
	[dreg:$0x7] =	wrdreg s12  }
0x19: {  	s17 =	simm.s32 $0x8;
	s25 =	smax.u32 s11, $0x1;
	[dreg:$0xc] =	wrdreg s0  }
0x1a: {  	s16 =	simm.s32 $0x0;
	s6 =	sadd.s32 s6, s13;
	[dreg:$0xd] =	wrdreg s25  }
0x1b: {  	s11 =	simm.s32 $0x6;
	s13 =	simm.s32 $0x4;
	[dreg:$0xe] =	wrdreg s6  }
0x1c: {  	s0 =	sshrl.u32 s24, $0x3;
	s25 =	simm.s32 $0x3C00;
	s12 =	simm.s32 $0xE10  }
0x1d: {  	s24 =	simm.s32 $0xE60;
	s26 =	sadd.s32 s0, s8;
	s0 =	sadd.s32 s0, s4  }
0x1e: {  	s4 =	simm.s32 $0x2;
	s8 =	simm.s32 $0xEB0;
	[dreg:$0xf] =	wrdreg s26  }
0x1f: {  	[dreg:$0x10] =	wrdreg s0;
	s0 =	simm.s32 $0xF00;
	s26 =	simm.s32 $0xB  }
.LBB2_1:
0x20: {  	[dreg:$0x11] =	wrdreg s16  }
0x21: {  	s6 =	rddreg [dreg:$0x6]  }
0x22: {  	[tilespmem:s5], [sflag:$0xC] =	stream.linear.gather [hbm4b:s6+s5], $0x500, $0x38;
	[tilespmem:$0x1F2D0] =	vst v63  }
0x23: {  	_ =	swait.ge [sflag:s10], $0x500  }
0x24: {  	[sflag:s10] =	ssyncset.done $0x0  }
0x25: {  	s18 =	simm.s32 $0xA00;
	s16 =	rddreg [dreg:$0x7];
	[sflag:s10] =	ssyncadd.s32 $0xFFFFFB00  }
0x26: {  	[tilespmem:s18], [sflag:$0xC] =	stream.linear.gather [hbm4b:s16+s5], $0x500, $0x38;
	[tilespmem:$0x1F2D0] =	vst v63  }
0x27: {  	_ =	swait.ge [sflag:s10], $0x500  }
0x28: {  	[sflag:s10] =	ssyncset.done $0x0  }
0x29: {  	s22 =	rddreg [dreg:$0x5];
	[sflag:s10] =	ssyncadd.s32 $0xFFFFFB00  }
0x2a: {  	[tilespmem:s20], [sflag:$0xC] =	stream.linear.gather [hbm4b:s22+s5], $0x50, $0x38;
	[tilespmem:$0x1F2D0] =	vst v63  }
0x2b: {  	s16 =	stileid.u32;
	_ =	swait.ge [sflag:s10], $0x50  }
0x2c: {  	s6 =	sshll.u32 s16, $0x6;
	s18 =	rddreg [dreg:$0x8]  }
0x2d: {  	[sflag:s10] =	ssyncset.done $0x0;
	s22 =	rddreg [dreg:$0x9];
	s18 =	sshrl.u32 s18, $0x3  }
0x2e: {  	s16 =	sor.u32 $0x1C0C, s6;
	[sflag:s10] =	ssyncadd.s32 $0xFFFFFFB0;
	[dreg:$0x13] =	wrdreg s18  }
0x2f: {  	[spmem:s18], [sflag:s16] =	dma.local [hbm:s22], $0x50  }
0x30: {  	_ =	swait.ge [sflag:s10], $0x50;
	[dreg:$0x12] =	wrdreg s16  }
0x31: {  	s22 =	rddreg [dreg:$0xa]  }
0x32: {  	[sflag:s10] =	ssyncset.done $0x0;
	s6 =	sshrl.u32 s22, $0x3;
	s22 =	rddreg [dreg:$0xb]  }
0x33: {  	[sflag:s10] =	ssyncadd.s32 $0xFFFFFFB0;
	[dreg:$0x14] =	wrdreg s6  }
0x34: {  	[spmem:s6], [sflag:s16] =	dma.local [hbm:s22], $0x2780  }
0x35: {  	_ =	swait.ge [sflag:s10], $0x2780  }
.Ltmp0:
0x36: {  	[sflag:s10] =	ssyncset.done $0x0;
	(pc) =	sbr.rel .LBB2_2-.Ltmp0, $4  }
0x37: {  	[sflag:s10] =	ssyncadd.s32 $0xFFFFD880  }
0x38: {  	[bflag:$0x0] =	sbarrier.arrive $0xFFFF  }
0x39: {  	s16 =	rddreg [dreg:$0x10]  }
0x3a: {  	s22 =	simm.s32 $0x0;
	s18 =	rddreg [dreg:$0xf]  }
.LBB2_3:
0x3b: {  	s6 =	simm.s32 $0x500  }
0x3c: {  	[tilespmem:s6], [sflag:$0xA] =	stream.linear.gather [hbm4b:s16+s5], $0x500, $0x38;
	[tilespmem:$0x1F2D0] =	vst v63  }
0x3d: {  	_ = 	snop  }
0x3e: {  	[tilespmem:s0], [sflag:$0xA] =	stream.linear.gather [hbm4b:s18+s5], $0x500, $0x38;
	[tilespmem:$0x1F2D0] =	vst v63  }
0x3f: {  	_ = 	snop  }
0x40: {  	[tilespmem:s23], [sflag:$0x1] =	stream.indirect.gather [hbm4b:s1+s21], $0x80, s5, s21, $0xb8;
	[tilespmem:$0x1F2D0] =	vst v63  }
0x41: {  	_ = 	snop  }
0x42: {  	[tilespmem:s25], [sflag:$0x2] =	stream.indirect.gather [hbm4b:s1+s21], $0x80, s21, s21, $0xb8;
	[tilespmem:$0x1F2D0] =	vst v63  }
0x43: {  	s10 =	simm.s32 $0xA0  }
0x44: {  	[tilespmem:s28], [sflag:$0x3] =	stream.indirect.gather [hbm4b:s1+s21], $0x80, s10, s21, $0xb8;
	[tilespmem:$0x1F2D0] =	vst v63  }
0x45: {  	s10 =	simm.s32 $0xF0  }
0x46: {  	[tilespmem:s30], [sflag:$0x4] =	stream.indirect.gather [hbm4b:s1+s21], $0x80, s10, s21, $0xb8;
	[tilespmem:$0x1F2D0] =	vst v63  }
0x47: {  	_ =	swait.ge [sflag:s31], $0x2800  }
0x48: {  	[sflag:s31] =	ssyncset.done $0x0  }
0x49: {  	s10 =	simm.s32 $0xA00;
	[sflag:s31] =	ssyncadd.s32 $0xFFFFD800  }
0x4a: {  	[spmem:s3] =	stream.indirect.scatter.add.f32 [tilespmem:s23], [sflag:$0x5], $0x80, s10, s21, $0xb8;
	[tilespmem:$0x1F2D0] =	vst v63  }
0x4b: {  	_ = 	snop  }
0x4c: {  	[spmem:s2] =	stream.indirect.scatter.add.f32 [tilespmem:s20], [sflag:$0xB], $0x1, s10, s21, $0xb8;
	[tilespmem:$0x1F2D0] =	vst v63  }
0x4d: {  	_ =	swait.ge [sflag:s4], $0x2800  }
0x4e: {  	[sflag:s4] =	ssyncset.done $0x0  }
0x4f: {  	s10 =	simm.s32 $0xA50;
	[sflag:s4] =	ssyncadd.s32 $0xFFFFD800  }
0x50: {  	[spmem:s3] =	stream.indirect.scatter.add.f32 [tilespmem:s25], [sflag:$0x6], $0x80, s10, s21, $0xb8;
	[tilespmem:$0x1F2D0] =	vst v63  }
0x51: {  	_ = 	snop  }
0x52: {  	[spmem:s2] =	stream.indirect.scatter.add.f32 [tilespmem:s20], [sflag:$0xB], $0x1, s10, s21, $0xb8;
	[tilespmem:$0x1F2D0] =	vst v63  }
0x53: {  	_ =	swait.ge [sflag:s7], $0x2800  }
0x54: {  	[sflag:s7] =	ssyncset.done $0x0  }
0x55: {  	s10 =	simm.s32 $0x140;
	[sflag:s7] =	ssyncadd.s32 $0xFFFFD800  }
0x56: {  	[tilespmem:s23], [sflag:$0x1] =	stream.indirect.gather [hbm4b:s1+s21], $0x80, s10, s21, $0xb8;
	[tilespmem:$0x1F2D0] =	vst v63  }
0x57: {  	_ =	swait.ge [sflag:s9], $0x2800  }
0x58: {  	[sflag:s9] =	ssyncset.done $0x0  }
0x59: {  	s10 =	simm.s32 $0xAA0;
	[sflag:s9] =	ssyncadd.s32 $0xFFFFD800  }
0x5a: {  	[spmem:s3] =	stream.indirect.scatter.add.f32 [tilespmem:s28], [sflag:$0x7], $0x80, s10, s21, $0xb8;
	[tilespmem:$0x1F2D0] =	vst v63  }
0x5b: {  	_ = 	snop  }
0x5c: {  	[spmem:s2] =	stream.indirect.scatter.add.f32 [tilespmem:s20], [sflag:$0xB], $0x1, s10, s21, $0xb8;
	[tilespmem:$0x1F2D0] =	vst v63  }
0x5d: {  	_ =	swait.ge [sflag:s11], $0x2800  }
0x5e: {  	[sflag:s11] =	ssyncset.done $0x0  }
0x5f: {  	s10 =	simm.s32 $0x190;
	[sflag:s11] =	ssyncadd.s32 $0xFFFFD800  }
0x60: {  	[tilespmem:s25], [sflag:$0x2] =	stream.indirect.gather [hbm4b:s1+s21], $0x80, s10, s21, $0xb8;
	[tilespmem:$0x1F2D0] =	vst v63  }
0x61: {  	_ =	swait.ge [sflag:s13], $0x2800  }
0x62: {  	[sflag:s13] =	ssyncset.done $0x0  }
0x63: {  	s10 =	simm.s32 $0xAF0;
	[sflag:s13] =	ssyncadd.s32 $0xFFFFD800  }
0x64: {  	[spmem:s3] =	stream.indirect.scatter.add.f32 [tilespmem:s30], [sflag:$0x8], $0x80, s10, s21, $0xb8;
	[tilespmem:$0x1F2D0] =	vst v63  }
0x65: {  	_ = 	snop  }
0x66: {  	[spmem:s2] =	stream.indirect.scatter.add.f32 [tilespmem:s20], [sflag:$0xB], $0x1, s10, s21, $0xb8;
	[tilespmem:$0x1F2D0] =	vst v63  }
0x67: {  	_ =	swait.ge [sflag:s15], $0x2800  }
0x68: {  	[sflag:s15] =	ssyncset.done $0x0  }
0x69: {  	s10 =	simm.s32 $0x1E0;
	[sflag:s15] =	ssyncadd.s32 $0xFFFFD800  }
0x6a: {  	[tilespmem:s28], [sflag:$0x3] =	stream.indirect.gather [hbm4b:s1+s21], $0x80, s10, s21, $0xb8;
	[tilespmem:$0x1F2D0] =	vst v63  }
0x6b: {  	_ =	swait.ge [sflag:s17], $0x2800  }
0x6c: {  	[sflag:s17] =	ssyncset.done $0x0  }
0x6d: {  	s10 =	simm.s32 $0x230;
	[sflag:s17] =	ssyncadd.s32 $0xFFFFD800  }
0x6e: {  	[tilespmem:s30], [sflag:$0x4] =	stream.indirect.gather [hbm4b:s1+s21], $0x80, s10, s21, $0xb8;
	[tilespmem:$0x1F2D0] =	vst v63  }
0x6f: {  	_ =	swait.ge [sflag:s31], $0x2800  }
0x70: {  	[sflag:s31] =	ssyncset.done $0x0  }
0x71: {  	s10 =	simm.s32 $0xB40;
	[sflag:s31] =	ssyncadd.s32 $0xFFFFD800  }
0x72: {  	[spmem:s3] =	stream.indirect.scatter.add.f32 [tilespmem:s23], [sflag:$0x5], $0x80, s10, s21, $0xb8;
	[tilespmem:$0x1F2D0] =	vst v63  }
0x73: {  	_ = 	snop  }
0x74: {  	[spmem:s2] =	stream.indirect.scatter.add.f32 [tilespmem:s20], [sflag:$0xB], $0x1, s10, s21, $0xb8;
	[tilespmem:$0x1F2D0] =	vst v63  }
0x75: {  	_ =	swait.ge [sflag:s4], $0x2800  }
0x76: {  	[sflag:s4] =	ssyncset.done $0x0  }
0x77: {  	s10 =	simm.s32 $0xB90;
	[sflag:s4] =	ssyncadd.s32 $0xFFFFD800  }
0x78: {  	[spmem:s3] =	stream.indirect.scatter.add.f32 [tilespmem:s25], [sflag:$0x6], $0x80, s10, s21, $0xb8;
	[tilespmem:$0x1F2D0] =	vst v63  }
0x79: {  	_ = 	snop  }
0x7a: {  	[spmem:s2] =	stream.indirect.scatter.add.f32 [tilespmem:s20], [sflag:$0xB], $0x1, s10, s21, $0xb8;
	[tilespmem:$0x1F2D0] =	vst v63  }
0x7b: {  	_ =	swait.ge [sflag:s7], $0x2800  }
0x7c: {  	[sflag:s7] =	ssyncset.done $0x0  }
0x7d: {  	s10 =	simm.s32 $0x280;
	[sflag:s7] =	ssyncadd.s32 $0xFFFFD800  }
0x7e: {  	[tilespmem:s23], [sflag:$0x1] =	stream.indirect.gather [hbm4b:s1+s21], $0x80, s10, s21, $0xb8;
	[tilespmem:$0x1F2D0] =	vst v63  }
0x7f: {  	_ =	swait.ge [sflag:s9], $0x2800  }
0x80: {  	[sflag:s9] =	ssyncset.done $0x0  }
0x81: {  	s10 =	simm.s32 $0xBE0;
	[sflag:s9] =	ssyncadd.s32 $0xFFFFD800  }
0x82: {  	[spmem:s3] =	stream.indirect.scatter.add.f32 [tilespmem:s28], [sflag:$0x7], $0x80, s10, s21, $0xb8;
	[tilespmem:$0x1F2D0] =	vst v63  }
0x83: {  	_ = 	snop  }
0x84: {  	[spmem:s2] =	stream.indirect.scatter.add.f32 [tilespmem:s20], [sflag:$0xB], $0x1, s10, s21, $0xb8;
	[tilespmem:$0x1F2D0] =	vst v63  }
0x85: {  	_ =	swait.ge [sflag:s11], $0x2800  }
0x86: {  	[sflag:s11] =	ssyncset.done $0x0  }
0x87: {  	s10 =	simm.s32 $0x2D0;
	[sflag:s11] =	ssyncadd.s32 $0xFFFFD800  }
0x88: {  	[tilespmem:s25], [sflag:$0x2] =	stream.indirect.gather [hbm4b:s1+s21], $0x80, s10, s21, $0xb8;
	[tilespmem:$0x1F2D0] =	vst v63  }
0x89: {  	_ =	swait.ge [sflag:s13], $0x2800  }
0x8a: {  	[sflag:s13] =	ssyncset.done $0x0  }
0x8b: {  	s10 =	simm.s32 $0xC30;
	[sflag:s13] =	ssyncadd.s32 $0xFFFFD800  }
0x8c: {  	[spmem:s3] =	stream.indirect.scatter.add.f32 [tilespmem:s30], [sflag:$0x8], $0x80, s10, s21, $0xb8;
	[tilespmem:$0x1F2D0] =	vst v63  }
0x8d: {  	_ = 	snop  }
0x8e: {  	[spmem:s2] =	stream.indirect.scatter.add.f32 [tilespmem:s20], [sflag:$0xB], $0x1, s10, s21, $0xb8;
	[tilespmem:$0x1F2D0] =	vst v63  }
0x8f: {  	_ =	swait.ge [sflag:s15], $0x2800  }
0x90: {  	[sflag:s15] =	ssyncset.done $0x0  }
0x91: {  	s10 =	simm.s32 $0x320;
	[sflag:s15] =	ssyncadd.s32 $0xFFFFD800  }
0x92: {  	[tilespmem:s28], [sflag:$0x3] =	stream.indirect.gather [hbm4b:s1+s21], $0x80, s10, s21, $0xb8;
	[tilespmem:$0x1F2D0] =	vst v63  }
0x93: {  	_ =	swait.ge [sflag:s17], $0x2800  }
0x94: {  	[sflag:s17] =	ssyncset.done $0x0  }
0x95: {  	s10 =	simm.s32 $0x370;
	[sflag:s17] =	ssyncadd.s32 $0xFFFFD800  }
0x96: {  	[tilespmem:s30], [sflag:$0x4] =	stream.indirect.gather [hbm4b:s1+s21], $0x80, s10, s21, $0xb8;
	[tilespmem:$0x1F2D0] =	vst v63  }
0x97: {  	_ =	swait.ge [sflag:s31], $0x2800  }
0x98: {  	[sflag:s31] =	ssyncset.done $0x0  }
0x99: {  	s10 =	simm.s32 $0xC80;
	[sflag:s31] =	ssyncadd.s32 $0xFFFFD800  }
0x9a: {  	[spmem:s3] =	stream.indirect.scatter.add.f32 [tilespmem:s23], [sflag:$0x5], $0x80, s10, s21, $0xb8;
	[tilespmem:$0x1F2D0] =	vst v63  }
0x9b: {  	_ = 	snop  }
0x9c: {  	[spmem:s2] =	stream.indirect.scatter.add.f32 [tilespmem:s20], [sflag:$0xB], $0x1, s10, s21, $0xb8;
	[tilespmem:$0x1F2D0] =	vst v63  }
0x9d: {  	_ =	swait.ge [sflag:s4], $0x2800  }
0x9e: {  	[sflag:s4] =	ssyncset.done $0x0  }
0x9f: {  	s10 =	simm.s32 $0xCD0;
	[sflag:s4] =	ssyncadd.s32 $0xFFFFD800  }
0xa0: {  	[spmem:s3] =	stream.indirect.scatter.add.f32 [tilespmem:s25], [sflag:$0x6], $0x80, s10, s21, $0xb8;
	[tilespmem:$0x1F2D0] =	vst v63  }
0xa1: {  	_ = 	snop  }
0xa2: {  	[spmem:s2] =	stream.indirect.scatter.add.f32 [tilespmem:s20], [sflag:$0xB], $0x1, s10, s21, $0xb8;
	[tilespmem:$0x1F2D0] =	vst v63  }
0xa3: {  	_ =	swait.ge [sflag:s7], $0x2800  }
0xa4: {  	[sflag:s7] =	ssyncset.done $0x0  }
0xa5: {  	s10 =	simm.s32 $0x3C0;
	[sflag:s7] =	ssyncadd.s32 $0xFFFFD800  }
0xa6: {  	[tilespmem:s23], [sflag:$0x1] =	stream.indirect.gather [hbm4b:s1+s21], $0x80, s10, s21, $0xb8;
	[tilespmem:$0x1F2D0] =	vst v63  }
0xa7: {  	_ =	swait.ge [sflag:s9], $0x2800  }
0xa8: {  	[sflag:s9] =	ssyncset.done $0x0  }
0xa9: {  	[sflag:s9] =	ssyncadd.s32 $0xFFFFD800  }
0xaa: {  	[spmem:s3] =	stream.indirect.scatter.add.f32 [tilespmem:s28], [sflag:$0x7], $0x80, s19, s21, $0xb8;
	[tilespmem:$0x1F2D0] =	vst v63  }
0xab: {  	_ = 	snop  }
0xac: {  	[spmem:s2] =	stream.indirect.scatter.add.f32 [tilespmem:s20], [sflag:$0xB], $0x1, s19, s21, $0xb8;
	[tilespmem:$0x1F2D0] =	vst v63  }
0xad: {  	_ =	swait.ge [sflag:s11], $0x2800  }
0xae: {  	[sflag:s11] =	ssyncset.done $0x0  }
0xaf: {  	s10 =	simm.s32 $0x410;
	[sflag:s11] =	ssyncadd.s32 $0xFFFFD800  }
0xb0: {  	[tilespmem:s25], [sflag:$0x2] =	stream.indirect.gather [hbm4b:s1+s21], $0x80, s10, s21, $0xb8;
	[tilespmem:$0x1F2D0] =	vst v63  }
0xb1: {  	_ =	swait.ge [sflag:s13], $0x2800  }
0xb2: {  	[sflag:s13] =	ssyncset.done $0x0  }
0xb3: {  	[sflag:s13] =	ssyncadd.s32 $0xFFFFD800  }
0xb4: {  	[spmem:s3] =	stream.indirect.scatter.add.f32 [tilespmem:s30], [sflag:$0x8], $0x80, s14, s21, $0xb8;
	[tilespmem:$0x1F2D0] =	vst v63  }
0xb5: {  	_ = 	snop  }
0xb6: {  	[spmem:s2] =	stream.indirect.scatter.add.f32 [tilespmem:s20], [sflag:$0xB], $0x1, s14, s21, $0xb8;
	[tilespmem:$0x1F2D0] =	vst v63  }
0xb7: {  	_ =	swait.ge [sflag:s15], $0x2800  }
0xb8: {  	[sflag:s15] =	ssyncset.done $0x0  }
0xb9: {  	s10 =	simm.s32 $0x460;
	[sflag:s15] =	ssyncadd.s32 $0xFFFFD800  }
0xba: {  	[tilespmem:s28], [sflag:$0x3] =	stream.indirect.gather [hbm4b:s1+s21], $0x80, s10, s21, $0xb8;
	[tilespmem:$0x1F2D0] =	vst v63  }
0xbb: {  	_ =	swait.ge [sflag:s17], $0x2800  }
0xbc: {  	[sflag:s17] =	ssyncset.done $0x0  }
0xbd: {  	s10 =	simm.s32 $0x4B0;
	[sflag:s17] =	ssyncadd.s32 $0xFFFFD800  }
0xbe: {  	[tilespmem:s30], [sflag:$0x4] =	stream.indirect.gather [hbm4b:s1+s21], $0x80, s10, s21, $0xb8;
	[tilespmem:$0x1F2D0] =	vst v63  }
0xbf: {  	_ =	swait.ge [sflag:s31], $0x2800  }
0xc0: {  	[sflag:s31] =	ssyncset.done $0x0  }
0xc1: {  	[sflag:s31] =	ssyncadd.s32 $0xFFFFD800  }
0xc2: {  	[spmem:s3] =	stream.indirect.scatter.add.f32 [tilespmem:s23], [sflag:$0x5], $0x80, s29, s21, $0xb8;
	[tilespmem:$0x1F2D0] =	vst v63  }
0xc3: {  	_ = 	snop  }
0xc4: {  	[spmem:s2] =	stream.indirect.scatter.add.f32 [tilespmem:s20], [sflag:$0xB], $0x1, s29, s21, $0xb8;
	[tilespmem:$0x1F2D0] =	vst v63  }
0xc5: {  	_ =	swait.ge [sflag:s4], $0x2800  }
0xc6: {  	[sflag:s4] =	ssyncset.done $0x0  }
0xc7: {  	[sflag:s4] =	ssyncadd.s32 $0xFFFFD800  }
0xc8: {  	[spmem:s3] =	stream.indirect.scatter.add.f32 [tilespmem:s25], [sflag:$0x6], $0x80, s12, s21, $0xb8;
	[tilespmem:$0x1F2D0] =	vst v63  }
0xc9: {  	_ = 	snop  }
0xca: {  	[spmem:s2] =	stream.indirect.scatter.add.f32 [tilespmem:s20], [sflag:$0xB], $0x1, s12, s21, $0xb8;
	[tilespmem:$0x1F2D0] =	vst v63  }
0xcb: {  	_ =	swait.ge [sflag:s7], $0x2800  }
0xcc: {  	[sflag:s7] =	ssyncset.done $0x0  }
0xcd: {  	[sflag:s7] =	ssyncadd.s32 $0xFFFFD800  }
0xce: {  	_ =	swait.ge [sflag:s9], $0x2800  }
0xcf: {  	[sflag:s9] =	ssyncset.done $0x0  }
0xd0: {  	[sflag:s9] =	ssyncadd.s32 $0xFFFFD800  }
0xd1: {  	[spmem:s3] =	stream.indirect.scatter.add.f32 [tilespmem:s28], [sflag:$0x7], $0x80, s24, s21, $0xb8;
	[tilespmem:$0x1F2D0] =	vst v63  }
0xd2: {  	_ = 	snop  }
0xd3: {  	[spmem:s2] =	stream.indirect.scatter.add.f32 [tilespmem:s20], [sflag:$0xB], $0x1, s24, s21, $0xb8;
	[tilespmem:$0x1F2D0] =	vst v63  }
0xd4: {  	_ =	swait.ge [sflag:s11], $0x2800  }
0xd5: {  	[sflag:s11] =	ssyncset.done $0x0  }
0xd6: {  	[sflag:s11] =	ssyncadd.s32 $0xFFFFD800  }
0xd7: {  	_ =	swait.ge [sflag:s13], $0x2800  }
0xd8: {  	[sflag:s13] =	ssyncset.done $0x0  }
0xd9: {  	[sflag:s13] =	ssyncadd.s32 $0xFFFFD800  }
0xda: {  	[spmem:s3] =	stream.indirect.scatter.add.f32 [tilespmem:s30], [sflag:$0x8], $0x80, s8, s21, $0xb8;
	[tilespmem:$0x1F2D0] =	vst v63  }
0xdb: {  	_ = 	snop  }
0xdc: {  	[spmem:s2] =	stream.indirect.scatter.add.f32 [tilespmem:s20], [sflag:$0xB], $0x1, s8, s21, $0xb8;
	[tilespmem:$0x1F2D0] =	vst v63  }
0xdd: {  	_ =	swait.ge [sflag:s15], $0x2800  }
0xde: {  	[sflag:s15] =	ssyncset.done $0x0  }
0xdf: {  	[sflag:s15] =	ssyncadd.s32 $0xFFFFD800  }
0xe0: {  	_ =	swait.ge [sflag:s17], $0x2800  }
0xe1: {  	[sflag:s17] =	ssyncset.done $0x0  }
0xe2: {  	s6 =	simm.s32 $0xA;
	[sflag:s17] =	ssyncadd.s32 $0xFFFFD800  }
.LBB2_5:
0xe3: {  	s22 =	sadd.s32 $0x1, s22  }
0xe4: {  	_ =	swait.ge [sflag:s6], $0x500;
	p0 =	sne.s32 s22, $0x8  }
.Ltmp1:
0xe5: {  	[sflag:s6] =	ssyncset.done $0x0;
	(pc) =	sbr.rel @!p0 .LBB2_6-.Ltmp1, $4  }
0xe6: {  	[sflag:s6] =	ssyncadd.s32 $0xFFFFFB00  }
0xe7: {  	_ =	swait.ge [sflag:s6], $0x500  }
0xe8: {  	[sflag:s6] =	ssyncset.done $0x0  }
0xe9: {  	s18 =	sadd.s32 $0xA0, s18;
	s16 =	sadd.s32 $0xA0, s16;
	[sflag:s6] =	ssyncadd.s32 $0xFFFFFB00  }
.LBB2_2:
0xea: {  	s6 =	sand.u32 $0x1, s22  }
0xeb: {  	p0 =	seq.s32 s6, $0x1  }
.Ltmp2:
0xec: {  	_ = 	snop;
	(pc) =	sbr.rel @!p0 .LBB2_3-.Ltmp2, $1  }
0xed: {  	_ =	sdelay $0x3  }
0xee: {  	p0 =	seq.s32 s22, $0x7  }
0xef: {  	s6 =	simm.s32 @!p0 $0x0  }
0xf0: {  	[tilespmem:s6], [sflag:$0x9] =	stream.linear.gather @!p0 [hbm4b:s16+s6], $0x500, $0x38;
	[tilespmem:$0x1F2D0] =	vst v63  }
0xf1: {  	s10 =	simm.s32 @!p0 $0xA00  }
0xf2: {  	[tilespmem:s10], [sflag:$0x9] =	stream.linear.gather @!p0 [hbm4b:s18+s6], $0x500, $0x38;
	[tilespmem:$0x1F2D0] =	vst v63  }
0xf3: {  	s10 =	simm.s32 $0x500  }
0xf4: {  	[tilespmem:s23], [sflag:$0x1] =	stream.indirect.gather [hbm4b:s1+s21], $0x80, s10, s21, $0xb8;
	[tilespmem:$0x1F2D0] =	vst v63  }
0xf5: {  	s10 =	simm.s32 $0x550  }
0xf6: {  	[tilespmem:s25], [sflag:$0x2] =	stream.indirect.gather [hbm4b:s1+s21], $0x80, s10, s21, $0xb8;
	[tilespmem:$0x1F2D0] =	vst v63  }
0xf7: {  	s10 =	simm.s32 $0x5A0  }
0xf8: {  	[tilespmem:s28], [sflag:$0x3] =	stream.indirect.gather [hbm4b:s1+s21], $0x80, s10, s21, $0xb8;
	[tilespmem:$0x1F2D0] =	vst v63  }
0xf9: {  	s10 =	simm.s32 $0x5F0  }
0xfa: {  	[tilespmem:s30], [sflag:$0x4] =	stream.indirect.gather [hbm4b:s1+s21], $0x80, s10, s21, $0xb8;
	[tilespmem:$0x1F2D0] =	vst v63  }
0xfb: {  	_ =	swait.ge [sflag:s31], $0x2800  }
0xfc: {  	[sflag:s31] =	ssyncset.done $0x0  }
0xfd: {  	[sflag:s31] =	ssyncadd.s32 $0xFFFFD800  }
0xfe: {  	[spmem:s3] =	stream.indirect.scatter.add.f32 [tilespmem:s23], [sflag:$0x5], $0x80, s0, s21, $0xb8;
	[tilespmem:$0x1F2D0] =	vst v63  }
0xff: {  	_ = 	snop  }
0x100: {  	[spmem:s2] =	stream.indirect.scatter.add.f32 [tilespmem:s20], [sflag:$0xB], $0x1, s0, s21, $0xb8;
	[tilespmem:$0x1F2D0] =	vst v63  }
0x101: {  	_ =	swait.ge [sflag:s4], $0x2800  }
0x102: {  	[sflag:s4] =	ssyncset.done $0x0  }
0x103: {  	s10 =	simm.s32 $0xF50;
	[sflag:s4] =	ssyncadd.s32 $0xFFFFD800  }
0x104: {  	[spmem:s3] =	stream.indirect.scatter.add.f32 [tilespmem:s25], [sflag:$0x6], $0x80, s10, s21, $0xb8;
	[tilespmem:$0x1F2D0] =	vst v63  }
0x105: {  	_ = 	snop  }
0x106: {  	[spmem:s2] =	stream.indirect.scatter.add.f32 [tilespmem:s20], [sflag:$0xB], $0x1, s10, s21, $0xb8;
	[tilespmem:$0x1F2D0] =	vst v63  }
0x107: {  	_ =	swait.ge [sflag:s7], $0x2800  }
0x108: {  	[sflag:s7] =	ssyncset.done $0x0  }
0x109: {  	s10 =	simm.s32 $0x640;
	[sflag:s7] =	ssyncadd.s32 $0xFFFFD800  }
0x10a: {  	[tilespmem:s23], [sflag:$0x1] =	stream.indirect.gather [hbm4b:s1+s21], $0x80, s10, s21, $0xb8;
	[tilespmem:$0x1F2D0] =	vst v63  }
0x10b: {  	_ =	swait.ge [sflag:s9], $0x2800  }
0x10c: {  	[sflag:s9] =	ssyncset.done $0x0  }
0x10d: {  	s10 =	simm.s32 $0xFA0;
	[sflag:s9] =	ssyncadd.s32 $0xFFFFD800  }
0x10e: {  	[spmem:s3] =	stream.indirect.scatter.add.f32 [tilespmem:s28], [sflag:$0x7], $0x80, s10, s21, $0xb8;
	[tilespmem:$0x1F2D0] =	vst v63  }
0x10f: {  	_ = 	snop  }
0x110: {  	[spmem:s2] =	stream.indirect.scatter.add.f32 [tilespmem:s20], [sflag:$0xB], $0x1, s10, s21, $0xb8;
	[tilespmem:$0x1F2D0] =	vst v63  }
0x111: {  	_ =	swait.ge [sflag:s11], $0x2800  }
0x112: {  	[sflag:s11] =	ssyncset.done $0x0  }
0x113: {  	s10 =	simm.s32 $0x690;
	[sflag:s11] =	ssyncadd.s32 $0xFFFFD800  }
0x114: {  	[tilespmem:s25], [sflag:$0x2] =	stream.indirect.gather [hbm4b:s1+s21], $0x80, s10, s21, $0xb8;
	[tilespmem:$0x1F2D0] =	vst v63  }
0x115: {  	_ =	swait.ge [sflag:s13], $0x2800  }
0x116: {  	[sflag:s13] =	ssyncset.done $0x0  }
0x117: {  	s10 =	simm.s32 $0xFF0;
	[sflag:s13] =	ssyncadd.s32 $0xFFFFD800  }
0x118: {  	[spmem:s3] =	stream.indirect.scatter.add.f32 [tilespmem:s30], [sflag:$0x8], $0x80, s10, s21, $0xb8;
	[tilespmem:$0x1F2D0] =	vst v63  }
0x119: {  	_ = 	snop  }
0x11a: {  	[spmem:s2] =	stream.indirect.scatter.add.f32 [tilespmem:s20], [sflag:$0xB], $0x1, s10, s21, $0xb8;
	[tilespmem:$0x1F2D0] =	vst v63  }
0x11b: {  	_ =	swait.ge [sflag:s15], $0x2800  }
0x11c: {  	[sflag:s15] =	ssyncset.done $0x0  }
0x11d: {  	s10 =	simm.s32 $0x6E0;
	[sflag:s15] =	ssyncadd.s32 $0xFFFFD800  }
0x11e: {  	[tilespmem:s28], [sflag:$0x3] =	stream.indirect.gather [hbm4b:s1+s21], $0x80, s10, s21, $0xb8;
	[tilespmem:$0x1F2D0] =	vst v63  }
0x11f: {  	_ =	swait.ge [sflag:s17], $0x2800  }
0x120: {  	[sflag:s17] =	ssyncset.done $0x0  }
0x121: {  	s10 =	simm.s32 $0x730;
	[sflag:s17] =	ssyncadd.s32 $0xFFFFD800  }
0x122: {  	[tilespmem:s30], [sflag:$0x4] =	stream.indirect.gather [hbm4b:s1+s21], $0x80, s10, s21, $0xb8;
	[tilespmem:$0x1F2D0] =	vst v63  }
0x123: {  	_ =	swait.ge [sflag:s31], $0x2800  }
0x124: {  	[sflag:s31] =	ssyncset.done $0x0  }
0x125: {  	s10 =	simm.s32 $0x1040;
	[sflag:s31] =	ssyncadd.s32 $0xFFFFD800  }
0x126: {  	[spmem:s3] =	stream.indirect.scatter.add.f32 [tilespmem:s23], [sflag:$0x5], $0x80, s10, s21, $0xb8;
	[tilespmem:$0x1F2D0] =	vst v63  }
0x127: {  	_ = 	snop  }
0x128: {  	[spmem:s2] =	stream.indirect.scatter.add.f32 [tilespmem:s20], [sflag:$0xB], $0x1, s10, s21, $0xb8;
	[tilespmem:$0x1F2D0] =	vst v63  }
0x129: {  	_ =	swait.ge [sflag:s4], $0x2800  }
0x12a: {  	[sflag:s4] =	ssyncset.done $0x0  }
0x12b: {  	s10 =	simm.s32 $0x1090;
	[sflag:s4] =	ssyncadd.s32 $0xFFFFD800  }
0x12c: {  	[spmem:s3] =	stream.indirect.scatter.add.f32 [tilespmem:s25], [sflag:$0x6], $0x80, s10, s21, $0xb8;
	[tilespmem:$0x1F2D0] =	vst v63  }
0x12d: {  	_ = 	snop  }
0x12e: {  	[spmem:s2] =	stream.indirect.scatter.add.f32 [tilespmem:s20], [sflag:$0xB], $0x1, s10, s21, $0xb8;
	[tilespmem:$0x1F2D0] =	vst v63  }
0x12f: {  	_ =	swait.ge [sflag:s7], $0x2800  }
0x130: {  	[sflag:s7] =	ssyncset.done $0x0  }
0x131: {  	s10 =	simm.s32 $0x780;
	[sflag:s7] =	ssyncadd.s32 $0xFFFFD800  }
0x132: {  	[tilespmem:s23], [sflag:$0x1] =	stream.indirect.gather [hbm4b:s1+s21], $0x80, s10, s21, $0xb8;
	[tilespmem:$0x1F2D0] =	vst v63  }
0x133: {  	_ =	swait.ge [sflag:s9], $0x2800  }
0x134: {  	[sflag:s9] =	ssyncset.done $0x0  }
0x135: {  	s10 =	simm.s32 $0x10E0;
	[sflag:s9] =	ssyncadd.s32 $0xFFFFD800  }
0x136: {  	[spmem:s3] =	stream.indirect.scatter.add.f32 [tilespmem:s28], [sflag:$0x7], $0x80, s10, s21, $0xb8;
	[tilespmem:$0x1F2D0] =	vst v63  }
0x137: {  	_ = 	snop  }
0x138: {  	[spmem:s2] =	stream.indirect.scatter.add.f32 [tilespmem:s20], [sflag:$0xB], $0x1, s10, s21, $0xb8;
	[tilespmem:$0x1F2D0] =	vst v63  }
0x139: {  	_ =	swait.ge [sflag:s11], $0x2800  }
0x13a: {  	[sflag:s11] =	ssyncset.done $0x0  }
0x13b: {  	s10 =	simm.s32 $0x7D0;
	[sflag:s11] =	ssyncadd.s32 $0xFFFFD800  }
0x13c: {  	[tilespmem:s25], [sflag:$0x2] =	stream.indirect.gather [hbm4b:s1+s21], $0x80, s10, s21, $0xb8;
	[tilespmem:$0x1F2D0] =	vst v63  }
0x13d: {  	_ =	swait.ge [sflag:s13], $0x2800  }
0x13e: {  	[sflag:s13] =	ssyncset.done $0x0  }
0x13f: {  	s10 =	simm.s32 $0x1130;
	[sflag:s13] =	ssyncadd.s32 $0xFFFFD800  }
0x140: {  	[spmem:s3] =	stream.indirect.scatter.add.f32 [tilespmem:s30], [sflag:$0x8], $0x80, s10, s21, $0xb8;
	[tilespmem:$0x1F2D0] =	vst v63  }
0x141: {  	_ = 	snop  }
0x142: {  	[spmem:s2] =	stream.indirect.scatter.add.f32 [tilespmem:s20], [sflag:$0xB], $0x1, s10, s21, $0xb8;
	[tilespmem:$0x1F2D0] =	vst v63  }
0x143: {  	_ =	swait.ge [sflag:s15], $0x2800  }
0x144: {  	[sflag:s15] =	ssyncset.done $0x0  }
0x145: {  	s10 =	simm.s32 $0x820;
	[sflag:s15] =	ssyncadd.s32 $0xFFFFD800  }
0x146: {  	[tilespmem:s28], [sflag:$0x3] =	stream.indirect.gather [hbm4b:s1+s21], $0x80, s10, s21, $0xb8;
	[tilespmem:$0x1F2D0] =	vst v63  }
0x147: {  	_ =	swait.ge [sflag:s17], $0x2800  }
0x148: {  	[sflag:s17] =	ssyncset.done $0x0  }
0x149: {  	s10 =	simm.s32 $0x870;
	[sflag:s17] =	ssyncadd.s32 $0xFFFFD800  }
0x14a: {  	[tilespmem:s30], [sflag:$0x4] =	stream.indirect.gather [hbm4b:s1+s21], $0x80, s10, s21, $0xb8;
	[tilespmem:$0x1F2D0] =	vst v63  }
0x14b: {  	_ =	swait.ge [sflag:s31], $0x2800  }
0x14c: {  	[sflag:s31] =	ssyncset.done $0x0  }
0x14d: {  	s10 =	simm.s32 $0x1180;
	[sflag:s31] =	ssyncadd.s32 $0xFFFFD800  }
0x14e: {  	[spmem:s3] =	stream.indirect.scatter.add.f32 [tilespmem:s23], [sflag:$0x5], $0x80, s10, s21, $0xb8;
	[tilespmem:$0x1F2D0] =	vst v63  }
0x14f: {  	_ = 	snop  }
0x150: {  	[spmem:s2] =	stream.indirect.scatter.add.f32 [tilespmem:s20], [sflag:$0xB], $0x1, s10, s21, $0xb8;
	[tilespmem:$0x1F2D0] =	vst v63  }
0x151: {  	_ =	swait.ge [sflag:s4], $0x2800  }
0x152: {  	[sflag:s4] =	ssyncset.done $0x0  }
0x153: {  	s10 =	simm.s32 $0x11D0;
	[sflag:s4] =	ssyncadd.s32 $0xFFFFD800  }
0x154: {  	[spmem:s3] =	stream.indirect.scatter.add.f32 [tilespmem:s25], [sflag:$0x6], $0x80, s10, s21, $0xb8;
	[tilespmem:$0x1F2D0] =	vst v63  }
0x155: {  	_ = 	snop  }
0x156: {  	[spmem:s2] =	stream.indirect.scatter.add.f32 [tilespmem:s20], [sflag:$0xB], $0x1, s10, s21, $0xb8;
	[tilespmem:$0x1F2D0] =	vst v63  }
0x157: {  	_ =	swait.ge [sflag:s7], $0x2800  }
0x158: {  	[sflag:s7] =	ssyncset.done $0x0  }
0x159: {  	s10 =	simm.s32 $0x8C0;
	[sflag:s7] =	ssyncadd.s32 $0xFFFFD800  }
0x15a: {  	[tilespmem:s23], [sflag:$0x1] =	stream.indirect.gather [hbm4b:s1+s21], $0x80, s10, s21, $0xb8;
	[tilespmem:$0x1F2D0] =	vst v63  }
0x15b: {  	_ =	swait.ge [sflag:s9], $0x2800  }
0x15c: {  	[sflag:s9] =	ssyncset.done $0x0  }
0x15d: {  	s10 =	simm.s32 $0x1220;
	[sflag:s9] =	ssyncadd.s32 $0xFFFFD800  }
0x15e: {  	[spmem:s3] =	stream.indirect.scatter.add.f32 [tilespmem:s28], [sflag:$0x7], $0x80, s10, s21, $0xb8;
	[tilespmem:$0x1F2D0] =	vst v63  }
0x15f: {  	_ = 	snop  }
0x160: {  	[spmem:s2] =	stream.indirect.scatter.add.f32 [tilespmem:s20], [sflag:$0xB], $0x1, s10, s21, $0xb8;
	[tilespmem:$0x1F2D0] =	vst v63  }
0x161: {  	_ =	swait.ge [sflag:s11], $0x2800  }
0x162: {  	[sflag:s11] =	ssyncset.done $0x0  }
0x163: {  	s10 =	simm.s32 $0x910;
	[sflag:s11] =	ssyncadd.s32 $0xFFFFD800  }
0x164: {  	[tilespmem:s25], [sflag:$0x2] =	stream.indirect.gather [hbm4b:s1+s21], $0x80, s10, s21, $0xb8;
	[tilespmem:$0x1F2D0] =	vst v63  }
0x165: {  	_ =	swait.ge [sflag:s13], $0x2800  }
0x166: {  	[sflag:s13] =	ssyncset.done $0x0  }
0x167: {  	s10 =	simm.s32 $0x1270;
	[sflag:s13] =	ssyncadd.s32 $0xFFFFD800  }
0x168: {  	[spmem:s3] =	stream.indirect.scatter.add.f32 [tilespmem:s30], [sflag:$0x8], $0x80, s10, s21, $0xb8;
	[tilespmem:$0x1F2D0] =	vst v63  }
0x169: {  	_ = 	snop  }
0x16a: {  	[spmem:s2] =	stream.indirect.scatter.add.f32 [tilespmem:s20], [sflag:$0xB], $0x1, s10, s21, $0xb8;
	[tilespmem:$0x1F2D0] =	vst v63  }
0x16b: {  	_ =	swait.ge [sflag:s15], $0x2800  }
0x16c: {  	[sflag:s15] =	ssyncset.done $0x0  }
0x16d: {  	s10 =	simm.s32 $0x960;
	[sflag:s15] =	ssyncadd.s32 $0xFFFFD800  }
0x16e: {  	[tilespmem:s28], [sflag:$0x3] =	stream.indirect.gather [hbm4b:s1+s21], $0x80, s10, s21, $0xb8;
	[tilespmem:$0x1F2D0] =	vst v63  }
0x16f: {  	_ =	swait.ge [sflag:s17], $0x2800  }
0x170: {  	[sflag:s17] =	ssyncset.done $0x0  }
0x171: {  	s10 =	simm.s32 $0x9B0;
	[sflag:s17] =	ssyncadd.s32 $0xFFFFD800  }
0x172: {  	[tilespmem:s30], [sflag:$0x4] =	stream.indirect.gather [hbm4b:s1+s21], $0x80, s10, s21, $0xb8;
	[tilespmem:$0x1F2D0] =	vst v63  }
0x173: {  	_ =	swait.ge [sflag:s31], $0x2800  }
0x174: {  	[sflag:s31] =	ssyncset.done $0x0  }
0x175: {  	s10 =	simm.s32 $0x12C0;
	[sflag:s31] =	ssyncadd.s32 $0xFFFFD800  }
0x176: {  	[spmem:s3] =	stream.indirect.scatter.add.f32 [tilespmem:s23], [sflag:$0x5], $0x80, s10, s21, $0xb8;
	[tilespmem:$0x1F2D0] =	vst v63  }
0x177: {  	_ = 	snop  }
0x178: {  	[spmem:s2] =	stream.indirect.scatter.add.f32 [tilespmem:s20], [sflag:$0xB], $0x1, s10, s21, $0xb8;
	[tilespmem:$0x1F2D0] =	vst v63  }
0x179: {  	_ =	swait.ge [sflag:s4], $0x2800  }
0x17a: {  	[sflag:s4] =	ssyncset.done $0x0  }
0x17b: {  	s10 =	simm.s32 $0x1310;
	[sflag:s4] =	ssyncadd.s32 $0xFFFFD800  }
0x17c: {  	[spmem:s3] =	stream.indirect.scatter.add.f32 [tilespmem:s25], [sflag:$0x6], $0x80, s10, s21, $0xb8;
	[tilespmem:$0x1F2D0] =	vst v63  }
0x17d: {  	_ = 	snop  }
0x17e: {  	[spmem:s2] =	stream.indirect.scatter.add.f32 [tilespmem:s20], [sflag:$0xB], $0x1, s10, s21, $0xb8;
	[tilespmem:$0x1F2D0] =	vst v63  }
0x17f: {  	_ =	swait.ge [sflag:s7], $0x2800  }
0x180: {  	[sflag:s7] =	ssyncset.done $0x0  }
0x181: {  	[sflag:s7] =	ssyncadd.s32 $0xFFFFD800  }
0x182: {  	_ =	swait.ge [sflag:s9], $0x2800  }
0x183: {  	[sflag:s9] =	ssyncset.done $0x0  }
0x184: {  	s10 =	simm.s32 $0x1360;
	[sflag:s9] =	ssyncadd.s32 $0xFFFFD800  }
0x185: {  	[spmem:s3] =	stream.indirect.scatter.add.f32 [tilespmem:s28], [sflag:$0x7], $0x80, s10, s21, $0xb8;
	[tilespmem:$0x1F2D0] =	vst v63  }
0x186: {  	_ = 	snop  }
0x187: {  	[spmem:s2] =	stream.indirect.scatter.add.f32 [tilespmem:s20], [sflag:$0xB], $0x1, s10, s21, $0xb8;
	[tilespmem:$0x1F2D0] =	vst v63  }
0x188: {  	_ =	swait.ge [sflag:s11], $0x2800  }
0x189: {  	[sflag:s11] =	ssyncset.done $0x0  }
0x18a: {  	[sflag:s11] =	ssyncadd.s32 $0xFFFFD800  }
0x18b: {  	_ =	swait.ge [sflag:s13], $0x2800  }
0x18c: {  	[sflag:s13] =	ssyncset.done $0x0  }
0x18d: {  	s10 =	simm.s32 $0x13B0;
	[sflag:s13] =	ssyncadd.s32 $0xFFFFD800  }
0x18e: {  	[spmem:s3] =	stream.indirect.scatter.add.f32 [tilespmem:s30], [sflag:$0x8], $0x80, s10, s21, $0xb8;
	[tilespmem:$0x1F2D0] =	vst v63  }
0x18f: {  	_ = 	snop  }
0x190: {  	[spmem:s2] =	stream.indirect.scatter.add.f32 [tilespmem:s20], [sflag:$0xB], $0x1, s10, s21, $0xb8;
	[tilespmem:$0x1F2D0] =	vst v63  }
0x191: {  	_ =	swait.ge [sflag:s15], $0x2800  }
.Ltmp3:
0x192: {  	[sflag:s15] =	ssyncset.done $0x0;
	(pc) =	sbr.rel @!p0 .LBB2_5-.Ltmp3, $4  }
0x193: {  	[sflag:s15] =	ssyncadd.s32 $0xFFFFD800  }
0x194: {  	_ =	swait.ge [sflag:s17], $0x2800  }
0x195: {  	[sflag:s17] =	ssyncset.done $0x0  }
0x196: {  	s6 =	simm.s32 $0x9;
	[sflag:s17] =	ssyncadd.s32 $0xFFFFD800  }
.LBB2_6:
0x197: {  	_ =	swait.ge [sflag:s26], $0x50  }
0x198: {  	s16 =	simm.s32 $0x7F;
	[sflag:s26] =	ssyncset.done $0x0  }
.LBB2_7:
0x199: {  	p0 =	sne.s32 s16, $0x1;
	s16 =	sadd.s32 $0xFFFFFFFF, s16;
	[sflag:s26] =	ssyncadd.s32 $0xFFFFFFB0  }
.Ltmp4:
0x19a: {  	(pc) =	sbr.rel @p0 .LBB2_7-.Ltmp4, $3  }
0x19b: {  	_ =	sdelay $0x1  }
0x19c: {  	_ =	swait.ge [sflag:s26], $0x50  }
0x19d: {  	[sflag:s26] =	ssyncset.done $0x0  }
0x19e: {  	[sflag:s26] =	ssyncadd.s32 $0xFFFFFFB0  }
0x19f: {  	[bflag:$0x0] =	sbarrier.arrive $0xFFFF  }
0x1a0: {  	s6 =	rddreg [dreg:$0xc]  }
0x1a1: {  	s16 =	rddreg [dreg:$0x12]  }
0x1a2: {  	s10 =	rddreg [dreg:$0x14]  }
0x1a3: {  	[hbm:s6], [sflag:s16] =	dma.local [spmem:s10], $0x2780  }
0x1a4: {  	s10 =	simm.s32 $0xC  }
0x1a5: {  	_ =	swait.ge [sflag:s10], $0x2780  }
0x1a6: {  	[sflag:s10] =	ssyncset.done $0x0;
	s22 =	rddreg [dreg:$0xe]  }
0x1a7: {  	s18 =	rddreg [dreg:$0x13];
	[sflag:s10] =	ssyncadd.s32 $0xFFFFD880  }
0x1a8: {  	[hbm:s22], [sflag:s16] =	dma.local [spmem:s18], $0x50  }
0x1a9: {  	_ =	swait.ge [sflag:s10], $0x50  }
0x1aa: {  	s18 =	rddreg [dreg:$0x11]  }
0x1ab: {  	s22 =	rddreg [dreg:$0xd];
	s16 =	sadd.s32 $0x1, s18  }
0x1ac: {  	p0 =	sne.s32 s16, s22  }
.Ltmp5:
0x1ad: {  	_ = 	snop;
	(pc) =	sbr.rel @p0 .LBB2_1-.Ltmp5, $3  }
0x1ae: {  	_ =	sdelay $0x1  }
0x1af: {  	[sflag:s10] =	ssyncset.done $0x0  }
0x1b0: {  	[sflag:s10] =	ssyncadd.s32 $0xFFFFFFB0  }
0x1b1: {  	_ =	sfence.sel $0x180000  }
0x1b2: {  	[bflag:$0x0] =	sbarrier.arrive $0xFFFF  }
0x1b3: {  	_ =	strace $0x90000047  }
0x1b4: {  	s0 =	stileid.u32;
	[bflag:$0x2] =	sbarrier.arrive $0xFFFF  }
0x1b5: {  	p0 =	sne.s32 s0, $0x0;
	s0 =	rddreg [dreg:$0x4]  }
0x1b6: {  	s0 =	sadd.s32 @!p0 $0x100000, s0  }
0x1b7: {  	[sflag:s0] =	ssyncadd.tile.s32 @!p0 $0x1;
	_ =	shalt  }
.Lfunc_end2:
_tile_overlayer_lowered:
.L_overlay_start_2:
0x1b8: {  	(tag) =	ssettag $0x2  }
0x1b9: {  	s0 =	rddreg [dreg:$0x0];
	s2 =	stileid.u32  }
0x1ba: {  	s1 =	rddreg [dreg:$0x1];
	p0 =	sne.s32 s2, $0x0  }
0x1bb: {  	s3 =	rddreg [dreg:$0x2];
	[bflag:$0x3] =	sbarrier.arrive $0xFFFF;
	s2 =	simm.s32 @!p0 $0x1C0C  }
0x1bc: {  	[timem:s3], [sflag:s2] =	dma.local @!p0 [hbm:s0], s1  }
0x1bd: {  	s0 =	simm.s32 @!p0 $0xC  }
0x1be: {  	_ =	swait.ge @!p0 [sflag:s0], s1  }
0x1bf: {  	s1 =	ssub.s32 @!p0 $0x0, s1;
	[sflag:s0] =	ssyncset.done @!p0 $0x0  }
0x1c0: {  	[sflag:s0] =	ssyncadd.s32 @!p0 s1  }
0x1c1: {  	[bflag:$0x3] =	sbarrier.arrive $0xFFFF  }
0x1c2: {  	_ =	shalt  }

</sc_bundles>
